<compile_context>
chip_gen: v7x
topology: tpu7x:2x2x1
jax: 0.10.2.dev20260603
libtpu: 0.0.44.dev20260713+nightly
codegen_flags: <defaults>
</compile_context>

<pallas_src>
import functools

import jax
import jax.numpy as jnp
from jax import lax
from jax.experimental import pallas as pl
from jax.experimental.pallas import tpu as pltpu
from jax.experimental.pallas import tpu_sc as plsc

_VOCAB = 100000
_DIM = 300
_BATCH = 16384
_TAIL = _DIM - 256

_NC = 2
_NS = 16
_NW = _NC * _NS
_CHUNK = 128
_CPW = _BATCH // (_NW * _CHUNK)
_BPW = _BATCH // _NW


def _embed_body(idx_hbm, table_hbm, tail_hbm, out_hbm,
                idx_v, bufs0, bufs1, sem0, sem1):
    wid = lax.axis_index("s") * _NC + lax.axis_index("c")
    pltpu.sync_copy(idx_hbm.at[pl.ds(wid * _BPW, _BPW)], idx_v)
    bufs = (bufs0, bufs1)
    sems = (sem0, sem1)

    def start(j):
        b = j % 2
        ii = idx_v.at[pl.ds(j * _CHUNK, _CHUNK)]
        return (
            pltpu.async_copy(table_hbm.at[ii, pl.ds(0, 128)], bufs[b][0], sems[b]),
            pltpu.async_copy(table_hbm.at[ii, pl.ds(128, 128)], bufs[b][1], sems[b]),
            pltpu.async_copy(tail_hbm.at[ii], bufs[b][2], sems[b]),
        )

    copies = [start(0), None]
    for j in range(_CPW):
        b = j % 2
        if j + 1 < _CPW:
            copies[(j + 1) % 2] = start(j + 1)
        for cp in copies[b]:
            cp.wait()
        row0 = (wid * _CPW + j) * _CHUNK
        rows = pl.ds(row0, _CHUNK)
        pltpu.sync_copy(bufs[b][0], out_hbm.at[rows, pl.ds(0, 128)])
        pltpu.sync_copy(bufs[b][1], out_hbm.at[rows, pl.ds(128, 128)])
        pltpu.sync_copy(bufs[b][2], out_hbm.at[rows, pl.ds(256, 128)])


_embed_lookup = functools.partial(
    pl.kernel,
    out_type=jax.ShapeDtypeStruct((_BATCH, 384), jnp.float32),
    mesh=plsc.VectorSubcoreMesh(core_axis_name="c", subcore_axis_name="s"),
    scratch_types=[
        pltpu.VMEM((_BPW,), jnp.int32),
        tuple(pltpu.VMEM((_CHUNK, 128), jnp.float32) for _ in range(3)),
        tuple(pltpu.VMEM((_CHUNK, 128), jnp.float32) for _ in range(3)),
        pltpu.SemaphoreType.DMA,
        pltpu.SemaphoreType.DMA,
    ],
)(_embed_body)


def kernel(tokens, table):
    idx = tokens.astype(jnp.int32)
    tail = lax.pad(table, jnp.float32(0), [(0, 0, 0), (-256, 128 - _TAIL, 0)])
    out_pad = _embed_lookup(idx, table, tail)
    return out_pad[:, :_DIM]

# --- scband reference (transcript-rebuilt; emitter-appended) ---
"""Pipeline reference for scband-pretrained-token-embedding-83674552860746 (READ-ONLY COPY).

The authoritative reference and input builder live on the scoring server;
editing this copy changes nothing except your own understanding.
"""

import jax, jax.numpy as jnp
import numpy as np

VOCAB = 100000
EMBED_DIM = 300
BATCH = 16384

def setup_inputs(seed: int = 0) -> dict:
    key = jax.random.key(seed)
    k_idx, k_tab = jax.random.split(key)
    tokens = jax.random.randint(k_idx, (BATCH,), 0, VOCAB, dtype=jnp.int64)
    # Pretrained embedding table (stands in for GloVe vectors loaded by Vocab/Vectors)
    table = jax.random.normal(k_tab, (VOCAB, EMBED_DIM), dtype=jnp.float32)
    return {"tokens": tokens, "table": table}

def reference(tokens, table):
    # Original forward: map token strings -> indices via vocab.stoi, then nn.Embedding lookup.
    # The stoi mapping is modeled by supplying integer indices directly; the lookup is
    # exactly an embedding gather: self.embed(x) == table[x].
    return jnp.take(table, tokens, axis=0)

if __name__ == "__main__":
    import jax
    _d = setup_inputs()
    print(jax.jit(kernel)(*tuple(_d.values())))

</pallas_src>

<mosaic_0001>
#map = affine_map<(d0, d1) -> (0)>
#map1 = affine_map<(d0, d1) -> (0, 0)>
module attributes {stable_mosaic.version = 14 : i64} {
  func.func @_embed_body(%arg0: i32, %arg1: i32, %arg2: memref<16384xi32, #tpu.memory_space<hbm>>, %arg3: memref<100000x300xf32, #tpu.memory_space<hbm>>, %arg4: memref<100000x128xf32, #tpu.memory_space<hbm>>, %arg5: memref<16384x384xf32, #tpu.memory_space<hbm>>, %arg6: memref<512xi32, #tpu.memory_space<vmem>>, %arg7: memref<128x128xf32, #tpu.memory_space<vmem>>, %arg8: memref<128x128xf32, #tpu.memory_space<vmem>>, %arg9: memref<128x128xf32, #tpu.memory_space<vmem>>, %arg10: memref<128x128xf32, #tpu.memory_space<vmem>>, %arg11: memref<128x128xf32, #tpu.memory_space<vmem>>, %arg12: memref<128x128xf32, #tpu.memory_space<vmem>>, %arg13: memref<!tpu.dma_semaphore, #tpu.memory_space<semaphore_mem>>, %arg14: memref<!tpu.dma_semaphore, #tpu.memory_space<semaphore_mem>>) attributes {dimension_semantics = [#tpu.dimension_semantics<core_parallel>, #tpu.dimension_semantics<subcore_parallel>], iteration_bounds = array<i64: 2, 16>, scalar_prefetch = 0 : i64, scratch_operands = 9 : i64, tpu.core_type = #tpu.core_type<sc_vector_subcore>, window_params = [{transform_indices = #map}, {transform_indices = #map1}, {transform_indices = #map1}, {transform_indices = #map1}]} {
    %mul3A = arith.constant 2 : i32
    %mul3A_0 = arith.muli %arg1, %mul3A : i32
    %add3A = arith.addi %mul3A_0, %arg0 : i32
    %mul3A_1 = arith.constant 512 : i32
    %mul3A_2 = arith.muli %add3A, %mul3A_1 : i32
    "tpu.region"() ({
      %run_scoped3A = tpu.sem_alloc : memref<!tpu.dma_semaphore, #tpu.memory_space<semaphore_mem>>
      %dma_start3A_145 = tpu.memref_slice %arg2[%mul3A_2] : memref<16384xi32, #tpu.memory_space<hbm>> -> memref<512xi32, #tpu.memory_space<hbm>>
      %dma_start3A_146 = tpu.memref_slice %arg2[%mul3A_2] : memref<16384xi32, #tpu.memory_space<hbm>> -> memref<512xi32, #tpu.memory_space<hbm>>
      tpu.enqueue_dma source(%dma_start3A_146 : memref<512xi32, #tpu.memory_space<hbm>>) target(%arg6 : memref<512xi32, #tpu.memory_space<vmem>>) target_semaphore(%run_scoped3A : memref<!tpu.dma_semaphore, #tpu.memory_space<semaphore_mem>>)
      %dma_wait3A_147 = tpu.memref_slice %arg2[%mul3A_2] : memref<16384xi32, #tpu.memory_space<hbm>> -> memref<512xi32, #tpu.memory_space<hbm>>
      %dma_wait3A_148 = tpu.memref_slice %arg2[%mul3A_2] : memref<16384xi32, #tpu.memory_space<hbm>> -> memref<512xi32, #tpu.memory_space<hbm>>
      tpu.wait_dma2 semaphore(%run_scoped3A : memref<!tpu.dma_semaphore, #tpu.memory_space<semaphore_mem>>) src(%dma_wait3A_148 : memref<512xi32, #tpu.memory_space<hbm>>) dst(%arg6 : memref<512xi32, #tpu.memory_space<vmem>>)
      tpu.yield
    }) : () -> ()
    %dma_start3A = arith.constant 0 : i32
    %dma_start3A_3 = tpu.memref_slice %arg6[%dma_start3A] : memref<512xi32, #tpu.memory_space<vmem>> -> memref<128xi32, #tpu.memory_space<vmem>>
    %dma_start3A_4 = arith.constant 0 : i32
    %dma_start3A_5 = arith.constant 0 : i32
    %dma_start3A_6 = tpu.memref_slice %arg3[%dma_start3A_4, %dma_start3A_5] : memref<100000x300xf32, #tpu.memory_space<hbm>> -> memref<100000x128xf32, #tpu.memory_space<hbm>>
    tpu.enqueue_indirect_dma source(%dma_start3A_6 : memref<100000x128xf32, #tpu.memory_space<hbm>>) target(%arg7 : memref<128x128xf32, #tpu.memory_space<vmem>>) offsets(%dma_start3A_3 : memref<128xi32, #tpu.memory_space<vmem>>) semaphore(%arg13 : memref<!tpu.dma_semaphore, #tpu.memory_space<semaphore_mem>>)
    %dma_start3A_7 = arith.constant 0 : i32
    %dma_start3A_8 = tpu.memref_slice %arg6[%dma_start3A_7] : memref<512xi32, #tpu.memory_space<vmem>> -> memref<128xi32, #tpu.memory_space<vmem>>
    %dma_start3A_9 = arith.constant 0 : i32
    %dma_start3A_10 = arith.constant 128 : i32
    %dma_start3A_11 = tpu.memref_slice %arg3[%dma_start3A_9, %dma_start3A_10] : memref<100000x300xf32, #tpu.memory_space<hbm>> -> memref<100000x128xf32, #tpu.memory_space<hbm>>
    tpu.enqueue_indirect_dma source(%dma_start3A_11 : memref<100000x128xf32, #tpu.memory_space<hbm>>) target(%arg8 : memref<128x128xf32, #tpu.memory_space<vmem>>) offsets(%dma_start3A_8 : memref<128xi32, #tpu.memory_space<vmem>>) semaphore(%arg13 : memref<!tpu.dma_semaphore, #tpu.memory_space<semaphore_mem>>)
    %dma_start3A_12 = arith.constant 0 : i32
    %dma_start3A_13 = tpu.memref_slice %arg6[%dma_start3A_12] : memref<512xi32, #tpu.memory_space<vmem>> -> memref<128xi32, #tpu.memory_space<vmem>>
    %dma_start3A_14 = arith.constant 0 : i32
    %dma_start3A_15 = arith.constant 0 : i32
    %dma_start3A_16 = tpu.memref_slice %arg4[%dma_start3A_14, %dma_start3A_15] : memref<100000x128xf32, #tpu.memory_space<hbm>> -> memref<100000x128xf32, #tpu.memory_space<hbm>>
    tpu.enqueue_indirect_dma source(%dma_start3A_16 : memref<100000x128xf32, #tpu.memory_space<hbm>>) target(%arg9 : memref<128x128xf32, #tpu.memory_space<vmem>>) offsets(%dma_start3A_13 : memref<128xi32, #tpu.memory_space<vmem>>) semaphore(%arg13 : memref<!tpu.dma_semaphore, #tpu.memory_space<semaphore_mem>>)
    %dma_start3A_17 = arith.constant 128 : i32
    %dma_start3A_18 = tpu.memref_slice %arg6[%dma_start3A_17] : memref<512xi32, #tpu.memory_space<vmem>> -> memref<128xi32, #tpu.memory_space<vmem>>
    %dma_start3A_19 = arith.constant 0 : i32
    %dma_start3A_20 = arith.constant 0 : i32
    %dma_start3A_21 = tpu.memref_slice %arg3[%dma_start3A_19, %dma_start3A_20] : memref<100000x300xf32, #tpu.memory_space<hbm>> -> memref<100000x128xf32, #tpu.memory_space<hbm>>
    tpu.enqueue_indirect_dma source(%dma_start3A_21 : memref<100000x128xf32, #tpu.memory_space<hbm>>) target(%arg10 : memref<128x128xf32, #tpu.memory_space<vmem>>) offsets(%dma_start3A_18 : memref<128xi32, #tpu.memory_space<vmem>>) semaphore(%arg14 : memref<!tpu.dma_semaphore, #tpu.memory_space<semaphore_mem>>)
    %dma_start3A_22 = arith.constant 128 : i32
    %dma_start3A_23 = tpu.memref_slice %arg6[%dma_start3A_22] : memref<512xi32, #tpu.memory_space<vmem>> -> memref<128xi32, #tpu.memory_space<vmem>>
    %dma_start3A_24 = arith.constant 0 : i32
    %dma_start3A_25 = arith.constant 128 : i32
    %dma_start3A_26 = tpu.memref_slice %arg3[%dma_start3A_24, %dma_start3A_25] : memref<100000x300xf32, #tpu.memory_space<hbm>> -> memref<100000x128xf32, #tpu.memory_space<hbm>>
    tpu.enqueue_indirect_dma source(%dma_start3A_26 : memref<100000x128xf32, #tpu.memory_space<hbm>>) target(%arg11 : memref<128x128xf32, #tpu.memory_space<vmem>>) offsets(%dma_start3A_23 : memref<128xi32, #tpu.memory_space<vmem>>) semaphore(%arg14 : memref<!tpu.dma_semaphore, #tpu.memory_space<semaphore_mem>>)
    %dma_start3A_27 = arith.constant 128 : i32
    %dma_start3A_28 = tpu.memref_slice %arg6[%dma_start3A_27] : memref<512xi32, #tpu.memory_space<vmem>> -> memref<128xi32, #tpu.memory_space<vmem>>
    %dma_start3A_29 = arith.constant 0 : i32
    %dma_start3A_30 = arith.constant 0 : i32
    %dma_start3A_31 = tpu.memref_slice %arg4[%dma_start3A_29, %dma_start3A_30] : memref<100000x128xf32, #tpu.memory_space<hbm>> -> memref<100000x128xf32, #tpu.memory_space<hbm>>
    tpu.enqueue_indirect_dma source(%dma_start3A_31 : memref<100000x128xf32, #tpu.memory_space<hbm>>) target(%arg12 : memref<128x128xf32, #tpu.memory_space<vmem>>) offsets(%dma_start3A_28 : memref<128xi32, #tpu.memory_space<vmem>>) semaphore(%arg14 : memref<!tpu.dma_semaphore, #tpu.memory_space<semaphore_mem>>)
    %dma_wait3A = arith.constant 0 : i32
    %dma_wait3A_32 = tpu.memref_slice %arg6[%dma_wait3A] : memref<512xi32, #tpu.memory_space<vmem>> -> memref<128xi32, #tpu.memory_space<vmem>>
    %dma_wait3A_33 = arith.constant 0 : i32
    %dma_wait3A_34 = arith.constant 0 : i32
    %dma_wait3A_35 = tpu.memref_slice %arg3[%dma_wait3A_33, %dma_wait3A_34] : memref<100000x300xf32, #tpu.memory_space<hbm>> -> memref<100000x128xf32, #tpu.memory_space<hbm>>
    tpu.wait_indirect_dma semaphore(%arg13 : memref<!tpu.dma_semaphore, #tpu.memory_space<semaphore_mem>>) src(%dma_wait3A_35 : memref<100000x128xf32, #tpu.memory_space<hbm>>) dst(%arg7 : memref<128x128xf32, #tpu.memory_space<vmem>>)
    %dma_wait3A_36 = arith.constant 0 : i32
    %dma_wait3A_37 = tpu.memref_slice %arg6[%dma_wait3A_36] : memref<512xi32, #tpu.memory_space<vmem>> -> memref<128xi32, #tpu.memory_space<vmem>>
    %dma_wait3A_38 = arith.constant 0 : i32
    %dma_wait3A_39 = arith.constant 128 : i32
    %dma_wait3A_40 = tpu.memref_slice %arg3[%dma_wait3A_38, %dma_wait3A_39] : memref<100000x300xf32, #tpu.memory_space<hbm>> -> memref<100000x128xf32, #tpu.memory_space<hbm>>
    tpu.wait_indirect_dma semaphore(%arg13 : memref<!tpu.dma_semaphore, #tpu.memory_space<semaphore_mem>>) src(%dma_wait3A_40 : memref<100000x128xf32, #tpu.memory_space<hbm>>) dst(%arg8 : memref<128x128xf32, #tpu.memory_space<vmem>>)
    %dma_wait3A_41 = arith.constant 0 : i32
    %dma_wait3A_42 = tpu.memref_slice %arg6[%dma_wait3A_41] : memref<512xi32, #tpu.memory_space<vmem>> -> memref<128xi32, #tpu.memory_space<vmem>>
    %dma_wait3A_43 = arith.constant 0 : i32
    %dma_wait3A_44 = arith.constant 0 : i32
    %dma_wait3A_45 = tpu.memref_slice %arg4[%dma_wait3A_43, %dma_wait3A_44] : memref<100000x128xf32, #tpu.memory_space<hbm>> -> memref<100000x128xf32, #tpu.memory_space<hbm>>
    tpu.wait_indirect_dma semaphore(%arg13 : memref<!tpu.dma_semaphore, #tpu.memory_space<semaphore_mem>>) src(%dma_wait3A_45 : memref<100000x128xf32, #tpu.memory_space<hbm>>) dst(%arg9 : memref<128x128xf32, #tpu.memory_space<vmem>>)
    %mul3A_46 = arith.constant 4 : i32
    %mul3A_47 = arith.muli %add3A, %mul3A_46 : i32
    %add3A_48 = arith.constant 0 : i32
    %add3A_49 = arith.addi %mul3A_47, %add3A_48 : i32
    %mul3A_50 = arith.constant 128 : i32
    %mul3A_51 = arith.muli %add3A_49, %mul3A_50 : i32
    "tpu.region"() ({
      %run_scoped3A = tpu.sem_alloc : memref<!tpu.dma_semaphore, #tpu.memory_space<semaphore_mem>>
      %dma_start3A_145 = arith.constant 0 : i32
      %dma_start3A_146 = tpu.memref_slice %arg5[%mul3A_51, %dma_start3A_145] : memref<16384x384xf32, #tpu.memory_space<hbm>> -> memref<128x128xf32, #tpu.memory_space<hbm>>
      %dma_start3A_147 = arith.constant 0 : i32
      %dma_start3A_148 = tpu.memref_slice %arg5[%mul3A_51, %dma_start3A_147] : memref<16384x384xf32, #tpu.memory_space<hbm>> -> memref<128x128xf32, #tpu.memory_space<hbm>>
      tpu.enqueue_dma source(%arg7 : memref<128x128xf32, #tpu.memory_space<vmem>>) target(%dma_start3A_148 : memref<128x128xf32, #tpu.memory_space<hbm>>) target_semaphore(%run_scoped3A : memref<!tpu.dma_semaphore, #tpu.memory_space<semaphore_mem>>)
      %dma_wait3A_149 = arith.constant 0 : i32
      %dma_wait3A_150 = tpu.memref_slice %arg5[%mul3A_51, %dma_wait3A_149] : memref<16384x384xf32, #tpu.memory_space<hbm>> -> memref<128x128xf32, #tpu.memory_space<hbm>>
      %dma_wait3A_151 = arith.constant 0 : i32
      %dma_wait3A_152 = tpu.memref_slice %arg5[%mul3A_51, %dma_wait3A_151] : memref<16384x384xf32, #tpu.memory_space<hbm>> -> memref<128x128xf32, #tpu.memory_space<hbm>>
      tpu.wait_dma2 semaphore(%run_scoped3A : memref<!tpu.dma_semaphore, #tpu.memory_space<semaphore_mem>>) src(%arg7 : memref<128x128xf32, #tpu.memory_space<vmem>>) dst(%dma_wait3A_152 : memref<128x128xf32, #tpu.memory_space<hbm>>)
      tpu.yield
    }) : () -> ()
    "tpu.region"() ({
      %run_scoped3A = tpu.sem_alloc : memref<!tpu.dma_semaphore, #tpu.memory_space<semaphore_mem>>
      %dma_start3A_145 = arith.constant 128 : i32
      %dma_start3A_146 = tpu.memref_slice %arg5[%mul3A_51, %dma_start3A_145] : memref<16384x384xf32, #tpu.memory_space<hbm>> -> memref<128x128xf32, #tpu.memory_space<hbm>>
      %dma_start3A_147 = arith.constant 128 : i32
      %dma_start3A_148 = tpu.memref_slice %arg5[%mul3A_51, %dma_start3A_147] : memref<16384x384xf32, #tpu.memory_space<hbm>> -> memref<128x128xf32, #tpu.memory_space<hbm>>
      tpu.enqueue_dma source(%arg8 : memref<128x128xf32, #tpu.memory_space<vmem>>) target(%dma_start3A_148 : memref<128x128xf32, #tpu.memory_space<hbm>>) target_semaphore(%run_scoped3A : memref<!tpu.dma_semaphore, #tpu.memory_space<semaphore_mem>>)
      %dma_wait3A_149 = arith.constant 128 : i32
      %dma_wait3A_150 = tpu.memref_slice %arg5[%mul3A_51, %dma_wait3A_149] : memref<16384x384xf32, #tpu.memory_space<hbm>> -> memref<128x128xf32, #tpu.memory_space<hbm>>
      %dma_wait3A_151 = arith.constant 128 : i32
      %dma_wait3A_152 = tpu.memref_slice %arg5[%mul3A_51, %dma_wait3A_151] : memref<16384x384xf32, #tpu.memory_space<hbm>> -> memref<128x128xf32, #tpu.memory_space<hbm>>
      tpu.wait_dma2 semaphore(%run_scoped3A : memref<!tpu.dma_semaphore, #tpu.memory_space<semaphore_mem>>) src(%arg8 : memref<128x128xf32, #tpu.memory_space<vmem>>) dst(%dma_wait3A_152 : memref<128x128xf32, #tpu.memory_space<hbm>>)
      tpu.yield
    }) : () -> ()
    "tpu.region"() ({
      %run_scoped3A = tpu.sem_alloc : memref<!tpu.dma_semaphore, #tpu.memory_space<semaphore_mem>>
      %dma_start3A_145 = arith.constant 256 : i32
      %dma_start3A_146 = tpu.memref_slice %arg5[%mul3A_51, %dma_start3A_145] : memref<16384x384xf32, #tpu.memory_space<hbm>> -> memref<128x128xf32, #tpu.memory_space<hbm>>
      %dma_start3A_147 = arith.constant 256 : i32
      %dma_start3A_148 = tpu.memref_slice %arg5[%mul3A_51, %dma_start3A_147] : memref<16384x384xf32, #tpu.memory_space<hbm>> -> memref<128x128xf32, #tpu.memory_space<hbm>>
      tpu.enqueue_dma source(%arg9 : memref<128x128xf32, #tpu.memory_space<vmem>>) target(%dma_start3A_148 : memref<128x128xf32, #tpu.memory_space<hbm>>) target_semaphore(%run_scoped3A : memref<!tpu.dma_semaphore, #tpu.memory_space<semaphore_mem>>)
      %dma_wait3A_149 = arith.constant 256 : i32
      %dma_wait3A_150 = tpu.memref_slice %arg5[%mul3A_51, %dma_wait3A_149] : memref<16384x384xf32, #tpu.memory_space<hbm>> -> memref<128x128xf32, #tpu.memory_space<hbm>>
      %dma_wait3A_151 = arith.constant 256 : i32
      %dma_wait3A_152 = tpu.memref_slice %arg5[%mul3A_51, %dma_wait3A_151] : memref<16384x384xf32, #tpu.memory_space<hbm>> -> memref<128x128xf32, #tpu.memory_space<hbm>>
      tpu.wait_dma2 semaphore(%run_scoped3A : memref<!tpu.dma_semaphore, #tpu.memory_space<semaphore_mem>>) src(%arg9 : memref<128x128xf32, #tpu.memory_space<vmem>>) dst(%dma_wait3A_152 : memref<128x128xf32, #tpu.memory_space<hbm>>)
      tpu.yield
    }) : () -> ()
    %dma_start3A_52 = arith.constant 256 : i32
    %dma_start3A_53 = tpu.memref_slice %arg6[%dma_start3A_52] : memref<512xi32, #tpu.memory_space<vmem>> -> memref<128xi32, #tpu.memory_space<vmem>>
    %dma_start3A_54 = arith.constant 0 : i32
    %dma_start3A_55 = arith.constant 0 : i32
    %dma_start3A_56 = tpu.memref_slice %arg3[%dma_start3A_54, %dma_start3A_55] : memref<100000x300xf32, #tpu.memory_space<hbm>> -> memref<100000x128xf32, #tpu.memory_space<hbm>>
    tpu.enqueue_indirect_dma source(%dma_start3A_56 : memref<100000x128xf32, #tpu.memory_space<hbm>>) target(%arg7 : memref<128x128xf32, #tpu.memory_space<vmem>>) offsets(%dma_start3A_53 : memref<128xi32, #tpu.memory_space<vmem>>) semaphore(%arg13 : memref<!tpu.dma_semaphore, #tpu.memory_space<semaphore_mem>>)
    %dma_start3A_57 = arith.constant 256 : i32
    %dma_start3A_58 = tpu.memref_slice %arg6[%dma_start3A_57] : memref<512xi32, #tpu.memory_space<vmem>> -> memref<128xi32, #tpu.memory_space<vmem>>
    %dma_start3A_59 = arith.constant 0 : i32
    %dma_start3A_60 = arith.constant 128 : i32
    %dma_start3A_61 = tpu.memref_slice %arg3[%dma_start3A_59, %dma_start3A_60] : memref<100000x300xf32, #tpu.memory_space<hbm>> -> memref<100000x128xf32, #tpu.memory_space<hbm>>
    tpu.enqueue_indirect_dma source(%dma_start3A_61 : memref<100000x128xf32, #tpu.memory_space<hbm>>) target(%arg8 : memref<128x128xf32, #tpu.memory_space<vmem>>) offsets(%dma_start3A_58 : memref<128xi32, #tpu.memory_space<vmem>>) semaphore(%arg13 : memref<!tpu.dma_semaphore, #tpu.memory_space<semaphore_mem>>)
    %dma_start3A_62 = arith.constant 256 : i32
    %dma_start3A_63 = tpu.memref_slice %arg6[%dma_start3A_62] : memref<512xi32, #tpu.memory_space<vmem>> -> memref<128xi32, #tpu.memory_space<vmem>>
    %dma_start3A_64 = arith.constant 0 : i32
    %dma_start3A_65 = arith.constant 0 : i32
    %dma_start3A_66 = tpu.memref_slice %arg4[%dma_start3A_64, %dma_start3A_65] : memref<100000x128xf32, #tpu.memory_space<hbm>> -> memref<100000x128xf32, #tpu.memory_space<hbm>>
    tpu.enqueue_indirect_dma source(%dma_start3A_66 : memref<100000x128xf32, #tpu.memory_space<hbm>>) target(%arg9 : memref<128x128xf32, #tpu.memory_space<vmem>>) offsets(%dma_start3A_63 : memref<128xi32, #tpu.memory_space<vmem>>) semaphore(%arg13 : memref<!tpu.dma_semaphore, #tpu.memory_space<semaphore_mem>>)
    %dma_wait3A_67 = arith.constant 128 : i32
    %dma_wait3A_68 = tpu.memref_slice %arg6[%dma_wait3A_67] : memref<512xi32, #tpu.memory_space<vmem>> -> memref<128xi32, #tpu.memory_space<vmem>>
    %dma_wait3A_69 = arith.constant 0 : i32
    %dma_wait3A_70 = arith.constant 0 : i32
    %dma_wait3A_71 = tpu.memref_slice %arg3[%dma_wait3A_69, %dma_wait3A_70] : memref<100000x300xf32, #tpu.memory_space<hbm>> -> memref<100000x128xf32, #tpu.memory_space<hbm>>
    tpu.wait_indirect_dma semaphore(%arg14 : memref<!tpu.dma_semaphore, #tpu.memory_space<semaphore_mem>>) src(%dma_wait3A_71 : memref<100000x128xf32, #tpu.memory_space<hbm>>) dst(%arg10 : memref<128x128xf32, #tpu.memory_space<vmem>>)
    %dma_wait3A_72 = arith.constant 128 : i32
    %dma_wait3A_73 = tpu.memref_slice %arg6[%dma_wait3A_72] : memref<512xi32, #tpu.memory_space<vmem>> -> memref<128xi32, #tpu.memory_space<vmem>>
    %dma_wait3A_74 = arith.constant 0 : i32
    %dma_wait3A_75 = arith.constant 128 : i32
    %dma_wait3A_76 = tpu.memref_slice %arg3[%dma_wait3A_74, %dma_wait3A_75] : memref<100000x300xf32, #tpu.memory_space<hbm>> -> memref<100000x128xf32, #tpu.memory_space<hbm>>
    tpu.wait_indirect_dma semaphore(%arg14 : memref<!tpu.dma_semaphore, #tpu.memory_space<semaphore_mem>>) src(%dma_wait3A_76 : memref<100000x128xf32, #tpu.memory_space<hbm>>) dst(%arg11 : memref<128x128xf32, #tpu.memory_space<vmem>>)
    %dma_wait3A_77 = arith.constant 128 : i32
    %dma_wait3A_78 = tpu.memref_slice %arg6[%dma_wait3A_77] : memref<512xi32, #tpu.memory_space<vmem>> -> memref<128xi32, #tpu.memory_space<vmem>>
    %dma_wait3A_79 = arith.constant 0 : i32
    %dma_wait3A_80 = arith.constant 0 : i32
    %dma_wait3A_81 = tpu.memref_slice %arg4[%dma_wait3A_79, %dma_wait3A_80] : memref<100000x128xf32, #tpu.memory_space<hbm>> -> memref<100000x128xf32, #tpu.memory_space<hbm>>
    tpu.wait_indirect_dma semaphore(%arg14 : memref<!tpu.dma_semaphore, #tpu.memory_space<semaphore_mem>>) src(%dma_wait3A_81 : memref<100000x128xf32, #tpu.memory_space<hbm>>) dst(%arg12 : memref<128x128xf32, #tpu.memory_space<vmem>>)
    %mul3A_82 = arith.constant 4 : i32
    %mul3A_83 = arith.muli %add3A, %mul3A_82 : i32
    %add3A_84 = arith.constant 1 : i32
    %add3A_85 = arith.addi %mul3A_83, %add3A_84 : i32
    %mul3A_86 = arith.constant 128 : i32
    %mul3A_87 = arith.muli %add3A_85, %mul3A_86 : i32
    "tpu.region"() ({
      %run_scoped3A = tpu.sem_alloc : memref<!tpu.dma_semaphore, #tpu.memory_space<semaphore_mem>>
      %dma_start3A_145 = arith.constant 0 : i32
      %dma_start3A_146 = tpu.memref_slice %arg5[%mul3A_87, %dma_start3A_145] : memref<16384x384xf32, #tpu.memory_space<hbm>> -> memref<128x128xf32, #tpu.memory_space<hbm>>
      %dma_start3A_147 = arith.constant 0 : i32
      %dma_start3A_148 = tpu.memref_slice %arg5[%mul3A_87, %dma_start3A_147] : memref<16384x384xf32, #tpu.memory_space<hbm>> -> memref<128x128xf32, #tpu.memory_space<hbm>>
      tpu.enqueue_dma source(%arg10 : memref<128x128xf32, #tpu.memory_space<vmem>>) target(%dma_start3A_148 : memref<128x128xf32, #tpu.memory_space<hbm>>) target_semaphore(%run_scoped3A : memref<!tpu.dma_semaphore, #tpu.memory_space<semaphore_mem>>)
      %dma_wait3A_149 = arith.constant 0 : i32
      %dma_wait3A_150 = tpu.memref_slice %arg5[%mul3A_87, %dma_wait3A_149] : memref<16384x384xf32, #tpu.memory_space<hbm>> -> memref<128x128xf32, #tpu.memory_space<hbm>>
      %dma_wait3A_151 = arith.constant 0 : i32
      %dma_wait3A_152 = tpu.memref_slice %arg5[%mul3A_87, %dma_wait3A_151] : memref<16384x384xf32, #tpu.memory_space<hbm>> -> memref<128x128xf32, #tpu.memory_space<hbm>>
      tpu.wait_dma2 semaphore(%run_scoped3A : memref<!tpu.dma_semaphore, #tpu.memory_space<semaphore_mem>>) src(%arg10 : memref<128x128xf32, #tpu.memory_space<vmem>>) dst(%dma_wait3A_152 : memref<128x128xf32, #tpu.memory_space<hbm>>)
      tpu.yield
    }) : () -> ()
    "tpu.region"() ({
      %run_scoped3A = tpu.sem_alloc : memref<!tpu.dma_semaphore, #tpu.memory_space<semaphore_mem>>
      %dma_start3A_145 = arith.constant 128 : i32
      %dma_start3A_146 = tpu.memref_slice %arg5[%mul3A_87, %dma_start3A_145] : memref<16384x384xf32, #tpu.memory_space<hbm>> -> memref<128x128xf32, #tpu.memory_space<hbm>>
      %dma_start3A_147 = arith.constant 128 : i32
      %dma_start3A_148 = tpu.memref_slice %arg5[%mul3A_87, %dma_start3A_147] : memref<16384x384xf32, #tpu.memory_space<hbm>> -> memref<128x128xf32, #tpu.memory_space<hbm>>
      tpu.enqueue_dma source(%arg11 : memref<128x128xf32, #tpu.memory_space<vmem>>) target(%dma_start3A_148 : memref<128x128xf32, #tpu.memory_space<hbm>>) target_semaphore(%run_scoped3A : memref<!tpu.dma_semaphore, #tpu.memory_space<semaphore_mem>>)
      %dma_wait3A_149 = arith.constant 128 : i32
      %dma_wait3A_150 = tpu.memref_slice %arg5[%mul3A_87, %dma_wait3A_149] : memref<16384x384xf32, #tpu.memory_space<hbm>> -> memref<128x128xf32, #tpu.memory_space<hbm>>
      %dma_wait3A_151 = arith.constant 128 : i32
      %dma_wait3A_152 = tpu.memref_slice %arg5[%mul3A_87, %dma_wait3A_151] : memref<16384x384xf32, #tpu.memory_space<hbm>> -> memref<128x128xf32, #tpu.memory_space<hbm>>
      tpu.wait_dma2 semaphore(%run_scoped3A : memref<!tpu.dma_semaphore, #tpu.memory_space<semaphore_mem>>) src(%arg11 : memref<128x128xf32, #tpu.memory_space<vmem>>) dst(%dma_wait3A_152 : memref<128x128xf32, #tpu.memory_space<hbm>>)
      tpu.yield
    }) : () -> ()
    "tpu.region"() ({
      %run_scoped3A = tpu.sem_alloc : memref<!tpu.dma_semaphore, #tpu.memory_space<semaphore_mem>>
      %dma_start3A_145 = arith.constant 256 : i32
      %dma_start3A_146 = tpu.memref_slice %arg5[%mul3A_87, %dma_start3A_145] : memref<16384x384xf32, #tpu.memory_space<hbm>> -> memref<128x128xf32, #tpu.memory_space<hbm>>
      %dma_start3A_147 = arith.constant 256 : i32
      %dma_start3A_148 = tpu.memref_slice %arg5[%mul3A_87, %dma_start3A_147] : memref<16384x384xf32, #tpu.memory_space<hbm>> -> memref<128x128xf32, #tpu.memory_space<hbm>>
      tpu.enqueue_dma source(%arg12 : memref<128x128xf32, #tpu.memory_space<vmem>>) target(%dma_start3A_148 : memref<128x128xf32, #tpu.memory_space<hbm>>) target_semaphore(%run_scoped3A : memref<!tpu.dma_semaphore, #tpu.memory_space<semaphore_mem>>)
      %dma_wait3A_149 = arith.constant 256 : i32
      %dma_wait3A_150 = tpu.memref_slice %arg5[%mul3A_87, %dma_wait3A_149] : memref<16384x384xf32, #tpu.memory_space<hbm>> -> memref<128x128xf32, #tpu.memory_space<hbm>>
      %dma_wait3A_151 = arith.constant 256 : i32
      %dma_wait3A_152 = tpu.memref_slice %arg5[%mul3A_87, %dma_wait3A_151] : memref<16384x384xf32, #tpu.memory_space<hbm>> -> memref<128x128xf32, #tpu.memory_space<hbm>>
      tpu.wait_dma2 semaphore(%run_scoped3A : memref<!tpu.dma_semaphore, #tpu.memory_space<semaphore_mem>>) src(%arg12 : memref<128x128xf32, #tpu.memory_space<vmem>>) dst(%dma_wait3A_152 : memref<128x128xf32, #tpu.memory_space<hbm>>)
      tpu.yield
    }) : () -> ()
    %dma_start3A_88 = arith.constant 384 : i32
    %dma_start3A_89 = tpu.memref_slice %arg6[%dma_start3A_88] : memref<512xi32, #tpu.memory_space<vmem>> -> memref<128xi32, #tpu.memory_space<vmem>>
    %dma_start3A_90 = arith.constant 0 : i32
    %dma_start3A_91 = arith.constant 0 : i32
    %dma_start3A_92 = tpu.memref_slice %arg3[%dma_start3A_90, %dma_start3A_91] : memref<100000x300xf32, #tpu.memory_space<hbm>> -> memref<100000x128xf32, #tpu.memory_space<hbm>>
    tpu.enqueue_indirect_dma source(%dma_start3A_92 : memref<100000x128xf32, #tpu.memory_space<hbm>>) target(%arg10 : memref<128x128xf32, #tpu.memory_space<vmem>>) offsets(%dma_start3A_89 : memref<128xi32, #tpu.memory_space<vmem>>) semaphore(%arg14 : memref<!tpu.dma_semaphore, #tpu.memory_space<semaphore_mem>>)
    %dma_start3A_93 = arith.constant 384 : i32
    %dma_start3A_94 = tpu.memref_slice %arg6[%dma_start3A_93] : memref<512xi32, #tpu.memory_space<vmem>> -> memref<128xi32, #tpu.memory_space<vmem>>
    %dma_start3A_95 = arith.constant 0 : i32
    %dma_start3A_96 = arith.constant 128 : i32
    %dma_start3A_97 = tpu.memref_slice %arg3[%dma_start3A_95, %dma_start3A_96] : memref<100000x300xf32, #tpu.memory_space<hbm>> -> memref<100000x128xf32, #tpu.memory_space<hbm>>
    tpu.enqueue_indirect_dma source(%dma_start3A_97 : memref<100000x128xf32, #tpu.memory_space<hbm>>) target(%arg11 : memref<128x128xf32, #tpu.memory_space<vmem>>) offsets(%dma_start3A_94 : memref<128xi32, #tpu.memory_space<vmem>>) semaphore(%arg14 : memref<!tpu.dma_semaphore, #tpu.memory_space<semaphore_mem>>)
    %dma_start3A_98 = arith.constant 384 : i32
    %dma_start3A_99 = tpu.memref_slice %arg6[%dma_start3A_98] : memref<512xi32, #tpu.memory_space<vmem>> -> memref<128xi32, #tpu.memory_space<vmem>>
    %dma_start3A_100 = arith.constant 0 : i32
    %dma_start3A_101 = arith.constant 0 : i32
    %dma_start3A_102 = tpu.memref_slice %arg4[%dma_start3A_100, %dma_start3A_101] : memref<100000x128xf32, #tpu.memory_space<hbm>> -> memref<100000x128xf32, #tpu.memory_space<hbm>>
    tpu.enqueue_indirect_dma source(%dma_start3A_102 : memref<100000x128xf32, #tpu.memory_space<hbm>>) target(%arg12 : memref<128x128xf32, #tpu.memory_space<vmem>>) offsets(%dma_start3A_99 : memref<128xi32, #tpu.memory_space<vmem>>) semaphore(%arg14 : memref<!tpu.dma_semaphore, #tpu.memory_space<semaphore_mem>>)
    %dma_wait3A_103 = arith.constant 256 : i32
    %dma_wait3A_104 = tpu.memref_slice %arg6[%dma_wait3A_103] : memref<512xi32, #tpu.memory_space<vmem>> -> memref<128xi32, #tpu.memory_space<vmem>>
    %dma_wait3A_105 = arith.constant 0 : i32
    %dma_wait3A_106 = arith.constant 0 : i32
    %dma_wait3A_107 = tpu.memref_slice %arg3[%dma_wait3A_105, %dma_wait3A_106] : memref<100000x300xf32, #tpu.memory_space<hbm>> -> memref<100000x128xf32, #tpu.memory_space<hbm>>
    tpu.wait_indirect_dma semaphore(%arg13 : memref<!tpu.dma_semaphore, #tpu.memory_space<semaphore_mem>>) src(%dma_wait3A_107 : memref<100000x128xf32, #tpu.memory_space<hbm>>) dst(%arg7 : memref<128x128xf32, #tpu.memory_space<vmem>>)
    %dma_wait3A_108 = arith.constant 256 : i32
    %dma_wait3A_109 = tpu.memref_slice %arg6[%dma_wait3A_108] : memref<512xi32, #tpu.memory_space<vmem>> -> memref<128xi32, #tpu.memory_space<vmem>>
    %dma_wait3A_110 = arith.constant 0 : i32
    %dma_wait3A_111 = arith.constant 128 : i32
    %dma_wait3A_112 = tpu.memref_slice %arg3[%dma_wait3A_110, %dma_wait3A_111] : memref<100000x300xf32, #tpu.memory_space<hbm>> -> memref<100000x128xf32, #tpu.memory_space<hbm>>
    tpu.wait_indirect_dma semaphore(%arg13 : memref<!tpu.dma_semaphore, #tpu.memory_space<semaphore_mem>>) src(%dma_wait3A_112 : memref<100000x128xf32, #tpu.memory_space<hbm>>) dst(%arg8 : memref<128x128xf32, #tpu.memory_space<vmem>>)
    %dma_wait3A_113 = arith.constant 256 : i32
    %dma_wait3A_114 = tpu.memref_slice %arg6[%dma_wait3A_113] : memref<512xi32, #tpu.memory_space<vmem>> -> memref<128xi32, #tpu.memory_space<vmem>>
    %dma_wait3A_115 = arith.constant 0 : i32
    %dma_wait3A_116 = arith.constant 0 : i32
    %dma_wait3A_117 = tpu.memref_slice %arg4[%dma_wait3A_115, %dma_wait3A_116] : memref<100000x128xf32, #tpu.memory_space<hbm>> -> memref<100000x128xf32, #tpu.memory_space<hbm>>
    tpu.wait_indirect_dma semaphore(%arg13 : memref<!tpu.dma_semaphore, #tpu.memory_space<semaphore_mem>>) src(%dma_wait3A_117 : memref<100000x128xf32, #tpu.memory_space<hbm>>) dst(%arg9 : memref<128x128xf32, #tpu.memory_space<vmem>>)
    %mul3A_118 = arith.constant 4 : i32
    %mul3A_119 = arith.muli %add3A, %mul3A_118 : i32
    %add3A_120 = arith.constant 2 : i32
    %add3A_121 = arith.addi %mul3A_119, %add3A_120 : i32
    %mul3A_122 = arith.constant 128 : i32
    %mul3A_123 = arith.muli %add3A_121, %mul3A_122 : i32
    "tpu.region"() ({
      %run_scoped3A = tpu.sem_alloc : memref<!tpu.dma_semaphore, #tpu.memory_space<semaphore_mem>>
      %dma_start3A_145 = arith.constant 0 : i32
      %dma_start3A_146 = tpu.memref_slice %arg5[%mul3A_123, %dma_start3A_145] : memref<16384x384xf32, #tpu.memory_space<hbm>> -> memref<128x128xf32, #tpu.memory_space<hbm>>
      %dma_start3A_147 = arith.constant 0 : i32
      %dma_start3A_148 = tpu.memref_slice %arg5[%mul3A_123, %dma_start3A_147] : memref<16384x384xf32, #tpu.memory_space<hbm>> -> memref<128x128xf32, #tpu.memory_space<hbm>>
      tpu.enqueue_dma source(%arg7 : memref<128x128xf32, #tpu.memory_space<vmem>>) target(%dma_start3A_148 : memref<128x128xf32, #tpu.memory_space<hbm>>) target_semaphore(%run_scoped3A : memref<!tpu.dma_semaphore, #tpu.memory_space<semaphore_mem>>)
      %dma_wait3A_149 = arith.constant 0 : i32
      %dma_wait3A_150 = tpu.memref_slice %arg5[%mul3A_123, %dma_wait3A_149] : memref<16384x384xf32, #tpu.memory_space<hbm>> -> memref<128x128xf32, #tpu.memory_space<hbm>>
      %dma_wait3A_151 = arith.constant 0 : i32
      %dma_wait3A_152 = tpu.memref_slice %arg5[%mul3A_123, %dma_wait3A_151] : memref<16384x384xf32, #tpu.memory_space<hbm>> -> memref<128x128xf32, #tpu.memory_space<hbm>>
      tpu.wait_dma2 semaphore(%run_scoped3A : memref<!tpu.dma_semaphore, #tpu.memory_space<semaphore_mem>>) src(%arg7 : memref<128x128xf32, #tpu.memory_space<vmem>>) dst(%dma_wait3A_152 : memref<128x128xf32, #tpu.memory_space<hbm>>)
      tpu.yield
    }) : () -> ()
    "tpu.region"() ({
      %run_scoped3A = tpu.sem_alloc : memref<!tpu.dma_semaphore, #tpu.memory_space<semaphore_mem>>
      %dma_start3A_145 = arith.constant 128 : i32
      %dma_start3A_146 = tpu.memref_slice %arg5[%mul3A_123, %dma_start3A_145] : memref<16384x384xf32, #tpu.memory_space<hbm>> -> memref<128x128xf32, #tpu.memory_space<hbm>>
      %dma_start3A_147 = arith.constant 128 : i32
      %dma_start3A_148 = tpu.memref_slice %arg5[%mul3A_123, %dma_start3A_147] : memref<16384x384xf32, #tpu.memory_space<hbm>> -> memref<128x128xf32, #tpu.memory_space<hbm>>
      tpu.enqueue_dma source(%arg8 : memref<128x128xf32, #tpu.memory_space<vmem>>) target(%dma_start3A_148 : memref<128x128xf32, #tpu.memory_space<hbm>>) target_semaphore(%run_scoped3A : memref<!tpu.dma_semaphore, #tpu.memory_space<semaphore_mem>>)
      %dma_wait3A_149 = arith.constant 128 : i32
      %dma_wait3A_150 = tpu.memref_slice %arg5[%mul3A_123, %dma_wait3A_149] : memref<16384x384xf32, #tpu.memory_space<hbm>> -> memref<128x128xf32, #tpu.memory_space<hbm>>
      %dma_wait3A_151 = arith.constant 128 : i32
      %dma_wait3A_152 = tpu.memref_slice %arg5[%mul3A_123, %dma_wait3A_151] : memref<16384x384xf32, #tpu.memory_space<hbm>> -> memref<128x128xf32, #tpu.memory_space<hbm>>
      tpu.wait_dma2 semaphore(%run_scoped3A : memref<!tpu.dma_semaphore, #tpu.memory_space<semaphore_mem>>) src(%arg8 : memref<128x128xf32, #tpu.memory_space<vmem>>) dst(%dma_wait3A_152 : memref<128x128xf32, #tpu.memory_space<hbm>>)
      tpu.yield
    }) : () -> ()
    "tpu.region"() ({
      %run_scoped3A = tpu.sem_alloc : memref<!tpu.dma_semaphore, #tpu.memory_space<semaphore_mem>>
      %dma_start3A_145 = arith.constant 256 : i32
      %dma_start3A_146 = tpu.memref_slice %arg5[%mul3A_123, %dma_start3A_145] : memref<16384x384xf32, #tpu.memory_space<hbm>> -> memref<128x128xf32, #tpu.memory_space<hbm>>
      %dma_start3A_147 = arith.constant 256 : i32
      %dma_start3A_148 = tpu.memref_slice %arg5[%mul3A_123, %dma_start3A_147] : memref<16384x384xf32, #tpu.memory_space<hbm>> -> memref<128x128xf32, #tpu.memory_space<hbm>>
      tpu.enqueue_dma source(%arg9 : memref<128x128xf32, #tpu.memory_space<vmem>>) target(%dma_start3A_148 : memref<128x128xf32, #tpu.memory_space<hbm>>) target_semaphore(%run_scoped3A : memref<!tpu.dma_semaphore, #tpu.memory_space<semaphore_mem>>)
      %dma_wait3A_149 = arith.constant 256 : i32
      %dma_wait3A_150 = tpu.memref_slice %arg5[%mul3A_123, %dma_wait3A_149] : memref<16384x384xf32, #tpu.memory_space<hbm>> -> memref<128x128xf32, #tpu.memory_space<hbm>>
      %dma_wait3A_151 = arith.constant 256 : i32
      %dma_wait3A_152 = tpu.memref_slice %arg5[%mul3A_123, %dma_wait3A_151] : memref<16384x384xf32, #tpu.memory_space<hbm>> -> memref<128x128xf32, #tpu.memory_space<hbm>>
      tpu.wait_dma2 semaphore(%run_scoped3A : memref<!tpu.dma_semaphore, #tpu.memory_space<semaphore_mem>>) src(%arg9 : memref<128x128xf32, #tpu.memory_space<vmem>>) dst(%dma_wait3A_152 : memref<128x128xf32, #tpu.memory_space<hbm>>)
      tpu.yield
    }) : () -> ()
    %dma_wait3A_124 = arith.constant 384 : i32
    %dma_wait3A_125 = tpu.memref_slice %arg6[%dma_wait3A_124] : memref<512xi32, #tpu.memory_space<vmem>> -> memref<128xi32, #tpu.memory_space<vmem>>
    %dma_wait3A_126 = arith.constant 0 : i32
    %dma_wait3A_127 = arith.constant 0 : i32
    %dma_wait3A_128 = tpu.memref_slice %arg3[%dma_wait3A_126, %dma_wait3A_127] : memref<100000x300xf32, #tpu.memory_space<hbm>> -> memref<100000x128xf32, #tpu.memory_space<hbm>>
    tpu.wait_indirect_dma semaphore(%arg14 : memref<!tpu.dma_semaphore, #tpu.memory_space<semaphore_mem>>) src(%dma_wait3A_128 : memref<100000x128xf32, #tpu.memory_space<hbm>>) dst(%arg10 : memref<128x128xf32, #tpu.memory_space<vmem>>)
    %dma_wait3A_129 = arith.constant 384 : i32
    %dma_wait3A_130 = tpu.memref_slice %arg6[%dma_wait3A_129] : memref<512xi32, #tpu.memory_space<vmem>> -> memref<128xi32, #tpu.memory_space<vmem>>
    %dma_wait3A_131 = arith.constant 0 : i32
    %dma_wait3A_132 = arith.constant 128 : i32
    %dma_wait3A_133 = tpu.memref_slice %arg3[%dma_wait3A_131, %dma_wait3A_132] : memref<100000x300xf32, #tpu.memory_space<hbm>> -> memref<100000x128xf32, #tpu.memory_space<hbm>>
    tpu.wait_indirect_dma semaphore(%arg14 : memref<!tpu.dma_semaphore, #tpu.memory_space<semaphore_mem>>) src(%dma_wait3A_133 : memref<100000x128xf32, #tpu.memory_space<hbm>>) dst(%arg11 : memref<128x128xf32, #tpu.memory_space<vmem>>)
    %dma_wait3A_134 = arith.constant 384 : i32
    %dma_wait3A_135 = tpu.memref_slice %arg6[%dma_wait3A_134] : memref<512xi32, #tpu.memory_space<vmem>> -> memref<128xi32, #tpu.memory_space<vmem>>
    %dma_wait3A_136 = arith.constant 0 : i32
    %dma_wait3A_137 = arith.constant 0 : i32
    %dma_wait3A_138 = tpu.memref_slice %arg4[%dma_wait3A_136, %dma_wait3A_137] : memref<100000x128xf32, #tpu.memory_space<hbm>> -> memref<100000x128xf32, #tpu.memory_space<hbm>>
    tpu.wait_indirect_dma semaphore(%arg14 : memref<!tpu.dma_semaphore, #tpu.memory_space<semaphore_mem>>) src(%dma_wait3A_138 : memref<100000x128xf32, #tpu.memory_space<hbm>>) dst(%arg12 : memref<128x128xf32, #tpu.memory_space<vmem>>)
    %mul3A_139 = arith.constant 4 : i32
    %mul3A_140 = arith.muli %add3A, %mul3A_139 : i32
    %add3A_141 = arith.constant 3 : i32
    %add3A_142 = arith.addi %mul3A_140, %add3A_141 : i32
    %mul3A_143 = arith.constant 128 : i32
    %mul3A_144 = arith.muli %add3A_142, %mul3A_143 : i32
    "tpu.region"() ({
      %run_scoped3A = tpu.sem_alloc : memref<!tpu.dma_semaphore, #tpu.memory_space<semaphore_mem>>
      %dma_start3A_145 = arith.constant 0 : i32
      %dma_start3A_146 = tpu.memref_slice %arg5[%mul3A_144, %dma_start3A_145] : memref<16384x384xf32, #tpu.memory_space<hbm>> -> memref<128x128xf32, #tpu.memory_space<hbm>>
      %dma_start3A_147 = arith.constant 0 : i32
      %dma_start3A_148 = tpu.memref_slice %arg5[%mul3A_144, %dma_start3A_147] : memref<16384x384xf32, #tpu.memory_space<hbm>> -> memref<128x128xf32, #tpu.memory_space<hbm>>
      tpu.enqueue_dma source(%arg10 : memref<128x128xf32, #tpu.memory_space<vmem>>) target(%dma_start3A_148 : memref<128x128xf32, #tpu.memory_space<hbm>>) target_semaphore(%run_scoped3A : memref<!tpu.dma_semaphore, #tpu.memory_space<semaphore_mem>>)
      %dma_wait3A_149 = arith.constant 0 : i32
      %dma_wait3A_150 = tpu.memref_slice %arg5[%mul3A_144, %dma_wait3A_149] : memref<16384x384xf32, #tpu.memory_space<hbm>> -> memref<128x128xf32, #tpu.memory_space<hbm>>
      %dma_wait3A_151 = arith.constant 0 : i32
      %dma_wait3A_152 = tpu.memref_slice %arg5[%mul3A_144, %dma_wait3A_151] : memref<16384x384xf32, #tpu.memory_space<hbm>> -> memref<128x128xf32, #tpu.memory_space<hbm>>
      tpu.wait_dma2 semaphore(%run_scoped3A : memref<!tpu.dma_semaphore, #tpu.memory_space<semaphore_mem>>) src(%arg10 : memref<128x128xf32, #tpu.memory_space<vmem>>) dst(%dma_wait3A_152 : memref<128x128xf32, #tpu.memory_space<hbm>>)
      tpu.yield
    }) : () -> ()
    "tpu.region"() ({
      %run_scoped3A = tpu.sem_alloc : memref<!tpu.dma_semaphore, #tpu.memory_space<semaphore_mem>>
      %dma_start3A_145 = arith.constant 128 : i32
      %dma_start3A_146 = tpu.memref_slice %arg5[%mul3A_144, %dma_start3A_145] : memref<16384x384xf32, #tpu.memory_space<hbm>> -> memref<128x128xf32, #tpu.memory_space<hbm>>
      %dma_start3A_147 = arith.constant 128 : i32
      %dma_start3A_148 = tpu.memref_slice %arg5[%mul3A_144, %dma_start3A_147] : memref<16384x384xf32, #tpu.memory_space<hbm>> -> memref<128x128xf32, #tpu.memory_space<hbm>>
      tpu.enqueue_dma source(%arg11 : memref<128x128xf32, #tpu.memory_space<vmem>>) target(%dma_start3A_148 : memref<128x128xf32, #tpu.memory_space<hbm>>) target_semaphore(%run_scoped3A : memref<!tpu.dma_semaphore, #tpu.memory_space<semaphore_mem>>)
      %dma_wait3A_149 = arith.constant 128 : i32
      %dma_wait3A_150 = tpu.memref_slice %arg5[%mul3A_144, %dma_wait3A_149] : memref<16384x384xf32, #tpu.memory_space<hbm>> -> memref<128x128xf32, #tpu.memory_space<hbm>>
      %dma_wait3A_151 = arith.constant 128 : i32
      %dma_wait3A_152 = tpu.memref_slice %arg5[%mul3A_144, %dma_wait3A_151] : memref<16384x384xf32, #tpu.memory_space<hbm>> -> memref<128x128xf32, #tpu.memory_space<hbm>>
      tpu.wait_dma2 semaphore(%run_scoped3A : memref<!tpu.dma_semaphore, #tpu.memory_space<semaphore_mem>>) src(%arg11 : memref<128x128xf32, #tpu.memory_space<vmem>>) dst(%dma_wait3A_152 : memref<128x128xf32, #tpu.memory_space<hbm>>)
      tpu.yield
    }) : () -> ()
    "tpu.region"() ({
      %run_scoped3A = tpu.sem_alloc : memref<!tpu.dma_semaphore, #tpu.memory_space<semaphore_mem>>
      %dma_start3A_145 = arith.constant 256 : i32
      %dma_start3A_146 = tpu.memref_slice %arg5[%mul3A_144, %dma_start3A_145] : memref<16384x384xf32, #tpu.memory_space<hbm>> -> memref<128x128xf32, #tpu.memory_space<hbm>>
      %dma_start3A_147 = arith.constant 256 : i32
      %dma_start3A_148 = tpu.memref_slice %arg5[%mul3A_144, %dma_start3A_147] : memref<16384x384xf32, #tpu.memory_space<hbm>> -> memref<128x128xf32, #tpu.memory_space<hbm>>
      tpu.enqueue_dma source(%arg12 : memref<128x128xf32, #tpu.memory_space<vmem>>) target(%dma_start3A_148 : memref<128x128xf32, #tpu.memory_space<hbm>>) target_semaphore(%run_scoped3A : memref<!tpu.dma_semaphore, #tpu.memory_space<semaphore_mem>>)
      %dma_wait3A_149 = arith.constant 256 : i32
      %dma_wait3A_150 = tpu.memref_slice %arg5[%mul3A_144, %dma_wait3A_149] : memref<16384x384xf32, #tpu.memory_space<hbm>> -> memref<128x128xf32, #tpu.memory_space<hbm>>
      %dma_wait3A_151 = arith.constant 256 : i32
      %dma_wait3A_152 = tpu.memref_slice %arg5[%mul3A_144, %dma_wait3A_151] : memref<16384x384xf32, #tpu.memory_space<hbm>> -> memref<128x128xf32, #tpu.memory_space<hbm>>
      tpu.wait_dma2 semaphore(%run_scoped3A : memref<!tpu.dma_semaphore, #tpu.memory_space<semaphore_mem>>) src(%arg12 : memref<128x128xf32, #tpu.memory_space<vmem>>) dst(%dma_wait3A_152 : memref<128x128xf32, #tpu.memory_space<hbm>>)
      tpu.yield
    }) : () -> ()
    return
  }
}

</mosaic_0001>

<sc_bundles>
// kernel: kernel.3.cloned.1.call-start
scs
__scs_entry_jumppad:
0x0: {  	(pc) =	sbr.rel $0x88, $3  }
0x1: {  	(tag) =	ssettag $0x0;
	lr =	simm.s32 $0x1  }
0x2: {  	[smem:$0x3F9F] =	sst lr;
	_ =	strace $0xD0000000  }
0x3: {  	_ = 	snop  }
0x4: {  	_ = 	snop  }
0x5: {  	_ = 	snop  }
0x6: {  	_ = 	snop  }
0x7: {  	_ = 	snop  }
__scs_overlays_trampoline_lowered:
0x8: {  	[smem:$0x3FAE] =	sst s0  }
0x9: {  	[smem:$0x3FAF] =	sst s1  }
0xa: {  	[smem:$0x3FB0] =	sst s2  }
0xb: {  	[smem:$0x3FB1] =	sst s3  }
0xc: {  	[smem:$0x3FB2] =	sst s4  }
0xd: {  	[smem:$0x3FB3] =	sst s5  }
0xe: {  	[smem:$0x3FB4] =	sst s6  }
0xf: {  	[smem:$0x3FB5] =	sst s7  }
0x10: {  	[smem:$0x3FB6] =	sst s8  }
0x11: {  	[smem:$0x3FB7] =	sst s9;
	s0 =	simm.s32 @!p0 $0x0  }
0x12: {  	s1 =	sld [smem:$0x3F9D];
	s0 =	simm.s32 @p0 $0x1  }
0x13: {  	[smem:$0x3FB8] =	sst s0;
	s0 =	simm.s32 @!p1 $0x0  }
0x14: {  	s2 =	sld [smem:$0x3F9C];
	s0 =	simm.s32 @p1 $0x1  }
0x15: {  	[smem:$0x3FB9] =	sst s0;
	s0 =	simm.s32 @!p2 $0x0  }
0x16: {  	s3 =	sld [smem:$0x3FDB];
	s0 =	simm.s32 @p2 $0x1  }
0x17: {  	s4 =	simm.s32 $0x1BF5;
	[smem:$0x3FBB] =	sst s0  }
0x18: {  	s0 =	sld [smem:$0x3F9E];
	_ =	swait.ge [sflag:s4], $0x0  }
0x19: {  	s7 =	sld [smem:$0x3F9F]  }
0x1a: {  	s8 =	sadd.s32 $0xFFFFE003, lr  }
0x1b: {  	s9 =	sadd.s32 $0xFFFFFEF7, lr;
	s5 =	simm.s32 $0xFFFFFFFF;
	p2 =	slt.u32 s8, $0xFFFFF086  }
0x1c: {  	p1 =	slt.u32 s9, $0xF7A;
	s5 =	simm.s32 @!p2 $0x0  }
0x1d: {  	s5 =	simm.s32 @p1 $0x1;
	p0 =	seq.s32 s7, s2  }
0x1e: {  	s7 =	smul.u32 @!p0 $0xF7A, s2;
	p2 =	seq.s32 @!p0 s5, $0x0  }
0x1f: {  	s9 =	smul.u32 $0xF7A, s1;
	s8 =	simm.s32 @!p0 $0x1BF5;
	p2 =	por !p2, p0  }
0x20: {  	[sflag:s8] =	ssyncset.s32 @!p0 $0xFFFFF086;
	s6 =	sadd.s32 @!p0 s3, s7;
	s7 =	simm.s32 @!p0 $0x108  }
0x21: {  	s3 =	sadd.s32 s3, s9;
	s6 =	sadd.s32 @!p0 $0x88, s6;
	s7 =	simm.s32 @p2 $0x1082  }
0x22: {  	[simem:s7], [sflag:s8] =	dma.local @!p0 [hbm:s6], $0xF7A  }
0x23: {  	s9 =	sor.u32 $0xD0000000, s2;
	s6 =	simm.s32 $0x108;
	_ =	swait.ge @!p0 [sflag:s8], $0x0  }
0x24: {  	s3 =	sadd.s32 $0x88, s3;
	s6 =	simm.s32 @!p1 $0x1082;
	[sflag:s4] =	ssyncset.s32 $0xFFFFF086  }
0x25: {  	[simem:s6], [sflag:s4] =	dma.local [hbm:s3], $0xF7A  }
0x26: {  	[smem:$0x3F9F] =	sst s1;
	(tag) =	ssettag s2;
	_ =	strace s9  }
0x27: {  	s1 =	sld [smem:$0x3FAF]  }
0x28: {  	s2 =	sld [smem:$0x3FB0]  }
0x29: {  	s4 =	sld [smem:$0x3FB2]  }
0x2a: {  	p0 =	seq.s32 s5, $0x0;
	s5 =	sld [smem:$0x3FB3]  }
0x2b: {  	s6 =	sld [smem:$0x3FB4]  }
0x2c: {  	s7 =	sld [smem:$0x3FB5]  }
0x2d: {  	s3 =	simm.s32 $0x108;
	s8 =	sld [smem:$0x3FB6]  }
0x2e: {  	s3 =	simm.s32 @!p0 $0x1082;
	s9 =	sld [smem:$0x3FB7]  }
0x2f: {  	lr =	sadd.s32 s0, s3;
	s0 =	sld [smem:$0x3FAE]  }
0x30: {  	s3 =	sld [smem:$0x3FB1]  }
0x31: {  	[smem:$0x3FBA] =	sst s10  }
0x32: {  	s10 =	sld [smem:$0x3FB8];
	_ =	sdelay $0x3  }
0x33: {  	p0 =	seq.s32 s10, $0x1;
	s10 =	sld [smem:$0x3FBA];
	_ =	sdelay $0x3  }
0x34: {  	[smem:$0x3FBA] =	sst s10  }
0x35: {  	s10 =	sld [smem:$0x3FB9];
	_ =	sdelay $0x3  }
0x36: {  	p1 =	seq.s32 s10, $0x1;
	s10 =	sld [smem:$0x3FBA];
	_ =	sdelay $0x3  }
0x37: {  	[smem:$0x3FBA] =	sst s10  }
0x38: {  	s10 =	sld [smem:$0x3FBB]  }
0x39: {  	_ = 	snop;
	(pc) =	sbr.ind lr, $3  }
0x3a: {  	_ = 	snop  }
0x3b: {  	_ = 	snop  }
0x3c: {  	p2 =	seq.s32 s10, $0x1;
	s10 =	sld [smem:$0x3FBA]  }
0x3d: {  	_ =	shalt  }
0x3e: {  	_ =	shalt  }
0x3f: {  	_ =	shalt  }
0x40: {  	_ =	shalt  }
0x41: {  	_ =	shalt  }
0x42: {  	_ =	shalt  }
0x43: {  	_ =	shalt  }
0x44: {  	_ =	shalt  }
0x45: {  	_ =	shalt  }
0x46: {  	_ =	shalt  }
0x47: {  	_ =	shalt  }
0x48: {  	_ =	shalt  }
0x49: {  	_ =	shalt  }
0x4a: {  	_ =	shalt  }
0x4b: {  	_ =	shalt  }
0x4c: {  	_ =	shalt  }
0x4d: {  	_ =	shalt  }
0x4e: {  	_ =	shalt  }
0x4f: {  	_ =	shalt  }
0x50: {  	_ =	shalt  }
0x51: {  	_ =	shalt  }
0x52: {  	_ =	shalt  }
0x53: {  	_ =	shalt  }
0x54: {  	_ =	shalt  }
0x55: {  	_ =	shalt  }
0x56: {  	_ =	shalt  }
0x57: {  	_ =	shalt  }
0x58: {  	_ =	shalt  }
0x59: {  	_ =	shalt  }
0x5a: {  	_ =	shalt  }
0x5b: {  	_ =	shalt  }
0x5c: {  	_ =	shalt  }
0x5d: {  	_ =	shalt  }
0x5e: {  	_ =	shalt  }
0x5f: {  	_ =	shalt  }
0x60: {  	_ =	shalt  }
0x61: {  	_ =	shalt  }
0x62: {  	_ =	shalt  }
0x63: {  	_ =	shalt  }
0x64: {  	_ =	shalt  }
0x65: {  	_ =	shalt  }
0x66: {  	_ =	shalt  }
0x67: {  	_ =	shalt  }
0x68: {  	_ =	shalt  }
0x69: {  	_ =	shalt  }
0x6a: {  	_ =	shalt  }
0x6b: {  	_ =	shalt  }
0x6c: {  	_ =	shalt  }
0x6d: {  	_ =	shalt  }
0x6e: {  	_ =	shalt  }
0x6f: {  	_ =	shalt  }
0x70: {  	_ =	shalt  }
0x71: {  	_ =	shalt  }
0x72: {  	_ =	shalt  }
0x73: {  	_ =	shalt  }
0x74: {  	_ =	shalt  }
0x75: {  	_ =	shalt  }
0x76: {  	_ =	shalt  }
0x77: {  	_ =	shalt  }
0x78: {  	_ =	shalt  }
0x79: {  	_ =	shalt  }
0x7a: {  	_ =	shalt  }
0x7b: {  	_ =	shalt  }
0x7c: {  	_ =	shalt  }
0x7d: {  	_ =	shalt  }
0x7e: {  	_ =	shalt  }
0x7f: {  	_ =	shalt  }
0x80: {  	_ =	shalt  }
0x81: {  	_ =	shalt  }
0x82: {  	_ =	shalt  }
0x83: {  	_ =	shalt  }
0x84: {  	_ =	shalt  }
0x85: {  	_ =	shalt  }
0x86: {  	_ =	shalt  }
0x87: {  	_ =	shalt  }
.Lfunc_end0:
.L_simem_size_0:
called_computation_lowered:
.L_overlay_start_0:
0x88: {  	s2 =	sld [smem:$0x3FD9]  }
0x89: {  	s3 =	sld [smem:$0x3FFE];
	_ =	sdelay $0x1  }
0x8a: {  	s1 =	srdreg.scid  }
0x8b: {  	s0 =	sand.u32 $0x1, s1  }
0x8c: {  	s17 =	sshll.u32 s0, $0xA;
	s2 =	sadd.s32 s3, s2  }
0x8d: {  	s2 =	sadd.s32 s2, s17  }
0x8e: {  	[smem:$0x3FC6] =	sst s2  }
0x8f: {  	_ = 	snop  }
0x90: {  	s2 =	sld [smem:$0x3FC9];
	(tm) =	ssettm $0x1  }
0x91: {  	s18 =	sld [smem:$0x3FFB];
	_ =	sdelay $0x3  }
0x92: {  	_ =	strace s18  }
0x93: {  	s3 =	sld [smem:$0x3FFC];
	_ =	sdelay $0x3  }
0x94: {  	_ =	strace s3  }
0x95: {  	s3 =	sld [smem:$0x3FFD];
	_ =	sdelay $0x3  }
0x96: {  	_ =	strace s3  }
0x97: {  	_ =	strace $0x8FFFFFFF  }
0x98: {  	s19 =	sld [smem:$0x3FDB];
	_ =	sdelay $0x1  }
0x99: {  	s4 =	simm.s32 $_scs_section_size  }
0x9a: {  	s5 =	simm.s32 $_size__tile_overlayer_lowered;
	s6 =	simm.s32 $_tile_overlayer_lowered  }
0x9b: {  	s22 =	simm.s32 $0x1BFF;
	s21 =	sshll.u32 s6, $0x1;
	s3 =	sadd.s32 s4, s19  }
0x9c: {  	s7 =	simm.s32 $0x0;
	s20 =	sshll.u32 s5, $0x1;
	s5 =	sadd.s32 s21, s3  }
0x9d: {  	[timem:s7], [sflag:s22] =	dma.local [hbm:s5], s20  }
0x9e: {  	_ =	swait.ge [sflag:s22], s20  }
0x9f: {  	s4 =	ssub.s32 $0x0, s20;
	[sflag:s22] =	ssyncset.done $0x0  }
0xa0: {  	[sflag:s22] =	ssyncadd.s32 s4;
	_ =	sdelay $0x1  }
0xa1: {  	s23 =	simm.s32 $0x1B8B  }
0xa2: {  	_ =	swait.ge [sflag:s23], $0x1  }
0xa3: {  	[sflag:s23] =	ssyncset.done $0x0  }
0xa4: {  	s25 =	simm.s32 $0x1B8E;
	s24 =	sld [smem:$0x3FFE];
	[sflag:s23] =	ssyncadd.s32 $0xFFFFFFFF  }
0xa5: {  	s26 =	simm.s32 $execute0_lowered;
	[smem:$0x3FD2] =	sst s25  }
0xa6: {  	s5 =	sshll.u32 s26, $0x1;
	_ =	strace $0x80000046;
	[dreg:$0x1] =	wrdreg $0xFFFFFFFF  }
0xa7: {  	s28 =	simm.s32 $_size_execute0_lowered;
	s3 =	sadd.s32 s3, s5;
	[dreg:$0x0] =	wrdreg $0x0  }
0xa8: {  	s5 =	sshll.u32 s28, $0x1;
	[dreg:$0x2] =	wrdreg s3  }
0xa9: {  	[dreg:$0x3] =	wrdreg s5  }
0xaa: {  	[dreg:$0x4] =	wrdreg $0xC0  }
0xab: {  	_ =	task [dreg:s7], $0x5FFFF  }
0xac: {  	[dreg:$0x1] =	wrdreg $0xFFFFFFFF  }
0xad: {  	[dreg:$0x0] =	wrdreg $0x60  }
0xae: {  	[dreg:$0x2] =	wrdreg s2  }
0xaf: {  	[dreg:$0x3] =	wrdreg s24  }
0xb0: {  	[dreg:$0x4] =	wrdreg $0x9  }
0xb1: {  	_ =	task.clear_ibuf [dreg:s7], $0x5FFFF;
	_ =	strace $0x90000046  }
0xb2: {  	s29 =	simm.s32 $0x9;
	_ =	strace $0x80000048  }
0xb3: {  	_ =	swait.ge [sflag:s29], $0x1  }
0xb4: {  	[sflag:s29] =	ssyncadd.s32 $0xFFFFFFFF  }
0xb5: {  	_ =	strace $0x90000048  }
0xb6: {  	_ =	sfence  }
0xb7: {  	s30 =	sld [smem:$0x0];
	_ =	sdelay $0x2  }
0xb8: {  	s31 =	sshll.u32 s1, $0xD;
	s1 =	sshrl.u32 s1, $0x2  }
0xb9: {  	s3 =	sand.u32 $0x4000, s31;
	s1 =	sadd.s32 s1, s30  }
0xba: {  	s0 =	sor.u32 s3, s0;
	s1 =	sshll.u32 s1, $0x11  }
0xbb: {  	s0 =	sor.u32 s1, s0  }
0xbc: {  	s0 =	sadd.s32 $0x8F2B, s0  }
0xbd: {  	[sflag:s0] =	ssyncadd.remote.s32 $0x1  }
0xbe: {  	_ =	sfence.sel $0xFFFF  }
0xbf: {  	[dreg:$0x0] =	wrdreg $0xFFFFFFFF;
	(pc) =	sbr.abs _section_cstart, $3  }
0xc0: {  	[dreg:$0x1] =	wrdreg $0xFFFFFFFF  }
0xc1: {  	_ =	task.clear_ibuf [dreg:s7], $0x2FFFF;
	_ =	strace $0x9FFFFFFF  }
0xc2: {  	(tm) =	ssettm $0x7FFFFFFF  }
0xc3: {  	_ =	shalt  }
tec
execute0_lowered:
.L_overlay_start_1:
0x0: {  	(tag) =	ssettag $0x1  }
0x1: {  	s0 =	rddreg [dreg:$0x0];
	s1 =	srdreg.scid  }
0x2: {  	s2 =	stileid.u32;
	s3 =	rddreg [dreg:$0x1];
	s8 =	simm.s32 $0x3  }
0x3: {  	s25 =	simm.s32 $0x100;
	s26 =	simm.s32 $0x180;
	s30 =	simm.s32 $0xC00  }
0x4: {  	s28 =	simm.s32 $0x600;
	s29 =	simm.s32 $0x680;
	s31 =	simm.s32 $0x700  }
0x5: {  	s9 =	simm.s32 $0x8200;
	s1 =	sand.u32 $0x1, s1;
	s4 =	sshll.u32 s2, $0x1  }
0x6: {  	s10 =	simm.s32 $0xC200;
	s2 =	simm.s32 $0x0;
	s4 =	sor.u32 s1, s4  }
0x7: {  	s6 =	sadd.s32 $0x61AC00, s3;
	[smem:$0x7FF] =	sst s2;
	s5 =	smul.u32 $0x6000, s4  }
0x8: {  	s7 =	sshll.u32 s4, $0x6;
	_ =	strace $0x80000047;
	[dreg:$0xf] =	wrdreg s25  }
0x9: {  	s4 =	smul.u32 $0x30000, s4;
	[dreg:$0x10] =	wrdreg s26;
	s0 =	sadd.s32 s0, s7  }
0xa: {  	s1 =	ssub.s32 $0x2, s1;
	s5 =	sadd.s32 s6, s5;
	[dreg:$0x3] =	wrdreg s0  }
0xb: {  	s4 =	sshrl.u32 s4, $0x3;
	s13 =	sadd.s32 $0x80, s5;
	[dreg:$0x11] =	wrdreg s5  }
0xc: {  	s14 =	sadd.s32 $0x100, s5;
	s6 =	sadd.s32 s6, s4;
	[dreg:$0x4] =	wrdreg s13  }
0xd: {  	s22 =	sshrl.u32 s1, $0x1;
	[dreg:$0x5] =	wrdreg s14;
	s15 =	sadd.s32 $0x1800, s6  }
0xe: {  	s26 =	simm.s32 $0x580;
	s16 =	sadd.s32 $0x1880, s6;
	[dreg:$0x6] =	wrdreg s15  }
0xf: {  	s25 =	simm.s32 $0xB80;
	s17 =	sadd.s32 $0x1900, s6;
	[dreg:$0x7] =	wrdreg s16  }
0x10: {  	s1 =	ssub.s32 s1, s22;
	s18 =	sadd.s32 $0x3000, s6;
	[dreg:$0x8] =	wrdreg s17  }
0x11: {  	s22 =	simm.s32 $0xA80;
	s19 =	sadd.s32 $0x3080, s6;
	[dreg:$0x9] =	wrdreg s18  }
0x12: {  	s7 =	smax.u32 s1, $0x1;
	s20 =	sadd.s32 $0x3100, s6;
	[dreg:$0xa] =	wrdreg s19  }
0x13: {  	v0 =	vimm.s32 $0x3;
	s4 =	sadd.s32 $0x400, s3;
	s21 =	sadd.s32 $0x4800, s6;
	[dreg:$0xb] =	wrdreg s20  }
0x14: {  	v1 =	vimm.s32 $0x7;
	v2 =	vimm.s32 $0x0;
	v3 =	vlaneseq.u32;
	s5 =	simm.s32 $0x14200;
	s23 =	sadd.s32 $0x4880, s6;
	[dreg:$0xc] =	wrdreg s21  }
0x15: {  	vm0 =	vmmov $0x1;
	v4 =	vimm.s32 $0x1;
	v5 =	vimm.s32 $0x2;
	s14 =	sadd.s32 $0x494200, s3;
	s24 =	sadd.s32 $0x4900, s6;
	[dreg:$0xd] =	wrdreg s23  }
0x16: {  	v6 =	vimm.s32 $0x4;
	v7 =	vimm.s32 $0x5;
	v8 =	vimm.s32 $0x6;
	s6 =	sadd.s32 $0x480, s3;
	s13 =	simm.s32 $0x400;
	[dreg:$0xe] =	wrdreg s24  }
0x17: {  	v9 =	vimm.s32 $0x8;
	v10 =	vimm.s32 $0x9;
	v11 =	vimm.s32 $0xA;
	s15 =	simm.s32 $0x1;
	s16 =	simm.s32 $0x2;
	s17 =	simm.s32 $0x280  }
0x18: {  	v12 =	vimm.s32 $0xB;
	v13 =	vimm.s32 $0xC;
	v14 =	vimm.s32 $0xD;
	s18 =	simm.s32 $0x300;
	s19 =	simm.s32 $0x380;
	s20 =	simm.s32 $0x480  }
0x19: {  	v15 =	vimm.s32 $0xE;
	v16 =	vimm.s32 $0xF;
	v3 =	vmul.u32 $0x8, v3;
	s24 =	simm.s32 $0x500;
	s21 =	simm.s32 $0xA00;
	s23 =	simm.s32 $0xB00  }
.LBB2_1:
0x1a: {  	s3 =	rddreg [dreg:$0x3]  }
0x1b: {  	[tilespmem:s2], [sflag:$0x3] =	stream.linear.gather [hbm4b:s3+s2], $0x200, $0x38;
	[tilespmem:$0x18200] =	vst v63  }
0x1c: {  	_ =	swait.ge [sflag:s8], $0x200  }
0x1d: {  	[sflag:s8] =	ssyncset.done $0x0  }
0x1e: {  	[sflag:s8] =	ssyncadd.s32 $0xFFFFFE00  }
0x1f: {  	v17 =	vld [tilespmem:$0x0];
	_ =	sdelay $0x4  }
0x20: {  	v18 =	vshrl.u32 v17, $0x3  }
0x21: {  	v18 =	vmul.u32 $0x18, v18  }
0x22: {  	v17 =	vand.u32 $0x7, v17  }
0x23: {  	v17 =	vor.u32 v17, v18  }
0x24: {  	v18 =	vperm.xlane v17, v2;
	_ =	sdelay $0x1  }
0x25: {  	v19 =	vperm.xlane v17, v4;
	v18 =	vadd.s32 v3, v18;
	_ =	sdelay $0x1  }
0x26: {  	v20 =	vperm.xlane v17, v5;
	v19 =	vadd.s32 v3, v19;
	_ =	sdelay $0x1  }
0x27: {  	s0 =	simm.s32 $0x200;
	v21 =	vperm.xlane v17, v0;
	v20 =	vadd.s32 v3, v20  }
0x28: {  	[tilespmem:s0], [sflag:$0x1] =	stream.indirect_vreg.gather [hbm4b:s4+s2], $0x80, v18, vm0, $0xb8;
	[tilespmem:$0x18200] =	vst v63  }
0x29: {  	v58 =	vperm.xlane v17, v6;
	v18 =	vadd.s32 v3, v21  }
0x2a: {  	[tilespmem:s17], [sflag:$0x1] =	stream.indirect_vreg.gather [hbm4b:s4+s2], $0x80, v19, vm0, $0xb8;
	[tilespmem:$0x18200] =	vst v63  }
0x2b: {  	v59 =	vperm.xlane v17, v7;
	v19 =	vadd.s32 v3, v58  }
0x2c: {  	[tilespmem:s18], [sflag:$0x1] =	stream.indirect_vreg.gather [hbm4b:s4+s2], $0x80, v20, vm0, $0xb8;
	[tilespmem:$0x18200] =	vst v63  }
0x2d: {  	v61 =	vperm.xlane v17, v8;
	v60 =	vadd.s32 v3, v59  }
0x2e: {  	[tilespmem:s19], [sflag:$0x1] =	stream.indirect_vreg.gather [hbm4b:s4+s2], $0x80, v18, vm0, $0xb8;
	[tilespmem:$0x18200] =	vst v63  }
0x2f: {  	v62 =	vperm.xlane v17, v1;
	v18 =	vadd.s32 v3, v61  }
0x30: {  	[tilespmem:s13], [sflag:$0x1] =	stream.indirect_vreg.gather [hbm4b:s4+s2], $0x80, v19, vm0, $0xb8;
	[tilespmem:$0x18200] =	vst v63  }
0x31: {  	v63 =	vperm.xlane v17, v9;
	v19 =	vadd.s32 v3, v62  }
0x32: {  	[tilespmem:s20], [sflag:$0x1] =	stream.indirect_vreg.gather [hbm4b:s4+s2], $0x80, v60, vm0, $0xb8;
	[tilespmem:$0x18200] =	vst v63  }
0x33: {  	v25 =	vperm.xlane v17, v10;
	v24 =	vadd.s32 v3, v63  }
0x34: {  	[tilespmem:s24], [sflag:$0x1] =	stream.indirect_vreg.gather [hbm4b:s4+s2], $0x80, v18, vm0, $0xb8;
	[tilespmem:$0x18200] =	vst v63  }
0x35: {  	v26 =	vperm.xlane v17, v11;
	v18 =	vadd.s32 v3, v25  }
0x36: {  	[tilespmem:s26], [sflag:$0x1] =	stream.indirect_vreg.gather [hbm4b:s4+s2], $0x80, v19, vm0, $0xb8;
	[tilespmem:$0x18200] =	vst v63  }
0x37: {  	v27 =	vperm.xlane v17, v12;
	v19 =	vadd.s32 v3, v26  }
0x38: {  	[tilespmem:s28], [sflag:$0x1] =	stream.indirect_vreg.gather [hbm4b:s4+s2], $0x80, v24, vm0, $0xb8;
	[tilespmem:$0x18200] =	vst v63  }
0x39: {  	v29 =	vperm.xlane v17, v13;
	v28 =	vadd.s32 v3, v27  }
0x3a: {  	[tilespmem:s29], [sflag:$0x1] =	stream.indirect_vreg.gather [hbm4b:s4+s2], $0x80, v18, vm0, $0xb8;
	[tilespmem:$0x18200] =	vst v63  }
0x3b: {  	v30 =	vperm.xlane v17, v14;
	v18 =	vadd.s32 v3, v29  }
0x3c: {  	[tilespmem:s31], [sflag:$0x1] =	stream.indirect_vreg.gather [hbm4b:s4+s2], $0x80, v19, vm0, $0xb8;
	[tilespmem:$0x18200] =	vst v63  }
0x3d: {  	s3 =	simm.s32 $0x780;
	v31 =	vperm.xlane v17, v15;
	v19 =	vadd.s32 v3, v30  }
0x3e: {  	[tilespmem:s3], [sflag:$0x1] =	stream.indirect_vreg.gather [hbm4b:s4+s2], $0x80, v28, vm0, $0xb8;
	[tilespmem:$0x18200] =	vst v63  }
0x3f: {  	s11 =	simm.s32 $0x800;
	v17 =	vperm.xlane v17, v16;
	v32 =	vadd.s32 v3, v31  }
0x40: {  	[tilespmem:s11], [sflag:$0x1] =	stream.indirect_vreg.gather [hbm4b:s4+s2], $0x80, v18, vm0, $0xb8;
	[tilespmem:$0x18200] =	vst v63  }
0x41: {  	s12 =	simm.s32 $0x880;
	v17 =	vadd.s32 v3, v17  }
0x42: {  	[tilespmem:s12], [sflag:$0x1] =	stream.indirect_vreg.gather [hbm4b:s4+s2], $0x80, v19, vm0, $0xb8;
	[tilespmem:$0x18200] =	vst v63  }
0x43: {  	s1 =	simm.s32 $0x900  }
0x44: {  	[tilespmem:s1], [sflag:$0x1] =	stream.indirect_vreg.gather [hbm4b:s4+s2], $0x80, v32, vm0, $0xb8;
	[tilespmem:$0x18200] =	vst v63  }
0x45: {  	s3 =	simm.s32 $0x980  }
0x46: {  	[tilespmem:s3], [sflag:$0x1] =	stream.indirect_vreg.gather [hbm4b:s4+s2], $0x80, v17, vm0, $0xb8;
	[tilespmem:$0x18200] =	vst v63  }
0x47: {  	v17 =	vld [tilespmem:$0x10];
	_ =	sdelay $0x4  }
0x48: {  	v18 =	vshrl.u32 v17, $0x3  }
0x49: {  	v18 =	vmul.u32 $0x18, v18  }
0x4a: {  	v17 =	vand.u32 $0x7, v17  }
0x4b: {  	v17 =	vor.u32 v17, v18  }
0x4c: {  	v18 =	vperm.xlane v17, v2;
	_ =	sdelay $0x1  }
0x4d: {  	v19 =	vperm.xlane v17, v4;
	v18 =	vadd.s32 v3, v18;
	_ =	sdelay $0x1  }
0x4e: {  	v33 =	vperm.xlane v17, v5;
	v19 =	vadd.s32 v3, v19;
	_ =	sdelay $0x1  }
0x4f: {  	v34 =	vperm.xlane v17, v0;
	v20 =	vadd.s32 v3, v33  }
0x50: {  	[tilespmem:s21], [sflag:$0x1] =	stream.indirect_vreg.gather [hbm4b:s4+s2], $0x80, v18, vm0, $0xb8;
	[tilespmem:$0x18200] =	vst v63  }
0x51: {  	v35 =	vperm.xlane v17, v6;
	v18 =	vadd.s32 v3, v34  }
0x52: {  	[tilespmem:s22], [sflag:$0x1] =	stream.indirect_vreg.gather [hbm4b:s4+s2], $0x80, v19, vm0, $0xb8;
	[tilespmem:$0x18200] =	vst v63  }
0x53: {  	v36 =	vperm.xlane v17, v7;
	v19 =	vadd.s32 v3, v35  }
0x54: {  	[tilespmem:s23], [sflag:$0x1] =	stream.indirect_vreg.gather [hbm4b:s4+s2], $0x80, v20, vm0, $0xb8;
	[tilespmem:$0x18200] =	vst v63  }
0x55: {  	v38 =	vperm.xlane v17, v8;
	v37 =	vadd.s32 v3, v36  }
0x56: {  	[tilespmem:s25], [sflag:$0x1] =	stream.indirect_vreg.gather [hbm4b:s4+s2], $0x80, v18, vm0, $0xb8;
	[tilespmem:$0x18200] =	vst v63  }
0x57: {  	v39 =	vperm.xlane v17, v1;
	v18 =	vadd.s32 v3, v38  }
0x58: {  	[tilespmem:s30], [sflag:$0x1] =	stream.indirect_vreg.gather [hbm4b:s4+s2], $0x80, v19, vm0, $0xb8;
	[tilespmem:$0x18200] =	vst v63  }
0x59: {  	s11 =	simm.s32 $0xC80;
	v40 =	vperm.xlane v17, v9;
	v19 =	vadd.s32 v3, v39  }
0x5a: {  	[tilespmem:s11], [sflag:$0x1] =	stream.indirect_vreg.gather [hbm4b:s4+s2], $0x80, v37, vm0, $0xb8;
	[tilespmem:$0x18200] =	vst v63  }
0x5b: {  	s12 =	simm.s32 $0xD00;
	v42 =	vperm.xlane v17, v10;
	v41 =	vadd.s32 v3, v40  }
0x5c: {  	[tilespmem:s12], [sflag:$0x1] =	stream.indirect_vreg.gather [hbm4b:s4+s2], $0x80, v18, vm0, $0xb8;
	[tilespmem:$0x18200] =	vst v63  }
0x5d: {  	s1 =	simm.s32 $0xD80;
	v43 =	vperm.xlane v17, v11;
	v18 =	vadd.s32 v3, v42  }
0x5e: {  	[tilespmem:s1], [sflag:$0x1] =	stream.indirect_vreg.gather [hbm4b:s4+s2], $0x80, v19, vm0, $0xb8;
	[tilespmem:$0x18200] =	vst v63  }
0x5f: {  	s3 =	simm.s32 $0xE00;
	v44 =	vperm.xlane v17, v12;
	v19 =	vadd.s32 v3, v43  }
0x60: {  	[tilespmem:s3], [sflag:$0x1] =	stream.indirect_vreg.gather [hbm4b:s4+s2], $0x80, v41, vm0, $0xb8;
	[tilespmem:$0x18200] =	vst v63  }
0x61: {  	v46 =	vperm.xlane v17, v13;
	v45 =	vadd.s32 v3, v44;
	s11 =	simm.s32 $0xE80  }
0x62: {  	[tilespmem:s11], [sflag:$0x1] =	stream.indirect_vreg.gather [hbm4b:s4+s2], $0x80, v18, vm0, $0xb8;
	[tilespmem:$0x18200] =	vst v63  }
0x63: {  	v47 =	vperm.xlane v17, v14;
	s12 =	simm.s32 $0xF00;
	v18 =	vadd.s32 v3, v46  }
0x64: {  	[tilespmem:s12], [sflag:$0x1] =	stream.indirect_vreg.gather [hbm4b:s4+s2], $0x80, v19, vm0, $0xb8;
	[tilespmem:$0x18200] =	vst v63  }
0x65: {  	v48 =	vperm.xlane v17, v15;
	s1 =	simm.s32 $0xF80;
	v19 =	vadd.s32 v3, v47  }
0x66: {  	[tilespmem:s1], [sflag:$0x1] =	stream.indirect_vreg.gather [hbm4b:s4+s2], $0x80, v45, vm0, $0xb8;
	[tilespmem:$0x18200] =	vst v63  }
0x67: {  	v17 =	vperm.xlane v17, v16;
	v49 =	vadd.s32 v3, v48;
	s3 =	simm.s32 $0x1000  }
0x68: {  	[tilespmem:s3], [sflag:$0x1] =	stream.indirect_vreg.gather [hbm4b:s4+s2], $0x80, v18, vm0, $0xb8;
	[tilespmem:$0x18200] =	vst v63  }
0x69: {  	v17 =	vadd.s32 v3, v17;
	s11 =	simm.s32 $0x1080  }
0x6a: {  	[tilespmem:s11], [sflag:$0x1] =	stream.indirect_vreg.gather [hbm4b:s4+s2], $0x80, v19, vm0, $0xb8;
	[tilespmem:$0x18200] =	vst v63  }
0x6b: {  	s12 =	simm.s32 $0x1100  }
0x6c: {  	[tilespmem:s12], [sflag:$0x1] =	stream.indirect_vreg.gather [hbm4b:s4+s2], $0x80, v49, vm0, $0xb8;
	[tilespmem:$0x18200] =	vst v63  }
0x6d: {  	s1 =	simm.s32 $0x1180  }
0x6e: {  	[tilespmem:s1], [sflag:$0x1] =	stream.indirect_vreg.gather [hbm4b:s4+s2], $0x80, v17, vm0, $0xb8;
	[tilespmem:$0x18200] =	vst v63  }
0x6f: {  	v17 =	vld [tilespmem:$0x20];
	_ =	sdelay $0x4  }
0x70: {  	v18 =	vshrl.u32 v17, $0x3  }
0x71: {  	v18 =	vmul.u32 $0x18, v18  }
0x72: {  	v17 =	vand.u32 $0x7, v17  }
0x73: {  	v17 =	vor.u32 v17, v18  }
0x74: {  	v18 =	vperm.xlane v17, v2;
	_ =	sdelay $0x1  }
0x75: {  	v19 =	vperm.xlane v17, v4;
	v18 =	vadd.s32 v3, v18;
	_ =	sdelay $0x1  }
0x76: {  	v50 =	vperm.xlane v17, v5;
	v19 =	vadd.s32 v3, v19;
	_ =	sdelay $0x1  }
0x77: {  	s3 =	simm.s32 $0x1200;
	v51 =	vperm.xlane v17, v0;
	v20 =	vadd.s32 v3, v50  }
0x78: {  	[tilespmem:s3], [sflag:$0x1] =	stream.indirect_vreg.gather [hbm4b:s4+s2], $0x80, v18, vm0, $0xb8;
	[tilespmem:$0x18200] =	vst v63  }
0x79: {  	s11 =	simm.s32 $0x1280;
	v52 =	vperm.xlane v17, v6;
	v18 =	vadd.s32 v3, v51  }
0x7a: {  	[tilespmem:s11], [sflag:$0x1] =	stream.indirect_vreg.gather [hbm4b:s4+s2], $0x80, v19, vm0, $0xb8;
	[tilespmem:$0x18200] =	vst v63  }
0x7b: {  	s12 =	simm.s32 $0x1300;
	v53 =	vperm.xlane v17, v7;
	v19 =	vadd.s32 v3, v52  }
0x7c: {  	[tilespmem:s12], [sflag:$0x1] =	stream.indirect_vreg.gather [hbm4b:s4+s2], $0x80, v20, vm0, $0xb8;
	[tilespmem:$0x18200] =	vst v63  }
0x7d: {  	s1 =	simm.s32 $0x1380;
	v55 =	vperm.xlane v17, v8;
	v54 =	vadd.s32 v3, v53  }
0x7e: {  	[tilespmem:s1], [sflag:$0x1] =	stream.indirect_vreg.gather [hbm4b:s4+s2], $0x80, v18, vm0, $0xb8;
	[tilespmem:$0x18200] =	vst v63  }
0x7f: {  	v56 =	vperm.xlane v17, v1;
	s3 =	simm.s32 $0x1400;
	v18 =	vadd.s32 v3, v55  }
0x80: {  	[tilespmem:s3], [sflag:$0x1] =	stream.indirect_vreg.gather [hbm4b:s4+s2], $0x80, v19, vm0, $0xb8;
	[tilespmem:$0x18200] =	vst v63  }
0x81: {  	v57 =	vperm.xlane v17, v9;
	s11 =	simm.s32 $0x1480;
	v19 =	vadd.s32 v3, v56  }
0x82: {  	[tilespmem:s11], [sflag:$0x1] =	stream.indirect_vreg.gather [hbm4b:s4+s2], $0x80, v54, vm0, $0xb8;
	[tilespmem:$0x18200] =	vst v63  }
0x83: {  	v59 =	vperm.xlane v17, v10;
	v58 =	vadd.s32 v3, v57;
	s12 =	simm.s32 $0x1500  }
0x84: {  	[tilespmem:s12], [sflag:$0x1] =	stream.indirect_vreg.gather [hbm4b:s4+s2], $0x80, v18, vm0, $0xb8;
	[tilespmem:$0x18200] =	vst v63  }
0x85: {  	v60 =	vperm.xlane v17, v11;
	s1 =	simm.s32 $0x1580;
	v18 =	vadd.s32 v3, v59  }
0x86: {  	[tilespmem:s1], [sflag:$0x1] =	stream.indirect_vreg.gather [hbm4b:s4+s2], $0x80, v19, vm0, $0xb8;
	[tilespmem:$0x18200] =	vst v63  }
0x87: {  	v61 =	vperm.xlane v17, v12;
	s3 =	simm.s32 $0x1600;
	v19 =	vadd.s32 v3, v60  }
0x88: {  	[tilespmem:s3], [sflag:$0x1] =	stream.indirect_vreg.gather [hbm4b:s4+s2], $0x80, v58, vm0, $0xb8;
	[tilespmem:$0x18200] =	vst v63  }
0x89: {  	v63 =	vperm.xlane v17, v13;
	v62 =	vadd.s32 v3, v61;
	s11 =	simm.s32 $0x1680  }
0x8a: {  	[tilespmem:s11], [sflag:$0x1] =	stream.indirect_vreg.gather [hbm4b:s4+s2], $0x80, v18, vm0, $0xb8;
	[tilespmem:$0x18200] =	vst v63  }
0x8b: {  	v24 =	vperm.xlane v17, v14;
	s12 =	simm.s32 $0x1700;
	v18 =	vadd.s32 v3, v63  }
0x8c: {  	[tilespmem:s12], [sflag:$0x1] =	stream.indirect_vreg.gather [hbm4b:s4+s2], $0x80, v19, vm0, $0xb8;
	[tilespmem:$0x18200] =	vst v63  }
0x8d: {  	v25 =	vperm.xlane v17, v15;
	s1 =	simm.s32 $0x1780;
	v19 =	vadd.s32 v3, v24  }
0x8e: {  	[tilespmem:s1], [sflag:$0x1] =	stream.indirect_vreg.gather [hbm4b:s4+s2], $0x80, v62, vm0, $0xb8;
	[tilespmem:$0x18200] =	vst v63  }
0x8f: {  	v17 =	vperm.xlane v17, v16;
	v26 =	vadd.s32 v3, v25;
	s3 =	simm.s32 $0x1800  }
0x90: {  	[tilespmem:s3], [sflag:$0x1] =	stream.indirect_vreg.gather [hbm4b:s4+s2], $0x80, v18, vm0, $0xb8;
	[tilespmem:$0x18200] =	vst v63  }
0x91: {  	v17 =	vadd.s32 v3, v17;
	s11 =	simm.s32 $0x1880  }
0x92: {  	[tilespmem:s11], [sflag:$0x1] =	stream.indirect_vreg.gather [hbm4b:s4+s2], $0x80, v19, vm0, $0xb8;
	[tilespmem:$0x18200] =	vst v63  }
0x93: {  	s12 =	simm.s32 $0x1900  }
0x94: {  	[tilespmem:s12], [sflag:$0x1] =	stream.indirect_vreg.gather [hbm4b:s4+s2], $0x80, v26, vm0, $0xb8;
	[tilespmem:$0x18200] =	vst v63  }
0x95: {  	s1 =	simm.s32 $0x1980  }
0x96: {  	[tilespmem:s1], [sflag:$0x1] =	stream.indirect_vreg.gather [hbm4b:s4+s2], $0x80, v17, vm0, $0xb8;
	[tilespmem:$0x18200] =	vst v63  }
0x97: {  	v17 =	vld [tilespmem:$0x30];
	_ =	sdelay $0x4  }
0x98: {  	v18 =	vshrl.u32 v17, $0x3  }
0x99: {  	v18 =	vmul.u32 $0x18, v18  }
0x9a: {  	v17 =	vand.u32 $0x7, v17  }
0x9b: {  	v17 =	vor.u32 v17, v18  }
0x9c: {  	v18 =	vperm.xlane v17, v2;
	_ =	sdelay $0x1  }
0x9d: {  	v19 =	vperm.xlane v17, v4;
	v18 =	vadd.s32 v3, v18;
	_ =	sdelay $0x1  }
0x9e: {  	v27 =	vperm.xlane v17, v5;
	v19 =	vadd.s32 v3, v19;
	_ =	sdelay $0x1  }
0x9f: {  	s3 =	simm.s32 $0x1A00;
	v28 =	vperm.xlane v17, v0;
	v20 =	vadd.s32 v3, v27  }
0xa0: {  	[tilespmem:s3], [sflag:$0x1] =	stream.indirect_vreg.gather [hbm4b:s4+s2], $0x80, v18, vm0, $0xb8;
	[tilespmem:$0x18200] =	vst v63  }
0xa1: {  	s11 =	simm.s32 $0x1A80;
	v29 =	vperm.xlane v17, v6;
	v18 =	vadd.s32 v3, v28  }
0xa2: {  	[tilespmem:s11], [sflag:$0x1] =	stream.indirect_vreg.gather [hbm4b:s4+s2], $0x80, v19, vm0, $0xb8;
	[tilespmem:$0x18200] =	vst v63  }
0xa3: {  	s12 =	simm.s32 $0x1B00;
	v30 =	vperm.xlane v17, v7;
	v19 =	vadd.s32 v3, v29  }
0xa4: {  	[tilespmem:s12], [sflag:$0x1] =	stream.indirect_vreg.gather [hbm4b:s4+s2], $0x80, v20, vm0, $0xb8;
	[tilespmem:$0x18200] =	vst v63  }
0xa5: {  	s1 =	simm.s32 $0x1B80;
	v32 =	vperm.xlane v17, v8;
	v31 =	vadd.s32 v3, v30  }
0xa6: {  	[tilespmem:s1], [sflag:$0x1] =	stream.indirect_vreg.gather [hbm4b:s4+s2], $0x80, v18, vm0, $0xb8;
	[tilespmem:$0x18200] =	vst v63  }
0xa7: {  	v33 =	vperm.xlane v17, v1;
	s3 =	simm.s32 $0x1C00;
	v18 =	vadd.s32 v3, v32  }
0xa8: {  	[tilespmem:s3], [sflag:$0x1] =	stream.indirect_vreg.gather [hbm4b:s4+s2], $0x80, v19, vm0, $0xb8;
	[tilespmem:$0x18200] =	vst v63  }
0xa9: {  	v34 =	vperm.xlane v17, v9;
	s11 =	simm.s32 $0x1C80;
	v19 =	vadd.s32 v3, v33  }
0xaa: {  	[tilespmem:s11], [sflag:$0x1] =	stream.indirect_vreg.gather [hbm4b:s4+s2], $0x80, v31, vm0, $0xb8;
	[tilespmem:$0x18200] =	vst v63  }
0xab: {  	v36 =	vperm.xlane v17, v10;
	v35 =	vadd.s32 v3, v34;
	s12 =	simm.s32 $0x1D00  }
0xac: {  	[tilespmem:s12], [sflag:$0x1] =	stream.indirect_vreg.gather [hbm4b:s4+s2], $0x80, v18, vm0, $0xb8;
	[tilespmem:$0x18200] =	vst v63  }
0xad: {  	v37 =	vperm.xlane v17, v11;
	s1 =	simm.s32 $0x1D80;
	v18 =	vadd.s32 v3, v36  }
0xae: {  	[tilespmem:s1], [sflag:$0x1] =	stream.indirect_vreg.gather [hbm4b:s4+s2], $0x80, v19, vm0, $0xb8;
	[tilespmem:$0x18200] =	vst v63  }
0xaf: {  	v38 =	vperm.xlane v17, v12;
	s3 =	simm.s32 $0x1E00;
	v19 =	vadd.s32 v3, v37  }
0xb0: {  	[tilespmem:s3], [sflag:$0x1] =	stream.indirect_vreg.gather [hbm4b:s4+s2], $0x80, v35, vm0, $0xb8;
	[tilespmem:$0x18200] =	vst v63  }
0xb1: {  	v40 =	vperm.xlane v17, v13;
	v39 =	vadd.s32 v3, v38;
	s11 =	simm.s32 $0x1E80  }
0xb2: {  	[tilespmem:s11], [sflag:$0x1] =	stream.indirect_vreg.gather [hbm4b:s4+s2], $0x80, v18, vm0, $0xb8;
	[tilespmem:$0x18200] =	vst v63  }
0xb3: {  	v41 =	vperm.xlane v17, v14;
	s12 =	simm.s32 $0x1F00;
	v18 =	vadd.s32 v3, v40  }
0xb4: {  	[tilespmem:s12], [sflag:$0x1] =	stream.indirect_vreg.gather [hbm4b:s4+s2], $0x80, v19, vm0, $0xb8;
	[tilespmem:$0x18200] =	vst v63  }
0xb5: {  	v42 =	vperm.xlane v17, v15;
	s1 =	simm.s32 $0x1F80;
	v19 =	vadd.s32 v3, v41  }
0xb6: {  	[tilespmem:s1], [sflag:$0x1] =	stream.indirect_vreg.gather [hbm4b:s4+s2], $0x80, v39, vm0, $0xb8;
	[tilespmem:$0x18200] =	vst v63  }
0xb7: {  	v17 =	vperm.xlane v17, v16;
	v43 =	vadd.s32 v3, v42;
	s3 =	simm.s32 $0x2000  }
0xb8: {  	[tilespmem:s3], [sflag:$0x1] =	stream.indirect_vreg.gather [hbm4b:s4+s2], $0x80, v18, vm0, $0xb8;
	[tilespmem:$0x18200] =	vst v63  }
0xb9: {  	v17 =	vadd.s32 v3, v17;
	s11 =	simm.s32 $0x2080  }
0xba: {  	[tilespmem:s11], [sflag:$0x1] =	stream.indirect_vreg.gather [hbm4b:s4+s2], $0x80, v19, vm0, $0xb8;
	[tilespmem:$0x18200] =	vst v63  }
0xbb: {  	s12 =	simm.s32 $0x2100  }
0xbc: {  	[tilespmem:s12], [sflag:$0x1] =	stream.indirect_vreg.gather [hbm4b:s4+s2], $0x80, v43, vm0, $0xb8;
	[tilespmem:$0x18200] =	vst v63  }
0xbd: {  	s1 =	simm.s32 $0x2180  }
0xbe: {  	[tilespmem:s1], [sflag:$0x1] =	stream.indirect_vreg.gather [hbm4b:s4+s2], $0x80, v17, vm0, $0xb8;
	[tilespmem:$0x18200] =	vst v63  }
0xbf: {  	v17 =	vld [tilespmem:$0x40];
	_ =	sdelay $0x4  }
0xc0: {  	v18 =	vshrl.u32 v17, $0x3  }
0xc1: {  	v18 =	vmul.u32 $0x18, v18  }
0xc2: {  	v17 =	vand.u32 $0x7, v17  }
0xc3: {  	v17 =	vor.u32 v17, v18  }
0xc4: {  	v18 =	vperm.xlane v17, v2;
	_ =	sdelay $0x1  }
0xc5: {  	v19 =	vperm.xlane v17, v4;
	v18 =	vadd.s32 v3, v18;
	_ =	sdelay $0x1  }
0xc6: {  	v44 =	vperm.xlane v17, v5;
	v19 =	vadd.s32 v3, v19;
	_ =	sdelay $0x1  }
0xc7: {  	s3 =	simm.s32 $0x2200;
	v45 =	vperm.xlane v17, v0;
	v20 =	vadd.s32 v3, v44  }
0xc8: {  	[tilespmem:s3], [sflag:$0x1] =	stream.indirect_vreg.gather [hbm4b:s4+s2], $0x80, v18, vm0, $0xb8;
	[tilespmem:$0x18200] =	vst v63  }
0xc9: {  	s11 =	simm.s32 $0x2280;
	v46 =	vperm.xlane v17, v6;
	v18 =	vadd.s32 v3, v45  }
0xca: {  	[tilespmem:s11], [sflag:$0x1] =	stream.indirect_vreg.gather [hbm4b:s4+s2], $0x80, v19, vm0, $0xb8;
	[tilespmem:$0x18200] =	vst v63  }
0xcb: {  	s12 =	simm.s32 $0x2300;
	v47 =	vperm.xlane v17, v7;
	v19 =	vadd.s32 v3, v46  }
0xcc: {  	[tilespmem:s12], [sflag:$0x1] =	stream.indirect_vreg.gather [hbm4b:s4+s2], $0x80, v20, vm0, $0xb8;
	[tilespmem:$0x18200] =	vst v63  }
0xcd: {  	s1 =	simm.s32 $0x2380;
	v49 =	vperm.xlane v17, v8;
	v48 =	vadd.s32 v3, v47  }
0xce: {  	[tilespmem:s1], [sflag:$0x1] =	stream.indirect_vreg.gather [hbm4b:s4+s2], $0x80, v18, vm0, $0xb8;
	[tilespmem:$0x18200] =	vst v63  }
0xcf: {  	v50 =	vperm.xlane v17, v1;
	s3 =	simm.s32 $0x2400;
	v18 =	vadd.s32 v3, v49  }
0xd0: {  	[tilespmem:s3], [sflag:$0x1] =	stream.indirect_vreg.gather [hbm4b:s4+s2], $0x80, v19, vm0, $0xb8;
	[tilespmem:$0x18200] =	vst v63  }
0xd1: {  	v51 =	vperm.xlane v17, v9;
	s11 =	simm.s32 $0x2480;
	v19 =	vadd.s32 v3, v50  }
0xd2: {  	[tilespmem:s11], [sflag:$0x1] =	stream.indirect_vreg.gather [hbm4b:s4+s2], $0x80, v48, vm0, $0xb8;
	[tilespmem:$0x18200] =	vst v63  }
0xd3: {  	v53 =	vperm.xlane v17, v10;
	v52 =	vadd.s32 v3, v51;
	s12 =	simm.s32 $0x2500  }
0xd4: {  	[tilespmem:s12], [sflag:$0x1] =	stream.indirect_vreg.gather [hbm4b:s4+s2], $0x80, v18, vm0, $0xb8;
	[tilespmem:$0x18200] =	vst v63  }
0xd5: {  	v54 =	vperm.xlane v17, v11;
	s1 =	simm.s32 $0x2580;
	v18 =	vadd.s32 v3, v53  }
0xd6: {  	[tilespmem:s1], [sflag:$0x1] =	stream.indirect_vreg.gather [hbm4b:s4+s2], $0x80, v19, vm0, $0xb8;
	[tilespmem:$0x18200] =	vst v63  }
0xd7: {  	v55 =	vperm.xlane v17, v12;
	s3 =	simm.s32 $0x2600;
	v19 =	vadd.s32 v3, v54  }
0xd8: {  	[tilespmem:s3], [sflag:$0x1] =	stream.indirect_vreg.gather [hbm4b:s4+s2], $0x80, v52, vm0, $0xb8;
	[tilespmem:$0x18200] =	vst v63  }
0xd9: {  	v57 =	vperm.xlane v17, v13;
	v56 =	vadd.s32 v3, v55;
	s11 =	simm.s32 $0x2680  }
0xda: {  	[tilespmem:s11], [sflag:$0x1] =	stream.indirect_vreg.gather [hbm4b:s4+s2], $0x80, v18, vm0, $0xb8;
	[tilespmem:$0x18200] =	vst v63  }
0xdb: {  	v58 =	vperm.xlane v17, v14;
	s12 =	simm.s32 $0x2700;
	v18 =	vadd.s32 v3, v57  }
0xdc: {  	[tilespmem:s12], [sflag:$0x1] =	stream.indirect_vreg.gather [hbm4b:s4+s2], $0x80, v19, vm0, $0xb8;
	[tilespmem:$0x18200] =	vst v63  }
0xdd: {  	v59 =	vperm.xlane v17, v15;
	s1 =	simm.s32 $0x2780;
	v19 =	vadd.s32 v3, v58  }
0xde: {  	[tilespmem:s1], [sflag:$0x1] =	stream.indirect_vreg.gather [hbm4b:s4+s2], $0x80, v56, vm0, $0xb8;
	[tilespmem:$0x18200] =	vst v63  }
0xdf: {  	v17 =	vperm.xlane v17, v16;
	v60 =	vadd.s32 v3, v59;
	s3 =	simm.s32 $0x2800  }
0xe0: {  	[tilespmem:s3], [sflag:$0x1] =	stream.indirect_vreg.gather [hbm4b:s4+s2], $0x80, v18, vm0, $0xb8;
	[tilespmem:$0x18200] =	vst v63  }
0xe1: {  	v17 =	vadd.s32 v3, v17;
	s11 =	simm.s32 $0x2880  }
0xe2: {  	[tilespmem:s11], [sflag:$0x1] =	stream.indirect_vreg.gather [hbm4b:s4+s2], $0x80, v19, vm0, $0xb8;
	[tilespmem:$0x18200] =	vst v63  }
0xe3: {  	s12 =	simm.s32 $0x2900  }
0xe4: {  	[tilespmem:s12], [sflag:$0x1] =	stream.indirect_vreg.gather [hbm4b:s4+s2], $0x80, v60, vm0, $0xb8;
	[tilespmem:$0x18200] =	vst v63  }
0xe5: {  	s1 =	simm.s32 $0x2980  }
0xe6: {  	[tilespmem:s1], [sflag:$0x1] =	stream.indirect_vreg.gather [hbm4b:s4+s2], $0x80, v17, vm0, $0xb8;
	[tilespmem:$0x18200] =	vst v63  }
0xe7: {  	v17 =	vld [tilespmem:$0x50];
	_ =	sdelay $0x4  }
0xe8: {  	v18 =	vshrl.u32 v17, $0x3  }
0xe9: {  	v18 =	vmul.u32 $0x18, v18  }
0xea: {  	v17 =	vand.u32 $0x7, v17  }
0xeb: {  	v17 =	vor.u32 v17, v18  }
0xec: {  	v18 =	vperm.xlane v17, v2;
	_ =	sdelay $0x1  }
0xed: {  	v19 =	vperm.xlane v17, v4;
	v18 =	vadd.s32 v3, v18;
	_ =	sdelay $0x1  }
0xee: {  	v61 =	vperm.xlane v17, v5;
	v19 =	vadd.s32 v3, v19;
	_ =	sdelay $0x1  }
0xef: {  	s3 =	simm.s32 $0x2A00;
	v62 =	vperm.xlane v17, v0;
	v20 =	vadd.s32 v3, v61  }
0xf0: {  	[tilespmem:s3], [sflag:$0x1] =	stream.indirect_vreg.gather [hbm4b:s4+s2], $0x80, v18, vm0, $0xb8;
	[tilespmem:$0x18200] =	vst v63  }
0xf1: {  	s11 =	simm.s32 $0x2A80;
	v63 =	vperm.xlane v17, v6;
	v18 =	vadd.s32 v3, v62  }
0xf2: {  	[tilespmem:s11], [sflag:$0x1] =	stream.indirect_vreg.gather [hbm4b:s4+s2], $0x80, v19, vm0, $0xb8;
	[tilespmem:$0x18200] =	vst v63  }
0xf3: {  	s12 =	simm.s32 $0x2B00;
	v24 =	vperm.xlane v17, v7;
	v19 =	vadd.s32 v3, v63  }
0xf4: {  	[tilespmem:s12], [sflag:$0x1] =	stream.indirect_vreg.gather [hbm4b:s4+s2], $0x80, v20, vm0, $0xb8;
	[tilespmem:$0x18200] =	vst v63  }
0xf5: {  	s1 =	simm.s32 $0x2B80;
	v26 =	vperm.xlane v17, v8;
	v25 =	vadd.s32 v3, v24  }
0xf6: {  	[tilespmem:s1], [sflag:$0x1] =	stream.indirect_vreg.gather [hbm4b:s4+s2], $0x80, v18, vm0, $0xb8;
	[tilespmem:$0x18200] =	vst v63  }
0xf7: {  	v27 =	vperm.xlane v17, v1;
	s3 =	simm.s32 $0x2C00;
	v18 =	vadd.s32 v3, v26  }
0xf8: {  	[tilespmem:s3], [sflag:$0x1] =	stream.indirect_vreg.gather [hbm4b:s4+s2], $0x80, v19, vm0, $0xb8;
	[tilespmem:$0x18200] =	vst v63  }
0xf9: {  	v28 =	vperm.xlane v17, v9;
	s11 =	simm.s32 $0x2C80;
	v19 =	vadd.s32 v3, v27  }
0xfa: {  	[tilespmem:s11], [sflag:$0x1] =	stream.indirect_vreg.gather [hbm4b:s4+s2], $0x80, v25, vm0, $0xb8;
	[tilespmem:$0x18200] =	vst v63  }
0xfb: {  	v30 =	vperm.xlane v17, v10;
	v29 =	vadd.s32 v3, v28;
	s12 =	simm.s32 $0x2D00  }
0xfc: {  	[tilespmem:s12], [sflag:$0x1] =	stream.indirect_vreg.gather [hbm4b:s4+s2], $0x80, v18, vm0, $0xb8;
	[tilespmem:$0x18200] =	vst v63  }
0xfd: {  	v31 =	vperm.xlane v17, v11;
	s1 =	simm.s32 $0x2D80;
	v18 =	vadd.s32 v3, v30  }
0xfe: {  	[tilespmem:s1], [sflag:$0x1] =	stream.indirect_vreg.gather [hbm4b:s4+s2], $0x80, v19, vm0, $0xb8;
	[tilespmem:$0x18200] =	vst v63  }
0xff: {  	v32 =	vperm.xlane v17, v12;
	s3 =	simm.s32 $0x2E00;
	v19 =	vadd.s32 v3, v31  }
0x100: {  	[tilespmem:s3], [sflag:$0x1] =	stream.indirect_vreg.gather [hbm4b:s4+s2], $0x80, v29, vm0, $0xb8;
	[tilespmem:$0x18200] =	vst v63  }
0x101: {  	v34 =	vperm.xlane v17, v13;
	v33 =	vadd.s32 v3, v32;
	s11 =	simm.s32 $0x2E80  }
0x102: {  	[tilespmem:s11], [sflag:$0x1] =	stream.indirect_vreg.gather [hbm4b:s4+s2], $0x80, v18, vm0, $0xb8;
	[tilespmem:$0x18200] =	vst v63  }
0x103: {  	v35 =	vperm.xlane v17, v14;
	s12 =	simm.s32 $0x2F00;
	v18 =	vadd.s32 v3, v34  }
0x104: {  	[tilespmem:s12], [sflag:$0x1] =	stream.indirect_vreg.gather [hbm4b:s4+s2], $0x80, v19, vm0, $0xb8;
	[tilespmem:$0x18200] =	vst v63  }
0x105: {  	v36 =	vperm.xlane v17, v15;
	s1 =	simm.s32 $0x2F80;
	v19 =	vadd.s32 v3, v35  }
0x106: {  	[tilespmem:s1], [sflag:$0x1] =	stream.indirect_vreg.gather [hbm4b:s4+s2], $0x80, v33, vm0, $0xb8;
	[tilespmem:$0x18200] =	vst v63  }
0x107: {  	v17 =	vperm.xlane v17, v16;
	v37 =	vadd.s32 v3, v36;
	s3 =	simm.s32 $0x3000  }
0x108: {  	[tilespmem:s3], [sflag:$0x1] =	stream.indirect_vreg.gather [hbm4b:s4+s2], $0x80, v18, vm0, $0xb8;
	[tilespmem:$0x18200] =	vst v63  }
0x109: {  	v17 =	vadd.s32 v3, v17;
	s11 =	simm.s32 $0x3080  }
0x10a: {  	[tilespmem:s11], [sflag:$0x1] =	stream.indirect_vreg.gather [hbm4b:s4+s2], $0x80, v19, vm0, $0xb8;
	[tilespmem:$0x18200] =	vst v63  }
0x10b: {  	s12 =	simm.s32 $0x3100  }
0x10c: {  	[tilespmem:s12], [sflag:$0x1] =	stream.indirect_vreg.gather [hbm4b:s4+s2], $0x80, v37, vm0, $0xb8;
	[tilespmem:$0x18200] =	vst v63  }
0x10d: {  	s1 =	simm.s32 $0x3180  }
0x10e: {  	[tilespmem:s1], [sflag:$0x1] =	stream.indirect_vreg.gather [hbm4b:s4+s2], $0x80, v17, vm0, $0xb8;
	[tilespmem:$0x18200] =	vst v63  }
0x10f: {  	v17 =	vld [tilespmem:$0x60];
	_ =	sdelay $0x4  }
0x110: {  	v18 =	vshrl.u32 v17, $0x3  }
0x111: {  	v18 =	vmul.u32 $0x18, v18  }
0x112: {  	v17 =	vand.u32 $0x7, v17  }
0x113: {  	v17 =	vor.u32 v17, v18  }
0x114: {  	v18 =	vperm.xlane v17, v2;
	_ =	sdelay $0x1  }
0x115: {  	v19 =	vperm.xlane v17, v4;
	v18 =	vadd.s32 v3, v18;
	_ =	sdelay $0x1  }
0x116: {  	v38 =	vperm.xlane v17, v5;
	v19 =	vadd.s32 v3, v19;
	_ =	sdelay $0x1  }
0x117: {  	s3 =	simm.s32 $0x3200;
	v39 =	vperm.xlane v17, v0;
	v20 =	vadd.s32 v3, v38  }
0x118: {  	[tilespmem:s3], [sflag:$0x1] =	stream.indirect_vreg.gather [hbm4b:s4+s2], $0x80, v18, vm0, $0xb8;
	[tilespmem:$0x18200] =	vst v63  }
0x119: {  	s11 =	simm.s32 $0x3280;
	v40 =	vperm.xlane v17, v6;
	v18 =	vadd.s32 v3, v39  }
0x11a: {  	[tilespmem:s11], [sflag:$0x1] =	stream.indirect_vreg.gather [hbm4b:s4+s2], $0x80, v19, vm0, $0xb8;
	[tilespmem:$0x18200] =	vst v63  }
0x11b: {  	s12 =	simm.s32 $0x3300;
	v41 =	vperm.xlane v17, v7;
	v19 =	vadd.s32 v3, v40  }
0x11c: {  	[tilespmem:s12], [sflag:$0x1] =	stream.indirect_vreg.gather [hbm4b:s4+s2], $0x80, v20, vm0, $0xb8;
	[tilespmem:$0x18200] =	vst v63  }
0x11d: {  	s1 =	simm.s32 $0x3380;
	v43 =	vperm.xlane v17, v8;
	v42 =	vadd.s32 v3, v41  }
0x11e: {  	[tilespmem:s1], [sflag:$0x1] =	stream.indirect_vreg.gather [hbm4b:s4+s2], $0x80, v18, vm0, $0xb8;
	[tilespmem:$0x18200] =	vst v63  }
0x11f: {  	v44 =	vperm.xlane v17, v1;
	s3 =	simm.s32 $0x3400;
	v18 =	vadd.s32 v3, v43  }
0x120: {  	[tilespmem:s3], [sflag:$0x1] =	stream.indirect_vreg.gather [hbm4b:s4+s2], $0x80, v19, vm0, $0xb8;
	[tilespmem:$0x18200] =	vst v63  }
0x121: {  	v45 =	vperm.xlane v17, v9;
	s11 =	simm.s32 $0x3480;
	v19 =	vadd.s32 v3, v44  }
0x122: {  	[tilespmem:s11], [sflag:$0x1] =	stream.indirect_vreg.gather [hbm4b:s4+s2], $0x80, v42, vm0, $0xb8;
	[tilespmem:$0x18200] =	vst v63  }
0x123: {  	v47 =	vperm.xlane v17, v10;
	v46 =	vadd.s32 v3, v45;
	s12 =	simm.s32 $0x3500  }
0x124: {  	[tilespmem:s12], [sflag:$0x1] =	stream.indirect_vreg.gather [hbm4b:s4+s2], $0x80, v18, vm0, $0xb8;
	[tilespmem:$0x18200] =	vst v63  }
0x125: {  	v48 =	vperm.xlane v17, v11;
	s1 =	simm.s32 $0x3580;
	v18 =	vadd.s32 v3, v47  }
0x126: {  	[tilespmem:s1], [sflag:$0x1] =	stream.indirect_vreg.gather [hbm4b:s4+s2], $0x80, v19, vm0, $0xb8;
	[tilespmem:$0x18200] =	vst v63  }
0x127: {  	v49 =	vperm.xlane v17, v12;
	s3 =	simm.s32 $0x3600;
	v19 =	vadd.s32 v3, v48  }
0x128: {  	[tilespmem:s3], [sflag:$0x1] =	stream.indirect_vreg.gather [hbm4b:s4+s2], $0x80, v46, vm0, $0xb8;
	[tilespmem:$0x18200] =	vst v63  }
0x129: {  	v51 =	vperm.xlane v17, v13;
	v50 =	vadd.s32 v3, v49;
	s11 =	simm.s32 $0x3680  }
0x12a: {  	[tilespmem:s11], [sflag:$0x1] =	stream.indirect_vreg.gather [hbm4b:s4+s2], $0x80, v18, vm0, $0xb8;
	[tilespmem:$0x18200] =	vst v63  }
0x12b: {  	v52 =	vperm.xlane v17, v14;
	s12 =	simm.s32 $0x3700;
	v18 =	vadd.s32 v3, v51  }
0x12c: {  	[tilespmem:s12], [sflag:$0x1] =	stream.indirect_vreg.gather [hbm4b:s4+s2], $0x80, v19, vm0, $0xb8;
	[tilespmem:$0x18200] =	vst v63  }
0x12d: {  	v53 =	vperm.xlane v17, v15;
	s1 =	simm.s32 $0x3780;
	v19 =	vadd.s32 v3, v52  }
0x12e: {  	[tilespmem:s1], [sflag:$0x1] =	stream.indirect_vreg.gather [hbm4b:s4+s2], $0x80, v50, vm0, $0xb8;
	[tilespmem:$0x18200] =	vst v63  }
0x12f: {  	v17 =	vperm.xlane v17, v16;
	v54 =	vadd.s32 v3, v53;
	s3 =	simm.s32 $0x3800  }
0x130: {  	[tilespmem:s3], [sflag:$0x1] =	stream.indirect_vreg.gather [hbm4b:s4+s2], $0x80, v18, vm0, $0xb8;
	[tilespmem:$0x18200] =	vst v63  }
0x131: {  	v17 =	vadd.s32 v3, v17;
	s11 =	simm.s32 $0x3880  }
0x132: {  	[tilespmem:s11], [sflag:$0x1] =	stream.indirect_vreg.gather [hbm4b:s4+s2], $0x80, v19, vm0, $0xb8;
	[tilespmem:$0x18200] =	vst v63  }
0x133: {  	s12 =	simm.s32 $0x3900  }
0x134: {  	[tilespmem:s12], [sflag:$0x1] =	stream.indirect_vreg.gather [hbm4b:s4+s2], $0x80, v54, vm0, $0xb8;
	[tilespmem:$0x18200] =	vst v63  }
0x135: {  	s1 =	simm.s32 $0x3980  }
0x136: {  	[tilespmem:s1], [sflag:$0x1] =	stream.indirect_vreg.gather [hbm4b:s4+s2], $0x80, v17, vm0, $0xb8;
	[tilespmem:$0x18200] =	vst v63  }
0x137: {  	v17 =	vld [tilespmem:$0x70];
	_ =	sdelay $0x4  }
0x138: {  	v18 =	vshrl.u32 v17, $0x3  }
0x139: {  	v18 =	vmul.u32 $0x18, v18  }
0x13a: {  	v17 =	vand.u32 $0x7, v17  }
0x13b: {  	v17 =	vor.u32 v17, v18  }
0x13c: {  	v18 =	vperm.xlane v17, v2;
	_ =	sdelay $0x1  }
0x13d: {  	v19 =	vperm.xlane v17, v4;
	v18 =	vadd.s32 v3, v18;
	_ =	sdelay $0x1  }
0x13e: {  	v55 =	vperm.xlane v17, v5;
	v19 =	vadd.s32 v3, v19;
	_ =	sdelay $0x1  }
0x13f: {  	s3 =	simm.s32 $0x3A00;
	v56 =	vperm.xlane v17, v0;
	v20 =	vadd.s32 v3, v55  }
0x140: {  	[tilespmem:s3], [sflag:$0x1] =	stream.indirect_vreg.gather [hbm4b:s4+s2], $0x80, v18, vm0, $0xb8;
	[tilespmem:$0x18200] =	vst v63  }
0x141: {  	s11 =	simm.s32 $0x3A80;
	v57 =	vperm.xlane v17, v6;
	v18 =	vadd.s32 v3, v56  }
0x142: {  	[tilespmem:s11], [sflag:$0x1] =	stream.indirect_vreg.gather [hbm4b:s4+s2], $0x80, v19, vm0, $0xb8;
	[tilespmem:$0x18200] =	vst v63  }
0x143: {  	s12 =	simm.s32 $0x3B00;
	v58 =	vperm.xlane v17, v7;
	v19 =	vadd.s32 v3, v57  }
0x144: {  	[tilespmem:s12], [sflag:$0x1] =	stream.indirect_vreg.gather [hbm4b:s4+s2], $0x80, v20, vm0, $0xb8;
	[tilespmem:$0x18200] =	vst v63  }
0x145: {  	s1 =	simm.s32 $0x3B80;
	v60 =	vperm.xlane v17, v8;
	v59 =	vadd.s32 v3, v58  }
0x146: {  	[tilespmem:s1], [sflag:$0x1] =	stream.indirect_vreg.gather [hbm4b:s4+s2], $0x80, v18, vm0, $0xb8;
	[tilespmem:$0x18200] =	vst v63  }
0x147: {  	v61 =	vperm.xlane v17, v1;
	s3 =	simm.s32 $0x3C00;
	v18 =	vadd.s32 v3, v60  }
0x148: {  	[tilespmem:s3], [sflag:$0x1] =	stream.indirect_vreg.gather [hbm4b:s4+s2], $0x80, v19, vm0, $0xb8;
	[tilespmem:$0x18200] =	vst v63  }
0x149: {  	v62 =	vperm.xlane v17, v9;
	s11 =	simm.s32 $0x3C80;
	v19 =	vadd.s32 v3, v61  }
0x14a: {  	[tilespmem:s11], [sflag:$0x1] =	stream.indirect_vreg.gather [hbm4b:s4+s2], $0x80, v59, vm0, $0xb8;
	[tilespmem:$0x18200] =	vst v63  }
0x14b: {  	v24 =	vperm.xlane v17, v10;
	v63 =	vadd.s32 v3, v62;
	s12 =	simm.s32 $0x3D00  }
0x14c: {  	[tilespmem:s12], [sflag:$0x1] =	stream.indirect_vreg.gather [hbm4b:s4+s2], $0x80, v18, vm0, $0xb8;
	[tilespmem:$0x18200] =	vst v63  }
0x14d: {  	v25 =	vperm.xlane v17, v11;
	s1 =	simm.s32 $0x3D80;
	v18 =	vadd.s32 v3, v24  }
0x14e: {  	[tilespmem:s1], [sflag:$0x1] =	stream.indirect_vreg.gather [hbm4b:s4+s2], $0x80, v19, vm0, $0xb8;
	[tilespmem:$0x18200] =	vst v63  }
0x14f: {  	v26 =	vperm.xlane v17, v12;
	s3 =	simm.s32 $0x3E00;
	v19 =	vadd.s32 v3, v25  }
0x150: {  	[tilespmem:s3], [sflag:$0x1] =	stream.indirect_vreg.gather [hbm4b:s4+s2], $0x80, v63, vm0, $0xb8;
	[tilespmem:$0x18200] =	vst v63  }
0x151: {  	v28 =	vperm.xlane v17, v13;
	v27 =	vadd.s32 v3, v26;
	s11 =	simm.s32 $0x3E80  }
0x152: {  	[tilespmem:s11], [sflag:$0x1] =	stream.indirect_vreg.gather [hbm4b:s4+s2], $0x80, v18, vm0, $0xb8;
	[tilespmem:$0x18200] =	vst v63  }
0x153: {  	v29 =	vperm.xlane v17, v14;
	s12 =	simm.s32 $0x3F00;
	v18 =	vadd.s32 v3, v28  }
0x154: {  	[tilespmem:s12], [sflag:$0x1] =	stream.indirect_vreg.gather [hbm4b:s4+s2], $0x80, v19, vm0, $0xb8;
	[tilespmem:$0x18200] =	vst v63  }
0x155: {  	v30 =	vperm.xlane v17, v15;
	s1 =	simm.s32 $0x3F80;
	v19 =	vadd.s32 v3, v29  }
0x156: {  	[tilespmem:s1], [sflag:$0x1] =	stream.indirect_vreg.gather [hbm4b:s4+s2], $0x80, v27, vm0, $0xb8;
	[tilespmem:$0x18200] =	vst v63  }
0x157: {  	v17 =	vperm.xlane v17, v16;
	v31 =	vadd.s32 v3, v30;
	s3 =	simm.s32 $0x4000  }
0x158: {  	[tilespmem:s3], [sflag:$0x1] =	stream.indirect_vreg.gather [hbm4b:s4+s2], $0x80, v18, vm0, $0xb8;
	[tilespmem:$0x18200] =	vst v63  }
0x159: {  	v17 =	vadd.s32 v3, v17;
	s11 =	simm.s32 $0x4080  }
0x15a: {  	[tilespmem:s11], [sflag:$0x1] =	stream.indirect_vreg.gather [hbm4b:s4+s2], $0x80, v19, vm0, $0xb8;
	[tilespmem:$0x18200] =	vst v63  }
0x15b: {  	s12 =	simm.s32 $0x4100  }
0x15c: {  	[tilespmem:s12], [sflag:$0x1] =	stream.indirect_vreg.gather [hbm4b:s4+s2], $0x80, v31, vm0, $0xb8;
	[tilespmem:$0x18200] =	vst v63  }
0x15d: {  	s1 =	simm.s32 $0x4180  }
0x15e: {  	[tilespmem:s1], [sflag:$0x1] =	stream.indirect_vreg.gather [hbm4b:s4+s2], $0x80, v17, vm0, $0xb8;
	[tilespmem:$0x18200] =	vst v63  }
0x15f: {  	v17 =	vld [tilespmem:$0x0];
	_ =	sdelay $0x4  }
0x160: {  	v18 =	vshrl.u32 v17, $0x3  }
0x161: {  	v18 =	vmul.u32 $0x18, v18  }
0x162: {  	v17 =	vand.u32 $0x7, v17  }
0x163: {  	v17 =	vor.u32 v17, v18  }
0x164: {  	v18 =	vperm.xlane v17, v2;
	_ =	sdelay $0x1  }
0x165: {  	v19 =	vperm.xlane v17, v4;
	v18 =	vadd.s32 v3, v18;
	_ =	sdelay $0x1  }
0x166: {  	v32 =	vperm.xlane v17, v5;
	v19 =	vadd.s32 v3, v19;
	_ =	sdelay $0x1  }
0x167: {  	s3 =	simm.s32 $0x4200;
	v33 =	vperm.xlane v17, v0;
	v20 =	vadd.s32 v3, v32  }
0x168: {  	[tilespmem:s3], [sflag:$0x1] =	stream.indirect_vreg.gather [hbm4b:s6+s2], $0x80, v18, vm0, $0xb8;
	[tilespmem:$0x18200] =	vst v63  }
0x169: {  	s11 =	simm.s32 $0x4280;
	v34 =	vperm.xlane v17, v6;
	v18 =	vadd.s32 v3, v33  }
0x16a: {  	[tilespmem:s11], [sflag:$0x1] =	stream.indirect_vreg.gather [hbm4b:s6+s2], $0x80, v19, vm0, $0xb8;
	[tilespmem:$0x18200] =	vst v63  }
0x16b: {  	s12 =	simm.s32 $0x4300;
	v35 =	vperm.xlane v17, v7;
	v19 =	vadd.s32 v3, v34  }
0x16c: {  	[tilespmem:s12], [sflag:$0x1] =	stream.indirect_vreg.gather [hbm4b:s6+s2], $0x80, v20, vm0, $0xb8;
	[tilespmem:$0x18200] =	vst v63  }
0x16d: {  	s1 =	simm.s32 $0x4380;
	v37 =	vperm.xlane v17, v8;
	v36 =	vadd.s32 v3, v35  }
0x16e: {  	[tilespmem:s1], [sflag:$0x1] =	stream.indirect_vreg.gather [hbm4b:s6+s2], $0x80, v18, vm0, $0xb8;
	[tilespmem:$0x18200] =	vst v63  }
0x16f: {  	v38 =	vperm.xlane v17, v1;
	s3 =	simm.s32 $0x4400;
	v18 =	vadd.s32 v3, v37  }
0x170: {  	[tilespmem:s3], [sflag:$0x1] =	stream.indirect_vreg.gather [hbm4b:s6+s2], $0x80, v19, vm0, $0xb8;
	[tilespmem:$0x18200] =	vst v63  }
0x171: {  	v39 =	vperm.xlane v17, v9;
	s11 =	simm.s32 $0x4480;
	v19 =	vadd.s32 v3, v38  }
0x172: {  	[tilespmem:s11], [sflag:$0x1] =	stream.indirect_vreg.gather [hbm4b:s6+s2], $0x80, v36, vm0, $0xb8;
	[tilespmem:$0x18200] =	vst v63  }
0x173: {  	v41 =	vperm.xlane v17, v10;
	v40 =	vadd.s32 v3, v39;
	s12 =	simm.s32 $0x4500  }
0x174: {  	[tilespmem:s12], [sflag:$0x1] =	stream.indirect_vreg.gather [hbm4b:s6+s2], $0x80, v18, vm0, $0xb8;
	[tilespmem:$0x18200] =	vst v63  }
0x175: {  	v42 =	vperm.xlane v17, v11;
	s1 =	simm.s32 $0x4580;
	v18 =	vadd.s32 v3, v41  }
0x176: {  	[tilespmem:s1], [sflag:$0x1] =	stream.indirect_vreg.gather [hbm4b:s6+s2], $0x80, v19, vm0, $0xb8;
	[tilespmem:$0x18200] =	vst v63  }
0x177: {  	v43 =	vperm.xlane v17, v12;
	s3 =	simm.s32 $0x4600;
	v19 =	vadd.s32 v3, v42  }
0x178: {  	[tilespmem:s3], [sflag:$0x1] =	stream.indirect_vreg.gather [hbm4b:s6+s2], $0x80, v40, vm0, $0xb8;
	[tilespmem:$0x18200] =	vst v63  }
0x179: {  	v45 =	vperm.xlane v17, v13;
	v44 =	vadd.s32 v3, v43;
	s11 =	simm.s32 $0x4680  }
0x17a: {  	[tilespmem:s11], [sflag:$0x1] =	stream.indirect_vreg.gather [hbm4b:s6+s2], $0x80, v18, vm0, $0xb8;
	[tilespmem:$0x18200] =	vst v63  }
0x17b: {  	v46 =	vperm.xlane v17, v14;
	s12 =	simm.s32 $0x4700;
	v18 =	vadd.s32 v3, v45  }
0x17c: {  	[tilespmem:s12], [sflag:$0x1] =	stream.indirect_vreg.gather [hbm4b:s6+s2], $0x80, v19, vm0, $0xb8;
	[tilespmem:$0x18200] =	vst v63  }
0x17d: {  	v47 =	vperm.xlane v17, v15;
	s1 =	simm.s32 $0x4780;
	v19 =	vadd.s32 v3, v46  }
0x17e: {  	[tilespmem:s1], [sflag:$0x1] =	stream.indirect_vreg.gather [hbm4b:s6+s2], $0x80, v44, vm0, $0xb8;
	[tilespmem:$0x18200] =	vst v63  }
0x17f: {  	v17 =	vperm.xlane v17, v16;
	v48 =	vadd.s32 v3, v47;
	s3 =	simm.s32 $0x4800  }
0x180: {  	[tilespmem:s3], [sflag:$0x1] =	stream.indirect_vreg.gather [hbm4b:s6+s2], $0x80, v18, vm0, $0xb8;
	[tilespmem:$0x18200] =	vst v63  }
0x181: {  	v17 =	vadd.s32 v3, v17;
	s11 =	simm.s32 $0x4880  }
0x182: {  	[tilespmem:s11], [sflag:$0x1] =	stream.indirect_vreg.gather [hbm4b:s6+s2], $0x80, v19, vm0, $0xb8;
	[tilespmem:$0x18200] =	vst v63  }
0x183: {  	s12 =	simm.s32 $0x4900  }
0x184: {  	[tilespmem:s12], [sflag:$0x1] =	stream.indirect_vreg.gather [hbm4b:s6+s2], $0x80, v48, vm0, $0xb8;
	[tilespmem:$0x18200] =	vst v63  }
0x185: {  	s1 =	simm.s32 $0x4980  }
0x186: {  	[tilespmem:s1], [sflag:$0x1] =	stream.indirect_vreg.gather [hbm4b:s6+s2], $0x80, v17, vm0, $0xb8;
	[tilespmem:$0x18200] =	vst v63  }
0x187: {  	v17 =	vld [tilespmem:$0x10];
	_ =	sdelay $0x4  }
0x188: {  	v18 =	vshrl.u32 v17, $0x3  }
0x189: {  	v18 =	vmul.u32 $0x18, v18  }
0x18a: {  	v17 =	vand.u32 $0x7, v17  }
0x18b: {  	v17 =	vor.u32 v17, v18  }
0x18c: {  	v18 =	vperm.xlane v17, v2;
	_ =	sdelay $0x1  }
0x18d: {  	v19 =	vperm.xlane v17, v4;
	v18 =	vadd.s32 v3, v18;
	_ =	sdelay $0x1  }
0x18e: {  	v49 =	vperm.xlane v17, v5;
	v19 =	vadd.s32 v3, v19;
	_ =	sdelay $0x1  }
0x18f: {  	s3 =	simm.s32 $0x4A00;
	v50 =	vperm.xlane v17, v0;
	v20 =	vadd.s32 v3, v49  }
0x190: {  	[tilespmem:s3], [sflag:$0x1] =	stream.indirect_vreg.gather [hbm4b:s6+s2], $0x80, v18, vm0, $0xb8;
	[tilespmem:$0x18200] =	vst v63  }
0x191: {  	s11 =	simm.s32 $0x4A80;
	v51 =	vperm.xlane v17, v6;
	v18 =	vadd.s32 v3, v50  }
0x192: {  	[tilespmem:s11], [sflag:$0x1] =	stream.indirect_vreg.gather [hbm4b:s6+s2], $0x80, v19, vm0, $0xb8;
	[tilespmem:$0x18200] =	vst v63  }
0x193: {  	s12 =	simm.s32 $0x4B00;
	v52 =	vperm.xlane v17, v7;
	v19 =	vadd.s32 v3, v51  }
0x194: {  	[tilespmem:s12], [sflag:$0x1] =	stream.indirect_vreg.gather [hbm4b:s6+s2], $0x80, v20, vm0, $0xb8;
	[tilespmem:$0x18200] =	vst v63  }
0x195: {  	s1 =	simm.s32 $0x4B80;
	v54 =	vperm.xlane v17, v8;
	v53 =	vadd.s32 v3, v52  }
0x196: {  	[tilespmem:s1], [sflag:$0x1] =	stream.indirect_vreg.gather [hbm4b:s6+s2], $0x80, v18, vm0, $0xb8;
	[tilespmem:$0x18200] =	vst v63  }
0x197: {  	v55 =	vperm.xlane v17, v1;
	s3 =	simm.s32 $0x4C00;
	v18 =	vadd.s32 v3, v54  }
0x198: {  	[tilespmem:s3], [sflag:$0x1] =	stream.indirect_vreg.gather [hbm4b:s6+s2], $0x80, v19, vm0, $0xb8;
	[tilespmem:$0x18200] =	vst v63  }
0x199: {  	v56 =	vperm.xlane v17, v9;
	s11 =	simm.s32 $0x4C80;
	v19 =	vadd.s32 v3, v55  }
0x19a: {  	[tilespmem:s11], [sflag:$0x1] =	stream.indirect_vreg.gather [hbm4b:s6+s2], $0x80, v53, vm0, $0xb8;
	[tilespmem:$0x18200] =	vst v63  }
0x19b: {  	v58 =	vperm.xlane v17, v10;
	v57 =	vadd.s32 v3, v56;
	s12 =	simm.s32 $0x4D00  }
0x19c: {  	[tilespmem:s12], [sflag:$0x1] =	stream.indirect_vreg.gather [hbm4b:s6+s2], $0x80, v18, vm0, $0xb8;
	[tilespmem:$0x18200] =	vst v63  }
0x19d: {  	v59 =	vperm.xlane v17, v11;
	s1 =	simm.s32 $0x4D80;
	v18 =	vadd.s32 v3, v58  }
0x19e: {  	[tilespmem:s1], [sflag:$0x1] =	stream.indirect_vreg.gather [hbm4b:s6+s2], $0x80, v19, vm0, $0xb8;
	[tilespmem:$0x18200] =	vst v63  }
0x19f: {  	v60 =	vperm.xlane v17, v12;
	s3 =	simm.s32 $0x4E00;
	v19 =	vadd.s32 v3, v59  }
0x1a0: {  	[tilespmem:s3], [sflag:$0x1] =	stream.indirect_vreg.gather [hbm4b:s6+s2], $0x80, v57, vm0, $0xb8;
	[tilespmem:$0x18200] =	vst v63  }
0x1a1: {  	v62 =	vperm.xlane v17, v13;
	v61 =	vadd.s32 v3, v60;
	s11 =	simm.s32 $0x4E80  }
0x1a2: {  	[tilespmem:s11], [sflag:$0x1] =	stream.indirect_vreg.gather [hbm4b:s6+s2], $0x80, v18, vm0, $0xb8;
	[tilespmem:$0x18200] =	vst v63  }
0x1a3: {  	v63 =	vperm.xlane v17, v14;
	s12 =	simm.s32 $0x4F00;
	v18 =	vadd.s32 v3, v62  }
0x1a4: {  	[tilespmem:s12], [sflag:$0x1] =	stream.indirect_vreg.gather [hbm4b:s6+s2], $0x80, v19, vm0, $0xb8;
	[tilespmem:$0x18200] =	vst v63  }
0x1a5: {  	v24 =	vperm.xlane v17, v15;
	s1 =	simm.s32 $0x4F80;
	v19 =	vadd.s32 v3, v63  }
0x1a6: {  	[tilespmem:s1], [sflag:$0x1] =	stream.indirect_vreg.gather [hbm4b:s6+s2], $0x80, v61, vm0, $0xb8;
	[tilespmem:$0x18200] =	vst v63  }
0x1a7: {  	v17 =	vperm.xlane v17, v16;
	v25 =	vadd.s32 v3, v24;
	s3 =	simm.s32 $0x5000  }
0x1a8: {  	[tilespmem:s3], [sflag:$0x1] =	stream.indirect_vreg.gather [hbm4b:s6+s2], $0x80, v18, vm0, $0xb8;
	[tilespmem:$0x18200] =	vst v63  }
0x1a9: {  	v17 =	vadd.s32 v3, v17;
	s11 =	simm.s32 $0x5080  }
0x1aa: {  	[tilespmem:s11], [sflag:$0x1] =	stream.indirect_vreg.gather [hbm4b:s6+s2], $0x80, v19, vm0, $0xb8;
	[tilespmem:$0x18200] =	vst v63  }
0x1ab: {  	s12 =	simm.s32 $0x5100  }
0x1ac: {  	[tilespmem:s12], [sflag:$0x1] =	stream.indirect_vreg.gather [hbm4b:s6+s2], $0x80, v25, vm0, $0xb8;
	[tilespmem:$0x18200] =	vst v63  }
0x1ad: {  	s1 =	simm.s32 $0x5180  }
0x1ae: {  	[tilespmem:s1], [sflag:$0x1] =	stream.indirect_vreg.gather [hbm4b:s6+s2], $0x80, v17, vm0, $0xb8;
	[tilespmem:$0x18200] =	vst v63  }
0x1af: {  	v17 =	vld [tilespmem:$0x20];
	_ =	sdelay $0x4  }
0x1b0: {  	v18 =	vshrl.u32 v17, $0x3  }
0x1b1: {  	v18 =	vmul.u32 $0x18, v18  }
0x1b2: {  	v17 =	vand.u32 $0x7, v17  }
0x1b3: {  	v17 =	vor.u32 v17, v18  }
0x1b4: {  	v18 =	vperm.xlane v17, v2;
	_ =	sdelay $0x1  }
0x1b5: {  	v19 =	vperm.xlane v17, v4;
	v18 =	vadd.s32 v3, v18;
	_ =	sdelay $0x1  }
0x1b6: {  	v26 =	vperm.xlane v17, v5;
	v19 =	vadd.s32 v3, v19;
	_ =	sdelay $0x1  }
0x1b7: {  	s3 =	simm.s32 $0x5200;
	v27 =	vperm.xlane v17, v0;
	v20 =	vadd.s32 v3, v26  }
0x1b8: {  	[tilespmem:s3], [sflag:$0x1] =	stream.indirect_vreg.gather [hbm4b:s6+s2], $0x80, v18, vm0, $0xb8;
	[tilespmem:$0x18200] =	vst v63  }
0x1b9: {  	s11 =	simm.s32 $0x5280;
	v28 =	vperm.xlane v17, v6;
	v18 =	vadd.s32 v3, v27  }
0x1ba: {  	[tilespmem:s11], [sflag:$0x1] =	stream.indirect_vreg.gather [hbm4b:s6+s2], $0x80, v19, vm0, $0xb8;
	[tilespmem:$0x18200] =	vst v63  }
0x1bb: {  	s12 =	simm.s32 $0x5300;
	v29 =	vperm.xlane v17, v7;
	v19 =	vadd.s32 v3, v28  }
0x1bc: {  	[tilespmem:s12], [sflag:$0x1] =	stream.indirect_vreg.gather [hbm4b:s6+s2], $0x80, v20, vm0, $0xb8;
	[tilespmem:$0x18200] =	vst v63  }
0x1bd: {  	s1 =	simm.s32 $0x5380;
	v31 =	vperm.xlane v17, v8;
	v30 =	vadd.s32 v3, v29  }
0x1be: {  	[tilespmem:s1], [sflag:$0x1] =	stream.indirect_vreg.gather [hbm4b:s6+s2], $0x80, v18, vm0, $0xb8;
	[tilespmem:$0x18200] =	vst v63  }
0x1bf: {  	v32 =	vperm.xlane v17, v1;
	s3 =	simm.s32 $0x5400;
	v18 =	vadd.s32 v3, v31  }
0x1c0: {  	[tilespmem:s3], [sflag:$0x1] =	stream.indirect_vreg.gather [hbm4b:s6+s2], $0x80, v19, vm0, $0xb8;
	[tilespmem:$0x18200] =	vst v63  }
0x1c1: {  	v33 =	vperm.xlane v17, v9;
	s11 =	simm.s32 $0x5480;
	v19 =	vadd.s32 v3, v32  }
0x1c2: {  	[tilespmem:s11], [sflag:$0x1] =	stream.indirect_vreg.gather [hbm4b:s6+s2], $0x80, v30, vm0, $0xb8;
	[tilespmem:$0x18200] =	vst v63  }
0x1c3: {  	v35 =	vperm.xlane v17, v10;
	v34 =	vadd.s32 v3, v33;
	s12 =	simm.s32 $0x5500  }
0x1c4: {  	[tilespmem:s12], [sflag:$0x1] =	stream.indirect_vreg.gather [hbm4b:s6+s2], $0x80, v18, vm0, $0xb8;
	[tilespmem:$0x18200] =	vst v63  }
0x1c5: {  	v36 =	vperm.xlane v17, v11;
	s1 =	simm.s32 $0x5580;
	v18 =	vadd.s32 v3, v35  }
0x1c6: {  	[tilespmem:s1], [sflag:$0x1] =	stream.indirect_vreg.gather [hbm4b:s6+s2], $0x80, v19, vm0, $0xb8;
	[tilespmem:$0x18200] =	vst v63  }
0x1c7: {  	v37 =	vperm.xlane v17, v12;
	s3 =	simm.s32 $0x5600;
	v19 =	vadd.s32 v3, v36  }
0x1c8: {  	[tilespmem:s3], [sflag:$0x1] =	stream.indirect_vreg.gather [hbm4b:s6+s2], $0x80, v34, vm0, $0xb8;
	[tilespmem:$0x18200] =	vst v63  }
0x1c9: {  	v39 =	vperm.xlane v17, v13;
	v38 =	vadd.s32 v3, v37;
	s11 =	simm.s32 $0x5680  }
0x1ca: {  	[tilespmem:s11], [sflag:$0x1] =	stream.indirect_vreg.gather [hbm4b:s6+s2], $0x80, v18, vm0, $0xb8;
	[tilespmem:$0x18200] =	vst v63  }
0x1cb: {  	v40 =	vperm.xlane v17, v14;
	s12 =	simm.s32 $0x5700;
	v18 =	vadd.s32 v3, v39  }
0x1cc: {  	[tilespmem:s12], [sflag:$0x1] =	stream.indirect_vreg.gather [hbm4b:s6+s2], $0x80, v19, vm0, $0xb8;
	[tilespmem:$0x18200] =	vst v63  }
0x1cd: {  	v41 =	vperm.xlane v17, v15;
	s1 =	simm.s32 $0x5780;
	v19 =	vadd.s32 v3, v40  }
0x1ce: {  	[tilespmem:s1], [sflag:$0x1] =	stream.indirect_vreg.gather [hbm4b:s6+s2], $0x80, v38, vm0, $0xb8;
	[tilespmem:$0x18200] =	vst v63  }
0x1cf: {  	v17 =	vperm.xlane v17, v16;
	v42 =	vadd.s32 v3, v41;
	s3 =	simm.s32 $0x5800  }
0x1d0: {  	[tilespmem:s3], [sflag:$0x1] =	stream.indirect_vreg.gather [hbm4b:s6+s2], $0x80, v18, vm0, $0xb8;
	[tilespmem:$0x18200] =	vst v63  }
0x1d1: {  	v17 =	vadd.s32 v3, v17;
	s11 =	simm.s32 $0x5880  }
0x1d2: {  	[tilespmem:s11], [sflag:$0x1] =	stream.indirect_vreg.gather [hbm4b:s6+s2], $0x80, v19, vm0, $0xb8;
	[tilespmem:$0x18200] =	vst v63  }
0x1d3: {  	s12 =	simm.s32 $0x5900  }
0x1d4: {  	[tilespmem:s12], [sflag:$0x1] =	stream.indirect_vreg.gather [hbm4b:s6+s2], $0x80, v42, vm0, $0xb8;
	[tilespmem:$0x18200] =	vst v63  }
0x1d5: {  	s1 =	simm.s32 $0x5980  }
0x1d6: {  	[tilespmem:s1], [sflag:$0x1] =	stream.indirect_vreg.gather [hbm4b:s6+s2], $0x80, v17, vm0, $0xb8;
	[tilespmem:$0x18200] =	vst v63  }
0x1d7: {  	v17 =	vld [tilespmem:$0x30];
	_ =	sdelay $0x4  }
0x1d8: {  	v18 =	vshrl.u32 v17, $0x3  }
0x1d9: {  	v18 =	vmul.u32 $0x18, v18  }
0x1da: {  	v17 =	vand.u32 $0x7, v17  }
0x1db: {  	v17 =	vor.u32 v17, v18  }
0x1dc: {  	v18 =	vperm.xlane v17, v2;
	_ =	sdelay $0x1  }
0x1dd: {  	v19 =	vperm.xlane v17, v4;
	v18 =	vadd.s32 v3, v18;
	_ =	sdelay $0x1  }
0x1de: {  	v43 =	vperm.xlane v17, v5;
	v19 =	vadd.s32 v3, v19;
	_ =	sdelay $0x1  }
0x1df: {  	s3 =	simm.s32 $0x5A00;
	v44 =	vperm.xlane v17, v0;
	v20 =	vadd.s32 v3, v43  }
0x1e0: {  	[tilespmem:s3], [sflag:$0x1] =	stream.indirect_vreg.gather [hbm4b:s6+s2], $0x80, v18, vm0, $0xb8;
	[tilespmem:$0x18200] =	vst v63  }
0x1e1: {  	s11 =	simm.s32 $0x5A80;
	v45 =	vperm.xlane v17, v6;
	v18 =	vadd.s32 v3, v44  }
0x1e2: {  	[tilespmem:s11], [sflag:$0x1] =	stream.indirect_vreg.gather [hbm4b:s6+s2], $0x80, v19, vm0, $0xb8;
	[tilespmem:$0x18200] =	vst v63  }
0x1e3: {  	s12 =	simm.s32 $0x5B00;
	v46 =	vperm.xlane v17, v7;
	v19 =	vadd.s32 v3, v45  }
0x1e4: {  	[tilespmem:s12], [sflag:$0x1] =	stream.indirect_vreg.gather [hbm4b:s6+s2], $0x80, v20, vm0, $0xb8;
	[tilespmem:$0x18200] =	vst v63  }
0x1e5: {  	s1 =	simm.s32 $0x5B80;
	v48 =	vperm.xlane v17, v8;
	v47 =	vadd.s32 v3, v46  }
0x1e6: {  	[tilespmem:s1], [sflag:$0x1] =	stream.indirect_vreg.gather [hbm4b:s6+s2], $0x80, v18, vm0, $0xb8;
	[tilespmem:$0x18200] =	vst v63  }
0x1e7: {  	v49 =	vperm.xlane v17, v1;
	s3 =	simm.s32 $0x5C00;
	v18 =	vadd.s32 v3, v48  }
0x1e8: {  	[tilespmem:s3], [sflag:$0x1] =	stream.indirect_vreg.gather [hbm4b:s6+s2], $0x80, v19, vm0, $0xb8;
	[tilespmem:$0x18200] =	vst v63  }
0x1e9: {  	v50 =	vperm.xlane v17, v9;
	s11 =	simm.s32 $0x5C80;
	v19 =	vadd.s32 v3, v49  }
0x1ea: {  	[tilespmem:s11], [sflag:$0x1] =	stream.indirect_vreg.gather [hbm4b:s6+s2], $0x80, v47, vm0, $0xb8;
	[tilespmem:$0x18200] =	vst v63  }
0x1eb: {  	v52 =	vperm.xlane v17, v10;
	v51 =	vadd.s32 v3, v50;
	s12 =	simm.s32 $0x5D00  }
0x1ec: {  	[tilespmem:s12], [sflag:$0x1] =	stream.indirect_vreg.gather [hbm4b:s6+s2], $0x80, v18, vm0, $0xb8;
	[tilespmem:$0x18200] =	vst v63  }
0x1ed: {  	v53 =	vperm.xlane v17, v11;
	s1 =	simm.s32 $0x5D80;
	v18 =	vadd.s32 v3, v52  }
0x1ee: {  	[tilespmem:s1], [sflag:$0x1] =	stream.indirect_vreg.gather [hbm4b:s6+s2], $0x80, v19, vm0, $0xb8;
	[tilespmem:$0x18200] =	vst v63  }
0x1ef: {  	v54 =	vperm.xlane v17, v12;
	s3 =	simm.s32 $0x5E00;
	v19 =	vadd.s32 v3, v53  }
0x1f0: {  	[tilespmem:s3], [sflag:$0x1] =	stream.indirect_vreg.gather [hbm4b:s6+s2], $0x80, v51, vm0, $0xb8;
	[tilespmem:$0x18200] =	vst v63  }
0x1f1: {  	v56 =	vperm.xlane v17, v13;
	v55 =	vadd.s32 v3, v54;
	s11 =	simm.s32 $0x5E80  }
0x1f2: {  	[tilespmem:s11], [sflag:$0x1] =	stream.indirect_vreg.gather [hbm4b:s6+s2], $0x80, v18, vm0, $0xb8;
	[tilespmem:$0x18200] =	vst v63  }
0x1f3: {  	v57 =	vperm.xlane v17, v14;
	s12 =	simm.s32 $0x5F00;
	v18 =	vadd.s32 v3, v56  }
0x1f4: {  	[tilespmem:s12], [sflag:$0x1] =	stream.indirect_vreg.gather [hbm4b:s6+s2], $0x80, v19, vm0, $0xb8;
	[tilespmem:$0x18200] =	vst v63  }
0x1f5: {  	v58 =	vperm.xlane v17, v15;
	s1 =	simm.s32 $0x5F80;
	v19 =	vadd.s32 v3, v57  }
0x1f6: {  	[tilespmem:s1], [sflag:$0x1] =	stream.indirect_vreg.gather [hbm4b:s6+s2], $0x80, v55, vm0, $0xb8;
	[tilespmem:$0x18200] =	vst v63  }
0x1f7: {  	v17 =	vperm.xlane v17, v16;
	v59 =	vadd.s32 v3, v58;
	s3 =	simm.s32 $0x6000  }
0x1f8: {  	[tilespmem:s3], [sflag:$0x1] =	stream.indirect_vreg.gather [hbm4b:s6+s2], $0x80, v18, vm0, $0xb8;
	[tilespmem:$0x18200] =	vst v63  }
0x1f9: {  	v17 =	vadd.s32 v3, v17;
	s11 =	simm.s32 $0x6080  }
0x1fa: {  	[tilespmem:s11], [sflag:$0x1] =	stream.indirect_vreg.gather [hbm4b:s6+s2], $0x80, v19, vm0, $0xb8;
	[tilespmem:$0x18200] =	vst v63  }
0x1fb: {  	s12 =	simm.s32 $0x6100  }
0x1fc: {  	[tilespmem:s12], [sflag:$0x1] =	stream.indirect_vreg.gather [hbm4b:s6+s2], $0x80, v59, vm0, $0xb8;
	[tilespmem:$0x18200] =	vst v63  }
0x1fd: {  	s1 =	simm.s32 $0x6180  }
0x1fe: {  	[tilespmem:s1], [sflag:$0x1] =	stream.indirect_vreg.gather [hbm4b:s6+s2], $0x80, v17, vm0, $0xb8;
	[tilespmem:$0x18200] =	vst v63  }
0x1ff: {  	v17 =	vld [tilespmem:$0x40];
	_ =	sdelay $0x4  }
0x200: {  	v18 =	vshrl.u32 v17, $0x3  }
0x201: {  	v18 =	vmul.u32 $0x18, v18  }
0x202: {  	v17 =	vand.u32 $0x7, v17  }
0x203: {  	v17 =	vor.u32 v17, v18  }
0x204: {  	v18 =	vperm.xlane v17, v2;
	_ =	sdelay $0x1  }
0x205: {  	v19 =	vperm.xlane v17, v4;
	v18 =	vadd.s32 v3, v18;
	_ =	sdelay $0x1  }
0x206: {  	v60 =	vperm.xlane v17, v5;
	v19 =	vadd.s32 v3, v19;
	_ =	sdelay $0x1  }
0x207: {  	s3 =	simm.s32 $0x6200;
	v61 =	vperm.xlane v17, v0;
	v20 =	vadd.s32 v3, v60  }
0x208: {  	[tilespmem:s3], [sflag:$0x1] =	stream.indirect_vreg.gather [hbm4b:s6+s2], $0x80, v18, vm0, $0xb8;
	[tilespmem:$0x18200] =	vst v63  }
0x209: {  	s11 =	simm.s32 $0x6280;
	v62 =	vperm.xlane v17, v6;
	v18 =	vadd.s32 v3, v61  }
0x20a: {  	[tilespmem:s11], [sflag:$0x1] =	stream.indirect_vreg.gather [hbm4b:s6+s2], $0x80, v19, vm0, $0xb8;
	[tilespmem:$0x18200] =	vst v63  }
0x20b: {  	s12 =	simm.s32 $0x6300;
	v63 =	vperm.xlane v17, v7;
	v19 =	vadd.s32 v3, v62  }
0x20c: {  	[tilespmem:s12], [sflag:$0x1] =	stream.indirect_vreg.gather [hbm4b:s6+s2], $0x80, v20, vm0, $0xb8;
	[tilespmem:$0x18200] =	vst v63  }
0x20d: {  	s1 =	simm.s32 $0x6380;
	v25 =	vperm.xlane v17, v8;
	v24 =	vadd.s32 v3, v63  }
0x20e: {  	[tilespmem:s1], [sflag:$0x1] =	stream.indirect_vreg.gather [hbm4b:s6+s2], $0x80, v18, vm0, $0xb8;
	[tilespmem:$0x18200] =	vst v63  }
0x20f: {  	v26 =	vperm.xlane v17, v1;
	s3 =	simm.s32 $0x6400;
	v18 =	vadd.s32 v3, v25  }
0x210: {  	[tilespmem:s3], [sflag:$0x1] =	stream.indirect_vreg.gather [hbm4b:s6+s2], $0x80, v19, vm0, $0xb8;
	[tilespmem:$0x18200] =	vst v63  }
0x211: {  	v27 =	vperm.xlane v17, v9;
	s11 =	simm.s32 $0x6480;
	v19 =	vadd.s32 v3, v26  }
0x212: {  	[tilespmem:s11], [sflag:$0x1] =	stream.indirect_vreg.gather [hbm4b:s6+s2], $0x80, v24, vm0, $0xb8;
	[tilespmem:$0x18200] =	vst v63  }
0x213: {  	v29 =	vperm.xlane v17, v10;
	v28 =	vadd.s32 v3, v27;
	s12 =	simm.s32 $0x6500  }
0x214: {  	[tilespmem:s12], [sflag:$0x1] =	stream.indirect_vreg.gather [hbm4b:s6+s2], $0x80, v18, vm0, $0xb8;
	[tilespmem:$0x18200] =	vst v63  }
0x215: {  	v30 =	vperm.xlane v17, v11;
	s1 =	simm.s32 $0x6580;
	v18 =	vadd.s32 v3, v29  }
0x216: {  	[tilespmem:s1], [sflag:$0x1] =	stream.indirect_vreg.gather [hbm4b:s6+s2], $0x80, v19, vm0, $0xb8;
	[tilespmem:$0x18200] =	vst v63  }
0x217: {  	v31 =	vperm.xlane v17, v12;
	s3 =	simm.s32 $0x6600;
	v19 =	vadd.s32 v3, v30  }
0x218: {  	[tilespmem:s3], [sflag:$0x1] =	stream.indirect_vreg.gather [hbm4b:s6+s2], $0x80, v28, vm0, $0xb8;
	[tilespmem:$0x18200] =	vst v63  }
0x219: {  	v33 =	vperm.xlane v17, v13;
	v32 =	vadd.s32 v3, v31;
	s11 =	simm.s32 $0x6680  }
0x21a: {  	[tilespmem:s11], [sflag:$0x1] =	stream.indirect_vreg.gather [hbm4b:s6+s2], $0x80, v18, vm0, $0xb8;
	[tilespmem:$0x18200] =	vst v63  }
0x21b: {  	v34 =	vperm.xlane v17, v14;
	s12 =	simm.s32 $0x6700;
	v18 =	vadd.s32 v3, v33  }
0x21c: {  	[tilespmem:s12], [sflag:$0x1] =	stream.indirect_vreg.gather [hbm4b:s6+s2], $0x80, v19, vm0, $0xb8;
	[tilespmem:$0x18200] =	vst v63  }
0x21d: {  	v35 =	vperm.xlane v17, v15;
	s1 =	simm.s32 $0x6780;
	v19 =	vadd.s32 v3, v34  }
0x21e: {  	[tilespmem:s1], [sflag:$0x1] =	stream.indirect_vreg.gather [hbm4b:s6+s2], $0x80, v32, vm0, $0xb8;
	[tilespmem:$0x18200] =	vst v63  }
0x21f: {  	v17 =	vperm.xlane v17, v16;
	v36 =	vadd.s32 v3, v35;
	s3 =	simm.s32 $0x6800  }
0x220: {  	[tilespmem:s3], [sflag:$0x1] =	stream.indirect_vreg.gather [hbm4b:s6+s2], $0x80, v18, vm0, $0xb8;
	[tilespmem:$0x18200] =	vst v63  }
0x221: {  	v17 =	vadd.s32 v3, v17;
	s11 =	simm.s32 $0x6880  }
0x222: {  	[tilespmem:s11], [sflag:$0x1] =	stream.indirect_vreg.gather [hbm4b:s6+s2], $0x80, v19, vm0, $0xb8;
	[tilespmem:$0x18200] =	vst v63  }
0x223: {  	s12 =	simm.s32 $0x6900  }
0x224: {  	[tilespmem:s12], [sflag:$0x1] =	stream.indirect_vreg.gather [hbm4b:s6+s2], $0x80, v36, vm0, $0xb8;
	[tilespmem:$0x18200] =	vst v63  }
0x225: {  	s1 =	simm.s32 $0x6980  }
0x226: {  	[tilespmem:s1], [sflag:$0x1] =	stream.indirect_vreg.gather [hbm4b:s6+s2], $0x80, v17, vm0, $0xb8;
	[tilespmem:$0x18200] =	vst v63  }
0x227: {  	v17 =	vld [tilespmem:$0x50];
	_ =	sdelay $0x4  }
0x228: {  	v18 =	vshrl.u32 v17, $0x3  }
0x229: {  	v18 =	vmul.u32 $0x18, v18  }
0x22a: {  	v17 =	vand.u32 $0x7, v17  }
0x22b: {  	v17 =	vor.u32 v17, v18  }
0x22c: {  	v18 =	vperm.xlane v17, v2;
	_ =	sdelay $0x1  }
0x22d: {  	v19 =	vperm.xlane v17, v4;
	v18 =	vadd.s32 v3, v18;
	_ =	sdelay $0x1  }
0x22e: {  	v37 =	vperm.xlane v17, v5;
	v19 =	vadd.s32 v3, v19;
	_ =	sdelay $0x1  }
0x22f: {  	s3 =	simm.s32 $0x6A00;
	v38 =	vperm.xlane v17, v0;
	v20 =	vadd.s32 v3, v37  }
0x230: {  	[tilespmem:s3], [sflag:$0x1] =	stream.indirect_vreg.gather [hbm4b:s6+s2], $0x80, v18, vm0, $0xb8;
	[tilespmem:$0x18200] =	vst v63  }
0x231: {  	s11 =	simm.s32 $0x6A80;
	v39 =	vperm.xlane v17, v6;
	v18 =	vadd.s32 v3, v38  }
0x232: {  	[tilespmem:s11], [sflag:$0x1] =	stream.indirect_vreg.gather [hbm4b:s6+s2], $0x80, v19, vm0, $0xb8;
	[tilespmem:$0x18200] =	vst v63  }
0x233: {  	s12 =	simm.s32 $0x6B00;
	v40 =	vperm.xlane v17, v7;
	v19 =	vadd.s32 v3, v39  }
0x234: {  	[tilespmem:s12], [sflag:$0x1] =	stream.indirect_vreg.gather [hbm4b:s6+s2], $0x80, v20, vm0, $0xb8;
	[tilespmem:$0x18200] =	vst v63  }
0x235: {  	s1 =	simm.s32 $0x6B80;
	v42 =	vperm.xlane v17, v8;
	v41 =	vadd.s32 v3, v40  }
0x236: {  	[tilespmem:s1], [sflag:$0x1] =	stream.indirect_vreg.gather [hbm4b:s6+s2], $0x80, v18, vm0, $0xb8;
	[tilespmem:$0x18200] =	vst v63  }
0x237: {  	v43 =	vperm.xlane v17, v1;
	s3 =	simm.s32 $0x6C00;
	v18 =	vadd.s32 v3, v42  }
0x238: {  	[tilespmem:s3], [sflag:$0x1] =	stream.indirect_vreg.gather [hbm4b:s6+s2], $0x80, v19, vm0, $0xb8;
	[tilespmem:$0x18200] =	vst v63  }
0x239: {  	v44 =	vperm.xlane v17, v9;
	s11 =	simm.s32 $0x6C80;
	v19 =	vadd.s32 v3, v43  }
0x23a: {  	[tilespmem:s11], [sflag:$0x1] =	stream.indirect_vreg.gather [hbm4b:s6+s2], $0x80, v41, vm0, $0xb8;
	[tilespmem:$0x18200] =	vst v63  }
0x23b: {  	v46 =	vperm.xlane v17, v10;
	v45 =	vadd.s32 v3, v44;
	s12 =	simm.s32 $0x6D00  }
0x23c: {  	[tilespmem:s12], [sflag:$0x1] =	stream.indirect_vreg.gather [hbm4b:s6+s2], $0x80, v18, vm0, $0xb8;
	[tilespmem:$0x18200] =	vst v63  }
0x23d: {  	v47 =	vperm.xlane v17, v11;
	s1 =	simm.s32 $0x6D80;
	v18 =	vadd.s32 v3, v46  }
0x23e: {  	[tilespmem:s1], [sflag:$0x1] =	stream.indirect_vreg.gather [hbm4b:s6+s2], $0x80, v19, vm0, $0xb8;
	[tilespmem:$0x18200] =	vst v63  }
0x23f: {  	v48 =	vperm.xlane v17, v12;
	s3 =	simm.s32 $0x6E00;
	v19 =	vadd.s32 v3, v47  }
0x240: {  	[tilespmem:s3], [sflag:$0x1] =	stream.indirect_vreg.gather [hbm4b:s6+s2], $0x80, v45, vm0, $0xb8;
	[tilespmem:$0x18200] =	vst v63  }
0x241: {  	v50 =	vperm.xlane v17, v13;
	v49 =	vadd.s32 v3, v48;
	s11 =	simm.s32 $0x6E80  }
0x242: {  	[tilespmem:s11], [sflag:$0x1] =	stream.indirect_vreg.gather [hbm4b:s6+s2], $0x80, v18, vm0, $0xb8;
	[tilespmem:$0x18200] =	vst v63  }
0x243: {  	v51 =	vperm.xlane v17, v14;
	s12 =	simm.s32 $0x6F00;
	v18 =	vadd.s32 v3, v50  }
0x244: {  	[tilespmem:s12], [sflag:$0x1] =	stream.indirect_vreg.gather [hbm4b:s6+s2], $0x80, v19, vm0, $0xb8;
	[tilespmem:$0x18200] =	vst v63  }
0x245: {  	v52 =	vperm.xlane v17, v15;
	s1 =	simm.s32 $0x6F80;
	v19 =	vadd.s32 v3, v51  }
0x246: {  	[tilespmem:s1], [sflag:$0x1] =	stream.indirect_vreg.gather [hbm4b:s6+s2], $0x80, v49, vm0, $0xb8;
	[tilespmem:$0x18200] =	vst v63  }
0x247: {  	v17 =	vperm.xlane v17, v16;
	v53 =	vadd.s32 v3, v52;
	s3 =	simm.s32 $0x7000  }
0x248: {  	[tilespmem:s3], [sflag:$0x1] =	stream.indirect_vreg.gather [hbm4b:s6+s2], $0x80, v18, vm0, $0xb8;
	[tilespmem:$0x18200] =	vst v63  }
0x249: {  	v17 =	vadd.s32 v3, v17;
	s11 =	simm.s32 $0x7080  }
0x24a: {  	[tilespmem:s11], [sflag:$0x1] =	stream.indirect_vreg.gather [hbm4b:s6+s2], $0x80, v19, vm0, $0xb8;
	[tilespmem:$0x18200] =	vst v63  }
0x24b: {  	s12 =	simm.s32 $0x7100  }
0x24c: {  	[tilespmem:s12], [sflag:$0x1] =	stream.indirect_vreg.gather [hbm4b:s6+s2], $0x80, v53, vm0, $0xb8;
	[tilespmem:$0x18200] =	vst v63  }
0x24d: {  	s1 =	simm.s32 $0x7180  }
0x24e: {  	[tilespmem:s1], [sflag:$0x1] =	stream.indirect_vreg.gather [hbm4b:s6+s2], $0x80, v17, vm0, $0xb8;
	[tilespmem:$0x18200] =	vst v63  }
0x24f: {  	v17 =	vld [tilespmem:$0x60];
	_ =	sdelay $0x4  }
0x250: {  	v18 =	vshrl.u32 v17, $0x3  }
0x251: {  	v18 =	vmul.u32 $0x18, v18  }
0x252: {  	v17 =	vand.u32 $0x7, v17  }
0x253: {  	v17 =	vor.u32 v17, v18  }
0x254: {  	v18 =	vperm.xlane v17, v2;
	_ =	sdelay $0x1  }
0x255: {  	v19 =	vperm.xlane v17, v4;
	v18 =	vadd.s32 v3, v18;
	_ =	sdelay $0x1  }
0x256: {  	v54 =	vperm.xlane v17, v5;
	v19 =	vadd.s32 v3, v19;
	_ =	sdelay $0x1  }
0x257: {  	s3 =	simm.s32 $0x7200;
	v55 =	vperm.xlane v17, v0;
	v20 =	vadd.s32 v3, v54  }
0x258: {  	[tilespmem:s3], [sflag:$0x1] =	stream.indirect_vreg.gather [hbm4b:s6+s2], $0x80, v18, vm0, $0xb8;
	[tilespmem:$0x18200] =	vst v63  }
0x259: {  	s11 =	simm.s32 $0x7280;
	v56 =	vperm.xlane v17, v6;
	v18 =	vadd.s32 v3, v55  }
0x25a: {  	[tilespmem:s11], [sflag:$0x1] =	stream.indirect_vreg.gather [hbm4b:s6+s2], $0x80, v19, vm0, $0xb8;
	[tilespmem:$0x18200] =	vst v63  }
0x25b: {  	s12 =	simm.s32 $0x7300;
	v57 =	vperm.xlane v17, v7;
	v19 =	vadd.s32 v3, v56  }
0x25c: {  	[tilespmem:s12], [sflag:$0x1] =	stream.indirect_vreg.gather [hbm4b:s6+s2], $0x80, v20, vm0, $0xb8;
	[tilespmem:$0x18200] =	vst v63  }
0x25d: {  	s1 =	simm.s32 $0x7380;
	v59 =	vperm.xlane v17, v8;
	v58 =	vadd.s32 v3, v57  }
0x25e: {  	[tilespmem:s1], [sflag:$0x1] =	stream.indirect_vreg.gather [hbm4b:s6+s2], $0x80, v18, vm0, $0xb8;
	[tilespmem:$0x18200] =	vst v63  }
0x25f: {  	v60 =	vperm.xlane v17, v1;
	s3 =	simm.s32 $0x7400;
	v18 =	vadd.s32 v3, v59  }
0x260: {  	[tilespmem:s3], [sflag:$0x1] =	stream.indirect_vreg.gather [hbm4b:s6+s2], $0x80, v19, vm0, $0xb8;
	[tilespmem:$0x18200] =	vst v63  }
0x261: {  	v61 =	vperm.xlane v17, v9;
	s11 =	simm.s32 $0x7480;
	v19 =	vadd.s32 v3, v60  }
0x262: {  	[tilespmem:s11], [sflag:$0x1] =	stream.indirect_vreg.gather [hbm4b:s6+s2], $0x80, v58, vm0, $0xb8;
	[tilespmem:$0x18200] =	vst v63  }
0x263: {  	v63 =	vperm.xlane v17, v10;
	v62 =	vadd.s32 v3, v61;
	s12 =	simm.s32 $0x7500  }
0x264: {  	[tilespmem:s12], [sflag:$0x1] =	stream.indirect_vreg.gather [hbm4b:s6+s2], $0x80, v18, vm0, $0xb8;
	[tilespmem:$0x18200] =	vst v63  }
0x265: {  	v24 =	vperm.xlane v17, v11;
	s1 =	simm.s32 $0x7580;
	v18 =	vadd.s32 v3, v63  }
0x266: {  	[tilespmem:s1], [sflag:$0x1] =	stream.indirect_vreg.gather [hbm4b:s6+s2], $0x80, v19, vm0, $0xb8;
	[tilespmem:$0x18200] =	vst v63  }
0x267: {  	v25 =	vperm.xlane v17, v12;
	s3 =	simm.s32 $0x7600;
	v19 =	vadd.s32 v3, v24  }
0x268: {  	[tilespmem:s3], [sflag:$0x1] =	stream.indirect_vreg.gather [hbm4b:s6+s2], $0x80, v62, vm0, $0xb8;
	[tilespmem:$0x18200] =	vst v63  }
0x269: {  	v27 =	vperm.xlane v17, v13;
	v26 =	vadd.s32 v3, v25;
	s11 =	simm.s32 $0x7680  }
0x26a: {  	[tilespmem:s11], [sflag:$0x1] =	stream.indirect_vreg.gather [hbm4b:s6+s2], $0x80, v18, vm0, $0xb8;
	[tilespmem:$0x18200] =	vst v63  }
0x26b: {  	v28 =	vperm.xlane v17, v14;
	s12 =	simm.s32 $0x7700;
	v18 =	vadd.s32 v3, v27  }
0x26c: {  	[tilespmem:s12], [sflag:$0x1] =	stream.indirect_vreg.gather [hbm4b:s6+s2], $0x80, v19, vm0, $0xb8;
	[tilespmem:$0x18200] =	vst v63  }
0x26d: {  	v29 =	vperm.xlane v17, v15;
	s1 =	simm.s32 $0x7780;
	v19 =	vadd.s32 v3, v28  }
0x26e: {  	[tilespmem:s1], [sflag:$0x1] =	stream.indirect_vreg.gather [hbm4b:s6+s2], $0x80, v26, vm0, $0xb8;
	[tilespmem:$0x18200] =	vst v63  }
0x26f: {  	v17 =	vperm.xlane v17, v16;
	v30 =	vadd.s32 v3, v29;
	s3 =	simm.s32 $0x7800  }
0x270: {  	[tilespmem:s3], [sflag:$0x1] =	stream.indirect_vreg.gather [hbm4b:s6+s2], $0x80, v18, vm0, $0xb8;
	[tilespmem:$0x18200] =	vst v63  }
0x271: {  	v17 =	vadd.s32 v3, v17;
	s11 =	simm.s32 $0x7880  }
0x272: {  	[tilespmem:s11], [sflag:$0x1] =	stream.indirect_vreg.gather [hbm4b:s6+s2], $0x80, v19, vm0, $0xb8;
	[tilespmem:$0x18200] =	vst v63  }
0x273: {  	s12 =	simm.s32 $0x7900  }
0x274: {  	[tilespmem:s12], [sflag:$0x1] =	stream.indirect_vreg.gather [hbm4b:s6+s2], $0x80, v30, vm0, $0xb8;
	[tilespmem:$0x18200] =	vst v63  }
0x275: {  	s1 =	simm.s32 $0x7980  }
0x276: {  	[tilespmem:s1], [sflag:$0x1] =	stream.indirect_vreg.gather [hbm4b:s6+s2], $0x80, v17, vm0, $0xb8;
	[tilespmem:$0x18200] =	vst v63  }
0x277: {  	v17 =	vld [tilespmem:$0x70];
	_ =	sdelay $0x4  }
0x278: {  	v18 =	vshrl.u32 v17, $0x3  }
0x279: {  	v18 =	vmul.u32 $0x18, v18  }
0x27a: {  	v17 =	vand.u32 $0x7, v17  }
0x27b: {  	v17 =	vor.u32 v17, v18  }
0x27c: {  	v18 =	vperm.xlane v17, v2;
	_ =	sdelay $0x1  }
0x27d: {  	v19 =	vperm.xlane v17, v4;
	v18 =	vadd.s32 v3, v18;
	_ =	sdelay $0x1  }
0x27e: {  	v31 =	vperm.xlane v17, v5;
	v19 =	vadd.s32 v3, v19;
	_ =	sdelay $0x1  }
0x27f: {  	s3 =	simm.s32 $0x7A00;
	v32 =	vperm.xlane v17, v0;
	v20 =	vadd.s32 v3, v31  }
0x280: {  	[tilespmem:s3], [sflag:$0x1] =	stream.indirect_vreg.gather [hbm4b:s6+s2], $0x80, v18, vm0, $0xb8;
	[tilespmem:$0x18200] =	vst v63  }
0x281: {  	s11 =	simm.s32 $0x7A80;
	v33 =	vperm.xlane v17, v6;
	v18 =	vadd.s32 v3, v32  }
0x282: {  	[tilespmem:s11], [sflag:$0x1] =	stream.indirect_vreg.gather [hbm4b:s6+s2], $0x80, v19, vm0, $0xb8;
	[tilespmem:$0x18200] =	vst v63  }
0x283: {  	s12 =	simm.s32 $0x7B00;
	v34 =	vperm.xlane v17, v7;
	v19 =	vadd.s32 v3, v33  }
0x284: {  	[tilespmem:s12], [sflag:$0x1] =	stream.indirect_vreg.gather [hbm4b:s6+s2], $0x80, v20, vm0, $0xb8;
	[tilespmem:$0x18200] =	vst v63  }
0x285: {  	s1 =	simm.s32 $0x7B80;
	v36 =	vperm.xlane v17, v8;
	v35 =	vadd.s32 v3, v34  }
0x286: {  	[tilespmem:s1], [sflag:$0x1] =	stream.indirect_vreg.gather [hbm4b:s6+s2], $0x80, v18, vm0, $0xb8;
	[tilespmem:$0x18200] =	vst v63  }
0x287: {  	v37 =	vperm.xlane v17, v1;
	s3 =	simm.s32 $0x7C00;
	v18 =	vadd.s32 v3, v36  }
0x288: {  	[tilespmem:s3], [sflag:$0x1] =	stream.indirect_vreg.gather [hbm4b:s6+s2], $0x80, v19, vm0, $0xb8;
	[tilespmem:$0x18200] =	vst v63  }
0x289: {  	v38 =	vperm.xlane v17, v9;
	s11 =	simm.s32 $0x7C80;
	v19 =	vadd.s32 v3, v37  }
0x28a: {  	[tilespmem:s11], [sflag:$0x1] =	stream.indirect_vreg.gather [hbm4b:s6+s2], $0x80, v35, vm0, $0xb8;
	[tilespmem:$0x18200] =	vst v63  }
0x28b: {  	v40 =	vperm.xlane v17, v10;
	v39 =	vadd.s32 v3, v38;
	s12 =	simm.s32 $0x7D00  }
0x28c: {  	[tilespmem:s12], [sflag:$0x1] =	stream.indirect_vreg.gather [hbm4b:s6+s2], $0x80, v18, vm0, $0xb8;
	[tilespmem:$0x18200] =	vst v63  }
0x28d: {  	v41 =	vperm.xlane v17, v11;
	s1 =	simm.s32 $0x7D80;
	v18 =	vadd.s32 v3, v40  }
0x28e: {  	[tilespmem:s1], [sflag:$0x1] =	stream.indirect_vreg.gather [hbm4b:s6+s2], $0x80, v19, vm0, $0xb8;
	[tilespmem:$0x18200] =	vst v63  }
0x28f: {  	v42 =	vperm.xlane v17, v12;
	s3 =	simm.s32 $0x7E00;
	v19 =	vadd.s32 v3, v41  }
0x290: {  	[tilespmem:s3], [sflag:$0x1] =	stream.indirect_vreg.gather [hbm4b:s6+s2], $0x80, v39, vm0, $0xb8;
	[tilespmem:$0x18200] =	vst v63  }
0x291: {  	v44 =	vperm.xlane v17, v13;
	v43 =	vadd.s32 v3, v42;
	s11 =	simm.s32 $0x7E80  }
0x292: {  	[tilespmem:s11], [sflag:$0x1] =	stream.indirect_vreg.gather [hbm4b:s6+s2], $0x80, v18, vm0, $0xb8;
	[tilespmem:$0x18200] =	vst v63  }
0x293: {  	v45 =	vperm.xlane v17, v14;
	s12 =	simm.s32 $0x7F00;
	v18 =	vadd.s32 v3, v44  }
0x294: {  	[tilespmem:s12], [sflag:$0x1] =	stream.indirect_vreg.gather [hbm4b:s6+s2], $0x80, v19, vm0, $0xb8;
	[tilespmem:$0x18200] =	vst v63  }
0x295: {  	v46 =	vperm.xlane v17, v15;
	s1 =	simm.s32 $0x7F80;
	v19 =	vadd.s32 v3, v45  }
0x296: {  	[tilespmem:s1], [sflag:$0x1] =	stream.indirect_vreg.gather [hbm4b:s6+s2], $0x80, v43, vm0, $0xb8;
	[tilespmem:$0x18200] =	vst v63  }
0x297: {  	v17 =	vperm.xlane v17, v16;
	v47 =	vadd.s32 v3, v46;
	s3 =	simm.s32 $0x8000  }
0x298: {  	[tilespmem:s3], [sflag:$0x1] =	stream.indirect_vreg.gather [hbm4b:s6+s2], $0x80, v18, vm0, $0xb8;
	[tilespmem:$0x18200] =	vst v63  }
0x299: {  	v17 =	vadd.s32 v3, v17;
	s11 =	simm.s32 $0x8080  }
0x29a: {  	[tilespmem:s11], [sflag:$0x1] =	stream.indirect_vreg.gather [hbm4b:s6+s2], $0x80, v19, vm0, $0xb8;
	[tilespmem:$0x18200] =	vst v63  }
0x29b: {  	s12 =	simm.s32 $0x8100  }
0x29c: {  	[tilespmem:s12], [sflag:$0x1] =	stream.indirect_vreg.gather [hbm4b:s6+s2], $0x80, v47, vm0, $0xb8;
	[tilespmem:$0x18200] =	vst v63  }
0x29d: {  	s1 =	simm.s32 $0x8180  }
0x29e: {  	[tilespmem:s1], [sflag:$0x1] =	stream.indirect_vreg.gather [hbm4b:s6+s2], $0x80, v17, vm0, $0xb8;
	[tilespmem:$0x18200] =	vst v63  }
0x29f: {  	s1 =	simm.s32 $0x80  }
0x2a0: {  	[tilespmem:s9], [sflag:$0x1] =	stream.indirect.gather [hbm4b:s14+s1], $0x80, s2, s1, $0xb8;
	[tilespmem:$0x18200] =	vst v63  }
0x2a1: {  	v17 =	vld [tilespmem:$0x80];
	_ =	sdelay $0x4  }
0x2a2: {  	v18 =	vshrl.u32 v17, $0x3  }
0x2a3: {  	v18 =	vmul.u32 $0x18, v18  }
0x2a4: {  	v17 =	vand.u32 $0x7, v17  }
0x2a5: {  	v17 =	vor.u32 v17, v18  }
0x2a6: {  	v18 =	vperm.xlane v17, v2;
	_ =	sdelay $0x1  }
0x2a7: {  	v19 =	vperm.xlane v17, v4;
	v18 =	vadd.s32 v3, v18;
	_ =	sdelay $0x1  }
0x2a8: {  	v48 =	vperm.xlane v17, v5;
	v19 =	vadd.s32 v3, v19;
	_ =	sdelay $0x1  }
0x2a9: {  	v49 =	vperm.xlane v17, v0;
	v20 =	vadd.s32 v3, v48  }
0x2aa: {  	[tilespmem:s10], [sflag:$0x2] =	stream.indirect_vreg.gather [hbm4b:s4+s2], $0x80, v18, vm0, $0xb8;
	[tilespmem:$0x18200] =	vst v63  }
0x2ab: {  	s3 =	simm.s32 $0xC280;
	v50 =	vperm.xlane v17, v6;
	v18 =	vadd.s32 v3, v49  }
0x2ac: {  	[tilespmem:s3], [sflag:$0x2] =	stream.indirect_vreg.gather [hbm4b:s4+s2], $0x80, v19, vm0, $0xb8;
	[tilespmem:$0x18200] =	vst v63  }
0x2ad: {  	s11 =	simm.s32 $0xC300;
	v51 =	vperm.xlane v17, v7;
	v19 =	vadd.s32 v3, v50  }
0x2ae: {  	[tilespmem:s11], [sflag:$0x2] =	stream.indirect_vreg.gather [hbm4b:s4+s2], $0x80, v20, vm0, $0xb8;
	[tilespmem:$0x18200] =	vst v63  }
0x2af: {  	s12 =	simm.s32 $0xC380;
	v53 =	vperm.xlane v17, v8;
	v52 =	vadd.s32 v3, v51  }
0x2b0: {  	[tilespmem:s12], [sflag:$0x2] =	stream.indirect_vreg.gather [hbm4b:s4+s2], $0x80, v18, vm0, $0xb8;
	[tilespmem:$0x18200] =	vst v63  }
0x2b1: {  	v54 =	vperm.xlane v17, v1;
	s3 =	simm.s32 $0xC400;
	v18 =	vadd.s32 v3, v53  }
0x2b2: {  	[tilespmem:s3], [sflag:$0x2] =	stream.indirect_vreg.gather [hbm4b:s4+s2], $0x80, v19, vm0, $0xb8;
	[tilespmem:$0x18200] =	vst v63  }
0x2b3: {  	v55 =	vperm.xlane v17, v9;
	s11 =	simm.s32 $0xC480;
	v19 =	vadd.s32 v3, v54  }
0x2b4: {  	[tilespmem:s11], [sflag:$0x2] =	stream.indirect_vreg.gather [hbm4b:s4+s2], $0x80, v52, vm0, $0xb8;
	[tilespmem:$0x18200] =	vst v63  }
0x2b5: {  	v57 =	vperm.xlane v17, v10;
	v56 =	vadd.s32 v3, v55;
	s12 =	simm.s32 $0xC500  }
0x2b6: {  	[tilespmem:s12], [sflag:$0x2] =	stream.indirect_vreg.gather [hbm4b:s4+s2], $0x80, v18, vm0, $0xb8;
	[tilespmem:$0x18200] =	vst v63  }
0x2b7: {  	v58 =	vperm.xlane v17, v11;
	s3 =	simm.s32 $0xC580;
	v18 =	vadd.s32 v3, v57  }
0x2b8: {  	[tilespmem:s3], [sflag:$0x2] =	stream.indirect_vreg.gather [hbm4b:s4+s2], $0x80, v19, vm0, $0xb8;
	[tilespmem:$0x18200] =	vst v63  }
0x2b9: {  	v59 =	vperm.xlane v17, v12;
	s11 =	simm.s32 $0xC600;
	v19 =	vadd.s32 v3, v58  }
0x2ba: {  	[tilespmem:s11], [sflag:$0x2] =	stream.indirect_vreg.gather [hbm4b:s4+s2], $0x80, v56, vm0, $0xb8;
	[tilespmem:$0x18200] =	vst v63  }
0x2bb: {  	v61 =	vperm.xlane v17, v13;
	v60 =	vadd.s32 v3, v59;
	s12 =	simm.s32 $0xC680  }
0x2bc: {  	[tilespmem:s12], [sflag:$0x2] =	stream.indirect_vreg.gather [hbm4b:s4+s2], $0x80, v18, vm0, $0xb8;
	[tilespmem:$0x18200] =	vst v63  }
0x2bd: {  	v62 =	vperm.xlane v17, v14;
	s3 =	simm.s32 $0xC700;
	v18 =	vadd.s32 v3, v61  }
0x2be: {  	[tilespmem:s3], [sflag:$0x2] =	stream.indirect_vreg.gather [hbm4b:s4+s2], $0x80, v19, vm0, $0xb8;
	[tilespmem:$0x18200] =	vst v63  }
0x2bf: {  	v63 =	vperm.xlane v17, v15;
	s11 =	simm.s32 $0xC780;
	v19 =	vadd.s32 v3, v62  }
0x2c0: {  	[tilespmem:s11], [sflag:$0x2] =	stream.indirect_vreg.gather [hbm4b:s4+s2], $0x80, v60, vm0, $0xb8;
	[tilespmem:$0x18200] =	vst v63  }
0x2c1: {  	v17 =	vperm.xlane v17, v16;
	v24 =	vadd.s32 v3, v63;
	s12 =	simm.s32 $0xC800  }
0x2c2: {  	[tilespmem:s12], [sflag:$0x2] =	stream.indirect_vreg.gather [hbm4b:s4+s2], $0x80, v18, vm0, $0xb8;
	[tilespmem:$0x18200] =	vst v63  }
0x2c3: {  	v17 =	vadd.s32 v3, v17;
	s3 =	simm.s32 $0xC880  }
0x2c4: {  	[tilespmem:s3], [sflag:$0x2] =	stream.indirect_vreg.gather [hbm4b:s4+s2], $0x80, v19, vm0, $0xb8;
	[tilespmem:$0x18200] =	vst v63  }
0x2c5: {  	s11 =	simm.s32 $0xC900  }
0x2c6: {  	[tilespmem:s11], [sflag:$0x2] =	stream.indirect_vreg.gather [hbm4b:s4+s2], $0x80, v24, vm0, $0xb8;
	[tilespmem:$0x18200] =	vst v63  }
0x2c7: {  	s12 =	simm.s32 $0xC980  }
0x2c8: {  	[tilespmem:s12], [sflag:$0x2] =	stream.indirect_vreg.gather [hbm4b:s4+s2], $0x80, v17, vm0, $0xb8;
	[tilespmem:$0x18200] =	vst v63  }
0x2c9: {  	v17 =	vld [tilespmem:$0x90];
	_ =	sdelay $0x4  }
0x2ca: {  	v18 =	vshrl.u32 v17, $0x3  }
0x2cb: {  	v18 =	vmul.u32 $0x18, v18  }
0x2cc: {  	v17 =	vand.u32 $0x7, v17  }
0x2cd: {  	v17 =	vor.u32 v17, v18  }
0x2ce: {  	v18 =	vperm.xlane v17, v2;
	_ =	sdelay $0x1  }
0x2cf: {  	v19 =	vperm.xlane v17, v4;
	v18 =	vadd.s32 v3, v18;
	_ =	sdelay $0x1  }
0x2d0: {  	v25 =	vperm.xlane v17, v5;
	v19 =	vadd.s32 v3, v19;
	_ =	sdelay $0x1  }
0x2d1: {  	s3 =	simm.s32 $0xCA00;
	v26 =	vperm.xlane v17, v0;
	v20 =	vadd.s32 v3, v25  }
0x2d2: {  	[tilespmem:s3], [sflag:$0x2] =	stream.indirect_vreg.gather [hbm4b:s4+s2], $0x80, v18, vm0, $0xb8;
	[tilespmem:$0x18200] =	vst v63  }
0x2d3: {  	s11 =	simm.s32 $0xCA80;
	v27 =	vperm.xlane v17, v6;
	v18 =	vadd.s32 v3, v26  }
0x2d4: {  	[tilespmem:s11], [sflag:$0x2] =	stream.indirect_vreg.gather [hbm4b:s4+s2], $0x80, v19, vm0, $0xb8;
	[tilespmem:$0x18200] =	vst v63  }
0x2d5: {  	s12 =	simm.s32 $0xCB00;
	v28 =	vperm.xlane v17, v7;
	v19 =	vadd.s32 v3, v27  }
0x2d6: {  	[tilespmem:s12], [sflag:$0x2] =	stream.indirect_vreg.gather [hbm4b:s4+s2], $0x80, v20, vm0, $0xb8;
	[tilespmem:$0x18200] =	vst v63  }
0x2d7: {  	v30 =	vperm.xlane v17, v8;
	v29 =	vadd.s32 v3, v28;
	s3 =	simm.s32 $0xCB80  }
0x2d8: {  	[tilespmem:s3], [sflag:$0x2] =	stream.indirect_vreg.gather [hbm4b:s4+s2], $0x80, v18, vm0, $0xb8;
	[tilespmem:$0x18200] =	vst v63  }
0x2d9: {  	v31 =	vperm.xlane v17, v1;
	s11 =	simm.s32 $0xCC00;
	v18 =	vadd.s32 v3, v30  }
0x2da: {  	[tilespmem:s11], [sflag:$0x2] =	stream.indirect_vreg.gather [hbm4b:s4+s2], $0x80, v19, vm0, $0xb8;
	[tilespmem:$0x18200] =	vst v63  }
0x2db: {  	v32 =	vperm.xlane v17, v9;
	s12 =	simm.s32 $0xCC80;
	v19 =	vadd.s32 v3, v31  }
0x2dc: {  	[tilespmem:s12], [sflag:$0x2] =	stream.indirect_vreg.gather [hbm4b:s4+s2], $0x80, v29, vm0, $0xb8;
	[tilespmem:$0x18200] =	vst v63  }
0x2dd: {  	v34 =	vperm.xlane v17, v10;
	v33 =	vadd.s32 v3, v32;
	s3 =	simm.s32 $0xCD00  }
0x2de: {  	[tilespmem:s3], [sflag:$0x2] =	stream.indirect_vreg.gather [hbm4b:s4+s2], $0x80, v18, vm0, $0xb8;
	[tilespmem:$0x18200] =	vst v63  }
0x2df: {  	v35 =	vperm.xlane v17, v11;
	s11 =	simm.s32 $0xCD80;
	v18 =	vadd.s32 v3, v34  }
0x2e0: {  	[tilespmem:s11], [sflag:$0x2] =	stream.indirect_vreg.gather [hbm4b:s4+s2], $0x80, v19, vm0, $0xb8;
	[tilespmem:$0x18200] =	vst v63  }
0x2e1: {  	v36 =	vperm.xlane v17, v12;
	s12 =	simm.s32 $0xCE00;
	v19 =	vadd.s32 v3, v35  }
0x2e2: {  	[tilespmem:s12], [sflag:$0x2] =	stream.indirect_vreg.gather [hbm4b:s4+s2], $0x80, v33, vm0, $0xb8;
	[tilespmem:$0x18200] =	vst v63  }
0x2e3: {  	v38 =	vperm.xlane v17, v13;
	v37 =	vadd.s32 v3, v36;
	s3 =	simm.s32 $0xCE80  }
0x2e4: {  	[tilespmem:s3], [sflag:$0x2] =	stream.indirect_vreg.gather [hbm4b:s4+s2], $0x80, v18, vm0, $0xb8;
	[tilespmem:$0x18200] =	vst v63  }
0x2e5: {  	v39 =	vperm.xlane v17, v14;
	s11 =	simm.s32 $0xCF00;
	v18 =	vadd.s32 v3, v38  }
0x2e6: {  	[tilespmem:s11], [sflag:$0x2] =	stream.indirect_vreg.gather [hbm4b:s4+s2], $0x80, v19, vm0, $0xb8;
	[tilespmem:$0x18200] =	vst v63  }
0x2e7: {  	v40 =	vperm.xlane v17, v15;
	s12 =	simm.s32 $0xCF80;
	v19 =	vadd.s32 v3, v39  }
0x2e8: {  	[tilespmem:s12], [sflag:$0x2] =	stream.indirect_vreg.gather [hbm4b:s4+s2], $0x80, v37, vm0, $0xb8;
	[tilespmem:$0x18200] =	vst v63  }
0x2e9: {  	v17 =	vperm.xlane v17, v16;
	v41 =	vadd.s32 v3, v40;
	s3 =	simm.s32 $0xD000  }
0x2ea: {  	[tilespmem:s3], [sflag:$0x2] =	stream.indirect_vreg.gather [hbm4b:s4+s2], $0x80, v18, vm0, $0xb8;
	[tilespmem:$0x18200] =	vst v63  }
0x2eb: {  	v17 =	vadd.s32 v3, v17;
	s11 =	simm.s32 $0xD080  }
0x2ec: {  	[tilespmem:s11], [sflag:$0x2] =	stream.indirect_vreg.gather [hbm4b:s4+s2], $0x80, v19, vm0, $0xb8;
	[tilespmem:$0x18200] =	vst v63  }
0x2ed: {  	s12 =	simm.s32 $0xD100  }
0x2ee: {  	[tilespmem:s12], [sflag:$0x2] =	stream.indirect_vreg.gather [hbm4b:s4+s2], $0x80, v41, vm0, $0xb8;
	[tilespmem:$0x18200] =	vst v63  }
0x2ef: {  	s3 =	simm.s32 $0xD180  }
0x2f0: {  	[tilespmem:s3], [sflag:$0x2] =	stream.indirect_vreg.gather [hbm4b:s4+s2], $0x80, v17, vm0, $0xb8;
	[tilespmem:$0x18200] =	vst v63  }
0x2f1: {  	v17 =	vld [tilespmem:$0xA0];
	_ =	sdelay $0x4  }
0x2f2: {  	v18 =	vshrl.u32 v17, $0x3  }
0x2f3: {  	v18 =	vmul.u32 $0x18, v18  }
0x2f4: {  	v17 =	vand.u32 $0x7, v17  }
0x2f5: {  	v17 =	vor.u32 v17, v18  }
0x2f6: {  	v18 =	vperm.xlane v17, v2;
	_ =	sdelay $0x1  }
0x2f7: {  	v19 =	vperm.xlane v17, v4;
	v18 =	vadd.s32 v3, v18;
	_ =	sdelay $0x1  }
0x2f8: {  	v42 =	vperm.xlane v17, v5;
	v19 =	vadd.s32 v3, v19;
	_ =	sdelay $0x1  }
0x2f9: {  	s11 =	simm.s32 $0xD200;
	v43 =	vperm.xlane v17, v0;
	v20 =	vadd.s32 v3, v42  }
0x2fa: {  	[tilespmem:s11], [sflag:$0x2] =	stream.indirect_vreg.gather [hbm4b:s4+s2], $0x80, v18, vm0, $0xb8;
	[tilespmem:$0x18200] =	vst v63  }
0x2fb: {  	s12 =	simm.s32 $0xD280;
	v44 =	vperm.xlane v17, v6;
	v18 =	vadd.s32 v3, v43  }
0x2fc: {  	[tilespmem:s12], [sflag:$0x2] =	stream.indirect_vreg.gather [hbm4b:s4+s2], $0x80, v19, vm0, $0xb8;
	[tilespmem:$0x18200] =	vst v63  }
0x2fd: {  	s3 =	simm.s32 $0xD300;
	v45 =	vperm.xlane v17, v7;
	v19 =	vadd.s32 v3, v44  }
0x2fe: {  	[tilespmem:s3], [sflag:$0x2] =	stream.indirect_vreg.gather [hbm4b:s4+s2], $0x80, v20, vm0, $0xb8;
	[tilespmem:$0x18200] =	vst v63  }
0x2ff: {  	v47 =	vperm.xlane v17, v8;
	v46 =	vadd.s32 v3, v45;
	s11 =	simm.s32 $0xD380  }
0x300: {  	[tilespmem:s11], [sflag:$0x2] =	stream.indirect_vreg.gather [hbm4b:s4+s2], $0x80, v18, vm0, $0xb8;
	[tilespmem:$0x18200] =	vst v63  }
0x301: {  	v48 =	vperm.xlane v17, v1;
	s12 =	simm.s32 $0xD400;
	v18 =	vadd.s32 v3, v47  }
0x302: {  	[tilespmem:s12], [sflag:$0x2] =	stream.indirect_vreg.gather [hbm4b:s4+s2], $0x80, v19, vm0, $0xb8;
	[tilespmem:$0x18200] =	vst v63  }
0x303: {  	v49 =	vperm.xlane v17, v9;
	s3 =	simm.s32 $0xD480;
	v19 =	vadd.s32 v3, v48  }
0x304: {  	[tilespmem:s3], [sflag:$0x2] =	stream.indirect_vreg.gather [hbm4b:s4+s2], $0x80, v46, vm0, $0xb8;
	[tilespmem:$0x18200] =	vst v63  }
0x305: {  	v51 =	vperm.xlane v17, v10;
	v50 =	vadd.s32 v3, v49;
	s11 =	simm.s32 $0xD500  }
0x306: {  	[tilespmem:s11], [sflag:$0x2] =	stream.indirect_vreg.gather [hbm4b:s4+s2], $0x80, v18, vm0, $0xb8;
	[tilespmem:$0x18200] =	vst v63  }
0x307: {  	v52 =	vperm.xlane v17, v11;
	s12 =	simm.s32 $0xD580;
	v18 =	vadd.s32 v3, v51  }
0x308: {  	[tilespmem:s12], [sflag:$0x2] =	stream.indirect_vreg.gather [hbm4b:s4+s2], $0x80, v19, vm0, $0xb8;
	[tilespmem:$0x18200] =	vst v63  }
0x309: {  	v53 =	vperm.xlane v17, v12;
	s3 =	simm.s32 $0xD600;
	v19 =	vadd.s32 v3, v52  }
0x30a: {  	[tilespmem:s3], [sflag:$0x2] =	stream.indirect_vreg.gather [hbm4b:s4+s2], $0x80, v50, vm0, $0xb8;
	[tilespmem:$0x18200] =	vst v63  }
0x30b: {  	v55 =	vperm.xlane v17, v13;
	v54 =	vadd.s32 v3, v53;
	s11 =	simm.s32 $0xD680  }
0x30c: {  	[tilespmem:s11], [sflag:$0x2] =	stream.indirect_vreg.gather [hbm4b:s4+s2], $0x80, v18, vm0, $0xb8;
	[tilespmem:$0x18200] =	vst v63  }
0x30d: {  	v56 =	vperm.xlane v17, v14;
	s12 =	simm.s32 $0xD700;
	v18 =	vadd.s32 v3, v55  }
0x30e: {  	[tilespmem:s12], [sflag:$0x2] =	stream.indirect_vreg.gather [hbm4b:s4+s2], $0x80, v19, vm0, $0xb8;
	[tilespmem:$0x18200] =	vst v63  }
0x30f: {  	v57 =	vperm.xlane v17, v15;
	s3 =	simm.s32 $0xD780;
	v19 =	vadd.s32 v3, v56  }
0x310: {  	[tilespmem:s3], [sflag:$0x2] =	stream.indirect_vreg.gather [hbm4b:s4+s2], $0x80, v54, vm0, $0xb8;
	[tilespmem:$0x18200] =	vst v63  }
0x311: {  	v17 =	vperm.xlane v17, v16;
	v58 =	vadd.s32 v3, v57;
	s11 =	simm.s32 $0xD800  }
0x312: {  	[tilespmem:s11], [sflag:$0x2] =	stream.indirect_vreg.gather [hbm4b:s4+s2], $0x80, v18, vm0, $0xb8;
	[tilespmem:$0x18200] =	vst v63  }
0x313: {  	v17 =	vadd.s32 v3, v17;
	s12 =	simm.s32 $0xD880  }
0x314: {  	[tilespmem:s12], [sflag:$0x2] =	stream.indirect_vreg.gather [hbm4b:s4+s2], $0x80, v19, vm0, $0xb8;
	[tilespmem:$0x18200] =	vst v63  }
0x315: {  	s3 =	simm.s32 $0xD900  }
0x316: {  	[tilespmem:s3], [sflag:$0x2] =	stream.indirect_vreg.gather [hbm4b:s4+s2], $0x80, v58, vm0, $0xb8;
	[tilespmem:$0x18200] =	vst v63  }
0x317: {  	s11 =	simm.s32 $0xD980  }
0x318: {  	[tilespmem:s11], [sflag:$0x2] =	stream.indirect_vreg.gather [hbm4b:s4+s2], $0x80, v17, vm0, $0xb8;
	[tilespmem:$0x18200] =	vst v63  }
0x319: {  	v17 =	vld [tilespmem:$0xB0];
	_ =	sdelay $0x4  }
0x31a: {  	v18 =	vshrl.u32 v17, $0x3  }
0x31b: {  	v18 =	vmul.u32 $0x18, v18  }
0x31c: {  	v17 =	vand.u32 $0x7, v17  }
0x31d: {  	v17 =	vor.u32 v17, v18  }
0x31e: {  	v18 =	vperm.xlane v17, v2;
	_ =	sdelay $0x1  }
0x31f: {  	v19 =	vperm.xlane v17, v4;
	v18 =	vadd.s32 v3, v18;
	_ =	sdelay $0x1  }
0x320: {  	v59 =	vperm.xlane v17, v5;
	v19 =	vadd.s32 v3, v19;
	_ =	sdelay $0x1  }
0x321: {  	s12 =	simm.s32 $0xDA00;
	v60 =	vperm.xlane v17, v0;
	v20 =	vadd.s32 v3, v59  }
0x322: {  	[tilespmem:s12], [sflag:$0x2] =	stream.indirect_vreg.gather [hbm4b:s4+s2], $0x80, v18, vm0, $0xb8;
	[tilespmem:$0x18200] =	vst v63  }
0x323: {  	s3 =	simm.s32 $0xDA80;
	v61 =	vperm.xlane v17, v6;
	v18 =	vadd.s32 v3, v60  }
0x324: {  	[tilespmem:s3], [sflag:$0x2] =	stream.indirect_vreg.gather [hbm4b:s4+s2], $0x80, v19, vm0, $0xb8;
	[tilespmem:$0x18200] =	vst v63  }
0x325: {  	s11 =	simm.s32 $0xDB00;
	v62 =	vperm.xlane v17, v7;
	v19 =	vadd.s32 v3, v61  }
0x326: {  	[tilespmem:s11], [sflag:$0x2] =	stream.indirect_vreg.gather [hbm4b:s4+s2], $0x80, v20, vm0, $0xb8;
	[tilespmem:$0x18200] =	vst v63  }
0x327: {  	v24 =	vperm.xlane v17, v8;
	v63 =	vadd.s32 v3, v62;
	s12 =	simm.s32 $0xDB80  }
0x328: {  	[tilespmem:s12], [sflag:$0x2] =	stream.indirect_vreg.gather [hbm4b:s4+s2], $0x80, v18, vm0, $0xb8;
	[tilespmem:$0x18200] =	vst v63  }
0x329: {  	v25 =	vperm.xlane v17, v1;
	s3 =	simm.s32 $0xDC00;
	v18 =	vadd.s32 v3, v24  }
0x32a: {  	[tilespmem:s3], [sflag:$0x2] =	stream.indirect_vreg.gather [hbm4b:s4+s2], $0x80, v19, vm0, $0xb8;
	[tilespmem:$0x18200] =	vst v63  }
0x32b: {  	v26 =	vperm.xlane v17, v9;
	s11 =	simm.s32 $0xDC80;
	v19 =	vadd.s32 v3, v25  }
0x32c: {  	[tilespmem:s11], [sflag:$0x2] =	stream.indirect_vreg.gather [hbm4b:s4+s2], $0x80, v63, vm0, $0xb8;
	[tilespmem:$0x18200] =	vst v63  }
0x32d: {  	v28 =	vperm.xlane v17, v10;
	v27 =	vadd.s32 v3, v26;
	s12 =	simm.s32 $0xDD00  }
0x32e: {  	[tilespmem:s12], [sflag:$0x2] =	stream.indirect_vreg.gather [hbm4b:s4+s2], $0x80, v18, vm0, $0xb8;
	[tilespmem:$0x18200] =	vst v63  }
0x32f: {  	v29 =	vperm.xlane v17, v11;
	s3 =	simm.s32 $0xDD80;
	v18 =	vadd.s32 v3, v28  }
0x330: {  	[tilespmem:s3], [sflag:$0x2] =	stream.indirect_vreg.gather [hbm4b:s4+s2], $0x80, v19, vm0, $0xb8;
	[tilespmem:$0x18200] =	vst v63  }
0x331: {  	v30 =	vperm.xlane v17, v12;
	s11 =	simm.s32 $0xDE00;
	v19 =	vadd.s32 v3, v29  }
0x332: {  	[tilespmem:s11], [sflag:$0x2] =	stream.indirect_vreg.gather [hbm4b:s4+s2], $0x80, v27, vm0, $0xb8;
	[tilespmem:$0x18200] =	vst v63  }
0x333: {  	v32 =	vperm.xlane v17, v13;
	v31 =	vadd.s32 v3, v30;
	s12 =	simm.s32 $0xDE80  }
0x334: {  	[tilespmem:s12], [sflag:$0x2] =	stream.indirect_vreg.gather [hbm4b:s4+s2], $0x80, v18, vm0, $0xb8;
	[tilespmem:$0x18200] =	vst v63  }
0x335: {  	v33 =	vperm.xlane v17, v14;
	s3 =	simm.s32 $0xDF00;
	v18 =	vadd.s32 v3, v32  }
0x336: {  	[tilespmem:s3], [sflag:$0x2] =	stream.indirect_vreg.gather [hbm4b:s4+s2], $0x80, v19, vm0, $0xb8;
	[tilespmem:$0x18200] =	vst v63  }
0x337: {  	v34 =	vperm.xlane v17, v15;
	s11 =	simm.s32 $0xDF80;
	v19 =	vadd.s32 v3, v33  }
0x338: {  	[tilespmem:s11], [sflag:$0x2] =	stream.indirect_vreg.gather [hbm4b:s4+s2], $0x80, v31, vm0, $0xb8;
	[tilespmem:$0x18200] =	vst v63  }
0x339: {  	v17 =	vperm.xlane v17, v16;
	v35 =	vadd.s32 v3, v34;
	s12 =	simm.s32 $0xE000  }
0x33a: {  	[tilespmem:s12], [sflag:$0x2] =	stream.indirect_vreg.gather [hbm4b:s4+s2], $0x80, v18, vm0, $0xb8;
	[tilespmem:$0x18200] =	vst v63  }
0x33b: {  	v17 =	vadd.s32 v3, v17;
	s3 =	simm.s32 $0xE080  }
0x33c: {  	[tilespmem:s3], [sflag:$0x2] =	stream.indirect_vreg.gather [hbm4b:s4+s2], $0x80, v19, vm0, $0xb8;
	[tilespmem:$0x18200] =	vst v63  }
0x33d: {  	s11 =	simm.s32 $0xE100  }
0x33e: {  	[tilespmem:s11], [sflag:$0x2] =	stream.indirect_vreg.gather [hbm4b:s4+s2], $0x80, v35, vm0, $0xb8;
	[tilespmem:$0x18200] =	vst v63  }
0x33f: {  	s12 =	simm.s32 $0xE180  }
0x340: {  	[tilespmem:s12], [sflag:$0x2] =	stream.indirect_vreg.gather [hbm4b:s4+s2], $0x80, v17, vm0, $0xb8;
	[tilespmem:$0x18200] =	vst v63  }
0x341: {  	v17 =	vld [tilespmem:$0xC0];
	_ =	sdelay $0x4  }
0x342: {  	v18 =	vshrl.u32 v17, $0x3  }
0x343: {  	v18 =	vmul.u32 $0x18, v18  }
0x344: {  	v17 =	vand.u32 $0x7, v17  }
0x345: {  	v17 =	vor.u32 v17, v18  }
0x346: {  	v18 =	vperm.xlane v17, v2;
	_ =	sdelay $0x1  }
0x347: {  	v19 =	vperm.xlane v17, v4;
	v18 =	vadd.s32 v3, v18;
	_ =	sdelay $0x1  }
0x348: {  	v36 =	vperm.xlane v17, v5;
	v19 =	vadd.s32 v3, v19;
	_ =	sdelay $0x1  }
0x349: {  	s3 =	simm.s32 $0xE200;
	v37 =	vperm.xlane v17, v0;
	v20 =	vadd.s32 v3, v36  }
0x34a: {  	[tilespmem:s3], [sflag:$0x2] =	stream.indirect_vreg.gather [hbm4b:s4+s2], $0x80, v18, vm0, $0xb8;
	[tilespmem:$0x18200] =	vst v63  }
0x34b: {  	s11 =	simm.s32 $0xE280;
	v38 =	vperm.xlane v17, v6;
	v18 =	vadd.s32 v3, v37  }
0x34c: {  	[tilespmem:s11], [sflag:$0x2] =	stream.indirect_vreg.gather [hbm4b:s4+s2], $0x80, v19, vm0, $0xb8;
	[tilespmem:$0x18200] =	vst v63  }
0x34d: {  	s12 =	simm.s32 $0xE300;
	v39 =	vperm.xlane v17, v7;
	v19 =	vadd.s32 v3, v38  }
0x34e: {  	[tilespmem:s12], [sflag:$0x2] =	stream.indirect_vreg.gather [hbm4b:s4+s2], $0x80, v20, vm0, $0xb8;
	[tilespmem:$0x18200] =	vst v63  }
0x34f: {  	v41 =	vperm.xlane v17, v8;
	v40 =	vadd.s32 v3, v39;
	s3 =	simm.s32 $0xE380  }
0x350: {  	[tilespmem:s3], [sflag:$0x2] =	stream.indirect_vreg.gather [hbm4b:s4+s2], $0x80, v18, vm0, $0xb8;
	[tilespmem:$0x18200] =	vst v63  }
0x351: {  	v42 =	vperm.xlane v17, v1;
	s11 =	simm.s32 $0xE400;
	v18 =	vadd.s32 v3, v41  }
0x352: {  	[tilespmem:s11], [sflag:$0x2] =	stream.indirect_vreg.gather [hbm4b:s4+s2], $0x80, v19, vm0, $0xb8;
	[tilespmem:$0x18200] =	vst v63  }
0x353: {  	v43 =	vperm.xlane v17, v9;
	s12 =	simm.s32 $0xE480;
	v19 =	vadd.s32 v3, v42  }
0x354: {  	[tilespmem:s12], [sflag:$0x2] =	stream.indirect_vreg.gather [hbm4b:s4+s2], $0x80, v40, vm0, $0xb8;
	[tilespmem:$0x18200] =	vst v63  }
0x355: {  	v45 =	vperm.xlane v17, v10;
	v44 =	vadd.s32 v3, v43;
	s3 =	simm.s32 $0xE500  }
0x356: {  	[tilespmem:s3], [sflag:$0x2] =	stream.indirect_vreg.gather [hbm4b:s4+s2], $0x80, v18, vm0, $0xb8;
	[tilespmem:$0x18200] =	vst v63  }
0x357: {  	v46 =	vperm.xlane v17, v11;
	s11 =	simm.s32 $0xE580;
	v18 =	vadd.s32 v3, v45  }
0x358: {  	[tilespmem:s11], [sflag:$0x2] =	stream.indirect_vreg.gather [hbm4b:s4+s2], $0x80, v19, vm0, $0xb8;
	[tilespmem:$0x18200] =	vst v63  }
0x359: {  	v47 =	vperm.xlane v17, v12;
	s12 =	simm.s32 $0xE600;
	v19 =	vadd.s32 v3, v46  }
0x35a: {  	[tilespmem:s12], [sflag:$0x2] =	stream.indirect_vreg.gather [hbm4b:s4+s2], $0x80, v44, vm0, $0xb8;
	[tilespmem:$0x18200] =	vst v63  }
0x35b: {  	v49 =	vperm.xlane v17, v13;
	v48 =	vadd.s32 v3, v47;
	s3 =	simm.s32 $0xE680  }
0x35c: {  	[tilespmem:s3], [sflag:$0x2] =	stream.indirect_vreg.gather [hbm4b:s4+s2], $0x80, v18, vm0, $0xb8;
	[tilespmem:$0x18200] =	vst v63  }
0x35d: {  	v50 =	vperm.xlane v17, v14;
	s11 =	simm.s32 $0xE700;
	v18 =	vadd.s32 v3, v49  }
0x35e: {  	[tilespmem:s11], [sflag:$0x2] =	stream.indirect_vreg.gather [hbm4b:s4+s2], $0x80, v19, vm0, $0xb8;
	[tilespmem:$0x18200] =	vst v63  }
0x35f: {  	v51 =	vperm.xlane v17, v15;
	s12 =	simm.s32 $0xE780;
	v19 =	vadd.s32 v3, v50  }
0x360: {  	[tilespmem:s12], [sflag:$0x2] =	stream.indirect_vreg.gather [hbm4b:s4+s2], $0x80, v48, vm0, $0xb8;
	[tilespmem:$0x18200] =	vst v63  }
0x361: {  	v17 =	vperm.xlane v17, v16;
	v52 =	vadd.s32 v3, v51;
	s3 =	simm.s32 $0xE800  }
0x362: {  	[tilespmem:s3], [sflag:$0x2] =	stream.indirect_vreg.gather [hbm4b:s4+s2], $0x80, v18, vm0, $0xb8;
	[tilespmem:$0x18200] =	vst v63  }
0x363: {  	v17 =	vadd.s32 v3, v17;
	s11 =	simm.s32 $0xE880  }
0x364: {  	[tilespmem:s11], [sflag:$0x2] =	stream.indirect_vreg.gather [hbm4b:s4+s2], $0x80, v19, vm0, $0xb8;
	[tilespmem:$0x18200] =	vst v63  }
0x365: {  	s12 =	simm.s32 $0xE900  }
0x366: {  	[tilespmem:s12], [sflag:$0x2] =	stream.indirect_vreg.gather [hbm4b:s4+s2], $0x80, v52, vm0, $0xb8;
	[tilespmem:$0x18200] =	vst v63  }
0x367: {  	s3 =	simm.s32 $0xE980  }
0x368: {  	[tilespmem:s3], [sflag:$0x2] =	stream.indirect_vreg.gather [hbm4b:s4+s2], $0x80, v17, vm0, $0xb8;
	[tilespmem:$0x18200] =	vst v63  }
0x369: {  	v17 =	vld [tilespmem:$0xD0];
	_ =	sdelay $0x4  }
0x36a: {  	v18 =	vshrl.u32 v17, $0x3  }
0x36b: {  	v18 =	vmul.u32 $0x18, v18  }
0x36c: {  	v17 =	vand.u32 $0x7, v17  }
0x36d: {  	v17 =	vor.u32 v17, v18  }
0x36e: {  	v18 =	vperm.xlane v17, v2;
	_ =	sdelay $0x1  }
0x36f: {  	v19 =	vperm.xlane v17, v4;
	v18 =	vadd.s32 v3, v18;
	_ =	sdelay $0x1  }
0x370: {  	v53 =	vperm.xlane v17, v5;
	v19 =	vadd.s32 v3, v19;
	_ =	sdelay $0x1  }
0x371: {  	s11 =	simm.s32 $0xEA00;
	v54 =	vperm.xlane v17, v0;
	v20 =	vadd.s32 v3, v53  }
0x372: {  	[tilespmem:s11], [sflag:$0x2] =	stream.indirect_vreg.gather [hbm4b:s4+s2], $0x80, v18, vm0, $0xb8;
	[tilespmem:$0x18200] =	vst v63  }
0x373: {  	s12 =	simm.s32 $0xEA80;
	v55 =	vperm.xlane v17, v6;
	v18 =	vadd.s32 v3, v54  }
0x374: {  	[tilespmem:s12], [sflag:$0x2] =	stream.indirect_vreg.gather [hbm4b:s4+s2], $0x80, v19, vm0, $0xb8;
	[tilespmem:$0x18200] =	vst v63  }
0x375: {  	s3 =	simm.s32 $0xEB00;
	v56 =	vperm.xlane v17, v7;
	v19 =	vadd.s32 v3, v55  }
0x376: {  	[tilespmem:s3], [sflag:$0x2] =	stream.indirect_vreg.gather [hbm4b:s4+s2], $0x80, v20, vm0, $0xb8;
	[tilespmem:$0x18200] =	vst v63  }
0x377: {  	v58 =	vperm.xlane v17, v8;
	v57 =	vadd.s32 v3, v56;
	s11 =	simm.s32 $0xEB80  }
0x378: {  	[tilespmem:s11], [sflag:$0x2] =	stream.indirect_vreg.gather [hbm4b:s4+s2], $0x80, v18, vm0, $0xb8;
	[tilespmem:$0x18200] =	vst v63  }
0x379: {  	v59 =	vperm.xlane v17, v1;
	s12 =	simm.s32 $0xEC00;
	v18 =	vadd.s32 v3, v58  }
0x37a: {  	[tilespmem:s12], [sflag:$0x2] =	stream.indirect_vreg.gather [hbm4b:s4+s2], $0x80, v19, vm0, $0xb8;
	[tilespmem:$0x18200] =	vst v63  }
0x37b: {  	v60 =	vperm.xlane v17, v9;
	s3 =	simm.s32 $0xEC80;
	v19 =	vadd.s32 v3, v59  }
0x37c: {  	[tilespmem:s3], [sflag:$0x2] =	stream.indirect_vreg.gather [hbm4b:s4+s2], $0x80, v57, vm0, $0xb8;
	[tilespmem:$0x18200] =	vst v63  }
0x37d: {  	v62 =	vperm.xlane v17, v10;
	v61 =	vadd.s32 v3, v60;
	s11 =	simm.s32 $0xED00  }
0x37e: {  	[tilespmem:s11], [sflag:$0x2] =	stream.indirect_vreg.gather [hbm4b:s4+s2], $0x80, v18, vm0, $0xb8;
	[tilespmem:$0x18200] =	vst v63  }
0x37f: {  	v63 =	vperm.xlane v17, v11;
	s12 =	simm.s32 $0xED80;
	v18 =	vadd.s32 v3, v62  }
0x380: {  	[tilespmem:s12], [sflag:$0x2] =	stream.indirect_vreg.gather [hbm4b:s4+s2], $0x80, v19, vm0, $0xb8;
	[tilespmem:$0x18200] =	vst v63  }
0x381: {  	v24 =	vperm.xlane v17, v12;
	s3 =	simm.s32 $0xEE00;
	v19 =	vadd.s32 v3, v63  }
0x382: {  	[tilespmem:s3], [sflag:$0x2] =	stream.indirect_vreg.gather [hbm4b:s4+s2], $0x80, v61, vm0, $0xb8;
	[tilespmem:$0x18200] =	vst v63  }
0x383: {  	v26 =	vperm.xlane v17, v13;
	v25 =	vadd.s32 v3, v24;
	s11 =	simm.s32 $0xEE80  }
0x384: {  	[tilespmem:s11], [sflag:$0x2] =	stream.indirect_vreg.gather [hbm4b:s4+s2], $0x80, v18, vm0, $0xb8;
	[tilespmem:$0x18200] =	vst v63  }
0x385: {  	v27 =	vperm.xlane v17, v14;
	s12 =	simm.s32 $0xEF00;
	v18 =	vadd.s32 v3, v26  }
0x386: {  	[tilespmem:s12], [sflag:$0x2] =	stream.indirect_vreg.gather [hbm4b:s4+s2], $0x80, v19, vm0, $0xb8;
	[tilespmem:$0x18200] =	vst v63  }
0x387: {  	v28 =	vperm.xlane v17, v15;
	s3 =	simm.s32 $0xEF80;
	v19 =	vadd.s32 v3, v27  }
0x388: {  	[tilespmem:s3], [sflag:$0x2] =	stream.indirect_vreg.gather [hbm4b:s4+s2], $0x80, v25, vm0, $0xb8;
	[tilespmem:$0x18200] =	vst v63  }
0x389: {  	v17 =	vperm.xlane v17, v16;
	v29 =	vadd.s32 v3, v28;
	s11 =	simm.s32 $0xF000  }
0x38a: {  	[tilespmem:s11], [sflag:$0x2] =	stream.indirect_vreg.gather [hbm4b:s4+s2], $0x80, v18, vm0, $0xb8;
	[tilespmem:$0x18200] =	vst v63  }
0x38b: {  	v17 =	vadd.s32 v3, v17;
	s12 =	simm.s32 $0xF080  }
0x38c: {  	[tilespmem:s12], [sflag:$0x2] =	stream.indirect_vreg.gather [hbm4b:s4+s2], $0x80, v19, vm0, $0xb8;
	[tilespmem:$0x18200] =	vst v63  }
0x38d: {  	s3 =	simm.s32 $0xF100  }
0x38e: {  	[tilespmem:s3], [sflag:$0x2] =	stream.indirect_vreg.gather [hbm4b:s4+s2], $0x80, v29, vm0, $0xb8;
	[tilespmem:$0x18200] =	vst v63  }
0x38f: {  	s11 =	simm.s32 $0xF180  }
0x390: {  	[tilespmem:s11], [sflag:$0x2] =	stream.indirect_vreg.gather [hbm4b:s4+s2], $0x80, v17, vm0, $0xb8;
	[tilespmem:$0x18200] =	vst v63  }
0x391: {  	v17 =	vld [tilespmem:$0xE0];
	_ =	sdelay $0x4  }
0x392: {  	v18 =	vshrl.u32 v17, $0x3  }
0x393: {  	v18 =	vmul.u32 $0x18, v18  }
0x394: {  	v17 =	vand.u32 $0x7, v17  }
0x395: {  	v17 =	vor.u32 v17, v18  }
0x396: {  	v18 =	vperm.xlane v17, v2;
	_ =	sdelay $0x1  }
0x397: {  	v19 =	vperm.xlane v17, v4;
	v18 =	vadd.s32 v3, v18;
	_ =	sdelay $0x1  }
0x398: {  	v30 =	vperm.xlane v17, v5;
	v19 =	vadd.s32 v3, v19;
	_ =	sdelay $0x1  }
0x399: {  	s12 =	simm.s32 $0xF200;
	v31 =	vperm.xlane v17, v0;
	v20 =	vadd.s32 v3, v30  }
0x39a: {  	[tilespmem:s12], [sflag:$0x2] =	stream.indirect_vreg.gather [hbm4b:s4+s2], $0x80, v18, vm0, $0xb8;
	[tilespmem:$0x18200] =	vst v63  }
0x39b: {  	s3 =	simm.s32 $0xF280;
	v32 =	vperm.xlane v17, v6;
	v18 =	vadd.s32 v3, v31  }
0x39c: {  	[tilespmem:s3], [sflag:$0x2] =	stream.indirect_vreg.gather [hbm4b:s4+s2], $0x80, v19, vm0, $0xb8;
	[tilespmem:$0x18200] =	vst v63  }
0x39d: {  	s11 =	simm.s32 $0xF300;
	v33 =	vperm.xlane v17, v7;
	v19 =	vadd.s32 v3, v32  }
0x39e: {  	[tilespmem:s11], [sflag:$0x2] =	stream.indirect_vreg.gather [hbm4b:s4+s2], $0x80, v20, vm0, $0xb8;
	[tilespmem:$0x18200] =	vst v63  }
0x39f: {  	v35 =	vperm.xlane v17, v8;
	v34 =	vadd.s32 v3, v33;
	s12 =	simm.s32 $0xF380  }
0x3a0: {  	[tilespmem:s12], [sflag:$0x2] =	stream.indirect_vreg.gather [hbm4b:s4+s2], $0x80, v18, vm0, $0xb8;
	[tilespmem:$0x18200] =	vst v63  }
0x3a1: {  	v36 =	vperm.xlane v17, v1;
	s3 =	simm.s32 $0xF400;
	v18 =	vadd.s32 v3, v35  }
0x3a2: {  	[tilespmem:s3], [sflag:$0x2] =	stream.indirect_vreg.gather [hbm4b:s4+s2], $0x80, v19, vm0, $0xb8;
	[tilespmem:$0x18200] =	vst v63  }
0x3a3: {  	v37 =	vperm.xlane v17, v9;
	s11 =	simm.s32 $0xF480;
	v19 =	vadd.s32 v3, v36  }
0x3a4: {  	[tilespmem:s11], [sflag:$0x2] =	stream.indirect_vreg.gather [hbm4b:s4+s2], $0x80, v34, vm0, $0xb8;
	[tilespmem:$0x18200] =	vst v63  }
0x3a5: {  	v39 =	vperm.xlane v17, v10;
	v38 =	vadd.s32 v3, v37;
	s12 =	simm.s32 $0xF500  }
0x3a6: {  	[tilespmem:s12], [sflag:$0x2] =	stream.indirect_vreg.gather [hbm4b:s4+s2], $0x80, v18, vm0, $0xb8;
	[tilespmem:$0x18200] =	vst v63  }
0x3a7: {  	v40 =	vperm.xlane v17, v11;
	s3 =	simm.s32 $0xF580;
	v18 =	vadd.s32 v3, v39  }
0x3a8: {  	[tilespmem:s3], [sflag:$0x2] =	stream.indirect_vreg.gather [hbm4b:s4+s2], $0x80, v19, vm0, $0xb8;
	[tilespmem:$0x18200] =	vst v63  }
0x3a9: {  	v41 =	vperm.xlane v17, v12;
	s11 =	simm.s32 $0xF600;
	v19 =	vadd.s32 v3, v40  }
0x3aa: {  	[tilespmem:s11], [sflag:$0x2] =	stream.indirect_vreg.gather [hbm4b:s4+s2], $0x80, v38, vm0, $0xb8;
	[tilespmem:$0x18200] =	vst v63  }
0x3ab: {  	v43 =	vperm.xlane v17, v13;
	v42 =	vadd.s32 v3, v41;
	s12 =	simm.s32 $0xF680  }
0x3ac: {  	[tilespmem:s12], [sflag:$0x2] =	stream.indirect_vreg.gather [hbm4b:s4+s2], $0x80, v18, vm0, $0xb8;
	[tilespmem:$0x18200] =	vst v63  }
0x3ad: {  	v44 =	vperm.xlane v17, v14;
	s3 =	simm.s32 $0xF700;
	v18 =	vadd.s32 v3, v43  }
0x3ae: {  	[tilespmem:s3], [sflag:$0x2] =	stream.indirect_vreg.gather [hbm4b:s4+s2], $0x80, v19, vm0, $0xb8;
	[tilespmem:$0x18200] =	vst v63  }
0x3af: {  	v45 =	vperm.xlane v17, v15;
	s11 =	simm.s32 $0xF780;
	v19 =	vadd.s32 v3, v44  }
0x3b0: {  	[tilespmem:s11], [sflag:$0x2] =	stream.indirect_vreg.gather [hbm4b:s4+s2], $0x80, v42, vm0, $0xb8;
	[tilespmem:$0x18200] =	vst v63  }
0x3b1: {  	v17 =	vperm.xlane v17, v16;
	v46 =	vadd.s32 v3, v45;
	s12 =	simm.s32 $0xF800  }
0x3b2: {  	[tilespmem:s12], [sflag:$0x2] =	stream.indirect_vreg.gather [hbm4b:s4+s2], $0x80, v18, vm0, $0xb8;
	[tilespmem:$0x18200] =	vst v63  }
0x3b3: {  	v17 =	vadd.s32 v3, v17;
	s3 =	simm.s32 $0xF880  }
0x3b4: {  	[tilespmem:s3], [sflag:$0x2] =	stream.indirect_vreg.gather [hbm4b:s4+s2], $0x80, v19, vm0, $0xb8;
	[tilespmem:$0x18200] =	vst v63  }
0x3b5: {  	s11 =	simm.s32 $0xF900  }
0x3b6: {  	[tilespmem:s11], [sflag:$0x2] =	stream.indirect_vreg.gather [hbm4b:s4+s2], $0x80, v46, vm0, $0xb8;
	[tilespmem:$0x18200] =	vst v63  }
0x3b7: {  	s12 =	simm.s32 $0xF980  }
0x3b8: {  	[tilespmem:s12], [sflag:$0x2] =	stream.indirect_vreg.gather [hbm4b:s4+s2], $0x80, v17, vm0, $0xb8;
	[tilespmem:$0x18200] =	vst v63  }
0x3b9: {  	v17 =	vld [tilespmem:$0xF0];
	_ =	sdelay $0x4  }
0x3ba: {  	v18 =	vshrl.u32 v17, $0x3  }
0x3bb: {  	v18 =	vmul.u32 $0x18, v18  }
0x3bc: {  	v17 =	vand.u32 $0x7, v17  }
0x3bd: {  	v17 =	vor.u32 v17, v18  }
0x3be: {  	v18 =	vperm.xlane v17, v2;
	_ =	sdelay $0x1  }
0x3bf: {  	v19 =	vperm.xlane v17, v4;
	v18 =	vadd.s32 v3, v18;
	_ =	sdelay $0x1  }
0x3c0: {  	v47 =	vperm.xlane v17, v5;
	v19 =	vadd.s32 v3, v19;
	_ =	sdelay $0x1  }
0x3c1: {  	s3 =	simm.s32 $0xFA00;
	v48 =	vperm.xlane v17, v0;
	v20 =	vadd.s32 v3, v47  }
0x3c2: {  	[tilespmem:s3], [sflag:$0x2] =	stream.indirect_vreg.gather [hbm4b:s4+s2], $0x80, v18, vm0, $0xb8;
	[tilespmem:$0x18200] =	vst v63  }
0x3c3: {  	s11 =	simm.s32 $0xFA80;
	v49 =	vperm.xlane v17, v6;
	v18 =	vadd.s32 v3, v48  }
0x3c4: {  	[tilespmem:s11], [sflag:$0x2] =	stream.indirect_vreg.gather [hbm4b:s4+s2], $0x80, v19, vm0, $0xb8;
	[tilespmem:$0x18200] =	vst v63  }
0x3c5: {  	s12 =	simm.s32 $0xFB00;
	v50 =	vperm.xlane v17, v7;
	v19 =	vadd.s32 v3, v49  }
0x3c6: {  	[tilespmem:s12], [sflag:$0x2] =	stream.indirect_vreg.gather [hbm4b:s4+s2], $0x80, v20, vm0, $0xb8;
	[tilespmem:$0x18200] =	vst v63  }
0x3c7: {  	v52 =	vperm.xlane v17, v8;
	v51 =	vadd.s32 v3, v50;
	s3 =	simm.s32 $0xFB80  }
0x3c8: {  	[tilespmem:s3], [sflag:$0x2] =	stream.indirect_vreg.gather [hbm4b:s4+s2], $0x80, v18, vm0, $0xb8;
	[tilespmem:$0x18200] =	vst v63  }
0x3c9: {  	v53 =	vperm.xlane v17, v1;
	s11 =	simm.s32 $0xFC00;
	v18 =	vadd.s32 v3, v52  }
0x3ca: {  	[tilespmem:s11], [sflag:$0x2] =	stream.indirect_vreg.gather [hbm4b:s4+s2], $0x80, v19, vm0, $0xb8;
	[tilespmem:$0x18200] =	vst v63  }
0x3cb: {  	v54 =	vperm.xlane v17, v9;
	s12 =	simm.s32 $0xFC80;
	v19 =	vadd.s32 v3, v53  }
0x3cc: {  	[tilespmem:s12], [sflag:$0x2] =	stream.indirect_vreg.gather [hbm4b:s4+s2], $0x80, v51, vm0, $0xb8;
	[tilespmem:$0x18200] =	vst v63  }
0x3cd: {  	v56 =	vperm.xlane v17, v10;
	v55 =	vadd.s32 v3, v54;
	s3 =	simm.s32 $0xFD00  }
0x3ce: {  	[tilespmem:s3], [sflag:$0x2] =	stream.indirect_vreg.gather [hbm4b:s4+s2], $0x80, v18, vm0, $0xb8;
	[tilespmem:$0x18200] =	vst v63  }
0x3cf: {  	v57 =	vperm.xlane v17, v11;
	s11 =	simm.s32 $0xFD80;
	v18 =	vadd.s32 v3, v56  }
0x3d0: {  	[tilespmem:s11], [sflag:$0x2] =	stream.indirect_vreg.gather [hbm4b:s4+s2], $0x80, v19, vm0, $0xb8;
	[tilespmem:$0x18200] =	vst v63  }
0x3d1: {  	v58 =	vperm.xlane v17, v12;
	s12 =	simm.s32 $0xFE00;
	v19 =	vadd.s32 v3, v57  }
0x3d2: {  	[tilespmem:s12], [sflag:$0x2] =	stream.indirect_vreg.gather [hbm4b:s4+s2], $0x80, v55, vm0, $0xb8;
	[tilespmem:$0x18200] =	vst v63  }
0x3d3: {  	v60 =	vperm.xlane v17, v13;
	v59 =	vadd.s32 v3, v58;
	s3 =	simm.s32 $0xFE80  }
0x3d4: {  	[tilespmem:s3], [sflag:$0x2] =	stream.indirect_vreg.gather [hbm4b:s4+s2], $0x80, v18, vm0, $0xb8;
	[tilespmem:$0x18200] =	vst v63  }
0x3d5: {  	v61 =	vperm.xlane v17, v14;
	s11 =	simm.s32 $0xFF00;
	v18 =	vadd.s32 v3, v60  }
0x3d6: {  	[tilespmem:s11], [sflag:$0x2] =	stream.indirect_vreg.gather [hbm4b:s4+s2], $0x80, v19, vm0, $0xb8;
	[tilespmem:$0x18200] =	vst v63  }
0x3d7: {  	v62 =	vperm.xlane v17, v15;
	s12 =	simm.s32 $0xFF80;
	v19 =	vadd.s32 v3, v61  }
0x3d8: {  	[tilespmem:s12], [sflag:$0x2] =	stream.indirect_vreg.gather [hbm4b:s4+s2], $0x80, v59, vm0, $0xb8;
	[tilespmem:$0x18200] =	vst v63  }
0x3d9: {  	v17 =	vperm.xlane v17, v16;
	v63 =	vadd.s32 v3, v62;
	s3 =	simm.s32 $0x10000  }
0x3da: {  	[tilespmem:s3], [sflag:$0x2] =	stream.indirect_vreg.gather [hbm4b:s4+s2], $0x80, v18, vm0, $0xb8;
	[tilespmem:$0x18200] =	vst v63  }
0x3db: {  	v17 =	vadd.s32 v3, v17;
	s11 =	simm.s32 $0x10080  }
0x3dc: {  	[tilespmem:s11], [sflag:$0x2] =	stream.indirect_vreg.gather [hbm4b:s4+s2], $0x80, v19, vm0, $0xb8;
	[tilespmem:$0x18200] =	vst v63  }
0x3dd: {  	s12 =	simm.s32 $0x10100  }
0x3de: {  	[tilespmem:s12], [sflag:$0x2] =	stream.indirect_vreg.gather [hbm4b:s4+s2], $0x80, v63, vm0, $0xb8;
	[tilespmem:$0x18200] =	vst v63  }
0x3df: {  	s3 =	simm.s32 $0x10180  }
0x3e0: {  	[tilespmem:s3], [sflag:$0x2] =	stream.indirect_vreg.gather [hbm4b:s4+s2], $0x80, v17, vm0, $0xb8;
	[tilespmem:$0x18200] =	vst v63  }
0x3e1: {  	v17 =	vld [tilespmem:$0x80];
	_ =	sdelay $0x4  }
0x3e2: {  	v18 =	vshrl.u32 v17, $0x3  }
0x3e3: {  	v18 =	vmul.u32 $0x18, v18  }
0x3e4: {  	v17 =	vand.u32 $0x7, v17  }
0x3e5: {  	v17 =	vor.u32 v17, v18  }
0x3e6: {  	v18 =	vperm.xlane v17, v2;
	_ =	sdelay $0x1  }
0x3e7: {  	v19 =	vperm.xlane v17, v4;
	v18 =	vadd.s32 v3, v18;
	_ =	sdelay $0x1  }
0x3e8: {  	v24 =	vperm.xlane v17, v5;
	v19 =	vadd.s32 v3, v19;
	_ =	sdelay $0x1  }
0x3e9: {  	s0 =	simm.s32 $0x10200;
	v25 =	vperm.xlane v17, v0;
	v20 =	vadd.s32 v3, v24  }
0x3ea: {  	[tilespmem:s0], [sflag:$0x2] =	stream.indirect_vreg.gather [hbm4b:s6+s2], $0x80, v18, vm0, $0xb8;
	[tilespmem:$0x18200] =	vst v63  }
0x3eb: {  	s11 =	simm.s32 $0x10280;
	v26 =	vperm.xlane v17, v6;
	v18 =	vadd.s32 v3, v25  }
0x3ec: {  	[tilespmem:s11], [sflag:$0x2] =	stream.indirect_vreg.gather [hbm4b:s6+s2], $0x80, v19, vm0, $0xb8;
	[tilespmem:$0x18200] =	vst v63  }
0x3ed: {  	s12 =	simm.s32 $0x10300;
	v27 =	vperm.xlane v17, v7;
	v19 =	vadd.s32 v3, v26  }
0x3ee: {  	[tilespmem:s12], [sflag:$0x2] =	stream.indirect_vreg.gather [hbm4b:s6+s2], $0x80, v20, vm0, $0xb8;
	[tilespmem:$0x18200] =	vst v63  }
0x3ef: {  	v29 =	vperm.xlane v17, v8;
	v28 =	vadd.s32 v3, v27;
	s11 =	simm.s32 $0x10380  }
0x3f0: {  	[tilespmem:s11], [sflag:$0x2] =	stream.indirect_vreg.gather [hbm4b:s6+s2], $0x80, v18, vm0, $0xb8;
	[tilespmem:$0x18200] =	vst v63  }
0x3f1: {  	v30 =	vperm.xlane v17, v1;
	s12 =	simm.s32 $0x10400;
	v18 =	vadd.s32 v3, v29  }
0x3f2: {  	[tilespmem:s12], [sflag:$0x2] =	stream.indirect_vreg.gather [hbm4b:s6+s2], $0x80, v19, vm0, $0xb8;
	[tilespmem:$0x18200] =	vst v63  }
0x3f3: {  	v31 =	vperm.xlane v17, v9;
	s11 =	simm.s32 $0x10480;
	v19 =	vadd.s32 v3, v30  }
0x3f4: {  	[tilespmem:s11], [sflag:$0x2] =	stream.indirect_vreg.gather [hbm4b:s6+s2], $0x80, v28, vm0, $0xb8;
	[tilespmem:$0x18200] =	vst v63  }
0x3f5: {  	v33 =	vperm.xlane v17, v10;
	v32 =	vadd.s32 v3, v31;
	s12 =	simm.s32 $0x10500  }
0x3f6: {  	[tilespmem:s12], [sflag:$0x2] =	stream.indirect_vreg.gather [hbm4b:s6+s2], $0x80, v18, vm0, $0xb8;
	[tilespmem:$0x18200] =	vst v63  }
0x3f7: {  	v34 =	vperm.xlane v17, v11;
	s11 =	simm.s32 $0x10580;
	v18 =	vadd.s32 v3, v33  }
0x3f8: {  	[tilespmem:s11], [sflag:$0x2] =	stream.indirect_vreg.gather [hbm4b:s6+s2], $0x80, v19, vm0, $0xb8;
	[tilespmem:$0x18200] =	vst v63  }
0x3f9: {  	v35 =	vperm.xlane v17, v12;
	s12 =	simm.s32 $0x10600;
	v19 =	vadd.s32 v3, v34  }
0x3fa: {  	[tilespmem:s12], [sflag:$0x2] =	stream.indirect_vreg.gather [hbm4b:s6+s2], $0x80, v32, vm0, $0xb8;
	[tilespmem:$0x18200] =	vst v63  }
0x3fb: {  	v37 =	vperm.xlane v17, v13;
	v36 =	vadd.s32 v3, v35;
	s11 =	simm.s32 $0x10680  }
0x3fc: {  	[tilespmem:s11], [sflag:$0x2] =	stream.indirect_vreg.gather [hbm4b:s6+s2], $0x80, v18, vm0, $0xb8;
	[tilespmem:$0x18200] =	vst v63  }
0x3fd: {  	v38 =	vperm.xlane v17, v14;
	s12 =	simm.s32 $0x10700;
	v18 =	vadd.s32 v3, v37  }
0x3fe: {  	[tilespmem:s12], [sflag:$0x2] =	stream.indirect_vreg.gather [hbm4b:s6+s2], $0x80, v19, vm0, $0xb8;
	[tilespmem:$0x18200] =	vst v63  }
0x3ff: {  	v39 =	vperm.xlane v17, v15;
	s11 =	simm.s32 $0x10780;
	v19 =	vadd.s32 v3, v38  }
0x400: {  	[tilespmem:s11], [sflag:$0x2] =	stream.indirect_vreg.gather [hbm4b:s6+s2], $0x80, v36, vm0, $0xb8;
	[tilespmem:$0x18200] =	vst v63  }
0x401: {  	v17 =	vperm.xlane v17, v16;
	v40 =	vadd.s32 v3, v39;
	s12 =	simm.s32 $0x10800  }
0x402: {  	[tilespmem:s12], [sflag:$0x2] =	stream.indirect_vreg.gather [hbm4b:s6+s2], $0x80, v18, vm0, $0xb8;
	[tilespmem:$0x18200] =	vst v63  }
0x403: {  	v17 =	vadd.s32 v3, v17;
	s11 =	simm.s32 $0x10880  }
0x404: {  	[tilespmem:s11], [sflag:$0x2] =	stream.indirect_vreg.gather [hbm4b:s6+s2], $0x80, v19, vm0, $0xb8;
	[tilespmem:$0x18200] =	vst v63  }
0x405: {  	s12 =	simm.s32 $0x10900  }
0x406: {  	[tilespmem:s12], [sflag:$0x2] =	stream.indirect_vreg.gather [hbm4b:s6+s2], $0x80, v40, vm0, $0xb8;
	[tilespmem:$0x18200] =	vst v63  }
0x407: {  	s11 =	simm.s32 $0x10980  }
0x408: {  	[tilespmem:s11], [sflag:$0x2] =	stream.indirect_vreg.gather [hbm4b:s6+s2], $0x80, v17, vm0, $0xb8;
	[tilespmem:$0x18200] =	vst v63  }
0x409: {  	v17 =	vld [tilespmem:$0x90];
	_ =	sdelay $0x4  }
0x40a: {  	v18 =	vshrl.u32 v17, $0x3  }
0x40b: {  	v18 =	vmul.u32 $0x18, v18  }
0x40c: {  	v17 =	vand.u32 $0x7, v17  }
0x40d: {  	v17 =	vor.u32 v17, v18  }
0x40e: {  	v18 =	vperm.xlane v17, v2;
	_ =	sdelay $0x1  }
0x40f: {  	v19 =	vperm.xlane v17, v4;
	v18 =	vadd.s32 v3, v18;
	_ =	sdelay $0x1  }
0x410: {  	v41 =	vperm.xlane v17, v5;
	v19 =	vadd.s32 v3, v19;
	_ =	sdelay $0x1  }
0x411: {  	s12 =	simm.s32 $0x10A00;
	v42 =	vperm.xlane v17, v0;
	v20 =	vadd.s32 v3, v41  }
0x412: {  	[tilespmem:s12], [sflag:$0x2] =	stream.indirect_vreg.gather [hbm4b:s6+s2], $0x80, v18, vm0, $0xb8;
	[tilespmem:$0x18200] =	vst v63  }
0x413: {  	s11 =	simm.s32 $0x10A80;
	v43 =	vperm.xlane v17, v6;
	v18 =	vadd.s32 v3, v42  }
0x414: {  	[tilespmem:s11], [sflag:$0x2] =	stream.indirect_vreg.gather [hbm4b:s6+s2], $0x80, v19, vm0, $0xb8;
	[tilespmem:$0x18200] =	vst v63  }
0x415: {  	v44 =	vperm.xlane v17, v7;
	s12 =	simm.s32 $0x10B00;
	v19 =	vadd.s32 v3, v43  }
0x416: {  	[tilespmem:s12], [sflag:$0x2] =	stream.indirect_vreg.gather [hbm4b:s6+s2], $0x80, v20, vm0, $0xb8;
	[tilespmem:$0x18200] =	vst v63  }
0x417: {  	v46 =	vperm.xlane v17, v8;
	v45 =	vadd.s32 v3, v44;
	s11 =	simm.s32 $0x10B80  }
0x418: {  	[tilespmem:s11], [sflag:$0x2] =	stream.indirect_vreg.gather [hbm4b:s6+s2], $0x80, v18, vm0, $0xb8;
	[tilespmem:$0x18200] =	vst v63  }
0x419: {  	v47 =	vperm.xlane v17, v1;
	s12 =	simm.s32 $0x10C00;
	v18 =	vadd.s32 v3, v46  }
0x41a: {  	[tilespmem:s12], [sflag:$0x2] =	stream.indirect_vreg.gather [hbm4b:s6+s2], $0x80, v19, vm0, $0xb8;
	[tilespmem:$0x18200] =	vst v63  }
0x41b: {  	v48 =	vperm.xlane v17, v9;
	s11 =	simm.s32 $0x10C80;
	v19 =	vadd.s32 v3, v47  }
0x41c: {  	[tilespmem:s11], [sflag:$0x2] =	stream.indirect_vreg.gather [hbm4b:s6+s2], $0x80, v45, vm0, $0xb8;
	[tilespmem:$0x18200] =	vst v63  }
0x41d: {  	v50 =	vperm.xlane v17, v10;
	v49 =	vadd.s32 v3, v48;
	s12 =	simm.s32 $0x10D00  }
0x41e: {  	[tilespmem:s12], [sflag:$0x2] =	stream.indirect_vreg.gather [hbm4b:s6+s2], $0x80, v18, vm0, $0xb8;
	[tilespmem:$0x18200] =	vst v63  }
0x41f: {  	v51 =	vperm.xlane v17, v11;
	s11 =	simm.s32 $0x10D80;
	v18 =	vadd.s32 v3, v50  }
0x420: {  	[tilespmem:s11], [sflag:$0x2] =	stream.indirect_vreg.gather [hbm4b:s6+s2], $0x80, v19, vm0, $0xb8;
	[tilespmem:$0x18200] =	vst v63  }
0x421: {  	v52 =	vperm.xlane v17, v12;
	s12 =	simm.s32 $0x10E00;
	v19 =	vadd.s32 v3, v51  }
0x422: {  	[tilespmem:s12], [sflag:$0x2] =	stream.indirect_vreg.gather [hbm4b:s6+s2], $0x80, v49, vm0, $0xb8;
	[tilespmem:$0x18200] =	vst v63  }
0x423: {  	v54 =	vperm.xlane v17, v13;
	v53 =	vadd.s32 v3, v52;
	s11 =	simm.s32 $0x10E80  }
0x424: {  	[tilespmem:s11], [sflag:$0x2] =	stream.indirect_vreg.gather [hbm4b:s6+s2], $0x80, v18, vm0, $0xb8;
	[tilespmem:$0x18200] =	vst v63  }
0x425: {  	v55 =	vperm.xlane v17, v14;
	s12 =	simm.s32 $0x10F00;
	v18 =	vadd.s32 v3, v54  }
0x426: {  	[tilespmem:s12], [sflag:$0x2] =	stream.indirect_vreg.gather [hbm4b:s6+s2], $0x80, v19, vm0, $0xb8;
	[tilespmem:$0x18200] =	vst v63  }
0x427: {  	v56 =	vperm.xlane v17, v15;
	s11 =	simm.s32 $0x10F80;
	v19 =	vadd.s32 v3, v55  }
0x428: {  	[tilespmem:s11], [sflag:$0x2] =	stream.indirect_vreg.gather [hbm4b:s6+s2], $0x80, v53, vm0, $0xb8;
	[tilespmem:$0x18200] =	vst v63  }
0x429: {  	v17 =	vperm.xlane v17, v16;
	v57 =	vadd.s32 v3, v56;
	s12 =	simm.s32 $0x11000  }
0x42a: {  	[tilespmem:s12], [sflag:$0x2] =	stream.indirect_vreg.gather [hbm4b:s6+s2], $0x80, v18, vm0, $0xb8;
	[tilespmem:$0x18200] =	vst v63  }
0x42b: {  	v17 =	vadd.s32 v3, v17;
	s11 =	simm.s32 $0x11080  }
0x42c: {  	[tilespmem:s11], [sflag:$0x2] =	stream.indirect_vreg.gather [hbm4b:s6+s2], $0x80, v19, vm0, $0xb8;
	[tilespmem:$0x18200] =	vst v63  }
0x42d: {  	s12 =	simm.s32 $0x11100  }
0x42e: {  	[tilespmem:s12], [sflag:$0x2] =	stream.indirect_vreg.gather [hbm4b:s6+s2], $0x80, v57, vm0, $0xb8;
	[tilespmem:$0x18200] =	vst v63  }
0x42f: {  	s11 =	simm.s32 $0x11180  }
0x430: {  	[tilespmem:s11], [sflag:$0x2] =	stream.indirect_vreg.gather [hbm4b:s6+s2], $0x80, v17, vm0, $0xb8;
	[tilespmem:$0x18200] =	vst v63  }
0x431: {  	v17 =	vld [tilespmem:$0xA0];
	_ =	sdelay $0x4  }
0x432: {  	v18 =	vshrl.u32 v17, $0x3  }
0x433: {  	v18 =	vmul.u32 $0x18, v18  }
0x434: {  	v17 =	vand.u32 $0x7, v17  }
0x435: {  	v17 =	vor.u32 v17, v18  }
0x436: {  	v18 =	vperm.xlane v17, v2;
	_ =	sdelay $0x1  }
0x437: {  	v19 =	vperm.xlane v17, v4;
	v18 =	vadd.s32 v3, v18;
	_ =	sdelay $0x1  }
0x438: {  	v58 =	vperm.xlane v17, v5;
	v19 =	vadd.s32 v3, v19;
	_ =	sdelay $0x1  }
0x439: {  	s12 =	simm.s32 $0x11200;
	v59 =	vperm.xlane v17, v0;
	v20 =	vadd.s32 v3, v58  }
0x43a: {  	[tilespmem:s12], [sflag:$0x2] =	stream.indirect_vreg.gather [hbm4b:s6+s2], $0x80, v18, vm0, $0xb8;
	[tilespmem:$0x18200] =	vst v63  }
0x43b: {  	s11 =	simm.s32 $0x11280;
	v60 =	vperm.xlane v17, v6;
	v18 =	vadd.s32 v3, v59  }
0x43c: {  	[tilespmem:s11], [sflag:$0x2] =	stream.indirect_vreg.gather [hbm4b:s6+s2], $0x80, v19, vm0, $0xb8;
	[tilespmem:$0x18200] =	vst v63  }
0x43d: {  	v61 =	vperm.xlane v17, v7;
	s12 =	simm.s32 $0x11300;
	v19 =	vadd.s32 v3, v60  }
0x43e: {  	[tilespmem:s12], [sflag:$0x2] =	stream.indirect_vreg.gather [hbm4b:s6+s2], $0x80, v20, vm0, $0xb8;
	[tilespmem:$0x18200] =	vst v63  }
0x43f: {  	v63 =	vperm.xlane v17, v8;
	v62 =	vadd.s32 v3, v61;
	s11 =	simm.s32 $0x11380  }
0x440: {  	[tilespmem:s11], [sflag:$0x2] =	stream.indirect_vreg.gather [hbm4b:s6+s2], $0x80, v18, vm0, $0xb8;
	[tilespmem:$0x18200] =	vst v63  }
0x441: {  	v24 =	vperm.xlane v17, v1;
	s12 =	simm.s32 $0x11400;
	v18 =	vadd.s32 v3, v63  }
0x442: {  	[tilespmem:s12], [sflag:$0x2] =	stream.indirect_vreg.gather [hbm4b:s6+s2], $0x80, v19, vm0, $0xb8;
	[tilespmem:$0x18200] =	vst v63  }
0x443: {  	v25 =	vperm.xlane v17, v9;
	s11 =	simm.s32 $0x11480;
	v19 =	vadd.s32 v3, v24  }
0x444: {  	[tilespmem:s11], [sflag:$0x2] =	stream.indirect_vreg.gather [hbm4b:s6+s2], $0x80, v62, vm0, $0xb8;
	[tilespmem:$0x18200] =	vst v63  }
0x445: {  	v27 =	vperm.xlane v17, v10;
	v26 =	vadd.s32 v3, v25;
	s12 =	simm.s32 $0x11500  }
0x446: {  	[tilespmem:s12], [sflag:$0x2] =	stream.indirect_vreg.gather [hbm4b:s6+s2], $0x80, v18, vm0, $0xb8;
	[tilespmem:$0x18200] =	vst v63  }
0x447: {  	v28 =	vperm.xlane v17, v11;
	s11 =	simm.s32 $0x11580;
	v18 =	vadd.s32 v3, v27  }
0x448: {  	[tilespmem:s11], [sflag:$0x2] =	stream.indirect_vreg.gather [hbm4b:s6+s2], $0x80, v19, vm0, $0xb8;
	[tilespmem:$0x18200] =	vst v63  }
0x449: {  	v29 =	vperm.xlane v17, v12;
	s12 =	simm.s32 $0x11600;
	v19 =	vadd.s32 v3, v28  }
0x44a: {  	[tilespmem:s12], [sflag:$0x2] =	stream.indirect_vreg.gather [hbm4b:s6+s2], $0x80, v26, vm0, $0xb8;
	[tilespmem:$0x18200] =	vst v63  }
0x44b: {  	v31 =	vperm.xlane v17, v13;
	v30 =	vadd.s32 v3, v29;
	s11 =	simm.s32 $0x11680  }
0x44c: {  	[tilespmem:s11], [sflag:$0x2] =	stream.indirect_vreg.gather [hbm4b:s6+s2], $0x80, v18, vm0, $0xb8;
	[tilespmem:$0x18200] =	vst v63  }
0x44d: {  	v32 =	vperm.xlane v17, v14;
	s12 =	simm.s32 $0x11700;
	v18 =	vadd.s32 v3, v31  }
0x44e: {  	[tilespmem:s12], [sflag:$0x2] =	stream.indirect_vreg.gather [hbm4b:s6+s2], $0x80, v19, vm0, $0xb8;
	[tilespmem:$0x18200] =	vst v63  }
0x44f: {  	v33 =	vperm.xlane v17, v15;
	s11 =	simm.s32 $0x11780;
	v19 =	vadd.s32 v3, v32  }
0x450: {  	[tilespmem:s11], [sflag:$0x2] =	stream.indirect_vreg.gather [hbm4b:s6+s2], $0x80, v30, vm0, $0xb8;
	[tilespmem:$0x18200] =	vst v63  }
0x451: {  	v17 =	vperm.xlane v17, v16;
	v34 =	vadd.s32 v3, v33;
	s12 =	simm.s32 $0x11800  }
0x452: {  	[tilespmem:s12], [sflag:$0x2] =	stream.indirect_vreg.gather [hbm4b:s6+s2], $0x80, v18, vm0, $0xb8;
	[tilespmem:$0x18200] =	vst v63  }
0x453: {  	v17 =	vadd.s32 v3, v17;
	s11 =	simm.s32 $0x11880  }
0x454: {  	[tilespmem:s11], [sflag:$0x2] =	stream.indirect_vreg.gather [hbm4b:s6+s2], $0x80, v19, vm0, $0xb8;
	[tilespmem:$0x18200] =	vst v63  }
0x455: {  	s12 =	simm.s32 $0x11900  }
0x456: {  	[tilespmem:s12], [sflag:$0x2] =	stream.indirect_vreg.gather [hbm4b:s6+s2], $0x80, v34, vm0, $0xb8;
	[tilespmem:$0x18200] =	vst v63  }
0x457: {  	s11 =	simm.s32 $0x11980  }
0x458: {  	[tilespmem:s11], [sflag:$0x2] =	stream.indirect_vreg.gather [hbm4b:s6+s2], $0x80, v17, vm0, $0xb8;
	[tilespmem:$0x18200] =	vst v63  }
0x459: {  	v17 =	vld [tilespmem:$0xB0];
	_ =	sdelay $0x4  }
0x45a: {  	v18 =	vshrl.u32 v17, $0x3  }
0x45b: {  	v18 =	vmul.u32 $0x18, v18  }
0x45c: {  	v17 =	vand.u32 $0x7, v17  }
0x45d: {  	v17 =	vor.u32 v17, v18  }
0x45e: {  	v18 =	vperm.xlane v17, v2;
	_ =	sdelay $0x1  }
0x45f: {  	v19 =	vperm.xlane v17, v4;
	v18 =	vadd.s32 v3, v18;
	_ =	sdelay $0x1  }
0x460: {  	v35 =	vperm.xlane v17, v5;
	v19 =	vadd.s32 v3, v19;
	_ =	sdelay $0x1  }
0x461: {  	s12 =	simm.s32 $0x11A00;
	v36 =	vperm.xlane v17, v0;
	v20 =	vadd.s32 v3, v35  }
0x462: {  	[tilespmem:s12], [sflag:$0x2] =	stream.indirect_vreg.gather [hbm4b:s6+s2], $0x80, v18, vm0, $0xb8;
	[tilespmem:$0x18200] =	vst v63  }
0x463: {  	s11 =	simm.s32 $0x11A80;
	v37 =	vperm.xlane v17, v6;
	v18 =	vadd.s32 v3, v36  }
0x464: {  	[tilespmem:s11], [sflag:$0x2] =	stream.indirect_vreg.gather [hbm4b:s6+s2], $0x80, v19, vm0, $0xb8;
	[tilespmem:$0x18200] =	vst v63  }
0x465: {  	v38 =	vperm.xlane v17, v7;
	s12 =	simm.s32 $0x11B00;
	v19 =	vadd.s32 v3, v37  }
0x466: {  	[tilespmem:s12], [sflag:$0x2] =	stream.indirect_vreg.gather [hbm4b:s6+s2], $0x80, v20, vm0, $0xb8;
	[tilespmem:$0x18200] =	vst v63  }
0x467: {  	v40 =	vperm.xlane v17, v8;
	v39 =	vadd.s32 v3, v38;
	s11 =	simm.s32 $0x11B80  }
0x468: {  	[tilespmem:s11], [sflag:$0x2] =	stream.indirect_vreg.gather [hbm4b:s6+s2], $0x80, v18, vm0, $0xb8;
	[tilespmem:$0x18200] =	vst v63  }
0x469: {  	v41 =	vperm.xlane v17, v1;
	s12 =	simm.s32 $0x11C00;
	v18 =	vadd.s32 v3, v40  }
0x46a: {  	[tilespmem:s12], [sflag:$0x2] =	stream.indirect_vreg.gather [hbm4b:s6+s2], $0x80, v19, vm0, $0xb8;
	[tilespmem:$0x18200] =	vst v63  }
0x46b: {  	v42 =	vperm.xlane v17, v9;
	s11 =	simm.s32 $0x11C80;
	v19 =	vadd.s32 v3, v41  }
0x46c: {  	[tilespmem:s11], [sflag:$0x2] =	stream.indirect_vreg.gather [hbm4b:s6+s2], $0x80, v39, vm0, $0xb8;
	[tilespmem:$0x18200] =	vst v63  }
0x46d: {  	v44 =	vperm.xlane v17, v10;
	v43 =	vadd.s32 v3, v42;
	s12 =	simm.s32 $0x11D00  }
0x46e: {  	[tilespmem:s12], [sflag:$0x2] =	stream.indirect_vreg.gather [hbm4b:s6+s2], $0x80, v18, vm0, $0xb8;
	[tilespmem:$0x18200] =	vst v63  }
0x46f: {  	v45 =	vperm.xlane v17, v11;
	s11 =	simm.s32 $0x11D80;
	v18 =	vadd.s32 v3, v44  }
0x470: {  	[tilespmem:s11], [sflag:$0x2] =	stream.indirect_vreg.gather [hbm4b:s6+s2], $0x80, v19, vm0, $0xb8;
	[tilespmem:$0x18200] =	vst v63  }
0x471: {  	v46 =	vperm.xlane v17, v12;
	s12 =	simm.s32 $0x11E00;
	v19 =	vadd.s32 v3, v45  }
0x472: {  	[tilespmem:s12], [sflag:$0x2] =	stream.indirect_vreg.gather [hbm4b:s6+s2], $0x80, v43, vm0, $0xb8;
	[tilespmem:$0x18200] =	vst v63  }
0x473: {  	v48 =	vperm.xlane v17, v13;
	v47 =	vadd.s32 v3, v46;
	s11 =	simm.s32 $0x11E80  }
0x474: {  	[tilespmem:s11], [sflag:$0x2] =	stream.indirect_vreg.gather [hbm4b:s6+s2], $0x80, v18, vm0, $0xb8;
	[tilespmem:$0x18200] =	vst v63  }
0x475: {  	v49 =	vperm.xlane v17, v14;
	s12 =	simm.s32 $0x11F00;
	v18 =	vadd.s32 v3, v48  }
0x476: {  	[tilespmem:s12], [sflag:$0x2] =	stream.indirect_vreg.gather [hbm4b:s6+s2], $0x80, v19, vm0, $0xb8;
	[tilespmem:$0x18200] =	vst v63  }
0x477: {  	v50 =	vperm.xlane v17, v15;
	s11 =	simm.s32 $0x11F80;
	v19 =	vadd.s32 v3, v49  }
0x478: {  	[tilespmem:s11], [sflag:$0x2] =	stream.indirect_vreg.gather [hbm4b:s6+s2], $0x80, v47, vm0, $0xb8;
	[tilespmem:$0x18200] =	vst v63  }
0x479: {  	v17 =	vperm.xlane v17, v16;
	v51 =	vadd.s32 v3, v50;
	s12 =	simm.s32 $0x12000  }
0x47a: {  	[tilespmem:s12], [sflag:$0x2] =	stream.indirect_vreg.gather [hbm4b:s6+s2], $0x80, v18, vm0, $0xb8;
	[tilespmem:$0x18200] =	vst v63  }
0x47b: {  	v17 =	vadd.s32 v3, v17;
	s11 =	simm.s32 $0x12080  }
0x47c: {  	[tilespmem:s11], [sflag:$0x2] =	stream.indirect_vreg.gather [hbm4b:s6+s2], $0x80, v19, vm0, $0xb8;
	[tilespmem:$0x18200] =	vst v63  }
0x47d: {  	s12 =	simm.s32 $0x12100  }
0x47e: {  	[tilespmem:s12], [sflag:$0x2] =	stream.indirect_vreg.gather [hbm4b:s6+s2], $0x80, v51, vm0, $0xb8;
	[tilespmem:$0x18200] =	vst v63  }
0x47f: {  	s11 =	simm.s32 $0x12180  }
0x480: {  	[tilespmem:s11], [sflag:$0x2] =	stream.indirect_vreg.gather [hbm4b:s6+s2], $0x80, v17, vm0, $0xb8;
	[tilespmem:$0x18200] =	vst v63  }
0x481: {  	v17 =	vld [tilespmem:$0xC0];
	_ =	sdelay $0x4  }
0x482: {  	v18 =	vshrl.u32 v17, $0x3  }
0x483: {  	v18 =	vmul.u32 $0x18, v18  }
0x484: {  	v17 =	vand.u32 $0x7, v17  }
0x485: {  	v17 =	vor.u32 v17, v18  }
0x486: {  	v18 =	vperm.xlane v17, v2;
	_ =	sdelay $0x1  }
0x487: {  	v19 =	vperm.xlane v17, v4;
	v18 =	vadd.s32 v3, v18;
	_ =	sdelay $0x1  }
0x488: {  	v52 =	vperm.xlane v17, v5;
	v19 =	vadd.s32 v3, v19;
	_ =	sdelay $0x1  }
0x489: {  	s12 =	simm.s32 $0x12200;
	v53 =	vperm.xlane v17, v0;
	v20 =	vadd.s32 v3, v52  }
0x48a: {  	[tilespmem:s12], [sflag:$0x2] =	stream.indirect_vreg.gather [hbm4b:s6+s2], $0x80, v18, vm0, $0xb8;
	[tilespmem:$0x18200] =	vst v63  }
0x48b: {  	s11 =	simm.s32 $0x12280;
	v54 =	vperm.xlane v17, v6;
	v18 =	vadd.s32 v3, v53  }
0x48c: {  	[tilespmem:s11], [sflag:$0x2] =	stream.indirect_vreg.gather [hbm4b:s6+s2], $0x80, v19, vm0, $0xb8;
	[tilespmem:$0x18200] =	vst v63  }
0x48d: {  	v55 =	vperm.xlane v17, v7;
	s12 =	simm.s32 $0x12300;
	v19 =	vadd.s32 v3, v54  }
0x48e: {  	[tilespmem:s12], [sflag:$0x2] =	stream.indirect_vreg.gather [hbm4b:s6+s2], $0x80, v20, vm0, $0xb8;
	[tilespmem:$0x18200] =	vst v63  }
0x48f: {  	v57 =	vperm.xlane v17, v8;
	v56 =	vadd.s32 v3, v55;
	s11 =	simm.s32 $0x12380  }
0x490: {  	[tilespmem:s11], [sflag:$0x2] =	stream.indirect_vreg.gather [hbm4b:s6+s2], $0x80, v18, vm0, $0xb8;
	[tilespmem:$0x18200] =	vst v63  }
0x491: {  	v58 =	vperm.xlane v17, v1;
	s12 =	simm.s32 $0x12400;
	v18 =	vadd.s32 v3, v57  }
0x492: {  	[tilespmem:s12], [sflag:$0x2] =	stream.indirect_vreg.gather [hbm4b:s6+s2], $0x80, v19, vm0, $0xb8;
	[tilespmem:$0x18200] =	vst v63  }
0x493: {  	v59 =	vperm.xlane v17, v9;
	s11 =	simm.s32 $0x12480;
	v19 =	vadd.s32 v3, v58  }
0x494: {  	[tilespmem:s11], [sflag:$0x2] =	stream.indirect_vreg.gather [hbm4b:s6+s2], $0x80, v56, vm0, $0xb8;
	[tilespmem:$0x18200] =	vst v63  }
0x495: {  	v61 =	vperm.xlane v17, v10;
	v60 =	vadd.s32 v3, v59;
	s12 =	simm.s32 $0x12500  }
0x496: {  	[tilespmem:s12], [sflag:$0x2] =	stream.indirect_vreg.gather [hbm4b:s6+s2], $0x80, v18, vm0, $0xb8;
	[tilespmem:$0x18200] =	vst v63  }
0x497: {  	v62 =	vperm.xlane v17, v11;
	s11 =	simm.s32 $0x12580;
	v18 =	vadd.s32 v3, v61  }
0x498: {  	[tilespmem:s11], [sflag:$0x2] =	stream.indirect_vreg.gather [hbm4b:s6+s2], $0x80, v19, vm0, $0xb8;
	[tilespmem:$0x18200] =	vst v63  }
0x499: {  	v63 =	vperm.xlane v17, v12;
	s12 =	simm.s32 $0x12600;
	v19 =	vadd.s32 v3, v62  }
0x49a: {  	[tilespmem:s12], [sflag:$0x2] =	stream.indirect_vreg.gather [hbm4b:s6+s2], $0x80, v60, vm0, $0xb8;
	[tilespmem:$0x18200] =	vst v63  }
0x49b: {  	v25 =	vperm.xlane v17, v13;
	v24 =	vadd.s32 v3, v63;
	s11 =	simm.s32 $0x12680  }
0x49c: {  	[tilespmem:s11], [sflag:$0x2] =	stream.indirect_vreg.gather [hbm4b:s6+s2], $0x80, v18, vm0, $0xb8;
	[tilespmem:$0x18200] =	vst v63  }
0x49d: {  	v26 =	vperm.xlane v17, v14;
	s12 =	simm.s32 $0x12700;
	v18 =	vadd.s32 v3, v25  }
0x49e: {  	[tilespmem:s12], [sflag:$0x2] =	stream.indirect_vreg.gather [hbm4b:s6+s2], $0x80, v19, vm0, $0xb8;
	[tilespmem:$0x18200] =	vst v63  }
0x49f: {  	v27 =	vperm.xlane v17, v15;
	s11 =	simm.s32 $0x12780;
	v19 =	vadd.s32 v3, v26  }
0x4a0: {  	[tilespmem:s11], [sflag:$0x2] =	stream.indirect_vreg.gather [hbm4b:s6+s2], $0x80, v24, vm0, $0xb8;
	[tilespmem:$0x18200] =	vst v63  }
0x4a1: {  	v17 =	vperm.xlane v17, v16;
	v28 =	vadd.s32 v3, v27;
	s12 =	simm.s32 $0x12800  }
0x4a2: {  	[tilespmem:s12], [sflag:$0x2] =	stream.indirect_vreg.gather [hbm4b:s6+s2], $0x80, v18, vm0, $0xb8;
	[tilespmem:$0x18200] =	vst v63  }
0x4a3: {  	v17 =	vadd.s32 v3, v17;
	s11 =	simm.s32 $0x12880  }
0x4a4: {  	[tilespmem:s11], [sflag:$0x2] =	stream.indirect_vreg.gather [hbm4b:s6+s2], $0x80, v19, vm0, $0xb8;
	[tilespmem:$0x18200] =	vst v63  }
0x4a5: {  	s12 =	simm.s32 $0x12900  }
0x4a6: {  	[tilespmem:s12], [sflag:$0x2] =	stream.indirect_vreg.gather [hbm4b:s6+s2], $0x80, v28, vm0, $0xb8;
	[tilespmem:$0x18200] =	vst v63  }
0x4a7: {  	s11 =	simm.s32 $0x12980  }
0x4a8: {  	[tilespmem:s11], [sflag:$0x2] =	stream.indirect_vreg.gather [hbm4b:s6+s2], $0x80, v17, vm0, $0xb8;
	[tilespmem:$0x18200] =	vst v63  }
0x4a9: {  	v17 =	vld [tilespmem:$0xD0];
	_ =	sdelay $0x4  }
0x4aa: {  	v18 =	vshrl.u32 v17, $0x3  }
0x4ab: {  	v18 =	vmul.u32 $0x18, v18  }
0x4ac: {  	v17 =	vand.u32 $0x7, v17  }
0x4ad: {  	v17 =	vor.u32 v17, v18  }
0x4ae: {  	v18 =	vperm.xlane v17, v2;
	_ =	sdelay $0x1  }
0x4af: {  	v19 =	vperm.xlane v17, v4;
	v18 =	vadd.s32 v3, v18;
	_ =	sdelay $0x1  }
0x4b0: {  	v29 =	vperm.xlane v17, v5;
	v19 =	vadd.s32 v3, v19;
	_ =	sdelay $0x1  }
0x4b1: {  	s12 =	simm.s32 $0x12A00;
	v30 =	vperm.xlane v17, v0;
	v20 =	vadd.s32 v3, v29  }
0x4b2: {  	[tilespmem:s12], [sflag:$0x2] =	stream.indirect_vreg.gather [hbm4b:s6+s2], $0x80, v18, vm0, $0xb8;
	[tilespmem:$0x18200] =	vst v63  }
0x4b3: {  	s11 =	simm.s32 $0x12A80;
	v31 =	vperm.xlane v17, v6;
	v18 =	vadd.s32 v3, v30  }
0x4b4: {  	[tilespmem:s11], [sflag:$0x2] =	stream.indirect_vreg.gather [hbm4b:s6+s2], $0x80, v19, vm0, $0xb8;
	[tilespmem:$0x18200] =	vst v63  }
0x4b5: {  	v32 =	vperm.xlane v17, v7;
	s12 =	simm.s32 $0x12B00;
	v19 =	vadd.s32 v3, v31  }
0x4b6: {  	[tilespmem:s12], [sflag:$0x2] =	stream.indirect_vreg.gather [hbm4b:s6+s2], $0x80, v20, vm0, $0xb8;
	[tilespmem:$0x18200] =	vst v63  }
0x4b7: {  	v34 =	vperm.xlane v17, v8;
	v33 =	vadd.s32 v3, v32;
	s11 =	simm.s32 $0x12B80  }
0x4b8: {  	[tilespmem:s11], [sflag:$0x2] =	stream.indirect_vreg.gather [hbm4b:s6+s2], $0x80, v18, vm0, $0xb8;
	[tilespmem:$0x18200] =	vst v63  }
0x4b9: {  	v35 =	vperm.xlane v17, v1;
	s12 =	simm.s32 $0x12C00;
	v18 =	vadd.s32 v3, v34  }
0x4ba: {  	[tilespmem:s12], [sflag:$0x2] =	stream.indirect_vreg.gather [hbm4b:s6+s2], $0x80, v19, vm0, $0xb8;
	[tilespmem:$0x18200] =	vst v63  }
0x4bb: {  	v36 =	vperm.xlane v17, v9;
	s11 =	simm.s32 $0x12C80;
	v19 =	vadd.s32 v3, v35  }
0x4bc: {  	[tilespmem:s11], [sflag:$0x2] =	stream.indirect_vreg.gather [hbm4b:s6+s2], $0x80, v33, vm0, $0xb8;
	[tilespmem:$0x18200] =	vst v63  }
0x4bd: {  	v38 =	vperm.xlane v17, v10;
	v37 =	vadd.s32 v3, v36;
	s12 =	simm.s32 $0x12D00  }
0x4be: {  	[tilespmem:s12], [sflag:$0x2] =	stream.indirect_vreg.gather [hbm4b:s6+s2], $0x80, v18, vm0, $0xb8;
	[tilespmem:$0x18200] =	vst v63  }
0x4bf: {  	v39 =	vperm.xlane v17, v11;
	s11 =	simm.s32 $0x12D80;
	v18 =	vadd.s32 v3, v38  }
0x4c0: {  	[tilespmem:s11], [sflag:$0x2] =	stream.indirect_vreg.gather [hbm4b:s6+s2], $0x80, v19, vm0, $0xb8;
	[tilespmem:$0x18200] =	vst v63  }
0x4c1: {  	v40 =	vperm.xlane v17, v12;
	s12 =	simm.s32 $0x12E00;
	v19 =	vadd.s32 v3, v39  }
0x4c2: {  	[tilespmem:s12], [sflag:$0x2] =	stream.indirect_vreg.gather [hbm4b:s6+s2], $0x80, v37, vm0, $0xb8;
	[tilespmem:$0x18200] =	vst v63  }
0x4c3: {  	v42 =	vperm.xlane v17, v13;
	v41 =	vadd.s32 v3, v40;
	s11 =	simm.s32 $0x12E80  }
0x4c4: {  	[tilespmem:s11], [sflag:$0x2] =	stream.indirect_vreg.gather [hbm4b:s6+s2], $0x80, v18, vm0, $0xb8;
	[tilespmem:$0x18200] =	vst v63  }
0x4c5: {  	v43 =	vperm.xlane v17, v14;
	s12 =	simm.s32 $0x12F00;
	v18 =	vadd.s32 v3, v42  }
0x4c6: {  	[tilespmem:s12], [sflag:$0x2] =	stream.indirect_vreg.gather [hbm4b:s6+s2], $0x80, v19, vm0, $0xb8;
	[tilespmem:$0x18200] =	vst v63  }
0x4c7: {  	v44 =	vperm.xlane v17, v15;
	s11 =	simm.s32 $0x12F80;
	v19 =	vadd.s32 v3, v43  }
0x4c8: {  	[tilespmem:s11], [sflag:$0x2] =	stream.indirect_vreg.gather [hbm4b:s6+s2], $0x80, v41, vm0, $0xb8;
	[tilespmem:$0x18200] =	vst v63  }
0x4c9: {  	v17 =	vperm.xlane v17, v16;
	v45 =	vadd.s32 v3, v44;
	s12 =	simm.s32 $0x13000  }
0x4ca: {  	[tilespmem:s12], [sflag:$0x2] =	stream.indirect_vreg.gather [hbm4b:s6+s2], $0x80, v18, vm0, $0xb8;
	[tilespmem:$0x18200] =	vst v63  }
0x4cb: {  	v17 =	vadd.s32 v3, v17;
	s11 =	simm.s32 $0x13080  }
0x4cc: {  	[tilespmem:s11], [sflag:$0x2] =	stream.indirect_vreg.gather [hbm4b:s6+s2], $0x80, v19, vm0, $0xb8;
	[tilespmem:$0x18200] =	vst v63  }
0x4cd: {  	s12 =	simm.s32 $0x13100  }
0x4ce: {  	[tilespmem:s12], [sflag:$0x2] =	stream.indirect_vreg.gather [hbm4b:s6+s2], $0x80, v45, vm0, $0xb8;
	[tilespmem:$0x18200] =	vst v63  }
0x4cf: {  	s11 =	simm.s32 $0x13180  }
0x4d0: {  	[tilespmem:s11], [sflag:$0x2] =	stream.indirect_vreg.gather [hbm4b:s6+s2], $0x80, v17, vm0, $0xb8;
	[tilespmem:$0x18200] =	vst v63  }
0x4d1: {  	v17 =	vld [tilespmem:$0xE0];
	_ =	sdelay $0x4  }
0x4d2: {  	v18 =	vshrl.u32 v17, $0x3  }
0x4d3: {  	v18 =	vmul.u32 $0x18, v18  }
0x4d4: {  	v17 =	vand.u32 $0x7, v17  }
0x4d5: {  	v17 =	vor.u32 v17, v18  }
0x4d6: {  	v18 =	vperm.xlane v17, v2;
	_ =	sdelay $0x1  }
0x4d7: {  	v19 =	vperm.xlane v17, v4;
	v18 =	vadd.s32 v3, v18;
	_ =	sdelay $0x1  }
0x4d8: {  	v46 =	vperm.xlane v17, v5;
	v19 =	vadd.s32 v3, v19;
	_ =	sdelay $0x1  }
0x4d9: {  	s12 =	simm.s32 $0x13200;
	v47 =	vperm.xlane v17, v0;
	v20 =	vadd.s32 v3, v46  }
0x4da: {  	[tilespmem:s12], [sflag:$0x2] =	stream.indirect_vreg.gather [hbm4b:s6+s2], $0x80, v18, vm0, $0xb8;
	[tilespmem:$0x18200] =	vst v63  }
0x4db: {  	s11 =	simm.s32 $0x13280;
	v48 =	vperm.xlane v17, v6;
	v18 =	vadd.s32 v3, v47  }
0x4dc: {  	[tilespmem:s11], [sflag:$0x2] =	stream.indirect_vreg.gather [hbm4b:s6+s2], $0x80, v19, vm0, $0xb8;
	[tilespmem:$0x18200] =	vst v63  }
0x4dd: {  	v49 =	vperm.xlane v17, v7;
	s12 =	simm.s32 $0x13300;
	v19 =	vadd.s32 v3, v48  }
0x4de: {  	[tilespmem:s12], [sflag:$0x2] =	stream.indirect_vreg.gather [hbm4b:s6+s2], $0x80, v20, vm0, $0xb8;
	[tilespmem:$0x18200] =	vst v63  }
0x4df: {  	v51 =	vperm.xlane v17, v8;
	v50 =	vadd.s32 v3, v49;
	s11 =	simm.s32 $0x13380  }
0x4e0: {  	[tilespmem:s11], [sflag:$0x2] =	stream.indirect_vreg.gather [hbm4b:s6+s2], $0x80, v18, vm0, $0xb8;
	[tilespmem:$0x18200] =	vst v63  }
0x4e1: {  	v52 =	vperm.xlane v17, v1;
	s12 =	simm.s32 $0x13400;
	v18 =	vadd.s32 v3, v51  }
0x4e2: {  	[tilespmem:s12], [sflag:$0x2] =	stream.indirect_vreg.gather [hbm4b:s6+s2], $0x80, v19, vm0, $0xb8;
	[tilespmem:$0x18200] =	vst v63  }
0x4e3: {  	v53 =	vperm.xlane v17, v9;
	s11 =	simm.s32 $0x13480;
	v19 =	vadd.s32 v3, v52  }
0x4e4: {  	[tilespmem:s11], [sflag:$0x2] =	stream.indirect_vreg.gather [hbm4b:s6+s2], $0x80, v50, vm0, $0xb8;
	[tilespmem:$0x18200] =	vst v63  }
0x4e5: {  	v55 =	vperm.xlane v17, v10;
	v54 =	vadd.s32 v3, v53;
	s12 =	simm.s32 $0x13500  }
0x4e6: {  	[tilespmem:s12], [sflag:$0x2] =	stream.indirect_vreg.gather [hbm4b:s6+s2], $0x80, v18, vm0, $0xb8;
	[tilespmem:$0x18200] =	vst v63  }
0x4e7: {  	v56 =	vperm.xlane v17, v11;
	s11 =	simm.s32 $0x13580;
	v18 =	vadd.s32 v3, v55  }
0x4e8: {  	[tilespmem:s11], [sflag:$0x2] =	stream.indirect_vreg.gather [hbm4b:s6+s2], $0x80, v19, vm0, $0xb8;
	[tilespmem:$0x18200] =	vst v63  }
0x4e9: {  	v57 =	vperm.xlane v17, v12;
	s12 =	simm.s32 $0x13600;
	v19 =	vadd.s32 v3, v56  }
0x4ea: {  	[tilespmem:s12], [sflag:$0x2] =	stream.indirect_vreg.gather [hbm4b:s6+s2], $0x80, v54, vm0, $0xb8;
	[tilespmem:$0x18200] =	vst v63  }
0x4eb: {  	v59 =	vperm.xlane v17, v13;
	v58 =	vadd.s32 v3, v57;
	s11 =	simm.s32 $0x13680  }
0x4ec: {  	[tilespmem:s11], [sflag:$0x2] =	stream.indirect_vreg.gather [hbm4b:s6+s2], $0x80, v18, vm0, $0xb8;
	[tilespmem:$0x18200] =	vst v63  }
0x4ed: {  	v60 =	vperm.xlane v17, v14;
	s12 =	simm.s32 $0x13700;
	v18 =	vadd.s32 v3, v59  }
0x4ee: {  	[tilespmem:s12], [sflag:$0x2] =	stream.indirect_vreg.gather [hbm4b:s6+s2], $0x80, v19, vm0, $0xb8;
	[tilespmem:$0x18200] =	vst v63  }
0x4ef: {  	v61 =	vperm.xlane v17, v15;
	s11 =	simm.s32 $0x13780;
	v19 =	vadd.s32 v3, v60  }
0x4f0: {  	[tilespmem:s11], [sflag:$0x2] =	stream.indirect_vreg.gather [hbm4b:s6+s2], $0x80, v58, vm0, $0xb8;
	[tilespmem:$0x18200] =	vst v63  }
0x4f1: {  	v17 =	vperm.xlane v17, v16;
	v62 =	vadd.s32 v3, v61;
	s12 =	simm.s32 $0x13800  }
0x4f2: {  	[tilespmem:s12], [sflag:$0x2] =	stream.indirect_vreg.gather [hbm4b:s6+s2], $0x80, v18, vm0, $0xb8;
	[tilespmem:$0x18200] =	vst v63  }
0x4f3: {  	v17 =	vadd.s32 v3, v17;
	s11 =	simm.s32 $0x13880  }
0x4f4: {  	[tilespmem:s11], [sflag:$0x2] =	stream.indirect_vreg.gather [hbm4b:s6+s2], $0x80, v19, vm0, $0xb8;
	[tilespmem:$0x18200] =	vst v63  }
0x4f5: {  	s12 =	simm.s32 $0x13900  }
0x4f6: {  	[tilespmem:s12], [sflag:$0x2] =	stream.indirect_vreg.gather [hbm4b:s6+s2], $0x80, v62, vm0, $0xb8;
	[tilespmem:$0x18200] =	vst v63  }
0x4f7: {  	s11 =	simm.s32 $0x13980  }
0x4f8: {  	[tilespmem:s11], [sflag:$0x2] =	stream.indirect_vreg.gather [hbm4b:s6+s2], $0x80, v17, vm0, $0xb8;
	[tilespmem:$0x18200] =	vst v63  }
0x4f9: {  	v17 =	vld [tilespmem:$0xF0];
	_ =	sdelay $0x4  }
0x4fa: {  	v18 =	vshrl.u32 v17, $0x3  }
0x4fb: {  	v18 =	vmul.u32 $0x18, v18  }
0x4fc: {  	v17 =	vand.u32 $0x7, v17  }
0x4fd: {  	v17 =	vor.u32 v17, v18  }
0x4fe: {  	v18 =	vperm.xlane v17, v2;
	_ =	sdelay $0x1  }
0x4ff: {  	v19 =	vperm.xlane v17, v4;
	v18 =	vadd.s32 v3, v18;
	_ =	sdelay $0x1  }
0x500: {  	v63 =	vperm.xlane v17, v5;
	v19 =	vadd.s32 v3, v19;
	_ =	sdelay $0x1  }
0x501: {  	s12 =	simm.s32 $0x13A00;
	v24 =	vperm.xlane v17, v0;
	v20 =	vadd.s32 v3, v63  }
0x502: {  	[tilespmem:s12], [sflag:$0x2] =	stream.indirect_vreg.gather [hbm4b:s6+s2], $0x80, v18, vm0, $0xb8;
	[tilespmem:$0x18200] =	vst v63  }
0x503: {  	s11 =	simm.s32 $0x13A80;
	v25 =	vperm.xlane v17, v6;
	v18 =	vadd.s32 v3, v24  }
0x504: {  	[tilespmem:s11], [sflag:$0x2] =	stream.indirect_vreg.gather [hbm4b:s6+s2], $0x80, v19, vm0, $0xb8;
	[tilespmem:$0x18200] =	vst v63  }
0x505: {  	v26 =	vperm.xlane v17, v7;
	s12 =	simm.s32 $0x13B00;
	v19 =	vadd.s32 v3, v25  }
0x506: {  	[tilespmem:s12], [sflag:$0x2] =	stream.indirect_vreg.gather [hbm4b:s6+s2], $0x80, v20, vm0, $0xb8;
	[tilespmem:$0x18200] =	vst v63  }
0x507: {  	v28 =	vperm.xlane v17, v8;
	v27 =	vadd.s32 v3, v26;
	s11 =	simm.s32 $0x13B80  }
0x508: {  	[tilespmem:s11], [sflag:$0x2] =	stream.indirect_vreg.gather [hbm4b:s6+s2], $0x80, v18, vm0, $0xb8;
	[tilespmem:$0x18200] =	vst v63  }
0x509: {  	v29 =	vperm.xlane v17, v1;
	s12 =	simm.s32 $0x13C00;
	v18 =	vadd.s32 v3, v28  }
0x50a: {  	[tilespmem:s12], [sflag:$0x2] =	stream.indirect_vreg.gather [hbm4b:s6+s2], $0x80, v19, vm0, $0xb8;
	[tilespmem:$0x18200] =	vst v63  }
0x50b: {  	v30 =	vperm.xlane v17, v9;
	s11 =	simm.s32 $0x13C80;
	v19 =	vadd.s32 v3, v29  }
0x50c: {  	[tilespmem:s11], [sflag:$0x2] =	stream.indirect_vreg.gather [hbm4b:s6+s2], $0x80, v27, vm0, $0xb8;
	[tilespmem:$0x18200] =	vst v63  }
0x50d: {  	v32 =	vperm.xlane v17, v10;
	v31 =	vadd.s32 v3, v30;
	s12 =	simm.s32 $0x13D00  }
0x50e: {  	[tilespmem:s12], [sflag:$0x2] =	stream.indirect_vreg.gather [hbm4b:s6+s2], $0x80, v18, vm0, $0xb8;
	[tilespmem:$0x18200] =	vst v63  }
0x50f: {  	v33 =	vperm.xlane v17, v11;
	s11 =	simm.s32 $0x13D80;
	v18 =	vadd.s32 v3, v32  }
0x510: {  	[tilespmem:s11], [sflag:$0x2] =	stream.indirect_vreg.gather [hbm4b:s6+s2], $0x80, v19, vm0, $0xb8;
	[tilespmem:$0x18200] =	vst v63  }
0x511: {  	v34 =	vperm.xlane v17, v12;
	s12 =	simm.s32 $0x13E00;
	v19 =	vadd.s32 v3, v33  }
0x512: {  	[tilespmem:s12], [sflag:$0x2] =	stream.indirect_vreg.gather [hbm4b:s6+s2], $0x80, v31, vm0, $0xb8;
	[tilespmem:$0x18200] =	vst v63  }
0x513: {  	v36 =	vperm.xlane v17, v13;
	v35 =	vadd.s32 v3, v34;
	s11 =	simm.s32 $0x13E80  }
0x514: {  	[tilespmem:s11], [sflag:$0x2] =	stream.indirect_vreg.gather [hbm4b:s6+s2], $0x80, v18, vm0, $0xb8;
	[tilespmem:$0x18200] =	vst v63  }
0x515: {  	v37 =	vperm.xlane v17, v14;
	s12 =	simm.s32 $0x13F00;
	v18 =	vadd.s32 v3, v36  }
0x516: {  	[tilespmem:s12], [sflag:$0x2] =	stream.indirect_vreg.gather [hbm4b:s6+s2], $0x80, v19, vm0, $0xb8;
	[tilespmem:$0x18200] =	vst v63  }
0x517: {  	v38 =	vperm.xlane v17, v15;
	s11 =	simm.s32 $0x13F80;
	v19 =	vadd.s32 v3, v37  }
0x518: {  	[tilespmem:s11], [sflag:$0x2] =	stream.indirect_vreg.gather [hbm4b:s6+s2], $0x80, v35, vm0, $0xb8;
	[tilespmem:$0x18200] =	vst v63  }
0x519: {  	v17 =	vperm.xlane v17, v16;
	v39 =	vadd.s32 v3, v38;
	s12 =	simm.s32 $0x14000  }
0x51a: {  	[tilespmem:s12], [sflag:$0x2] =	stream.indirect_vreg.gather [hbm4b:s6+s2], $0x80, v18, vm0, $0xb8;
	[tilespmem:$0x18200] =	vst v63  }
0x51b: {  	v17 =	vadd.s32 v3, v17;
	s11 =	simm.s32 $0x14080  }
0x51c: {  	[tilespmem:s11], [sflag:$0x2] =	stream.indirect_vreg.gather [hbm4b:s6+s2], $0x80, v19, vm0, $0xb8;
	[tilespmem:$0x18200] =	vst v63  }
0x51d: {  	s12 =	simm.s32 $0x14100  }
0x51e: {  	[tilespmem:s12], [sflag:$0x2] =	stream.indirect_vreg.gather [hbm4b:s6+s2], $0x80, v39, vm0, $0xb8;
	[tilespmem:$0x18200] =	vst v63  }
0x51f: {  	s11 =	simm.s32 $0x14180  }
0x520: {  	[tilespmem:s11], [sflag:$0x2] =	stream.indirect_vreg.gather [hbm4b:s6+s2], $0x80, v17, vm0, $0xb8;
	[tilespmem:$0x18200] =	vst v63  }
0x521: {  	_ = 	snop  }
0x522: {  	[tilespmem:s5], [sflag:$0x2] =	stream.indirect.gather [hbm4b:s14+s1], $0x80, s1, s1, $0xb8;
	[tilespmem:$0x18200] =	vst v63  }
0x523: {  	_ =	swait.ge [sflag:s15], $0x4000  }
0x524: {  	[sflag:s15] =	ssyncset.done $0x0  }
0x525: {  	[sflag:s15] =	ssyncadd.s32 $0xFFFFC000  }
0x526: {  	_ =	swait.ge [sflag:s15], $0x4000  }
0x527: {  	[sflag:s15] =	ssyncset.done $0x0  }
0x528: {  	[sflag:s15] =	ssyncadd.s32 $0xFFFFC000  }
0x529: {  	_ =	swait.ge [sflag:s15], $0x4000  }
0x52a: {  	[sflag:s15] =	ssyncset.done $0x0  }
0x52b: {  	s11 =	simm.s32 $0x200;
	s12 =	rddreg [dreg:$0x11];
	[sflag:s15] =	ssyncadd.s32 $0xFFFFC000  }
0x52c: {  	[hbm4b:s12+s13] =	stream.strided.scatter [tilespmem:s11], [sflag:$0x3], $0x4000, s30, s13, $0x38;
	[tilespmem:$0x18200] =	vst v63  }
0x52d: {  	_ =	swait.ge [sflag:s8], $0x4000  }
0x52e: {  	[sflag:s8] =	ssyncset.done $0x0  }
0x52f: {  	s12 =	simm.s32 $0x4200;
	s3 =	rddreg [dreg:$0x4];
	[sflag:s8] =	ssyncadd.s32 $0xFFFFC000  }
0x530: {  	[hbm4b:s3+s13] =	stream.strided.scatter [tilespmem:s12], [sflag:$0x3], $0x4000, s30, s13, $0x38;
	[tilespmem:$0x18200] =	vst v63  }
0x531: {  	_ =	swait.ge [sflag:s8], $0x4000  }
0x532: {  	[sflag:s8] =	ssyncset.done $0x0  }
0x533: {  	s3 =	rddreg [dreg:$0x5];
	[sflag:s8] =	ssyncadd.s32 $0xFFFFC000  }
0x534: {  	[hbm4b:s3+s13] =	stream.strided.scatter [tilespmem:s9], [sflag:$0x3], $0x4000, s30, s13, $0x38;
	[tilespmem:$0x18200] =	vst v63  }
0x535: {  	_ =	swait.ge [sflag:s8], $0x4000  }
0x536: {  	[sflag:s8] =	ssyncset.done $0x0  }
0x537: {  	[sflag:s8] =	ssyncadd.s32 $0xFFFFC000  }
0x538: {  	v17 =	vld [tilespmem:$0x100];
	_ =	sdelay $0x4  }
0x539: {  	v18 =	vshrl.u32 v17, $0x3  }
0x53a: {  	v18 =	vmul.u32 $0x18, v18  }
0x53b: {  	v17 =	vand.u32 $0x7, v17  }
0x53c: {  	v17 =	vor.u32 v17, v18  }
0x53d: {  	v18 =	vperm.xlane v17, v2;
	_ =	sdelay $0x1  }
0x53e: {  	v19 =	vperm.xlane v17, v4;
	v18 =	vadd.s32 v3, v18;
	_ =	sdelay $0x1  }
0x53f: {  	v40 =	vperm.xlane v17, v5;
	v19 =	vadd.s32 v3, v19;
	_ =	sdelay $0x1  }
0x540: {  	v41 =	vperm.xlane v17, v0;
	v20 =	vadd.s32 v3, v40  }
0x541: {  	[tilespmem:s11], [sflag:$0x1] =	stream.indirect_vreg.gather [hbm4b:s4+s2], $0x80, v18, vm0, $0xb8;
	[tilespmem:$0x18200] =	vst v63  }
0x542: {  	v42 =	vperm.xlane v17, v6;
	v18 =	vadd.s32 v3, v41  }
0x543: {  	[tilespmem:s17], [sflag:$0x1] =	stream.indirect_vreg.gather [hbm4b:s4+s2], $0x80, v19, vm0, $0xb8;
	[tilespmem:$0x18200] =	vst v63  }
0x544: {  	v43 =	vperm.xlane v17, v7;
	v19 =	vadd.s32 v3, v42  }
0x545: {  	[tilespmem:s18], [sflag:$0x1] =	stream.indirect_vreg.gather [hbm4b:s4+s2], $0x80, v20, vm0, $0xb8;
	[tilespmem:$0x18200] =	vst v63  }
0x546: {  	v45 =	vperm.xlane v17, v8;
	v44 =	vadd.s32 v3, v43  }
0x547: {  	[tilespmem:s19], [sflag:$0x1] =	stream.indirect_vreg.gather [hbm4b:s4+s2], $0x80, v18, vm0, $0xb8;
	[tilespmem:$0x18200] =	vst v63  }
0x548: {  	v46 =	vperm.xlane v17, v1;
	v18 =	vadd.s32 v3, v45  }
0x549: {  	[tilespmem:s13], [sflag:$0x1] =	stream.indirect_vreg.gather [hbm4b:s4+s2], $0x80, v19, vm0, $0xb8;
	[tilespmem:$0x18200] =	vst v63  }
0x54a: {  	v47 =	vperm.xlane v17, v9;
	v19 =	vadd.s32 v3, v46  }
0x54b: {  	[tilespmem:s20], [sflag:$0x1] =	stream.indirect_vreg.gather [hbm4b:s4+s2], $0x80, v44, vm0, $0xb8;
	[tilespmem:$0x18200] =	vst v63  }
0x54c: {  	v49 =	vperm.xlane v17, v10;
	v48 =	vadd.s32 v3, v47  }
0x54d: {  	[tilespmem:s24], [sflag:$0x1] =	stream.indirect_vreg.gather [hbm4b:s4+s2], $0x80, v18, vm0, $0xb8;
	[tilespmem:$0x18200] =	vst v63  }
0x54e: {  	v50 =	vperm.xlane v17, v11;
	v18 =	vadd.s32 v3, v49  }
0x54f: {  	[tilespmem:s26], [sflag:$0x1] =	stream.indirect_vreg.gather [hbm4b:s4+s2], $0x80, v19, vm0, $0xb8;
	[tilespmem:$0x18200] =	vst v63  }
0x550: {  	v51 =	vperm.xlane v17, v12;
	v19 =	vadd.s32 v3, v50  }
0x551: {  	[tilespmem:s28], [sflag:$0x1] =	stream.indirect_vreg.gather [hbm4b:s4+s2], $0x80, v48, vm0, $0xb8;
	[tilespmem:$0x18200] =	vst v63  }
0x552: {  	v53 =	vperm.xlane v17, v13;
	v52 =	vadd.s32 v3, v51  }
0x553: {  	[tilespmem:s29], [sflag:$0x1] =	stream.indirect_vreg.gather [hbm4b:s4+s2], $0x80, v18, vm0, $0xb8;
	[tilespmem:$0x18200] =	vst v63  }
0x554: {  	v54 =	vperm.xlane v17, v14;
	v18 =	vadd.s32 v3, v53  }
0x555: {  	[tilespmem:s31], [sflag:$0x1] =	stream.indirect_vreg.gather [hbm4b:s4+s2], $0x80, v19, vm0, $0xb8;
	[tilespmem:$0x18200] =	vst v63  }
0x556: {  	v55 =	vperm.xlane v17, v15;
	s11 =	simm.s32 $0x780;
	v19 =	vadd.s32 v3, v54  }
0x557: {  	[tilespmem:s11], [sflag:$0x1] =	stream.indirect_vreg.gather [hbm4b:s4+s2], $0x80, v52, vm0, $0xb8;
	[tilespmem:$0x18200] =	vst v63  }
0x558: {  	v17 =	vperm.xlane v17, v16;
	v56 =	vadd.s32 v3, v55;
	s11 =	simm.s32 $0x800  }
0x559: {  	[tilespmem:s11], [sflag:$0x1] =	stream.indirect_vreg.gather [hbm4b:s4+s2], $0x80, v18, vm0, $0xb8;
	[tilespmem:$0x18200] =	vst v63  }
0x55a: {  	v17 =	vadd.s32 v3, v17;
	s11 =	simm.s32 $0x880  }
0x55b: {  	[tilespmem:s11], [sflag:$0x1] =	stream.indirect_vreg.gather [hbm4b:s4+s2], $0x80, v19, vm0, $0xb8;
	[tilespmem:$0x18200] =	vst v63  }
0x55c: {  	s11 =	simm.s32 $0x900  }
0x55d: {  	[tilespmem:s11], [sflag:$0x1] =	stream.indirect_vreg.gather [hbm4b:s4+s2], $0x80, v56, vm0, $0xb8;
	[tilespmem:$0x18200] =	vst v63  }
0x55e: {  	s11 =	simm.s32 $0x980  }
0x55f: {  	[tilespmem:s11], [sflag:$0x1] =	stream.indirect_vreg.gather [hbm4b:s4+s2], $0x80, v17, vm0, $0xb8;
	[tilespmem:$0x18200] =	vst v63  }
0x560: {  	v17 =	vld [tilespmem:$0x110];
	_ =	sdelay $0x4  }
0x561: {  	v18 =	vshrl.u32 v17, $0x3  }
0x562: {  	v18 =	vmul.u32 $0x18, v18  }
0x563: {  	v17 =	vand.u32 $0x7, v17  }
0x564: {  	v17 =	vor.u32 v17, v18  }
0x565: {  	v18 =	vperm.xlane v17, v2;
	_ =	sdelay $0x1  }
0x566: {  	v19 =	vperm.xlane v17, v4;
	v18 =	vadd.s32 v3, v18;
	_ =	sdelay $0x1  }
0x567: {  	v57 =	vperm.xlane v17, v5;
	v19 =	vadd.s32 v3, v19;
	_ =	sdelay $0x1  }
0x568: {  	v58 =	vperm.xlane v17, v0;
	v20 =	vadd.s32 v3, v57  }
0x569: {  	[tilespmem:s21], [sflag:$0x1] =	stream.indirect_vreg.gather [hbm4b:s4+s2], $0x80, v18, vm0, $0xb8;
	[tilespmem:$0x18200] =	vst v63  }
0x56a: {  	v59 =	vperm.xlane v17, v6;
	v18 =	vadd.s32 v3, v58  }
0x56b: {  	[tilespmem:s22], [sflag:$0x1] =	stream.indirect_vreg.gather [hbm4b:s4+s2], $0x80, v19, vm0, $0xb8;
	[tilespmem:$0x18200] =	vst v63  }
0x56c: {  	v60 =	vperm.xlane v17, v7;
	v19 =	vadd.s32 v3, v59  }
0x56d: {  	[tilespmem:s23], [sflag:$0x1] =	stream.indirect_vreg.gather [hbm4b:s4+s2], $0x80, v20, vm0, $0xb8;
	[tilespmem:$0x18200] =	vst v63  }
0x56e: {  	v62 =	vperm.xlane v17, v8;
	v61 =	vadd.s32 v3, v60  }
0x56f: {  	[tilespmem:s25], [sflag:$0x1] =	stream.indirect_vreg.gather [hbm4b:s4+s2], $0x80, v18, vm0, $0xb8;
	[tilespmem:$0x18200] =	vst v63  }
0x570: {  	v63 =	vperm.xlane v17, v1;
	v18 =	vadd.s32 v3, v62  }
0x571: {  	[tilespmem:s30], [sflag:$0x1] =	stream.indirect_vreg.gather [hbm4b:s4+s2], $0x80, v19, vm0, $0xb8;
	[tilespmem:$0x18200] =	vst v63  }
0x572: {  	s11 =	simm.s32 $0xC80;
	v24 =	vperm.xlane v17, v9;
	v19 =	vadd.s32 v3, v63  }
0x573: {  	[tilespmem:s11], [sflag:$0x1] =	stream.indirect_vreg.gather [hbm4b:s4+s2], $0x80, v61, vm0, $0xb8;
	[tilespmem:$0x18200] =	vst v63  }
0x574: {  	v26 =	vperm.xlane v17, v10;
	v25 =	vadd.s32 v3, v24;
	s11 =	simm.s32 $0xD00  }
0x575: {  	[tilespmem:s11], [sflag:$0x1] =	stream.indirect_vreg.gather [hbm4b:s4+s2], $0x80, v18, vm0, $0xb8;
	[tilespmem:$0x18200] =	vst v63  }
0x576: {  	v27 =	vperm.xlane v17, v11;
	v18 =	vadd.s32 v3, v26;
	s11 =	simm.s32 $0xD80  }
0x577: {  	[tilespmem:s11], [sflag:$0x1] =	stream.indirect_vreg.gather [hbm4b:s4+s2], $0x80, v19, vm0, $0xb8;
	[tilespmem:$0x18200] =	vst v63  }
0x578: {  	v28 =	vperm.xlane v17, v12;
	v19 =	vadd.s32 v3, v27;
	s11 =	simm.s32 $0xE00  }
0x579: {  	[tilespmem:s11], [sflag:$0x1] =	stream.indirect_vreg.gather [hbm4b:s4+s2], $0x80, v25, vm0, $0xb8;
	[tilespmem:$0x18200] =	vst v63  }
0x57a: {  	v30 =	vperm.xlane v17, v13;
	v29 =	vadd.s32 v3, v28;
	s11 =	simm.s32 $0xE80  }
0x57b: {  	[tilespmem:s11], [sflag:$0x1] =	stream.indirect_vreg.gather [hbm4b:s4+s2], $0x80, v18, vm0, $0xb8;
	[tilespmem:$0x18200] =	vst v63  }
0x57c: {  	v31 =	vperm.xlane v17, v14;
	v18 =	vadd.s32 v3, v30;
	s11 =	simm.s32 $0xF00  }
0x57d: {  	[tilespmem:s11], [sflag:$0x1] =	stream.indirect_vreg.gather [hbm4b:s4+s2], $0x80, v19, vm0, $0xb8;
	[tilespmem:$0x18200] =	vst v63  }
0x57e: {  	v32 =	vperm.xlane v17, v15;
	v19 =	vadd.s32 v3, v31;
	s11 =	simm.s32 $0xF80  }
0x57f: {  	[tilespmem:s11], [sflag:$0x1] =	stream.indirect_vreg.gather [hbm4b:s4+s2], $0x80, v29, vm0, $0xb8;
	[tilespmem:$0x18200] =	vst v63  }
0x580: {  	v17 =	vperm.xlane v17, v16;
	v33 =	vadd.s32 v3, v32;
	s11 =	simm.s32 $0x1000  }
0x581: {  	[tilespmem:s11], [sflag:$0x1] =	stream.indirect_vreg.gather [hbm4b:s4+s2], $0x80, v18, vm0, $0xb8;
	[tilespmem:$0x18200] =	vst v63  }
0x582: {  	v17 =	vadd.s32 v3, v17;
	s11 =	simm.s32 $0x1080  }
0x583: {  	[tilespmem:s11], [sflag:$0x1] =	stream.indirect_vreg.gather [hbm4b:s4+s2], $0x80, v19, vm0, $0xb8;
	[tilespmem:$0x18200] =	vst v63  }
0x584: {  	s11 =	simm.s32 $0x1100  }
0x585: {  	[tilespmem:s11], [sflag:$0x1] =	stream.indirect_vreg.gather [hbm4b:s4+s2], $0x80, v33, vm0, $0xb8;
	[tilespmem:$0x18200] =	vst v63  }
0x586: {  	s11 =	simm.s32 $0x1180  }
0x587: {  	[tilespmem:s11], [sflag:$0x1] =	stream.indirect_vreg.gather [hbm4b:s4+s2], $0x80, v17, vm0, $0xb8;
	[tilespmem:$0x18200] =	vst v63  }
0x588: {  	v17 =	vld [tilespmem:$0x120];
	_ =	sdelay $0x4  }
0x589: {  	v18 =	vshrl.u32 v17, $0x3  }
0x58a: {  	v18 =	vmul.u32 $0x18, v18  }
0x58b: {  	v17 =	vand.u32 $0x7, v17  }
0x58c: {  	v17 =	vor.u32 v17, v18  }
0x58d: {  	v18 =	vperm.xlane v17, v2;
	_ =	sdelay $0x1  }
0x58e: {  	v19 =	vperm.xlane v17, v4;
	v18 =	vadd.s32 v3, v18;
	_ =	sdelay $0x1  }
0x58f: {  	v34 =	vperm.xlane v17, v5;
	v19 =	vadd.s32 v3, v19;
	_ =	sdelay $0x1  }
0x590: {  	s11 =	simm.s32 $0x1200;
	v35 =	vperm.xlane v17, v0;
	v20 =	vadd.s32 v3, v34  }
0x591: {  	[tilespmem:s11], [sflag:$0x1] =	stream.indirect_vreg.gather [hbm4b:s4+s2], $0x80, v18, vm0, $0xb8;
	[tilespmem:$0x18200] =	vst v63  }
0x592: {  	v36 =	vperm.xlane v17, v6;
	v18 =	vadd.s32 v3, v35;
	s11 =	simm.s32 $0x1280  }
0x593: {  	[tilespmem:s11], [sflag:$0x1] =	stream.indirect_vreg.gather [hbm4b:s4+s2], $0x80, v19, vm0, $0xb8;
	[tilespmem:$0x18200] =	vst v63  }
0x594: {  	v37 =	vperm.xlane v17, v7;
	v19 =	vadd.s32 v3, v36;
	s11 =	simm.s32 $0x1300  }
0x595: {  	[tilespmem:s11], [sflag:$0x1] =	stream.indirect_vreg.gather [hbm4b:s4+s2], $0x80, v20, vm0, $0xb8;
	[tilespmem:$0x18200] =	vst v63  }
0x596: {  	v39 =	vperm.xlane v17, v8;
	v38 =	vadd.s32 v3, v37;
	s11 =	simm.s32 $0x1380  }
0x597: {  	[tilespmem:s11], [sflag:$0x1] =	stream.indirect_vreg.gather [hbm4b:s4+s2], $0x80, v18, vm0, $0xb8;
	[tilespmem:$0x18200] =	vst v63  }
0x598: {  	v40 =	vperm.xlane v17, v1;
	v18 =	vadd.s32 v3, v39;
	s11 =	simm.s32 $0x1400  }
0x599: {  	[tilespmem:s11], [sflag:$0x1] =	stream.indirect_vreg.gather [hbm4b:s4+s2], $0x80, v19, vm0, $0xb8;
	[tilespmem:$0x18200] =	vst v63  }
0x59a: {  	v41 =	vperm.xlane v17, v9;
	v19 =	vadd.s32 v3, v40;
	s11 =	simm.s32 $0x1480  }
0x59b: {  	[tilespmem:s11], [sflag:$0x1] =	stream.indirect_vreg.gather [hbm4b:s4+s2], $0x80, v38, vm0, $0xb8;
	[tilespmem:$0x18200] =	vst v63  }
0x59c: {  	v43 =	vperm.xlane v17, v10;
	v42 =	vadd.s32 v3, v41;
	s11 =	simm.s32 $0x1500  }
0x59d: {  	[tilespmem:s11], [sflag:$0x1] =	stream.indirect_vreg.gather [hbm4b:s4+s2], $0x80, v18, vm0, $0xb8;
	[tilespmem:$0x18200] =	vst v63  }
0x59e: {  	v44 =	vperm.xlane v17, v11;
	v18 =	vadd.s32 v3, v43;
	s11 =	simm.s32 $0x1580  }
0x59f: {  	[tilespmem:s11], [sflag:$0x1] =	stream.indirect_vreg.gather [hbm4b:s4+s2], $0x80, v19, vm0, $0xb8;
	[tilespmem:$0x18200] =	vst v63  }
0x5a0: {  	v45 =	vperm.xlane v17, v12;
	v19 =	vadd.s32 v3, v44;
	s11 =	simm.s32 $0x1600  }
0x5a1: {  	[tilespmem:s11], [sflag:$0x1] =	stream.indirect_vreg.gather [hbm4b:s4+s2], $0x80, v42, vm0, $0xb8;
	[tilespmem:$0x18200] =	vst v63  }
0x5a2: {  	v47 =	vperm.xlane v17, v13;
	v46 =	vadd.s32 v3, v45;
	s11 =	simm.s32 $0x1680  }
0x5a3: {  	[tilespmem:s11], [sflag:$0x1] =	stream.indirect_vreg.gather [hbm4b:s4+s2], $0x80, v18, vm0, $0xb8;
	[tilespmem:$0x18200] =	vst v63  }
0x5a4: {  	v48 =	vperm.xlane v17, v14;
	v18 =	vadd.s32 v3, v47;
	s11 =	simm.s32 $0x1700  }
0x5a5: {  	[tilespmem:s11], [sflag:$0x1] =	stream.indirect_vreg.gather [hbm4b:s4+s2], $0x80, v19, vm0, $0xb8;
	[tilespmem:$0x18200] =	vst v63  }
0x5a6: {  	v49 =	vperm.xlane v17, v15;
	v19 =	vadd.s32 v3, v48;
	s11 =	simm.s32 $0x1780  }
0x5a7: {  	[tilespmem:s11], [sflag:$0x1] =	stream.indirect_vreg.gather [hbm4b:s4+s2], $0x80, v46, vm0, $0xb8;
	[tilespmem:$0x18200] =	vst v63  }
0x5a8: {  	v17 =	vperm.xlane v17, v16;
	v50 =	vadd.s32 v3, v49;
	s11 =	simm.s32 $0x1800  }
0x5a9: {  	[tilespmem:s11], [sflag:$0x1] =	stream.indirect_vreg.gather [hbm4b:s4+s2], $0x80, v18, vm0, $0xb8;
	[tilespmem:$0x18200] =	vst v63  }
0x5aa: {  	v17 =	vadd.s32 v3, v17;
	s11 =	simm.s32 $0x1880  }
0x5ab: {  	[tilespmem:s11], [sflag:$0x1] =	stream.indirect_vreg.gather [hbm4b:s4+s2], $0x80, v19, vm0, $0xb8;
	[tilespmem:$0x18200] =	vst v63  }
0x5ac: {  	s11 =	simm.s32 $0x1900  }
0x5ad: {  	[tilespmem:s11], [sflag:$0x1] =	stream.indirect_vreg.gather [hbm4b:s4+s2], $0x80, v50, vm0, $0xb8;
	[tilespmem:$0x18200] =	vst v63  }
0x5ae: {  	s11 =	simm.s32 $0x1980  }
0x5af: {  	[tilespmem:s11], [sflag:$0x1] =	stream.indirect_vreg.gather [hbm4b:s4+s2], $0x80, v17, vm0, $0xb8;
	[tilespmem:$0x18200] =	vst v63  }
0x5b0: {  	v17 =	vld [tilespmem:$0x130];
	_ =	sdelay $0x4  }
0x5b1: {  	v18 =	vshrl.u32 v17, $0x3  }
0x5b2: {  	v18 =	vmul.u32 $0x18, v18  }
0x5b3: {  	v17 =	vand.u32 $0x7, v17  }
0x5b4: {  	v17 =	vor.u32 v17, v18  }
0x5b5: {  	v18 =	vperm.xlane v17, v2;
	_ =	sdelay $0x1  }
0x5b6: {  	v19 =	vperm.xlane v17, v4;
	v18 =	vadd.s32 v3, v18;
	_ =	sdelay $0x1  }
0x5b7: {  	v51 =	vperm.xlane v17, v5;
	v19 =	vadd.s32 v3, v19;
	_ =	sdelay $0x1  }
0x5b8: {  	s11 =	simm.s32 $0x1A00;
	v52 =	vperm.xlane v17, v0;
	v20 =	vadd.s32 v3, v51  }
0x5b9: {  	[tilespmem:s11], [sflag:$0x1] =	stream.indirect_vreg.gather [hbm4b:s4+s2], $0x80, v18, vm0, $0xb8;
	[tilespmem:$0x18200] =	vst v63  }
0x5ba: {  	v53 =	vperm.xlane v17, v6;
	v18 =	vadd.s32 v3, v52;
	s11 =	simm.s32 $0x1A80  }
0x5bb: {  	[tilespmem:s11], [sflag:$0x1] =	stream.indirect_vreg.gather [hbm4b:s4+s2], $0x80, v19, vm0, $0xb8;
	[tilespmem:$0x18200] =	vst v63  }
0x5bc: {  	v54 =	vperm.xlane v17, v7;
	v19 =	vadd.s32 v3, v53;
	s11 =	simm.s32 $0x1B00  }
0x5bd: {  	[tilespmem:s11], [sflag:$0x1] =	stream.indirect_vreg.gather [hbm4b:s4+s2], $0x80, v20, vm0, $0xb8;
	[tilespmem:$0x18200] =	vst v63  }
0x5be: {  	v56 =	vperm.xlane v17, v8;
	v55 =	vadd.s32 v3, v54;
	s11 =	simm.s32 $0x1B80  }
0x5bf: {  	[tilespmem:s11], [sflag:$0x1] =	stream.indirect_vreg.gather [hbm4b:s4+s2], $0x80, v18, vm0, $0xb8;
	[tilespmem:$0x18200] =	vst v63  }
0x5c0: {  	v57 =	vperm.xlane v17, v1;
	v18 =	vadd.s32 v3, v56;
	s11 =	simm.s32 $0x1C00  }
0x5c1: {  	[tilespmem:s11], [sflag:$0x1] =	stream.indirect_vreg.gather [hbm4b:s4+s2], $0x80, v19, vm0, $0xb8;
	[tilespmem:$0x18200] =	vst v63  }
0x5c2: {  	v58 =	vperm.xlane v17, v9;
	v19 =	vadd.s32 v3, v57;
	s11 =	simm.s32 $0x1C80  }
0x5c3: {  	[tilespmem:s11], [sflag:$0x1] =	stream.indirect_vreg.gather [hbm4b:s4+s2], $0x80, v55, vm0, $0xb8;
	[tilespmem:$0x18200] =	vst v63  }
0x5c4: {  	v60 =	vperm.xlane v17, v10;
	v59 =	vadd.s32 v3, v58;
	s11 =	simm.s32 $0x1D00  }
0x5c5: {  	[tilespmem:s11], [sflag:$0x1] =	stream.indirect_vreg.gather [hbm4b:s4+s2], $0x80, v18, vm0, $0xb8;
	[tilespmem:$0x18200] =	vst v63  }
0x5c6: {  	v61 =	vperm.xlane v17, v11;
	v18 =	vadd.s32 v3, v60;
	s11 =	simm.s32 $0x1D80  }
0x5c7: {  	[tilespmem:s11], [sflag:$0x1] =	stream.indirect_vreg.gather [hbm4b:s4+s2], $0x80, v19, vm0, $0xb8;
	[tilespmem:$0x18200] =	vst v63  }
0x5c8: {  	v62 =	vperm.xlane v17, v12;
	v19 =	vadd.s32 v3, v61;
	s11 =	simm.s32 $0x1E00  }
0x5c9: {  	[tilespmem:s11], [sflag:$0x1] =	stream.indirect_vreg.gather [hbm4b:s4+s2], $0x80, v59, vm0, $0xb8;
	[tilespmem:$0x18200] =	vst v63  }
0x5ca: {  	v24 =	vperm.xlane v17, v13;
	v63 =	vadd.s32 v3, v62;
	s11 =	simm.s32 $0x1E80  }
0x5cb: {  	[tilespmem:s11], [sflag:$0x1] =	stream.indirect_vreg.gather [hbm4b:s4+s2], $0x80, v18, vm0, $0xb8;
	[tilespmem:$0x18200] =	vst v63  }
0x5cc: {  	v25 =	vperm.xlane v17, v14;
	v18 =	vadd.s32 v3, v24;
	s11 =	simm.s32 $0x1F00  }
0x5cd: {  	[tilespmem:s11], [sflag:$0x1] =	stream.indirect_vreg.gather [hbm4b:s4+s2], $0x80, v19, vm0, $0xb8;
	[tilespmem:$0x18200] =	vst v63  }
0x5ce: {  	v26 =	vperm.xlane v17, v15;
	v19 =	vadd.s32 v3, v25;
	s11 =	simm.s32 $0x1F80  }
0x5cf: {  	[tilespmem:s11], [sflag:$0x1] =	stream.indirect_vreg.gather [hbm4b:s4+s2], $0x80, v63, vm0, $0xb8;
	[tilespmem:$0x18200] =	vst v63  }
0x5d0: {  	v17 =	vperm.xlane v17, v16;
	v27 =	vadd.s32 v3, v26;
	s11 =	simm.s32 $0x2000  }
0x5d1: {  	[tilespmem:s11], [sflag:$0x1] =	stream.indirect_vreg.gather [hbm4b:s4+s2], $0x80, v18, vm0, $0xb8;
	[tilespmem:$0x18200] =	vst v63  }
0x5d2: {  	v17 =	vadd.s32 v3, v17;
	s11 =	simm.s32 $0x2080  }
0x5d3: {  	[tilespmem:s11], [sflag:$0x1] =	stream.indirect_vreg.gather [hbm4b:s4+s2], $0x80, v19, vm0, $0xb8;
	[tilespmem:$0x18200] =	vst v63  }
0x5d4: {  	s11 =	simm.s32 $0x2100  }
0x5d5: {  	[tilespmem:s11], [sflag:$0x1] =	stream.indirect_vreg.gather [hbm4b:s4+s2], $0x80, v27, vm0, $0xb8;
	[tilespmem:$0x18200] =	vst v63  }
0x5d6: {  	s11 =	simm.s32 $0x2180  }
0x5d7: {  	[tilespmem:s11], [sflag:$0x1] =	stream.indirect_vreg.gather [hbm4b:s4+s2], $0x80, v17, vm0, $0xb8;
	[tilespmem:$0x18200] =	vst v63  }
0x5d8: {  	v17 =	vld [tilespmem:$0x140];
	_ =	sdelay $0x4  }
0x5d9: {  	v18 =	vshrl.u32 v17, $0x3  }
0x5da: {  	v18 =	vmul.u32 $0x18, v18  }
0x5db: {  	v17 =	vand.u32 $0x7, v17  }
0x5dc: {  	v17 =	vor.u32 v17, v18  }
0x5dd: {  	v18 =	vperm.xlane v17, v2;
	_ =	sdelay $0x1  }
0x5de: {  	v19 =	vperm.xlane v17, v4;
	v18 =	vadd.s32 v3, v18;
	_ =	sdelay $0x1  }
0x5df: {  	v28 =	vperm.xlane v17, v5;
	v19 =	vadd.s32 v3, v19;
	_ =	sdelay $0x1  }
0x5e0: {  	s11 =	simm.s32 $0x2200;
	v29 =	vperm.xlane v17, v0;
	v20 =	vadd.s32 v3, v28  }
0x5e1: {  	[tilespmem:s11], [sflag:$0x1] =	stream.indirect_vreg.gather [hbm4b:s4+s2], $0x80, v18, vm0, $0xb8;
	[tilespmem:$0x18200] =	vst v63  }
0x5e2: {  	v30 =	vperm.xlane v17, v6;
	v18 =	vadd.s32 v3, v29;
	s11 =	simm.s32 $0x2280  }
0x5e3: {  	[tilespmem:s11], [sflag:$0x1] =	stream.indirect_vreg.gather [hbm4b:s4+s2], $0x80, v19, vm0, $0xb8;
	[tilespmem:$0x18200] =	vst v63  }
0x5e4: {  	v31 =	vperm.xlane v17, v7;
	v19 =	vadd.s32 v3, v30;
	s11 =	simm.s32 $0x2300  }
0x5e5: {  	[tilespmem:s11], [sflag:$0x1] =	stream.indirect_vreg.gather [hbm4b:s4+s2], $0x80, v20, vm0, $0xb8;
	[tilespmem:$0x18200] =	vst v63  }
0x5e6: {  	v33 =	vperm.xlane v17, v8;
	v32 =	vadd.s32 v3, v31;
	s11 =	simm.s32 $0x2380  }
0x5e7: {  	[tilespmem:s11], [sflag:$0x1] =	stream.indirect_vreg.gather [hbm4b:s4+s2], $0x80, v18, vm0, $0xb8;
	[tilespmem:$0x18200] =	vst v63  }
0x5e8: {  	v34 =	vperm.xlane v17, v1;
	v18 =	vadd.s32 v3, v33;
	s11 =	simm.s32 $0x2400  }
0x5e9: {  	[tilespmem:s11], [sflag:$0x1] =	stream.indirect_vreg.gather [hbm4b:s4+s2], $0x80, v19, vm0, $0xb8;
	[tilespmem:$0x18200] =	vst v63  }
0x5ea: {  	v35 =	vperm.xlane v17, v9;
	v19 =	vadd.s32 v3, v34;
	s11 =	simm.s32 $0x2480  }
0x5eb: {  	[tilespmem:s11], [sflag:$0x1] =	stream.indirect_vreg.gather [hbm4b:s4+s2], $0x80, v32, vm0, $0xb8;
	[tilespmem:$0x18200] =	vst v63  }
0x5ec: {  	v37 =	vperm.xlane v17, v10;
	v36 =	vadd.s32 v3, v35;
	s11 =	simm.s32 $0x2500  }
0x5ed: {  	[tilespmem:s11], [sflag:$0x1] =	stream.indirect_vreg.gather [hbm4b:s4+s2], $0x80, v18, vm0, $0xb8;
	[tilespmem:$0x18200] =	vst v63  }
0x5ee: {  	v38 =	vperm.xlane v17, v11;
	v18 =	vadd.s32 v3, v37;
	s11 =	simm.s32 $0x2580  }
0x5ef: {  	[tilespmem:s11], [sflag:$0x1] =	stream.indirect_vreg.gather [hbm4b:s4+s2], $0x80, v19, vm0, $0xb8;
	[tilespmem:$0x18200] =	vst v63  }
0x5f0: {  	v39 =	vperm.xlane v17, v12;
	v19 =	vadd.s32 v3, v38;
	s11 =	simm.s32 $0x2600  }
0x5f1: {  	[tilespmem:s11], [sflag:$0x1] =	stream.indirect_vreg.gather [hbm4b:s4+s2], $0x80, v36, vm0, $0xb8;
	[tilespmem:$0x18200] =	vst v63  }
0x5f2: {  	v41 =	vperm.xlane v17, v13;
	v40 =	vadd.s32 v3, v39;
	s11 =	simm.s32 $0x2680  }
0x5f3: {  	[tilespmem:s11], [sflag:$0x1] =	stream.indirect_vreg.gather [hbm4b:s4+s2], $0x80, v18, vm0, $0xb8;
	[tilespmem:$0x18200] =	vst v63  }
0x5f4: {  	v42 =	vperm.xlane v17, v14;
	v18 =	vadd.s32 v3, v41;
	s11 =	simm.s32 $0x2700  }
0x5f5: {  	[tilespmem:s11], [sflag:$0x1] =	stream.indirect_vreg.gather [hbm4b:s4+s2], $0x80, v19, vm0, $0xb8;
	[tilespmem:$0x18200] =	vst v63  }
0x5f6: {  	v43 =	vperm.xlane v17, v15;
	v19 =	vadd.s32 v3, v42;
	s11 =	simm.s32 $0x2780  }
0x5f7: {  	[tilespmem:s11], [sflag:$0x1] =	stream.indirect_vreg.gather [hbm4b:s4+s2], $0x80, v40, vm0, $0xb8;
	[tilespmem:$0x18200] =	vst v63  }
0x5f8: {  	v17 =	vperm.xlane v17, v16;
	v44 =	vadd.s32 v3, v43;
	s11 =	simm.s32 $0x2800  }
0x5f9: {  	[tilespmem:s11], [sflag:$0x1] =	stream.indirect_vreg.gather [hbm4b:s4+s2], $0x80, v18, vm0, $0xb8;
	[tilespmem:$0x18200] =	vst v63  }
0x5fa: {  	v17 =	vadd.s32 v3, v17;
	s11 =	simm.s32 $0x2880  }
0x5fb: {  	[tilespmem:s11], [sflag:$0x1] =	stream.indirect_vreg.gather [hbm4b:s4+s2], $0x80, v19, vm0, $0xb8;
	[tilespmem:$0x18200] =	vst v63  }
0x5fc: {  	s11 =	simm.s32 $0x2900  }
0x5fd: {  	[tilespmem:s11], [sflag:$0x1] =	stream.indirect_vreg.gather [hbm4b:s4+s2], $0x80, v44, vm0, $0xb8;
	[tilespmem:$0x18200] =	vst v63  }
0x5fe: {  	s11 =	simm.s32 $0x2980  }
0x5ff: {  	[tilespmem:s11], [sflag:$0x1] =	stream.indirect_vreg.gather [hbm4b:s4+s2], $0x80, v17, vm0, $0xb8;
	[tilespmem:$0x18200] =	vst v63  }
0x600: {  	v17 =	vld [tilespmem:$0x150];
	_ =	sdelay $0x4  }
0x601: {  	v18 =	vshrl.u32 v17, $0x3  }
0x602: {  	v18 =	vmul.u32 $0x18, v18  }
0x603: {  	v17 =	vand.u32 $0x7, v17  }
0x604: {  	v17 =	vor.u32 v17, v18  }
0x605: {  	v18 =	vperm.xlane v17, v2;
	_ =	sdelay $0x1  }
0x606: {  	v19 =	vperm.xlane v17, v4;
	v18 =	vadd.s32 v3, v18;
	_ =	sdelay $0x1  }
0x607: {  	v45 =	vperm.xlane v17, v5;
	v19 =	vadd.s32 v3, v19;
	_ =	sdelay $0x1  }
0x608: {  	s11 =	simm.s32 $0x2A00;
	v46 =	vperm.xlane v17, v0;
	v20 =	vadd.s32 v3, v45  }
0x609: {  	[tilespmem:s11], [sflag:$0x1] =	stream.indirect_vreg.gather [hbm4b:s4+s2], $0x80, v18, vm0, $0xb8;
	[tilespmem:$0x18200] =	vst v63  }
0x60a: {  	v47 =	vperm.xlane v17, v6;
	v18 =	vadd.s32 v3, v46;
	s11 =	simm.s32 $0x2A80  }
0x60b: {  	[tilespmem:s11], [sflag:$0x1] =	stream.indirect_vreg.gather [hbm4b:s4+s2], $0x80, v19, vm0, $0xb8;
	[tilespmem:$0x18200] =	vst v63  }
0x60c: {  	v48 =	vperm.xlane v17, v7;
	v19 =	vadd.s32 v3, v47;
	s11 =	simm.s32 $0x2B00  }
0x60d: {  	[tilespmem:s11], [sflag:$0x1] =	stream.indirect_vreg.gather [hbm4b:s4+s2], $0x80, v20, vm0, $0xb8;
	[tilespmem:$0x18200] =	vst v63  }
0x60e: {  	v50 =	vperm.xlane v17, v8;
	v49 =	vadd.s32 v3, v48;
	s11 =	simm.s32 $0x2B80  }
0x60f: {  	[tilespmem:s11], [sflag:$0x1] =	stream.indirect_vreg.gather [hbm4b:s4+s2], $0x80, v18, vm0, $0xb8;
	[tilespmem:$0x18200] =	vst v63  }
0x610: {  	v51 =	vperm.xlane v17, v1;
	v18 =	vadd.s32 v3, v50;
	s11 =	simm.s32 $0x2C00  }
0x611: {  	[tilespmem:s11], [sflag:$0x1] =	stream.indirect_vreg.gather [hbm4b:s4+s2], $0x80, v19, vm0, $0xb8;
	[tilespmem:$0x18200] =	vst v63  }
0x612: {  	v52 =	vperm.xlane v17, v9;
	v19 =	vadd.s32 v3, v51;
	s11 =	simm.s32 $0x2C80  }
0x613: {  	[tilespmem:s11], [sflag:$0x1] =	stream.indirect_vreg.gather [hbm4b:s4+s2], $0x80, v49, vm0, $0xb8;
	[tilespmem:$0x18200] =	vst v63  }
0x614: {  	v54 =	vperm.xlane v17, v10;
	v53 =	vadd.s32 v3, v52;
	s11 =	simm.s32 $0x2D00  }
0x615: {  	[tilespmem:s11], [sflag:$0x1] =	stream.indirect_vreg.gather [hbm4b:s4+s2], $0x80, v18, vm0, $0xb8;
	[tilespmem:$0x18200] =	vst v63  }
0x616: {  	v55 =	vperm.xlane v17, v11;
	v18 =	vadd.s32 v3, v54;
	s11 =	simm.s32 $0x2D80  }
0x617: {  	[tilespmem:s11], [sflag:$0x1] =	stream.indirect_vreg.gather [hbm4b:s4+s2], $0x80, v19, vm0, $0xb8;
	[tilespmem:$0x18200] =	vst v63  }
0x618: {  	v56 =	vperm.xlane v17, v12;
	v19 =	vadd.s32 v3, v55;
	s11 =	simm.s32 $0x2E00  }
0x619: {  	[tilespmem:s11], [sflag:$0x1] =	stream.indirect_vreg.gather [hbm4b:s4+s2], $0x80, v53, vm0, $0xb8;
	[tilespmem:$0x18200] =	vst v63  }
0x61a: {  	v58 =	vperm.xlane v17, v13;
	v57 =	vadd.s32 v3, v56;
	s11 =	simm.s32 $0x2E80  }
0x61b: {  	[tilespmem:s11], [sflag:$0x1] =	stream.indirect_vreg.gather [hbm4b:s4+s2], $0x80, v18, vm0, $0xb8;
	[tilespmem:$0x18200] =	vst v63  }
0x61c: {  	v59 =	vperm.xlane v17, v14;
	v18 =	vadd.s32 v3, v58;
	s11 =	simm.s32 $0x2F00  }
0x61d: {  	[tilespmem:s11], [sflag:$0x1] =	stream.indirect_vreg.gather [hbm4b:s4+s2], $0x80, v19, vm0, $0xb8;
	[tilespmem:$0x18200] =	vst v63  }
0x61e: {  	v60 =	vperm.xlane v17, v15;
	v19 =	vadd.s32 v3, v59;
	s11 =	simm.s32 $0x2F80  }
0x61f: {  	[tilespmem:s11], [sflag:$0x1] =	stream.indirect_vreg.gather [hbm4b:s4+s2], $0x80, v57, vm0, $0xb8;
	[tilespmem:$0x18200] =	vst v63  }
0x620: {  	v17 =	vperm.xlane v17, v16;
	v61 =	vadd.s32 v3, v60;
	s11 =	simm.s32 $0x3000  }
0x621: {  	[tilespmem:s11], [sflag:$0x1] =	stream.indirect_vreg.gather [hbm4b:s4+s2], $0x80, v18, vm0, $0xb8;
	[tilespmem:$0x18200] =	vst v63  }
0x622: {  	v17 =	vadd.s32 v3, v17;
	s11 =	simm.s32 $0x3080  }
0x623: {  	[tilespmem:s11], [sflag:$0x1] =	stream.indirect_vreg.gather [hbm4b:s4+s2], $0x80, v19, vm0, $0xb8;
	[tilespmem:$0x18200] =	vst v63  }
0x624: {  	s11 =	simm.s32 $0x3100  }
0x625: {  	[tilespmem:s11], [sflag:$0x1] =	stream.indirect_vreg.gather [hbm4b:s4+s2], $0x80, v61, vm0, $0xb8;
	[tilespmem:$0x18200] =	vst v63  }
0x626: {  	s11 =	simm.s32 $0x3180  }
0x627: {  	[tilespmem:s11], [sflag:$0x1] =	stream.indirect_vreg.gather [hbm4b:s4+s2], $0x80, v17, vm0, $0xb8;
	[tilespmem:$0x18200] =	vst v63  }
0x628: {  	v17 =	vld [tilespmem:$0x160];
	_ =	sdelay $0x4  }
0x629: {  	v18 =	vshrl.u32 v17, $0x3  }
0x62a: {  	v18 =	vmul.u32 $0x18, v18  }
0x62b: {  	v17 =	vand.u32 $0x7, v17  }
0x62c: {  	v17 =	vor.u32 v17, v18  }
0x62d: {  	v18 =	vperm.xlane v17, v2;
	_ =	sdelay $0x1  }
0x62e: {  	v19 =	vperm.xlane v17, v4;
	v18 =	vadd.s32 v3, v18;
	_ =	sdelay $0x1  }
0x62f: {  	v62 =	vperm.xlane v17, v5;
	v19 =	vadd.s32 v3, v19;
	_ =	sdelay $0x1  }
0x630: {  	s11 =	simm.s32 $0x3200;
	v63 =	vperm.xlane v17, v0;
	v20 =	vadd.s32 v3, v62  }
0x631: {  	[tilespmem:s11], [sflag:$0x1] =	stream.indirect_vreg.gather [hbm4b:s4+s2], $0x80, v18, vm0, $0xb8;
	[tilespmem:$0x18200] =	vst v63  }
0x632: {  	v24 =	vperm.xlane v17, v6;
	v18 =	vadd.s32 v3, v63;
	s11 =	simm.s32 $0x3280  }
0x633: {  	[tilespmem:s11], [sflag:$0x1] =	stream.indirect_vreg.gather [hbm4b:s4+s2], $0x80, v19, vm0, $0xb8;
	[tilespmem:$0x18200] =	vst v63  }
0x634: {  	v25 =	vperm.xlane v17, v7;
	v19 =	vadd.s32 v3, v24;
	s11 =	simm.s32 $0x3300  }
0x635: {  	[tilespmem:s11], [sflag:$0x1] =	stream.indirect_vreg.gather [hbm4b:s4+s2], $0x80, v20, vm0, $0xb8;
	[tilespmem:$0x18200] =	vst v63  }
0x636: {  	v27 =	vperm.xlane v17, v8;
	v26 =	vadd.s32 v3, v25;
	s11 =	simm.s32 $0x3380  }
0x637: {  	[tilespmem:s11], [sflag:$0x1] =	stream.indirect_vreg.gather [hbm4b:s4+s2], $0x80, v18, vm0, $0xb8;
	[tilespmem:$0x18200] =	vst v63  }
0x638: {  	v28 =	vperm.xlane v17, v1;
	v18 =	vadd.s32 v3, v27;
	s11 =	simm.s32 $0x3400  }
0x639: {  	[tilespmem:s11], [sflag:$0x1] =	stream.indirect_vreg.gather [hbm4b:s4+s2], $0x80, v19, vm0, $0xb8;
	[tilespmem:$0x18200] =	vst v63  }
0x63a: {  	v29 =	vperm.xlane v17, v9;
	v19 =	vadd.s32 v3, v28;
	s11 =	simm.s32 $0x3480  }
0x63b: {  	[tilespmem:s11], [sflag:$0x1] =	stream.indirect_vreg.gather [hbm4b:s4+s2], $0x80, v26, vm0, $0xb8;
	[tilespmem:$0x18200] =	vst v63  }
0x63c: {  	v31 =	vperm.xlane v17, v10;
	v30 =	vadd.s32 v3, v29;
	s11 =	simm.s32 $0x3500  }
0x63d: {  	[tilespmem:s11], [sflag:$0x1] =	stream.indirect_vreg.gather [hbm4b:s4+s2], $0x80, v18, vm0, $0xb8;
	[tilespmem:$0x18200] =	vst v63  }
0x63e: {  	v32 =	vperm.xlane v17, v11;
	v18 =	vadd.s32 v3, v31;
	s11 =	simm.s32 $0x3580  }
0x63f: {  	[tilespmem:s11], [sflag:$0x1] =	stream.indirect_vreg.gather [hbm4b:s4+s2], $0x80, v19, vm0, $0xb8;
	[tilespmem:$0x18200] =	vst v63  }
0x640: {  	v33 =	vperm.xlane v17, v12;
	v19 =	vadd.s32 v3, v32;
	s11 =	simm.s32 $0x3600  }
0x641: {  	[tilespmem:s11], [sflag:$0x1] =	stream.indirect_vreg.gather [hbm4b:s4+s2], $0x80, v30, vm0, $0xb8;
	[tilespmem:$0x18200] =	vst v63  }
0x642: {  	v35 =	vperm.xlane v17, v13;
	v34 =	vadd.s32 v3, v33;
	s11 =	simm.s32 $0x3680  }
0x643: {  	[tilespmem:s11], [sflag:$0x1] =	stream.indirect_vreg.gather [hbm4b:s4+s2], $0x80, v18, vm0, $0xb8;
	[tilespmem:$0x18200] =	vst v63  }
0x644: {  	v36 =	vperm.xlane v17, v14;
	v18 =	vadd.s32 v3, v35;
	s11 =	simm.s32 $0x3700  }
0x645: {  	[tilespmem:s11], [sflag:$0x1] =	stream.indirect_vreg.gather [hbm4b:s4+s2], $0x80, v19, vm0, $0xb8;
	[tilespmem:$0x18200] =	vst v63  }
0x646: {  	v37 =	vperm.xlane v17, v15;
	v19 =	vadd.s32 v3, v36;
	s11 =	simm.s32 $0x3780  }
0x647: {  	[tilespmem:s11], [sflag:$0x1] =	stream.indirect_vreg.gather [hbm4b:s4+s2], $0x80, v34, vm0, $0xb8;
	[tilespmem:$0x18200] =	vst v63  }
0x648: {  	v17 =	vperm.xlane v17, v16;
	v38 =	vadd.s32 v3, v37;
	s11 =	simm.s32 $0x3800  }
0x649: {  	[tilespmem:s11], [sflag:$0x1] =	stream.indirect_vreg.gather [hbm4b:s4+s2], $0x80, v18, vm0, $0xb8;
	[tilespmem:$0x18200] =	vst v63  }
0x64a: {  	v17 =	vadd.s32 v3, v17;
	s11 =	simm.s32 $0x3880  }
0x64b: {  	[tilespmem:s11], [sflag:$0x1] =	stream.indirect_vreg.gather [hbm4b:s4+s2], $0x80, v19, vm0, $0xb8;
	[tilespmem:$0x18200] =	vst v63  }
0x64c: {  	s11 =	simm.s32 $0x3900  }
0x64d: {  	[tilespmem:s11], [sflag:$0x1] =	stream.indirect_vreg.gather [hbm4b:s4+s2], $0x80, v38, vm0, $0xb8;
	[tilespmem:$0x18200] =	vst v63  }
0x64e: {  	s11 =	simm.s32 $0x3980  }
0x64f: {  	[tilespmem:s11], [sflag:$0x1] =	stream.indirect_vreg.gather [hbm4b:s4+s2], $0x80, v17, vm0, $0xb8;
	[tilespmem:$0x18200] =	vst v63  }
0x650: {  	v17 =	vld [tilespmem:$0x170];
	_ =	sdelay $0x4  }
0x651: {  	v18 =	vshrl.u32 v17, $0x3  }
0x652: {  	v18 =	vmul.u32 $0x18, v18  }
0x653: {  	v17 =	vand.u32 $0x7, v17  }
0x654: {  	v17 =	vor.u32 v17, v18  }
0x655: {  	v18 =	vperm.xlane v17, v2;
	_ =	sdelay $0x1  }
0x656: {  	v19 =	vperm.xlane v17, v4;
	v18 =	vadd.s32 v3, v18;
	_ =	sdelay $0x1  }
0x657: {  	v39 =	vperm.xlane v17, v5;
	v19 =	vadd.s32 v3, v19;
	_ =	sdelay $0x1  }
0x658: {  	s11 =	simm.s32 $0x3A00;
	v40 =	vperm.xlane v17, v0;
	v20 =	vadd.s32 v3, v39  }
0x659: {  	[tilespmem:s11], [sflag:$0x1] =	stream.indirect_vreg.gather [hbm4b:s4+s2], $0x80, v18, vm0, $0xb8;
	[tilespmem:$0x18200] =	vst v63  }
0x65a: {  	v41 =	vperm.xlane v17, v6;
	v18 =	vadd.s32 v3, v40;
	s11 =	simm.s32 $0x3A80  }
0x65b: {  	[tilespmem:s11], [sflag:$0x1] =	stream.indirect_vreg.gather [hbm4b:s4+s2], $0x80, v19, vm0, $0xb8;
	[tilespmem:$0x18200] =	vst v63  }
0x65c: {  	v42 =	vperm.xlane v17, v7;
	v19 =	vadd.s32 v3, v41;
	s11 =	simm.s32 $0x3B00  }
0x65d: {  	[tilespmem:s11], [sflag:$0x1] =	stream.indirect_vreg.gather [hbm4b:s4+s2], $0x80, v20, vm0, $0xb8;
	[tilespmem:$0x18200] =	vst v63  }
0x65e: {  	v44 =	vperm.xlane v17, v8;
	v43 =	vadd.s32 v3, v42;
	s11 =	simm.s32 $0x3B80  }
0x65f: {  	[tilespmem:s11], [sflag:$0x1] =	stream.indirect_vreg.gather [hbm4b:s4+s2], $0x80, v18, vm0, $0xb8;
	[tilespmem:$0x18200] =	vst v63  }
0x660: {  	v45 =	vperm.xlane v17, v1;
	v18 =	vadd.s32 v3, v44;
	s11 =	simm.s32 $0x3C00  }
0x661: {  	[tilespmem:s11], [sflag:$0x1] =	stream.indirect_vreg.gather [hbm4b:s4+s2], $0x80, v19, vm0, $0xb8;
	[tilespmem:$0x18200] =	vst v63  }
0x662: {  	v46 =	vperm.xlane v17, v9;
	v19 =	vadd.s32 v3, v45;
	s11 =	simm.s32 $0x3C80  }
0x663: {  	[tilespmem:s11], [sflag:$0x1] =	stream.indirect_vreg.gather [hbm4b:s4+s2], $0x80, v43, vm0, $0xb8;
	[tilespmem:$0x18200] =	vst v63  }
0x664: {  	v48 =	vperm.xlane v17, v10;
	v47 =	vadd.s32 v3, v46;
	s11 =	simm.s32 $0x3D00  }
0x665: {  	[tilespmem:s11], [sflag:$0x1] =	stream.indirect_vreg.gather [hbm4b:s4+s2], $0x80, v18, vm0, $0xb8;
	[tilespmem:$0x18200] =	vst v63  }
0x666: {  	v49 =	vperm.xlane v17, v11;
	v18 =	vadd.s32 v3, v48;
	s11 =	simm.s32 $0x3D80  }
0x667: {  	[tilespmem:s11], [sflag:$0x1] =	stream.indirect_vreg.gather [hbm4b:s4+s2], $0x80, v19, vm0, $0xb8;
	[tilespmem:$0x18200] =	vst v63  }
0x668: {  	v50 =	vperm.xlane v17, v12;
	v19 =	vadd.s32 v3, v49;
	s11 =	simm.s32 $0x3E00  }
0x669: {  	[tilespmem:s11], [sflag:$0x1] =	stream.indirect_vreg.gather [hbm4b:s4+s2], $0x80, v47, vm0, $0xb8;
	[tilespmem:$0x18200] =	vst v63  }
0x66a: {  	v52 =	vperm.xlane v17, v13;
	v51 =	vadd.s32 v3, v50;
	s11 =	simm.s32 $0x3E80  }
0x66b: {  	[tilespmem:s11], [sflag:$0x1] =	stream.indirect_vreg.gather [hbm4b:s4+s2], $0x80, v18, vm0, $0xb8;
	[tilespmem:$0x18200] =	vst v63  }
0x66c: {  	v53 =	vperm.xlane v17, v14;
	v18 =	vadd.s32 v3, v52;
	s11 =	simm.s32 $0x3F00  }
0x66d: {  	[tilespmem:s11], [sflag:$0x1] =	stream.indirect_vreg.gather [hbm4b:s4+s2], $0x80, v19, vm0, $0xb8;
	[tilespmem:$0x18200] =	vst v63  }
0x66e: {  	v54 =	vperm.xlane v17, v15;
	v19 =	vadd.s32 v3, v53;
	s11 =	simm.s32 $0x3F80  }
0x66f: {  	[tilespmem:s11], [sflag:$0x1] =	stream.indirect_vreg.gather [hbm4b:s4+s2], $0x80, v51, vm0, $0xb8;
	[tilespmem:$0x18200] =	vst v63  }
0x670: {  	v17 =	vperm.xlane v17, v16;
	v55 =	vadd.s32 v3, v54;
	s11 =	simm.s32 $0x4000  }
0x671: {  	[tilespmem:s11], [sflag:$0x1] =	stream.indirect_vreg.gather [hbm4b:s4+s2], $0x80, v18, vm0, $0xb8;
	[tilespmem:$0x18200] =	vst v63  }
0x672: {  	v17 =	vadd.s32 v3, v17;
	s11 =	simm.s32 $0x4080  }
0x673: {  	[tilespmem:s11], [sflag:$0x1] =	stream.indirect_vreg.gather [hbm4b:s4+s2], $0x80, v19, vm0, $0xb8;
	[tilespmem:$0x18200] =	vst v63  }
0x674: {  	s11 =	simm.s32 $0x4100  }
0x675: {  	[tilespmem:s11], [sflag:$0x1] =	stream.indirect_vreg.gather [hbm4b:s4+s2], $0x80, v55, vm0, $0xb8;
	[tilespmem:$0x18200] =	vst v63  }
0x676: {  	s11 =	simm.s32 $0x4180  }
0x677: {  	[tilespmem:s11], [sflag:$0x1] =	stream.indirect_vreg.gather [hbm4b:s4+s2], $0x80, v17, vm0, $0xb8;
	[tilespmem:$0x18200] =	vst v63  }
0x678: {  	v17 =	vld [tilespmem:$0x100];
	_ =	sdelay $0x4  }
0x679: {  	v18 =	vshrl.u32 v17, $0x3  }
0x67a: {  	v18 =	vmul.u32 $0x18, v18  }
0x67b: {  	v17 =	vand.u32 $0x7, v17  }
0x67c: {  	v17 =	vor.u32 v17, v18  }
0x67d: {  	v18 =	vperm.xlane v17, v2;
	_ =	sdelay $0x1  }
0x67e: {  	v19 =	vperm.xlane v17, v4;
	v18 =	vadd.s32 v3, v18;
	_ =	sdelay $0x1  }
0x67f: {  	v56 =	vperm.xlane v17, v5;
	v19 =	vadd.s32 v3, v19;
	_ =	sdelay $0x1  }
0x680: {  	v57 =	vperm.xlane v17, v0;
	v20 =	vadd.s32 v3, v56  }
0x681: {  	[tilespmem:s12], [sflag:$0x1] =	stream.indirect_vreg.gather [hbm4b:s6+s2], $0x80, v18, vm0, $0xb8;
	[tilespmem:$0x18200] =	vst v63  }
0x682: {  	v58 =	vperm.xlane v17, v6;
	v18 =	vadd.s32 v3, v57;
	s12 =	simm.s32 $0x4280  }
0x683: {  	[tilespmem:s12], [sflag:$0x1] =	stream.indirect_vreg.gather [hbm4b:s6+s2], $0x80, v19, vm0, $0xb8;
	[tilespmem:$0x18200] =	vst v63  }
0x684: {  	v59 =	vperm.xlane v17, v7;
	v19 =	vadd.s32 v3, v58;
	s12 =	simm.s32 $0x4300  }
0x685: {  	[tilespmem:s12], [sflag:$0x1] =	stream.indirect_vreg.gather [hbm4b:s6+s2], $0x80, v20, vm0, $0xb8;
	[tilespmem:$0x18200] =	vst v63  }
0x686: {  	v61 =	vperm.xlane v17, v8;
	v60 =	vadd.s32 v3, v59;
	s12 =	simm.s32 $0x4380  }
0x687: {  	[tilespmem:s12], [sflag:$0x1] =	stream.indirect_vreg.gather [hbm4b:s6+s2], $0x80, v18, vm0, $0xb8;
	[tilespmem:$0x18200] =	vst v63  }
0x688: {  	v62 =	vperm.xlane v17, v1;
	v18 =	vadd.s32 v3, v61;
	s12 =	simm.s32 $0x4400  }
0x689: {  	[tilespmem:s12], [sflag:$0x1] =	stream.indirect_vreg.gather [hbm4b:s6+s2], $0x80, v19, vm0, $0xb8;
	[tilespmem:$0x18200] =	vst v63  }
0x68a: {  	v63 =	vperm.xlane v17, v9;
	v19 =	vadd.s32 v3, v62;
	s12 =	simm.s32 $0x4480  }
0x68b: {  	[tilespmem:s12], [sflag:$0x1] =	stream.indirect_vreg.gather [hbm4b:s6+s2], $0x80, v60, vm0, $0xb8;
	[tilespmem:$0x18200] =	vst v63  }
0x68c: {  	v25 =	vperm.xlane v17, v10;
	v24 =	vadd.s32 v3, v63;
	s12 =	simm.s32 $0x4500  }
0x68d: {  	[tilespmem:s12], [sflag:$0x1] =	stream.indirect_vreg.gather [hbm4b:s6+s2], $0x80, v18, vm0, $0xb8;
	[tilespmem:$0x18200] =	vst v63  }
0x68e: {  	v26 =	vperm.xlane v17, v11;
	v18 =	vadd.s32 v3, v25;
	s12 =	simm.s32 $0x4580  }
0x68f: {  	[tilespmem:s12], [sflag:$0x1] =	stream.indirect_vreg.gather [hbm4b:s6+s2], $0x80, v19, vm0, $0xb8;
	[tilespmem:$0x18200] =	vst v63  }
0x690: {  	v27 =	vperm.xlane v17, v12;
	v19 =	vadd.s32 v3, v26;
	s12 =	simm.s32 $0x4600  }
0x691: {  	[tilespmem:s12], [sflag:$0x1] =	stream.indirect_vreg.gather [hbm4b:s6+s2], $0x80, v24, vm0, $0xb8;
	[tilespmem:$0x18200] =	vst v63  }
0x692: {  	v29 =	vperm.xlane v17, v13;
	v28 =	vadd.s32 v3, v27;
	s12 =	simm.s32 $0x4680  }
0x693: {  	[tilespmem:s12], [sflag:$0x1] =	stream.indirect_vreg.gather [hbm4b:s6+s2], $0x80, v18, vm0, $0xb8;
	[tilespmem:$0x18200] =	vst v63  }
0x694: {  	v30 =	vperm.xlane v17, v14;
	v18 =	vadd.s32 v3, v29;
	s12 =	simm.s32 $0x4700  }
0x695: {  	[tilespmem:s12], [sflag:$0x1] =	stream.indirect_vreg.gather [hbm4b:s6+s2], $0x80, v19, vm0, $0xb8;
	[tilespmem:$0x18200] =	vst v63  }
0x696: {  	v31 =	vperm.xlane v17, v15;
	v19 =	vadd.s32 v3, v30;
	s12 =	simm.s32 $0x4780  }
0x697: {  	[tilespmem:s12], [sflag:$0x1] =	stream.indirect_vreg.gather [hbm4b:s6+s2], $0x80, v28, vm0, $0xb8;
	[tilespmem:$0x18200] =	vst v63  }
0x698: {  	v17 =	vperm.xlane v17, v16;
	v32 =	vadd.s32 v3, v31;
	s12 =	simm.s32 $0x4800  }
0x699: {  	[tilespmem:s12], [sflag:$0x1] =	stream.indirect_vreg.gather [hbm4b:s6+s2], $0x80, v18, vm0, $0xb8;
	[tilespmem:$0x18200] =	vst v63  }
0x69a: {  	v17 =	vadd.s32 v3, v17;
	s12 =	simm.s32 $0x4880  }
0x69b: {  	[tilespmem:s12], [sflag:$0x1] =	stream.indirect_vreg.gather [hbm4b:s6+s2], $0x80, v19, vm0, $0xb8;
	[tilespmem:$0x18200] =	vst v63  }
0x69c: {  	s12 =	simm.s32 $0x4900  }
0x69d: {  	[tilespmem:s12], [sflag:$0x1] =	stream.indirect_vreg.gather [hbm4b:s6+s2], $0x80, v32, vm0, $0xb8;
	[tilespmem:$0x18200] =	vst v63  }
0x69e: {  	s12 =	simm.s32 $0x4980  }
0x69f: {  	[tilespmem:s12], [sflag:$0x1] =	stream.indirect_vreg.gather [hbm4b:s6+s2], $0x80, v17, vm0, $0xb8;
	[tilespmem:$0x18200] =	vst v63  }
0x6a0: {  	v17 =	vld [tilespmem:$0x110];
	_ =	sdelay $0x4  }
0x6a1: {  	v18 =	vshrl.u32 v17, $0x3  }
0x6a2: {  	v18 =	vmul.u32 $0x18, v18  }
0x6a3: {  	v17 =	vand.u32 $0x7, v17  }
0x6a4: {  	v17 =	vor.u32 v17, v18  }
0x6a5: {  	v18 =	vperm.xlane v17, v2;
	_ =	sdelay $0x1  }
0x6a6: {  	v19 =	vperm.xlane v17, v4;
	v18 =	vadd.s32 v3, v18;
	_ =	sdelay $0x1  }
0x6a7: {  	v33 =	vperm.xlane v17, v5;
	v19 =	vadd.s32 v3, v19;
	_ =	sdelay $0x1  }
0x6a8: {  	s12 =	simm.s32 $0x4A00;
	v34 =	vperm.xlane v17, v0;
	v20 =	vadd.s32 v3, v33  }
0x6a9: {  	[tilespmem:s12], [sflag:$0x1] =	stream.indirect_vreg.gather [hbm4b:s6+s2], $0x80, v18, vm0, $0xb8;
	[tilespmem:$0x18200] =	vst v63  }
0x6aa: {  	v35 =	vperm.xlane v17, v6;
	v18 =	vadd.s32 v3, v34;
	s12 =	simm.s32 $0x4A80  }
0x6ab: {  	[tilespmem:s12], [sflag:$0x1] =	stream.indirect_vreg.gather [hbm4b:s6+s2], $0x80, v19, vm0, $0xb8;
	[tilespmem:$0x18200] =	vst v63  }
0x6ac: {  	v36 =	vperm.xlane v17, v7;
	v19 =	vadd.s32 v3, v35;
	s12 =	simm.s32 $0x4B00  }
0x6ad: {  	[tilespmem:s12], [sflag:$0x1] =	stream.indirect_vreg.gather [hbm4b:s6+s2], $0x80, v20, vm0, $0xb8;
	[tilespmem:$0x18200] =	vst v63  }
0x6ae: {  	v38 =	vperm.xlane v17, v8;
	v37 =	vadd.s32 v3, v36;
	s12 =	simm.s32 $0x4B80  }
0x6af: {  	[tilespmem:s12], [sflag:$0x1] =	stream.indirect_vreg.gather [hbm4b:s6+s2], $0x80, v18, vm0, $0xb8;
	[tilespmem:$0x18200] =	vst v63  }
0x6b0: {  	v39 =	vperm.xlane v17, v1;
	v18 =	vadd.s32 v3, v38;
	s12 =	simm.s32 $0x4C00  }
0x6b1: {  	[tilespmem:s12], [sflag:$0x1] =	stream.indirect_vreg.gather [hbm4b:s6+s2], $0x80, v19, vm0, $0xb8;
	[tilespmem:$0x18200] =	vst v63  }
0x6b2: {  	v40 =	vperm.xlane v17, v9;
	v19 =	vadd.s32 v3, v39;
	s12 =	simm.s32 $0x4C80  }
0x6b3: {  	[tilespmem:s12], [sflag:$0x1] =	stream.indirect_vreg.gather [hbm4b:s6+s2], $0x80, v37, vm0, $0xb8;
	[tilespmem:$0x18200] =	vst v63  }
0x6b4: {  	v42 =	vperm.xlane v17, v10;
	v41 =	vadd.s32 v3, v40;
	s12 =	simm.s32 $0x4D00  }
0x6b5: {  	[tilespmem:s12], [sflag:$0x1] =	stream.indirect_vreg.gather [hbm4b:s6+s2], $0x80, v18, vm0, $0xb8;
	[tilespmem:$0x18200] =	vst v63  }
0x6b6: {  	v43 =	vperm.xlane v17, v11;
	v18 =	vadd.s32 v3, v42;
	s12 =	simm.s32 $0x4D80  }
0x6b7: {  	[tilespmem:s12], [sflag:$0x1] =	stream.indirect_vreg.gather [hbm4b:s6+s2], $0x80, v19, vm0, $0xb8;
	[tilespmem:$0x18200] =	vst v63  }
0x6b8: {  	v44 =	vperm.xlane v17, v12;
	v19 =	vadd.s32 v3, v43;
	s12 =	simm.s32 $0x4E00  }
0x6b9: {  	[tilespmem:s12], [sflag:$0x1] =	stream.indirect_vreg.gather [hbm4b:s6+s2], $0x80, v41, vm0, $0xb8;
	[tilespmem:$0x18200] =	vst v63  }
0x6ba: {  	v46 =	vperm.xlane v17, v13;
	v45 =	vadd.s32 v3, v44;
	s12 =	simm.s32 $0x4E80  }
0x6bb: {  	[tilespmem:s12], [sflag:$0x1] =	stream.indirect_vreg.gather [hbm4b:s6+s2], $0x80, v18, vm0, $0xb8;
	[tilespmem:$0x18200] =	vst v63  }
0x6bc: {  	v47 =	vperm.xlane v17, v14;
	v18 =	vadd.s32 v3, v46;
	s12 =	simm.s32 $0x4F00  }
0x6bd: {  	[tilespmem:s12], [sflag:$0x1] =	stream.indirect_vreg.gather [hbm4b:s6+s2], $0x80, v19, vm0, $0xb8;
	[tilespmem:$0x18200] =	vst v63  }
0x6be: {  	v48 =	vperm.xlane v17, v15;
	v19 =	vadd.s32 v3, v47;
	s12 =	simm.s32 $0x4F80  }
0x6bf: {  	[tilespmem:s12], [sflag:$0x1] =	stream.indirect_vreg.gather [hbm4b:s6+s2], $0x80, v45, vm0, $0xb8;
	[tilespmem:$0x18200] =	vst v63  }
0x6c0: {  	v17 =	vperm.xlane v17, v16;
	v49 =	vadd.s32 v3, v48;
	s12 =	simm.s32 $0x5000  }
0x6c1: {  	[tilespmem:s12], [sflag:$0x1] =	stream.indirect_vreg.gather [hbm4b:s6+s2], $0x80, v18, vm0, $0xb8;
	[tilespmem:$0x18200] =	vst v63  }
0x6c2: {  	v17 =	vadd.s32 v3, v17;
	s12 =	simm.s32 $0x5080  }
0x6c3: {  	[tilespmem:s12], [sflag:$0x1] =	stream.indirect_vreg.gather [hbm4b:s6+s2], $0x80, v19, vm0, $0xb8;
	[tilespmem:$0x18200] =	vst v63  }
0x6c4: {  	s12 =	simm.s32 $0x5100  }
0x6c5: {  	[tilespmem:s12], [sflag:$0x1] =	stream.indirect_vreg.gather [hbm4b:s6+s2], $0x80, v49, vm0, $0xb8;
	[tilespmem:$0x18200] =	vst v63  }
0x6c6: {  	s12 =	simm.s32 $0x5180  }
0x6c7: {  	[tilespmem:s12], [sflag:$0x1] =	stream.indirect_vreg.gather [hbm4b:s6+s2], $0x80, v17, vm0, $0xb8;
	[tilespmem:$0x18200] =	vst v63  }
0x6c8: {  	v17 =	vld [tilespmem:$0x120];
	_ =	sdelay $0x4  }
0x6c9: {  	v18 =	vshrl.u32 v17, $0x3  }
0x6ca: {  	v18 =	vmul.u32 $0x18, v18  }
0x6cb: {  	v17 =	vand.u32 $0x7, v17  }
0x6cc: {  	v17 =	vor.u32 v17, v18  }
0x6cd: {  	v18 =	vperm.xlane v17, v2;
	_ =	sdelay $0x1  }
0x6ce: {  	v19 =	vperm.xlane v17, v4;
	v18 =	vadd.s32 v3, v18;
	_ =	sdelay $0x1  }
0x6cf: {  	v50 =	vperm.xlane v17, v5;
	v19 =	vadd.s32 v3, v19;
	_ =	sdelay $0x1  }
0x6d0: {  	s12 =	simm.s32 $0x5200;
	v51 =	vperm.xlane v17, v0;
	v20 =	vadd.s32 v3, v50  }
0x6d1: {  	[tilespmem:s12], [sflag:$0x1] =	stream.indirect_vreg.gather [hbm4b:s6+s2], $0x80, v18, vm0, $0xb8;
	[tilespmem:$0x18200] =	vst v63  }
0x6d2: {  	v52 =	vperm.xlane v17, v6;
	v18 =	vadd.s32 v3, v51;
	s12 =	simm.s32 $0x5280  }
0x6d3: {  	[tilespmem:s12], [sflag:$0x1] =	stream.indirect_vreg.gather [hbm4b:s6+s2], $0x80, v19, vm0, $0xb8;
	[tilespmem:$0x18200] =	vst v63  }
0x6d4: {  	v53 =	vperm.xlane v17, v7;
	v19 =	vadd.s32 v3, v52;
	s12 =	simm.s32 $0x5300  }
0x6d5: {  	[tilespmem:s12], [sflag:$0x1] =	stream.indirect_vreg.gather [hbm4b:s6+s2], $0x80, v20, vm0, $0xb8;
	[tilespmem:$0x18200] =	vst v63  }
0x6d6: {  	v55 =	vperm.xlane v17, v8;
	v54 =	vadd.s32 v3, v53;
	s12 =	simm.s32 $0x5380  }
0x6d7: {  	[tilespmem:s12], [sflag:$0x1] =	stream.indirect_vreg.gather [hbm4b:s6+s2], $0x80, v18, vm0, $0xb8;
	[tilespmem:$0x18200] =	vst v63  }
0x6d8: {  	v56 =	vperm.xlane v17, v1;
	v18 =	vadd.s32 v3, v55;
	s12 =	simm.s32 $0x5400  }
0x6d9: {  	[tilespmem:s12], [sflag:$0x1] =	stream.indirect_vreg.gather [hbm4b:s6+s2], $0x80, v19, vm0, $0xb8;
	[tilespmem:$0x18200] =	vst v63  }
0x6da: {  	v57 =	vperm.xlane v17, v9;
	v19 =	vadd.s32 v3, v56;
	s12 =	simm.s32 $0x5480  }
0x6db: {  	[tilespmem:s12], [sflag:$0x1] =	stream.indirect_vreg.gather [hbm4b:s6+s2], $0x80, v54, vm0, $0xb8;
	[tilespmem:$0x18200] =	vst v63  }
0x6dc: {  	v59 =	vperm.xlane v17, v10;
	v58 =	vadd.s32 v3, v57;
	s12 =	simm.s32 $0x5500  }
0x6dd: {  	[tilespmem:s12], [sflag:$0x1] =	stream.indirect_vreg.gather [hbm4b:s6+s2], $0x80, v18, vm0, $0xb8;
	[tilespmem:$0x18200] =	vst v63  }
0x6de: {  	v60 =	vperm.xlane v17, v11;
	v18 =	vadd.s32 v3, v59;
	s12 =	simm.s32 $0x5580  }
0x6df: {  	[tilespmem:s12], [sflag:$0x1] =	stream.indirect_vreg.gather [hbm4b:s6+s2], $0x80, v19, vm0, $0xb8;
	[tilespmem:$0x18200] =	vst v63  }
0x6e0: {  	v61 =	vperm.xlane v17, v12;
	v19 =	vadd.s32 v3, v60;
	s12 =	simm.s32 $0x5600  }
0x6e1: {  	[tilespmem:s12], [sflag:$0x1] =	stream.indirect_vreg.gather [hbm4b:s6+s2], $0x80, v58, vm0, $0xb8;
	[tilespmem:$0x18200] =	vst v63  }
0x6e2: {  	v63 =	vperm.xlane v17, v13;
	v62 =	vadd.s32 v3, v61;
	s12 =	simm.s32 $0x5680  }
0x6e3: {  	[tilespmem:s12], [sflag:$0x1] =	stream.indirect_vreg.gather [hbm4b:s6+s2], $0x80, v18, vm0, $0xb8;
	[tilespmem:$0x18200] =	vst v63  }
0x6e4: {  	v24 =	vperm.xlane v17, v14;
	v18 =	vadd.s32 v3, v63;
	s12 =	simm.s32 $0x5700  }
0x6e5: {  	[tilespmem:s12], [sflag:$0x1] =	stream.indirect_vreg.gather [hbm4b:s6+s2], $0x80, v19, vm0, $0xb8;
	[tilespmem:$0x18200] =	vst v63  }
0x6e6: {  	v25 =	vperm.xlane v17, v15;
	v19 =	vadd.s32 v3, v24;
	s12 =	simm.s32 $0x5780  }
0x6e7: {  	[tilespmem:s12], [sflag:$0x1] =	stream.indirect_vreg.gather [hbm4b:s6+s2], $0x80, v62, vm0, $0xb8;
	[tilespmem:$0x18200] =	vst v63  }
0x6e8: {  	v17 =	vperm.xlane v17, v16;
	v26 =	vadd.s32 v3, v25;
	s12 =	simm.s32 $0x5800  }
0x6e9: {  	[tilespmem:s12], [sflag:$0x1] =	stream.indirect_vreg.gather [hbm4b:s6+s2], $0x80, v18, vm0, $0xb8;
	[tilespmem:$0x18200] =	vst v63  }
0x6ea: {  	v17 =	vadd.s32 v3, v17;
	s12 =	simm.s32 $0x5880  }
0x6eb: {  	[tilespmem:s12], [sflag:$0x1] =	stream.indirect_vreg.gather [hbm4b:s6+s2], $0x80, v19, vm0, $0xb8;
	[tilespmem:$0x18200] =	vst v63  }
0x6ec: {  	s12 =	simm.s32 $0x5900  }
0x6ed: {  	[tilespmem:s12], [sflag:$0x1] =	stream.indirect_vreg.gather [hbm4b:s6+s2], $0x80, v26, vm0, $0xb8;
	[tilespmem:$0x18200] =	vst v63  }
0x6ee: {  	s12 =	simm.s32 $0x5980  }
0x6ef: {  	[tilespmem:s12], [sflag:$0x1] =	stream.indirect_vreg.gather [hbm4b:s6+s2], $0x80, v17, vm0, $0xb8;
	[tilespmem:$0x18200] =	vst v63  }
0x6f0: {  	v17 =	vld [tilespmem:$0x130];
	_ =	sdelay $0x4  }
0x6f1: {  	v18 =	vshrl.u32 v17, $0x3  }
0x6f2: {  	v18 =	vmul.u32 $0x18, v18  }
0x6f3: {  	v17 =	vand.u32 $0x7, v17  }
0x6f4: {  	v17 =	vor.u32 v17, v18  }
0x6f5: {  	v18 =	vperm.xlane v17, v2;
	_ =	sdelay $0x1  }
0x6f6: {  	v19 =	vperm.xlane v17, v4;
	v18 =	vadd.s32 v3, v18;
	_ =	sdelay $0x1  }
0x6f7: {  	v27 =	vperm.xlane v17, v5;
	v19 =	vadd.s32 v3, v19;
	_ =	sdelay $0x1  }
0x6f8: {  	s12 =	simm.s32 $0x5A00;
	v28 =	vperm.xlane v17, v0;
	v20 =	vadd.s32 v3, v27  }
0x6f9: {  	[tilespmem:s12], [sflag:$0x1] =	stream.indirect_vreg.gather [hbm4b:s6+s2], $0x80, v18, vm0, $0xb8;
	[tilespmem:$0x18200] =	vst v63  }
0x6fa: {  	v29 =	vperm.xlane v17, v6;
	v18 =	vadd.s32 v3, v28;
	s12 =	simm.s32 $0x5A80  }
0x6fb: {  	[tilespmem:s12], [sflag:$0x1] =	stream.indirect_vreg.gather [hbm4b:s6+s2], $0x80, v19, vm0, $0xb8;
	[tilespmem:$0x18200] =	vst v63  }
0x6fc: {  	v30 =	vperm.xlane v17, v7;
	v19 =	vadd.s32 v3, v29;
	s12 =	simm.s32 $0x5B00  }
0x6fd: {  	[tilespmem:s12], [sflag:$0x1] =	stream.indirect_vreg.gather [hbm4b:s6+s2], $0x80, v20, vm0, $0xb8;
	[tilespmem:$0x18200] =	vst v63  }
0x6fe: {  	v32 =	vperm.xlane v17, v8;
	v31 =	vadd.s32 v3, v30;
	s12 =	simm.s32 $0x5B80  }
0x6ff: {  	[tilespmem:s12], [sflag:$0x1] =	stream.indirect_vreg.gather [hbm4b:s6+s2], $0x80, v18, vm0, $0xb8;
	[tilespmem:$0x18200] =	vst v63  }
0x700: {  	v33 =	vperm.xlane v17, v1;
	v18 =	vadd.s32 v3, v32;
	s12 =	simm.s32 $0x5C00  }
0x701: {  	[tilespmem:s12], [sflag:$0x1] =	stream.indirect_vreg.gather [hbm4b:s6+s2], $0x80, v19, vm0, $0xb8;
	[tilespmem:$0x18200] =	vst v63  }
0x702: {  	v34 =	vperm.xlane v17, v9;
	v19 =	vadd.s32 v3, v33;
	s12 =	simm.s32 $0x5C80  }
0x703: {  	[tilespmem:s12], [sflag:$0x1] =	stream.indirect_vreg.gather [hbm4b:s6+s2], $0x80, v31, vm0, $0xb8;
	[tilespmem:$0x18200] =	vst v63  }
0x704: {  	v36 =	vperm.xlane v17, v10;
	v35 =	vadd.s32 v3, v34;
	s12 =	simm.s32 $0x5D00  }
0x705: {  	[tilespmem:s12], [sflag:$0x1] =	stream.indirect_vreg.gather [hbm4b:s6+s2], $0x80, v18, vm0, $0xb8;
	[tilespmem:$0x18200] =	vst v63  }
0x706: {  	v37 =	vperm.xlane v17, v11;
	v18 =	vadd.s32 v3, v36;
	s12 =	simm.s32 $0x5D80  }
0x707: {  	[tilespmem:s12], [sflag:$0x1] =	stream.indirect_vreg.gather [hbm4b:s6+s2], $0x80, v19, vm0, $0xb8;
	[tilespmem:$0x18200] =	vst v63  }
0x708: {  	v38 =	vperm.xlane v17, v12;
	v19 =	vadd.s32 v3, v37;
	s12 =	simm.s32 $0x5E00  }
0x709: {  	[tilespmem:s12], [sflag:$0x1] =	stream.indirect_vreg.gather [hbm4b:s6+s2], $0x80, v35, vm0, $0xb8;
	[tilespmem:$0x18200] =	vst v63  }
0x70a: {  	v40 =	vperm.xlane v17, v13;
	v39 =	vadd.s32 v3, v38;
	s12 =	simm.s32 $0x5E80  }
0x70b: {  	[tilespmem:s12], [sflag:$0x1] =	stream.indirect_vreg.gather [hbm4b:s6+s2], $0x80, v18, vm0, $0xb8;
	[tilespmem:$0x18200] =	vst v63  }
0x70c: {  	v41 =	vperm.xlane v17, v14;
	v18 =	vadd.s32 v3, v40;
	s12 =	simm.s32 $0x5F00  }
0x70d: {  	[tilespmem:s12], [sflag:$0x1] =	stream.indirect_vreg.gather [hbm4b:s6+s2], $0x80, v19, vm0, $0xb8;
	[tilespmem:$0x18200] =	vst v63  }
0x70e: {  	v42 =	vperm.xlane v17, v15;
	v19 =	vadd.s32 v3, v41;
	s12 =	simm.s32 $0x5F80  }
0x70f: {  	[tilespmem:s12], [sflag:$0x1] =	stream.indirect_vreg.gather [hbm4b:s6+s2], $0x80, v39, vm0, $0xb8;
	[tilespmem:$0x18200] =	vst v63  }
0x710: {  	v17 =	vperm.xlane v17, v16;
	v43 =	vadd.s32 v3, v42;
	s12 =	simm.s32 $0x6000  }
0x711: {  	[tilespmem:s12], [sflag:$0x1] =	stream.indirect_vreg.gather [hbm4b:s6+s2], $0x80, v18, vm0, $0xb8;
	[tilespmem:$0x18200] =	vst v63  }
0x712: {  	v17 =	vadd.s32 v3, v17;
	s12 =	simm.s32 $0x6080  }
0x713: {  	[tilespmem:s12], [sflag:$0x1] =	stream.indirect_vreg.gather [hbm4b:s6+s2], $0x80, v19, vm0, $0xb8;
	[tilespmem:$0x18200] =	vst v63  }
0x714: {  	s12 =	simm.s32 $0x6100  }
0x715: {  	[tilespmem:s12], [sflag:$0x1] =	stream.indirect_vreg.gather [hbm4b:s6+s2], $0x80, v43, vm0, $0xb8;
	[tilespmem:$0x18200] =	vst v63  }
0x716: {  	s12 =	simm.s32 $0x6180  }
0x717: {  	[tilespmem:s12], [sflag:$0x1] =	stream.indirect_vreg.gather [hbm4b:s6+s2], $0x80, v17, vm0, $0xb8;
	[tilespmem:$0x18200] =	vst v63  }
0x718: {  	v17 =	vld [tilespmem:$0x140];
	_ =	sdelay $0x4  }
0x719: {  	v18 =	vshrl.u32 v17, $0x3  }
0x71a: {  	v18 =	vmul.u32 $0x18, v18  }
0x71b: {  	v17 =	vand.u32 $0x7, v17  }
0x71c: {  	v17 =	vor.u32 v17, v18  }
0x71d: {  	v18 =	vperm.xlane v17, v2;
	_ =	sdelay $0x1  }
0x71e: {  	v19 =	vperm.xlane v17, v4;
	v18 =	vadd.s32 v3, v18;
	_ =	sdelay $0x1  }
0x71f: {  	v44 =	vperm.xlane v17, v5;
	v19 =	vadd.s32 v3, v19;
	_ =	sdelay $0x1  }
0x720: {  	s12 =	simm.s32 $0x6200;
	v45 =	vperm.xlane v17, v0;
	v20 =	vadd.s32 v3, v44  }
0x721: {  	[tilespmem:s12], [sflag:$0x1] =	stream.indirect_vreg.gather [hbm4b:s6+s2], $0x80, v18, vm0, $0xb8;
	[tilespmem:$0x18200] =	vst v63  }
0x722: {  	v46 =	vperm.xlane v17, v6;
	v18 =	vadd.s32 v3, v45;
	s12 =	simm.s32 $0x6280  }
0x723: {  	[tilespmem:s12], [sflag:$0x1] =	stream.indirect_vreg.gather [hbm4b:s6+s2], $0x80, v19, vm0, $0xb8;
	[tilespmem:$0x18200] =	vst v63  }
0x724: {  	v47 =	vperm.xlane v17, v7;
	v19 =	vadd.s32 v3, v46;
	s12 =	simm.s32 $0x6300  }
0x725: {  	[tilespmem:s12], [sflag:$0x1] =	stream.indirect_vreg.gather [hbm4b:s6+s2], $0x80, v20, vm0, $0xb8;
	[tilespmem:$0x18200] =	vst v63  }
0x726: {  	v49 =	vperm.xlane v17, v8;
	v48 =	vadd.s32 v3, v47;
	s12 =	simm.s32 $0x6380  }
0x727: {  	[tilespmem:s12], [sflag:$0x1] =	stream.indirect_vreg.gather [hbm4b:s6+s2], $0x80, v18, vm0, $0xb8;
	[tilespmem:$0x18200] =	vst v63  }
0x728: {  	v50 =	vperm.xlane v17, v1;
	v18 =	vadd.s32 v3, v49;
	s12 =	simm.s32 $0x6400  }
0x729: {  	[tilespmem:s12], [sflag:$0x1] =	stream.indirect_vreg.gather [hbm4b:s6+s2], $0x80, v19, vm0, $0xb8;
	[tilespmem:$0x18200] =	vst v63  }
0x72a: {  	v51 =	vperm.xlane v17, v9;
	v19 =	vadd.s32 v3, v50;
	s12 =	simm.s32 $0x6480  }
0x72b: {  	[tilespmem:s12], [sflag:$0x1] =	stream.indirect_vreg.gather [hbm4b:s6+s2], $0x80, v48, vm0, $0xb8;
	[tilespmem:$0x18200] =	vst v63  }
0x72c: {  	v53 =	vperm.xlane v17, v10;
	v52 =	vadd.s32 v3, v51;
	s12 =	simm.s32 $0x6500  }
0x72d: {  	[tilespmem:s12], [sflag:$0x1] =	stream.indirect_vreg.gather [hbm4b:s6+s2], $0x80, v18, vm0, $0xb8;
	[tilespmem:$0x18200] =	vst v63  }
0x72e: {  	v54 =	vperm.xlane v17, v11;
	v18 =	vadd.s32 v3, v53;
	s12 =	simm.s32 $0x6580  }
0x72f: {  	[tilespmem:s12], [sflag:$0x1] =	stream.indirect_vreg.gather [hbm4b:s6+s2], $0x80, v19, vm0, $0xb8;
	[tilespmem:$0x18200] =	vst v63  }
0x730: {  	v55 =	vperm.xlane v17, v12;
	v19 =	vadd.s32 v3, v54;
	s12 =	simm.s32 $0x6600  }
0x731: {  	[tilespmem:s12], [sflag:$0x1] =	stream.indirect_vreg.gather [hbm4b:s6+s2], $0x80, v52, vm0, $0xb8;
	[tilespmem:$0x18200] =	vst v63  }
0x732: {  	v57 =	vperm.xlane v17, v13;
	v56 =	vadd.s32 v3, v55;
	s12 =	simm.s32 $0x6680  }
0x733: {  	[tilespmem:s12], [sflag:$0x1] =	stream.indirect_vreg.gather [hbm4b:s6+s2], $0x80, v18, vm0, $0xb8;
	[tilespmem:$0x18200] =	vst v63  }
0x734: {  	v58 =	vperm.xlane v17, v14;
	v18 =	vadd.s32 v3, v57;
	s12 =	simm.s32 $0x6700  }
0x735: {  	[tilespmem:s12], [sflag:$0x1] =	stream.indirect_vreg.gather [hbm4b:s6+s2], $0x80, v19, vm0, $0xb8;
	[tilespmem:$0x18200] =	vst v63  }
0x736: {  	v59 =	vperm.xlane v17, v15;
	v19 =	vadd.s32 v3, v58;
	s12 =	simm.s32 $0x6780  }
0x737: {  	[tilespmem:s12], [sflag:$0x1] =	stream.indirect_vreg.gather [hbm4b:s6+s2], $0x80, v56, vm0, $0xb8;
	[tilespmem:$0x18200] =	vst v63  }
0x738: {  	v17 =	vperm.xlane v17, v16;
	v60 =	vadd.s32 v3, v59;
	s12 =	simm.s32 $0x6800  }
0x739: {  	[tilespmem:s12], [sflag:$0x1] =	stream.indirect_vreg.gather [hbm4b:s6+s2], $0x80, v18, vm0, $0xb8;
	[tilespmem:$0x18200] =	vst v63  }
0x73a: {  	v17 =	vadd.s32 v3, v17;
	s12 =	simm.s32 $0x6880  }
0x73b: {  	[tilespmem:s12], [sflag:$0x1] =	stream.indirect_vreg.gather [hbm4b:s6+s2], $0x80, v19, vm0, $0xb8;
	[tilespmem:$0x18200] =	vst v63  }
0x73c: {  	s12 =	simm.s32 $0x6900  }
0x73d: {  	[tilespmem:s12], [sflag:$0x1] =	stream.indirect_vreg.gather [hbm4b:s6+s2], $0x80, v60, vm0, $0xb8;
	[tilespmem:$0x18200] =	vst v63  }
0x73e: {  	s12 =	simm.s32 $0x6980  }
0x73f: {  	[tilespmem:s12], [sflag:$0x1] =	stream.indirect_vreg.gather [hbm4b:s6+s2], $0x80, v17, vm0, $0xb8;
	[tilespmem:$0x18200] =	vst v63  }
0x740: {  	v17 =	vld [tilespmem:$0x150];
	_ =	sdelay $0x4  }
0x741: {  	v18 =	vshrl.u32 v17, $0x3  }
0x742: {  	v18 =	vmul.u32 $0x18, v18  }
0x743: {  	v17 =	vand.u32 $0x7, v17  }
0x744: {  	v17 =	vor.u32 v17, v18  }
0x745: {  	v18 =	vperm.xlane v17, v2;
	_ =	sdelay $0x1  }
0x746: {  	v19 =	vperm.xlane v17, v4;
	v18 =	vadd.s32 v3, v18;
	_ =	sdelay $0x1  }
0x747: {  	v61 =	vperm.xlane v17, v5;
	v19 =	vadd.s32 v3, v19;
	_ =	sdelay $0x1  }
0x748: {  	s12 =	simm.s32 $0x6A00;
	v62 =	vperm.xlane v17, v0;
	v20 =	vadd.s32 v3, v61  }
0x749: {  	[tilespmem:s12], [sflag:$0x1] =	stream.indirect_vreg.gather [hbm4b:s6+s2], $0x80, v18, vm0, $0xb8;
	[tilespmem:$0x18200] =	vst v63  }
0x74a: {  	v63 =	vperm.xlane v17, v6;
	v18 =	vadd.s32 v3, v62;
	s12 =	simm.s32 $0x6A80  }
0x74b: {  	[tilespmem:s12], [sflag:$0x1] =	stream.indirect_vreg.gather [hbm4b:s6+s2], $0x80, v19, vm0, $0xb8;
	[tilespmem:$0x18200] =	vst v63  }
0x74c: {  	v24 =	vperm.xlane v17, v7;
	v19 =	vadd.s32 v3, v63;
	s12 =	simm.s32 $0x6B00  }
0x74d: {  	[tilespmem:s12], [sflag:$0x1] =	stream.indirect_vreg.gather [hbm4b:s6+s2], $0x80, v20, vm0, $0xb8;
	[tilespmem:$0x18200] =	vst v63  }
0x74e: {  	v26 =	vperm.xlane v17, v8;
	v25 =	vadd.s32 v3, v24;
	s12 =	simm.s32 $0x6B80  }
0x74f: {  	[tilespmem:s12], [sflag:$0x1] =	stream.indirect_vreg.gather [hbm4b:s6+s2], $0x80, v18, vm0, $0xb8;
	[tilespmem:$0x18200] =	vst v63  }
0x750: {  	v27 =	vperm.xlane v17, v1;
	v18 =	vadd.s32 v3, v26;
	s12 =	simm.s32 $0x6C00  }
0x751: {  	[tilespmem:s12], [sflag:$0x1] =	stream.indirect_vreg.gather [hbm4b:s6+s2], $0x80, v19, vm0, $0xb8;
	[tilespmem:$0x18200] =	vst v63  }
0x752: {  	v28 =	vperm.xlane v17, v9;
	v19 =	vadd.s32 v3, v27;
	s12 =	simm.s32 $0x6C80  }
0x753: {  	[tilespmem:s12], [sflag:$0x1] =	stream.indirect_vreg.gather [hbm4b:s6+s2], $0x80, v25, vm0, $0xb8;
	[tilespmem:$0x18200] =	vst v63  }
0x754: {  	v30 =	vperm.xlane v17, v10;
	v29 =	vadd.s32 v3, v28;
	s12 =	simm.s32 $0x6D00  }
0x755: {  	[tilespmem:s12], [sflag:$0x1] =	stream.indirect_vreg.gather [hbm4b:s6+s2], $0x80, v18, vm0, $0xb8;
	[tilespmem:$0x18200] =	vst v63  }
0x756: {  	v31 =	vperm.xlane v17, v11;
	v18 =	vadd.s32 v3, v30;
	s12 =	simm.s32 $0x6D80  }
0x757: {  	[tilespmem:s12], [sflag:$0x1] =	stream.indirect_vreg.gather [hbm4b:s6+s2], $0x80, v19, vm0, $0xb8;
	[tilespmem:$0x18200] =	vst v63  }
0x758: {  	v32 =	vperm.xlane v17, v12;
	v19 =	vadd.s32 v3, v31;
	s12 =	simm.s32 $0x6E00  }
0x759: {  	[tilespmem:s12], [sflag:$0x1] =	stream.indirect_vreg.gather [hbm4b:s6+s2], $0x80, v29, vm0, $0xb8;
	[tilespmem:$0x18200] =	vst v63  }
0x75a: {  	v34 =	vperm.xlane v17, v13;
	v33 =	vadd.s32 v3, v32;
	s12 =	simm.s32 $0x6E80  }
0x75b: {  	[tilespmem:s12], [sflag:$0x1] =	stream.indirect_vreg.gather [hbm4b:s6+s2], $0x80, v18, vm0, $0xb8;
	[tilespmem:$0x18200] =	vst v63  }
0x75c: {  	v35 =	vperm.xlane v17, v14;
	v18 =	vadd.s32 v3, v34;
	s12 =	simm.s32 $0x6F00  }
0x75d: {  	[tilespmem:s12], [sflag:$0x1] =	stream.indirect_vreg.gather [hbm4b:s6+s2], $0x80, v19, vm0, $0xb8;
	[tilespmem:$0x18200] =	vst v63  }
0x75e: {  	v36 =	vperm.xlane v17, v15;
	v19 =	vadd.s32 v3, v35;
	s12 =	simm.s32 $0x6F80  }
0x75f: {  	[tilespmem:s12], [sflag:$0x1] =	stream.indirect_vreg.gather [hbm4b:s6+s2], $0x80, v33, vm0, $0xb8;
	[tilespmem:$0x18200] =	vst v63  }
0x760: {  	v17 =	vperm.xlane v17, v16;
	v37 =	vadd.s32 v3, v36;
	s12 =	simm.s32 $0x7000  }
0x761: {  	[tilespmem:s12], [sflag:$0x1] =	stream.indirect_vreg.gather [hbm4b:s6+s2], $0x80, v18, vm0, $0xb8;
	[tilespmem:$0x18200] =	vst v63  }
0x762: {  	v17 =	vadd.s32 v3, v17;
	s12 =	simm.s32 $0x7080  }
0x763: {  	[tilespmem:s12], [sflag:$0x1] =	stream.indirect_vreg.gather [hbm4b:s6+s2], $0x80, v19, vm0, $0xb8;
	[tilespmem:$0x18200] =	vst v63  }
0x764: {  	s12 =	simm.s32 $0x7100  }
0x765: {  	[tilespmem:s12], [sflag:$0x1] =	stream.indirect_vreg.gather [hbm4b:s6+s2], $0x80, v37, vm0, $0xb8;
	[tilespmem:$0x18200] =	vst v63  }
0x766: {  	s12 =	simm.s32 $0x7180  }
0x767: {  	[tilespmem:s12], [sflag:$0x1] =	stream.indirect_vreg.gather [hbm4b:s6+s2], $0x80, v17, vm0, $0xb8;
	[tilespmem:$0x18200] =	vst v63  }
0x768: {  	v17 =	vld [tilespmem:$0x160];
	_ =	sdelay $0x4  }
0x769: {  	v18 =	vshrl.u32 v17, $0x3  }
0x76a: {  	v18 =	vmul.u32 $0x18, v18  }
0x76b: {  	v17 =	vand.u32 $0x7, v17  }
0x76c: {  	v17 =	vor.u32 v17, v18  }
0x76d: {  	v18 =	vperm.xlane v17, v2;
	_ =	sdelay $0x1  }
0x76e: {  	v19 =	vperm.xlane v17, v4;
	v18 =	vadd.s32 v3, v18;
	_ =	sdelay $0x1  }
0x76f: {  	v38 =	vperm.xlane v17, v5;
	v19 =	vadd.s32 v3, v19;
	_ =	sdelay $0x1  }
0x770: {  	s12 =	simm.s32 $0x7200;
	v39 =	vperm.xlane v17, v0;
	v20 =	vadd.s32 v3, v38  }
0x771: {  	[tilespmem:s12], [sflag:$0x1] =	stream.indirect_vreg.gather [hbm4b:s6+s2], $0x80, v18, vm0, $0xb8;
	[tilespmem:$0x18200] =	vst v63  }
0x772: {  	v40 =	vperm.xlane v17, v6;
	v18 =	vadd.s32 v3, v39;
	s12 =	simm.s32 $0x7280  }
0x773: {  	[tilespmem:s12], [sflag:$0x1] =	stream.indirect_vreg.gather [hbm4b:s6+s2], $0x80, v19, vm0, $0xb8;
	[tilespmem:$0x18200] =	vst v63  }
0x774: {  	v41 =	vperm.xlane v17, v7;
	v19 =	vadd.s32 v3, v40;
	s12 =	simm.s32 $0x7300  }
0x775: {  	[tilespmem:s12], [sflag:$0x1] =	stream.indirect_vreg.gather [hbm4b:s6+s2], $0x80, v20, vm0, $0xb8;
	[tilespmem:$0x18200] =	vst v63  }
0x776: {  	v43 =	vperm.xlane v17, v8;
	v42 =	vadd.s32 v3, v41;
	s12 =	simm.s32 $0x7380  }
0x777: {  	[tilespmem:s12], [sflag:$0x1] =	stream.indirect_vreg.gather [hbm4b:s6+s2], $0x80, v18, vm0, $0xb8;
	[tilespmem:$0x18200] =	vst v63  }
0x778: {  	v44 =	vperm.xlane v17, v1;
	v18 =	vadd.s32 v3, v43;
	s12 =	simm.s32 $0x7400  }
0x779: {  	[tilespmem:s12], [sflag:$0x1] =	stream.indirect_vreg.gather [hbm4b:s6+s2], $0x80, v19, vm0, $0xb8;
	[tilespmem:$0x18200] =	vst v63  }
0x77a: {  	v45 =	vperm.xlane v17, v9;
	v19 =	vadd.s32 v3, v44;
	s12 =	simm.s32 $0x7480  }
0x77b: {  	[tilespmem:s12], [sflag:$0x1] =	stream.indirect_vreg.gather [hbm4b:s6+s2], $0x80, v42, vm0, $0xb8;
	[tilespmem:$0x18200] =	vst v63  }
0x77c: {  	v47 =	vperm.xlane v17, v10;
	v46 =	vadd.s32 v3, v45;
	s12 =	simm.s32 $0x7500  }
0x77d: {  	[tilespmem:s12], [sflag:$0x1] =	stream.indirect_vreg.gather [hbm4b:s6+s2], $0x80, v18, vm0, $0xb8;
	[tilespmem:$0x18200] =	vst v63  }
0x77e: {  	v48 =	vperm.xlane v17, v11;
	v18 =	vadd.s32 v3, v47;
	s12 =	simm.s32 $0x7580  }
0x77f: {  	[tilespmem:s12], [sflag:$0x1] =	stream.indirect_vreg.gather [hbm4b:s6+s2], $0x80, v19, vm0, $0xb8;
	[tilespmem:$0x18200] =	vst v63  }
0x780: {  	v49 =	vperm.xlane v17, v12;
	v19 =	vadd.s32 v3, v48;
	s12 =	simm.s32 $0x7600  }
0x781: {  	[tilespmem:s12], [sflag:$0x1] =	stream.indirect_vreg.gather [hbm4b:s6+s2], $0x80, v46, vm0, $0xb8;
	[tilespmem:$0x18200] =	vst v63  }
0x782: {  	v51 =	vperm.xlane v17, v13;
	v50 =	vadd.s32 v3, v49;
	s12 =	simm.s32 $0x7680  }
0x783: {  	[tilespmem:s12], [sflag:$0x1] =	stream.indirect_vreg.gather [hbm4b:s6+s2], $0x80, v18, vm0, $0xb8;
	[tilespmem:$0x18200] =	vst v63  }
0x784: {  	v52 =	vperm.xlane v17, v14;
	v18 =	vadd.s32 v3, v51;
	s12 =	simm.s32 $0x7700  }
0x785: {  	[tilespmem:s12], [sflag:$0x1] =	stream.indirect_vreg.gather [hbm4b:s6+s2], $0x80, v19, vm0, $0xb8;
	[tilespmem:$0x18200] =	vst v63  }
0x786: {  	v53 =	vperm.xlane v17, v15;
	v19 =	vadd.s32 v3, v52;
	s12 =	simm.s32 $0x7780  }
0x787: {  	[tilespmem:s12], [sflag:$0x1] =	stream.indirect_vreg.gather [hbm4b:s6+s2], $0x80, v50, vm0, $0xb8;
	[tilespmem:$0x18200] =	vst v63  }
0x788: {  	v17 =	vperm.xlane v17, v16;
	v54 =	vadd.s32 v3, v53;
	s12 =	simm.s32 $0x7800  }
0x789: {  	[tilespmem:s12], [sflag:$0x1] =	stream.indirect_vreg.gather [hbm4b:s6+s2], $0x80, v18, vm0, $0xb8;
	[tilespmem:$0x18200] =	vst v63  }
0x78a: {  	v17 =	vadd.s32 v3, v17;
	s12 =	simm.s32 $0x7880  }
0x78b: {  	[tilespmem:s12], [sflag:$0x1] =	stream.indirect_vreg.gather [hbm4b:s6+s2], $0x80, v19, vm0, $0xb8;
	[tilespmem:$0x18200] =	vst v63  }
0x78c: {  	s12 =	simm.s32 $0x7900  }
0x78d: {  	[tilespmem:s12], [sflag:$0x1] =	stream.indirect_vreg.gather [hbm4b:s6+s2], $0x80, v54, vm0, $0xb8;
	[tilespmem:$0x18200] =	vst v63  }
0x78e: {  	s12 =	simm.s32 $0x7980  }
0x78f: {  	[tilespmem:s12], [sflag:$0x1] =	stream.indirect_vreg.gather [hbm4b:s6+s2], $0x80, v17, vm0, $0xb8;
	[tilespmem:$0x18200] =	vst v63  }
0x790: {  	v17 =	vld [tilespmem:$0x170];
	_ =	sdelay $0x4  }
0x791: {  	v18 =	vshrl.u32 v17, $0x3  }
0x792: {  	v18 =	vmul.u32 $0x18, v18  }
0x793: {  	v17 =	vand.u32 $0x7, v17  }
0x794: {  	v17 =	vor.u32 v17, v18  }
0x795: {  	v18 =	vperm.xlane v17, v2;
	_ =	sdelay $0x1  }
0x796: {  	v19 =	vperm.xlane v17, v4;
	v18 =	vadd.s32 v3, v18;
	_ =	sdelay $0x1  }
0x797: {  	v55 =	vperm.xlane v17, v5;
	v19 =	vadd.s32 v3, v19;
	_ =	sdelay $0x1  }
0x798: {  	s12 =	simm.s32 $0x7A00;
	v56 =	vperm.xlane v17, v0;
	v20 =	vadd.s32 v3, v55  }
0x799: {  	[tilespmem:s12], [sflag:$0x1] =	stream.indirect_vreg.gather [hbm4b:s6+s2], $0x80, v18, vm0, $0xb8;
	[tilespmem:$0x18200] =	vst v63  }
0x79a: {  	v57 =	vperm.xlane v17, v6;
	v18 =	vadd.s32 v3, v56;
	s12 =	simm.s32 $0x7A80  }
0x79b: {  	[tilespmem:s12], [sflag:$0x1] =	stream.indirect_vreg.gather [hbm4b:s6+s2], $0x80, v19, vm0, $0xb8;
	[tilespmem:$0x18200] =	vst v63  }
0x79c: {  	v58 =	vperm.xlane v17, v7;
	v19 =	vadd.s32 v3, v57;
	s12 =	simm.s32 $0x7B00  }
0x79d: {  	[tilespmem:s12], [sflag:$0x1] =	stream.indirect_vreg.gather [hbm4b:s6+s2], $0x80, v20, vm0, $0xb8;
	[tilespmem:$0x18200] =	vst v63  }
0x79e: {  	v60 =	vperm.xlane v17, v8;
	v59 =	vadd.s32 v3, v58;
	s12 =	simm.s32 $0x7B80  }
0x79f: {  	[tilespmem:s12], [sflag:$0x1] =	stream.indirect_vreg.gather [hbm4b:s6+s2], $0x80, v18, vm0, $0xb8;
	[tilespmem:$0x18200] =	vst v63  }
0x7a0: {  	v61 =	vperm.xlane v17, v1;
	v18 =	vadd.s32 v3, v60;
	s12 =	simm.s32 $0x7C00  }
0x7a1: {  	[tilespmem:s12], [sflag:$0x1] =	stream.indirect_vreg.gather [hbm4b:s6+s2], $0x80, v19, vm0, $0xb8;
	[tilespmem:$0x18200] =	vst v63  }
0x7a2: {  	v62 =	vperm.xlane v17, v9;
	v19 =	vadd.s32 v3, v61;
	s12 =	simm.s32 $0x7C80  }
0x7a3: {  	[tilespmem:s12], [sflag:$0x1] =	stream.indirect_vreg.gather [hbm4b:s6+s2], $0x80, v59, vm0, $0xb8;
	[tilespmem:$0x18200] =	vst v63  }
0x7a4: {  	v24 =	vperm.xlane v17, v10;
	v63 =	vadd.s32 v3, v62;
	s12 =	simm.s32 $0x7D00  }
0x7a5: {  	[tilespmem:s12], [sflag:$0x1] =	stream.indirect_vreg.gather [hbm4b:s6+s2], $0x80, v18, vm0, $0xb8;
	[tilespmem:$0x18200] =	vst v63  }
0x7a6: {  	v25 =	vperm.xlane v17, v11;
	v18 =	vadd.s32 v3, v24;
	s12 =	simm.s32 $0x7D80  }
0x7a7: {  	[tilespmem:s12], [sflag:$0x1] =	stream.indirect_vreg.gather [hbm4b:s6+s2], $0x80, v19, vm0, $0xb8;
	[tilespmem:$0x18200] =	vst v63  }
0x7a8: {  	v26 =	vperm.xlane v17, v12;
	v19 =	vadd.s32 v3, v25;
	s12 =	simm.s32 $0x7E00  }
0x7a9: {  	[tilespmem:s12], [sflag:$0x1] =	stream.indirect_vreg.gather [hbm4b:s6+s2], $0x80, v63, vm0, $0xb8;
	[tilespmem:$0x18200] =	vst v63  }
0x7aa: {  	v28 =	vperm.xlane v17, v13;
	v27 =	vadd.s32 v3, v26;
	s12 =	simm.s32 $0x7E80  }
0x7ab: {  	[tilespmem:s12], [sflag:$0x1] =	stream.indirect_vreg.gather [hbm4b:s6+s2], $0x80, v18, vm0, $0xb8;
	[tilespmem:$0x18200] =	vst v63  }
0x7ac: {  	v29 =	vperm.xlane v17, v14;
	v18 =	vadd.s32 v3, v28;
	s12 =	simm.s32 $0x7F00  }
0x7ad: {  	[tilespmem:s12], [sflag:$0x1] =	stream.indirect_vreg.gather [hbm4b:s6+s2], $0x80, v19, vm0, $0xb8;
	[tilespmem:$0x18200] =	vst v63  }
0x7ae: {  	v30 =	vperm.xlane v17, v15;
	v19 =	vadd.s32 v3, v29;
	s12 =	simm.s32 $0x7F80  }
0x7af: {  	[tilespmem:s12], [sflag:$0x1] =	stream.indirect_vreg.gather [hbm4b:s6+s2], $0x80, v27, vm0, $0xb8;
	[tilespmem:$0x18200] =	vst v63  }
0x7b0: {  	v17 =	vperm.xlane v17, v16;
	v31 =	vadd.s32 v3, v30;
	s12 =	simm.s32 $0x8000  }
0x7b1: {  	[tilespmem:s12], [sflag:$0x1] =	stream.indirect_vreg.gather [hbm4b:s6+s2], $0x80, v18, vm0, $0xb8;
	[tilespmem:$0x18200] =	vst v63  }
0x7b2: {  	v17 =	vadd.s32 v3, v17;
	s12 =	simm.s32 $0x8080  }
0x7b3: {  	[tilespmem:s12], [sflag:$0x1] =	stream.indirect_vreg.gather [hbm4b:s6+s2], $0x80, v19, vm0, $0xb8;
	[tilespmem:$0x18200] =	vst v63  }
0x7b4: {  	s12 =	simm.s32 $0x8100  }
0x7b5: {  	[tilespmem:s12], [sflag:$0x1] =	stream.indirect_vreg.gather [hbm4b:s6+s2], $0x80, v31, vm0, $0xb8;
	[tilespmem:$0x18200] =	vst v63  }
0x7b6: {  	s12 =	simm.s32 $0x8180  }
0x7b7: {  	[tilespmem:s12], [sflag:$0x1] =	stream.indirect_vreg.gather [hbm4b:s6+s2], $0x80, v17, vm0, $0xb8;
	[tilespmem:$0x18200] =	vst v63  }
0x7b8: {  	s3 =	rddreg [dreg:$0xf]  }
0x7b9: {  	[tilespmem:s9], [sflag:$0x1] =	stream.indirect.gather [hbm4b:s14+s1], $0x80, s3, s1, $0xb8;
	[tilespmem:$0x18200] =	vst v63  }
0x7ba: {  	_ =	swait.ge [sflag:s16], $0x4000  }
0x7bb: {  	[sflag:s16] =	ssyncset.done $0x0  }
0x7bc: {  	[sflag:s16] =	ssyncadd.s32 $0xFFFFC000  }
0x7bd: {  	_ =	swait.ge [sflag:s16], $0x4000  }
0x7be: {  	[sflag:s16] =	ssyncset.done $0x0  }
0x7bf: {  	[sflag:s16] =	ssyncadd.s32 $0xFFFFC000  }
0x7c0: {  	_ =	swait.ge [sflag:s16], $0x4000  }
0x7c1: {  	[sflag:s16] =	ssyncset.done $0x0  }
0x7c2: {  	s12 =	rddreg [dreg:$0x6];
	[sflag:s16] =	ssyncadd.s32 $0xFFFFC000  }
0x7c3: {  	[hbm4b:s12+s13] =	stream.strided.scatter [tilespmem:s10], [sflag:$0x3], $0x4000, s30, s13, $0x38;
	[tilespmem:$0x18200] =	vst v63  }
0x7c4: {  	_ =	swait.ge [sflag:s8], $0x4000  }
0x7c5: {  	[sflag:s8] =	ssyncset.done $0x0  }
0x7c6: {  	s12 =	rddreg [dreg:$0x7];
	[sflag:s8] =	ssyncadd.s32 $0xFFFFC000  }
0x7c7: {  	[hbm4b:s12+s13] =	stream.strided.scatter [tilespmem:s0], [sflag:$0x3], $0x4000, s30, s13, $0x38;
	[tilespmem:$0x18200] =	vst v63  }
0x7c8: {  	_ =	swait.ge [sflag:s8], $0x4000  }
0x7c9: {  	[sflag:s8] =	ssyncset.done $0x0  }
0x7ca: {  	s12 =	rddreg [dreg:$0x8];
	[sflag:s8] =	ssyncadd.s32 $0xFFFFC000  }
0x7cb: {  	[hbm4b:s12+s13] =	stream.strided.scatter [tilespmem:s5], [sflag:$0x3], $0x4000, s30, s13, $0x38;
	[tilespmem:$0x18200] =	vst v63  }
0x7cc: {  	_ =	swait.ge [sflag:s8], $0x4000  }
0x7cd: {  	[sflag:s8] =	ssyncset.done $0x0  }
0x7ce: {  	[sflag:s8] =	ssyncadd.s32 $0xFFFFC000  }
0x7cf: {  	v17 =	vld [tilespmem:$0x180];
	_ =	sdelay $0x4  }
0x7d0: {  	v18 =	vshrl.u32 v17, $0x3  }
0x7d1: {  	v18 =	vmul.u32 $0x18, v18  }
0x7d2: {  	v17 =	vand.u32 $0x7, v17  }
0x7d3: {  	v17 =	vor.u32 v17, v18  }
0x7d4: {  	v18 =	vperm.xlane v17, v2;
	_ =	sdelay $0x1  }
0x7d5: {  	v19 =	vperm.xlane v17, v4;
	v18 =	vadd.s32 v3, v18;
	_ =	sdelay $0x1  }
0x7d6: {  	v32 =	vperm.xlane v17, v5;
	v19 =	vadd.s32 v3, v19;
	_ =	sdelay $0x1  }
0x7d7: {  	v33 =	vperm.xlane v17, v0;
	v20 =	vadd.s32 v3, v32  }
0x7d8: {  	[tilespmem:s10], [sflag:$0x2] =	stream.indirect_vreg.gather [hbm4b:s4+s2], $0x80, v18, vm0, $0xb8;
	[tilespmem:$0x18200] =	vst v63  }
0x7d9: {  	s12 =	simm.s32 $0xC280;
	v34 =	vperm.xlane v17, v6;
	v18 =	vadd.s32 v3, v33  }
0x7da: {  	[tilespmem:s12], [sflag:$0x2] =	stream.indirect_vreg.gather [hbm4b:s4+s2], $0x80, v19, vm0, $0xb8;
	[tilespmem:$0x18200] =	vst v63  }
0x7db: {  	v35 =	vperm.xlane v17, v7;
	v19 =	vadd.s32 v3, v34;
	s12 =	simm.s32 $0xC300  }
0x7dc: {  	[tilespmem:s12], [sflag:$0x2] =	stream.indirect_vreg.gather [hbm4b:s4+s2], $0x80, v20, vm0, $0xb8;
	[tilespmem:$0x18200] =	vst v63  }
0x7dd: {  	v37 =	vperm.xlane v17, v8;
	v36 =	vadd.s32 v3, v35;
	s12 =	simm.s32 $0xC380  }
0x7de: {  	[tilespmem:s12], [sflag:$0x2] =	stream.indirect_vreg.gather [hbm4b:s4+s2], $0x80, v18, vm0, $0xb8;
	[tilespmem:$0x18200] =	vst v63  }
0x7df: {  	v38 =	vperm.xlane v17, v1;
	v18 =	vadd.s32 v3, v37;
	s12 =	simm.s32 $0xC400  }
0x7e0: {  	[tilespmem:s12], [sflag:$0x2] =	stream.indirect_vreg.gather [hbm4b:s4+s2], $0x80, v19, vm0, $0xb8;
	[tilespmem:$0x18200] =	vst v63  }
0x7e1: {  	v39 =	vperm.xlane v17, v9;
	v19 =	vadd.s32 v3, v38;
	s12 =	simm.s32 $0xC480  }
0x7e2: {  	[tilespmem:s12], [sflag:$0x2] =	stream.indirect_vreg.gather [hbm4b:s4+s2], $0x80, v36, vm0, $0xb8;
	[tilespmem:$0x18200] =	vst v63  }
0x7e3: {  	v41 =	vperm.xlane v17, v10;
	v40 =	vadd.s32 v3, v39;
	s12 =	simm.s32 $0xC500  }
0x7e4: {  	[tilespmem:s12], [sflag:$0x2] =	stream.indirect_vreg.gather [hbm4b:s4+s2], $0x80, v18, vm0, $0xb8;
	[tilespmem:$0x18200] =	vst v63  }
0x7e5: {  	v42 =	vperm.xlane v17, v11;
	v18 =	vadd.s32 v3, v41;
	s12 =	simm.s32 $0xC580  }
0x7e6: {  	[tilespmem:s12], [sflag:$0x2] =	stream.indirect_vreg.gather [hbm4b:s4+s2], $0x80, v19, vm0, $0xb8;
	[tilespmem:$0x18200] =	vst v63  }
0x7e7: {  	v43 =	vperm.xlane v17, v12;
	v19 =	vadd.s32 v3, v42;
	s12 =	simm.s32 $0xC600  }
0x7e8: {  	[tilespmem:s12], [sflag:$0x2] =	stream.indirect_vreg.gather [hbm4b:s4+s2], $0x80, v40, vm0, $0xb8;
	[tilespmem:$0x18200] =	vst v63  }
0x7e9: {  	v45 =	vperm.xlane v17, v13;
	v44 =	vadd.s32 v3, v43;
	s12 =	simm.s32 $0xC680  }
0x7ea: {  	[tilespmem:s12], [sflag:$0x2] =	stream.indirect_vreg.gather [hbm4b:s4+s2], $0x80, v18, vm0, $0xb8;
	[tilespmem:$0x18200] =	vst v63  }
0x7eb: {  	v46 =	vperm.xlane v17, v14;
	v18 =	vadd.s32 v3, v45;
	s12 =	simm.s32 $0xC700  }
0x7ec: {  	[tilespmem:s12], [sflag:$0x2] =	stream.indirect_vreg.gather [hbm4b:s4+s2], $0x80, v19, vm0, $0xb8;
	[tilespmem:$0x18200] =	vst v63  }
0x7ed: {  	v47 =	vperm.xlane v17, v15;
	v19 =	vadd.s32 v3, v46;
	s12 =	simm.s32 $0xC780  }
0x7ee: {  	[tilespmem:s12], [sflag:$0x2] =	stream.indirect_vreg.gather [hbm4b:s4+s2], $0x80, v44, vm0, $0xb8;
	[tilespmem:$0x18200] =	vst v63  }
0x7ef: {  	v17 =	vperm.xlane v17, v16;
	v48 =	vadd.s32 v3, v47;
	s12 =	simm.s32 $0xC800  }
0x7f0: {  	[tilespmem:s12], [sflag:$0x2] =	stream.indirect_vreg.gather [hbm4b:s4+s2], $0x80, v18, vm0, $0xb8;
	[tilespmem:$0x18200] =	vst v63  }
0x7f1: {  	v17 =	vadd.s32 v3, v17;
	s12 =	simm.s32 $0xC880  }
0x7f2: {  	[tilespmem:s12], [sflag:$0x2] =	stream.indirect_vreg.gather [hbm4b:s4+s2], $0x80, v19, vm0, $0xb8;
	[tilespmem:$0x18200] =	vst v63  }
0x7f3: {  	s12 =	simm.s32 $0xC900  }
0x7f4: {  	[tilespmem:s12], [sflag:$0x2] =	stream.indirect_vreg.gather [hbm4b:s4+s2], $0x80, v48, vm0, $0xb8;
	[tilespmem:$0x18200] =	vst v63  }
0x7f5: {  	s12 =	simm.s32 $0xC980  }
0x7f6: {  	[tilespmem:s12], [sflag:$0x2] =	stream.indirect_vreg.gather [hbm4b:s4+s2], $0x80, v17, vm0, $0xb8;
	[tilespmem:$0x18200] =	vst v63  }
0x7f7: {  	v17 =	vld [tilespmem:$0x190];
	_ =	sdelay $0x4  }
0x7f8: {  	v18 =	vshrl.u32 v17, $0x3  }
0x7f9: {  	v18 =	vmul.u32 $0x18, v18  }
0x7fa: {  	v17 =	vand.u32 $0x7, v17  }
0x7fb: {  	v17 =	vor.u32 v17, v18  }
0x7fc: {  	v18 =	vperm.xlane v17, v2;
	_ =	sdelay $0x1  }
0x7fd: {  	v19 =	vperm.xlane v17, v4;
	v18 =	vadd.s32 v3, v18;
	_ =	sdelay $0x1  }
0x7fe: {  	v49 =	vperm.xlane v17, v5;
	v19 =	vadd.s32 v3, v19;
	_ =	sdelay $0x1  }
0x7ff: {  	s12 =	simm.s32 $0xCA00;
	v50 =	vperm.xlane v17, v0;
	v20 =	vadd.s32 v3, v49  }
0x800: {  	[tilespmem:s12], [sflag:$0x2] =	stream.indirect_vreg.gather [hbm4b:s4+s2], $0x80, v18, vm0, $0xb8;
	[tilespmem:$0x18200] =	vst v63  }
0x801: {  	v51 =	vperm.xlane v17, v6;
	v18 =	vadd.s32 v3, v50;
	s12 =	simm.s32 $0xCA80  }
0x802: {  	[tilespmem:s12], [sflag:$0x2] =	stream.indirect_vreg.gather [hbm4b:s4+s2], $0x80, v19, vm0, $0xb8;
	[tilespmem:$0x18200] =	vst v63  }
0x803: {  	v52 =	vperm.xlane v17, v7;
	v19 =	vadd.s32 v3, v51;
	s12 =	simm.s32 $0xCB00  }
0x804: {  	[tilespmem:s12], [sflag:$0x2] =	stream.indirect_vreg.gather [hbm4b:s4+s2], $0x80, v20, vm0, $0xb8;
	[tilespmem:$0x18200] =	vst v63  }
0x805: {  	v54 =	vperm.xlane v17, v8;
	v53 =	vadd.s32 v3, v52;
	s12 =	simm.s32 $0xCB80  }
0x806: {  	[tilespmem:s12], [sflag:$0x2] =	stream.indirect_vreg.gather [hbm4b:s4+s2], $0x80, v18, vm0, $0xb8;
	[tilespmem:$0x18200] =	vst v63  }
0x807: {  	v55 =	vperm.xlane v17, v1;
	v18 =	vadd.s32 v3, v54;
	s12 =	simm.s32 $0xCC00  }
0x808: {  	[tilespmem:s12], [sflag:$0x2] =	stream.indirect_vreg.gather [hbm4b:s4+s2], $0x80, v19, vm0, $0xb8;
	[tilespmem:$0x18200] =	vst v63  }
0x809: {  	v56 =	vperm.xlane v17, v9;
	v19 =	vadd.s32 v3, v55;
	s12 =	simm.s32 $0xCC80  }
0x80a: {  	[tilespmem:s12], [sflag:$0x2] =	stream.indirect_vreg.gather [hbm4b:s4+s2], $0x80, v53, vm0, $0xb8;
	[tilespmem:$0x18200] =	vst v63  }
0x80b: {  	v58 =	vperm.xlane v17, v10;
	v57 =	vadd.s32 v3, v56;
	s12 =	simm.s32 $0xCD00  }
0x80c: {  	[tilespmem:s12], [sflag:$0x2] =	stream.indirect_vreg.gather [hbm4b:s4+s2], $0x80, v18, vm0, $0xb8;
	[tilespmem:$0x18200] =	vst v63  }
0x80d: {  	v59 =	vperm.xlane v17, v11;
	v18 =	vadd.s32 v3, v58;
	s12 =	simm.s32 $0xCD80  }
0x80e: {  	[tilespmem:s12], [sflag:$0x2] =	stream.indirect_vreg.gather [hbm4b:s4+s2], $0x80, v19, vm0, $0xb8;
	[tilespmem:$0x18200] =	vst v63  }
0x80f: {  	v60 =	vperm.xlane v17, v12;
	v19 =	vadd.s32 v3, v59;
	s12 =	simm.s32 $0xCE00  }
0x810: {  	[tilespmem:s12], [sflag:$0x2] =	stream.indirect_vreg.gather [hbm4b:s4+s2], $0x80, v57, vm0, $0xb8;
	[tilespmem:$0x18200] =	vst v63  }
0x811: {  	v62 =	vperm.xlane v17, v13;
	v61 =	vadd.s32 v3, v60;
	s12 =	simm.s32 $0xCE80  }
0x812: {  	[tilespmem:s12], [sflag:$0x2] =	stream.indirect_vreg.gather [hbm4b:s4+s2], $0x80, v18, vm0, $0xb8;
	[tilespmem:$0x18200] =	vst v63  }
0x813: {  	v63 =	vperm.xlane v17, v14;
	v18 =	vadd.s32 v3, v62;
	s12 =	simm.s32 $0xCF00  }
0x814: {  	[tilespmem:s12], [sflag:$0x2] =	stream.indirect_vreg.gather [hbm4b:s4+s2], $0x80, v19, vm0, $0xb8;
	[tilespmem:$0x18200] =	vst v63  }
0x815: {  	v24 =	vperm.xlane v17, v15;
	v19 =	vadd.s32 v3, v63;
	s12 =	simm.s32 $0xCF80  }
0x816: {  	[tilespmem:s12], [sflag:$0x2] =	stream.indirect_vreg.gather [hbm4b:s4+s2], $0x80, v61, vm0, $0xb8;
	[tilespmem:$0x18200] =	vst v63  }
0x817: {  	v17 =	vperm.xlane v17, v16;
	v25 =	vadd.s32 v3, v24;
	s12 =	simm.s32 $0xD000  }
0x818: {  	[tilespmem:s12], [sflag:$0x2] =	stream.indirect_vreg.gather [hbm4b:s4+s2], $0x80, v18, vm0, $0xb8;
	[tilespmem:$0x18200] =	vst v63  }
0x819: {  	v17 =	vadd.s32 v3, v17;
	s12 =	simm.s32 $0xD080  }
0x81a: {  	[tilespmem:s12], [sflag:$0x2] =	stream.indirect_vreg.gather [hbm4b:s4+s2], $0x80, v19, vm0, $0xb8;
	[tilespmem:$0x18200] =	vst v63  }
0x81b: {  	s12 =	simm.s32 $0xD100  }
0x81c: {  	[tilespmem:s12], [sflag:$0x2] =	stream.indirect_vreg.gather [hbm4b:s4+s2], $0x80, v25, vm0, $0xb8;
	[tilespmem:$0x18200] =	vst v63  }
0x81d: {  	s12 =	simm.s32 $0xD180  }
0x81e: {  	[tilespmem:s12], [sflag:$0x2] =	stream.indirect_vreg.gather [hbm4b:s4+s2], $0x80, v17, vm0, $0xb8;
	[tilespmem:$0x18200] =	vst v63  }
0x81f: {  	v17 =	vld [tilespmem:$0x1A0];
	_ =	sdelay $0x4  }
0x820: {  	v18 =	vshrl.u32 v17, $0x3  }
0x821: {  	v18 =	vmul.u32 $0x18, v18  }
0x822: {  	v17 =	vand.u32 $0x7, v17  }
0x823: {  	v17 =	vor.u32 v17, v18  }
0x824: {  	v18 =	vperm.xlane v17, v2;
	_ =	sdelay $0x1  }
0x825: {  	v19 =	vperm.xlane v17, v4;
	v18 =	vadd.s32 v3, v18;
	_ =	sdelay $0x1  }
0x826: {  	v26 =	vperm.xlane v17, v5;
	v19 =	vadd.s32 v3, v19;
	_ =	sdelay $0x1  }
0x827: {  	s12 =	simm.s32 $0xD200;
	v27 =	vperm.xlane v17, v0;
	v20 =	vadd.s32 v3, v26  }
0x828: {  	[tilespmem:s12], [sflag:$0x2] =	stream.indirect_vreg.gather [hbm4b:s4+s2], $0x80, v18, vm0, $0xb8;
	[tilespmem:$0x18200] =	vst v63  }
0x829: {  	v28 =	vperm.xlane v17, v6;
	v18 =	vadd.s32 v3, v27;
	s12 =	simm.s32 $0xD280  }
0x82a: {  	[tilespmem:s12], [sflag:$0x2] =	stream.indirect_vreg.gather [hbm4b:s4+s2], $0x80, v19, vm0, $0xb8;
	[tilespmem:$0x18200] =	vst v63  }
0x82b: {  	v29 =	vperm.xlane v17, v7;
	v19 =	vadd.s32 v3, v28;
	s12 =	simm.s32 $0xD300  }
0x82c: {  	[tilespmem:s12], [sflag:$0x2] =	stream.indirect_vreg.gather [hbm4b:s4+s2], $0x80, v20, vm0, $0xb8;
	[tilespmem:$0x18200] =	vst v63  }
0x82d: {  	v31 =	vperm.xlane v17, v8;
	v30 =	vadd.s32 v3, v29;
	s12 =	simm.s32 $0xD380  }
0x82e: {  	[tilespmem:s12], [sflag:$0x2] =	stream.indirect_vreg.gather [hbm4b:s4+s2], $0x80, v18, vm0, $0xb8;
	[tilespmem:$0x18200] =	vst v63  }
0x82f: {  	v32 =	vperm.xlane v17, v1;
	v18 =	vadd.s32 v3, v31;
	s12 =	simm.s32 $0xD400  }
0x830: {  	[tilespmem:s12], [sflag:$0x2] =	stream.indirect_vreg.gather [hbm4b:s4+s2], $0x80, v19, vm0, $0xb8;
	[tilespmem:$0x18200] =	vst v63  }
0x831: {  	v33 =	vperm.xlane v17, v9;
	v19 =	vadd.s32 v3, v32;
	s12 =	simm.s32 $0xD480  }
0x832: {  	[tilespmem:s12], [sflag:$0x2] =	stream.indirect_vreg.gather [hbm4b:s4+s2], $0x80, v30, vm0, $0xb8;
	[tilespmem:$0x18200] =	vst v63  }
0x833: {  	v35 =	vperm.xlane v17, v10;
	v34 =	vadd.s32 v3, v33;
	s12 =	simm.s32 $0xD500  }
0x834: {  	[tilespmem:s12], [sflag:$0x2] =	stream.indirect_vreg.gather [hbm4b:s4+s2], $0x80, v18, vm0, $0xb8;
	[tilespmem:$0x18200] =	vst v63  }
0x835: {  	v36 =	vperm.xlane v17, v11;
	v18 =	vadd.s32 v3, v35;
	s12 =	simm.s32 $0xD580  }
0x836: {  	[tilespmem:s12], [sflag:$0x2] =	stream.indirect_vreg.gather [hbm4b:s4+s2], $0x80, v19, vm0, $0xb8;
	[tilespmem:$0x18200] =	vst v63  }
0x837: {  	v37 =	vperm.xlane v17, v12;
	v19 =	vadd.s32 v3, v36;
	s12 =	simm.s32 $0xD600  }
0x838: {  	[tilespmem:s12], [sflag:$0x2] =	stream.indirect_vreg.gather [hbm4b:s4+s2], $0x80, v34, vm0, $0xb8;
	[tilespmem:$0x18200] =	vst v63  }
0x839: {  	v39 =	vperm.xlane v17, v13;
	v38 =	vadd.s32 v3, v37;
	s12 =	simm.s32 $0xD680  }
0x83a: {  	[tilespmem:s12], [sflag:$0x2] =	stream.indirect_vreg.gather [hbm4b:s4+s2], $0x80, v18, vm0, $0xb8;
	[tilespmem:$0x18200] =	vst v63  }
0x83b: {  	v40 =	vperm.xlane v17, v14;
	v18 =	vadd.s32 v3, v39;
	s12 =	simm.s32 $0xD700  }
0x83c: {  	[tilespmem:s12], [sflag:$0x2] =	stream.indirect_vreg.gather [hbm4b:s4+s2], $0x80, v19, vm0, $0xb8;
	[tilespmem:$0x18200] =	vst v63  }
0x83d: {  	v41 =	vperm.xlane v17, v15;
	v19 =	vadd.s32 v3, v40;
	s12 =	simm.s32 $0xD780  }
0x83e: {  	[tilespmem:s12], [sflag:$0x2] =	stream.indirect_vreg.gather [hbm4b:s4+s2], $0x80, v38, vm0, $0xb8;
	[tilespmem:$0x18200] =	vst v63  }
0x83f: {  	v17 =	vperm.xlane v17, v16;
	v42 =	vadd.s32 v3, v41;
	s12 =	simm.s32 $0xD800  }
0x840: {  	[tilespmem:s12], [sflag:$0x2] =	stream.indirect_vreg.gather [hbm4b:s4+s2], $0x80, v18, vm0, $0xb8;
	[tilespmem:$0x18200] =	vst v63  }
0x841: {  	v17 =	vadd.s32 v3, v17;
	s12 =	simm.s32 $0xD880  }
0x842: {  	[tilespmem:s12], [sflag:$0x2] =	stream.indirect_vreg.gather [hbm4b:s4+s2], $0x80, v19, vm0, $0xb8;
	[tilespmem:$0x18200] =	vst v63  }
0x843: {  	s12 =	simm.s32 $0xD900  }
0x844: {  	[tilespmem:s12], [sflag:$0x2] =	stream.indirect_vreg.gather [hbm4b:s4+s2], $0x80, v42, vm0, $0xb8;
	[tilespmem:$0x18200] =	vst v63  }
0x845: {  	s12 =	simm.s32 $0xD980  }
0x846: {  	[tilespmem:s12], [sflag:$0x2] =	stream.indirect_vreg.gather [hbm4b:s4+s2], $0x80, v17, vm0, $0xb8;
	[tilespmem:$0x18200] =	vst v63  }
0x847: {  	v17 =	vld [tilespmem:$0x1B0];
	_ =	sdelay $0x4  }
0x848: {  	v18 =	vshrl.u32 v17, $0x3  }
0x849: {  	v18 =	vmul.u32 $0x18, v18  }
0x84a: {  	v17 =	vand.u32 $0x7, v17  }
0x84b: {  	v17 =	vor.u32 v17, v18  }
0x84c: {  	v18 =	vperm.xlane v17, v2;
	_ =	sdelay $0x1  }
0x84d: {  	v19 =	vperm.xlane v17, v4;
	v18 =	vadd.s32 v3, v18;
	_ =	sdelay $0x1  }
0x84e: {  	v43 =	vperm.xlane v17, v5;
	v19 =	vadd.s32 v3, v19;
	_ =	sdelay $0x1  }
0x84f: {  	s12 =	simm.s32 $0xDA00;
	v44 =	vperm.xlane v17, v0;
	v20 =	vadd.s32 v3, v43  }
0x850: {  	[tilespmem:s12], [sflag:$0x2] =	stream.indirect_vreg.gather [hbm4b:s4+s2], $0x80, v18, vm0, $0xb8;
	[tilespmem:$0x18200] =	vst v63  }
0x851: {  	v45 =	vperm.xlane v17, v6;
	v18 =	vadd.s32 v3, v44;
	s12 =	simm.s32 $0xDA80  }
0x852: {  	[tilespmem:s12], [sflag:$0x2] =	stream.indirect_vreg.gather [hbm4b:s4+s2], $0x80, v19, vm0, $0xb8;
	[tilespmem:$0x18200] =	vst v63  }
0x853: {  	v46 =	vperm.xlane v17, v7;
	v19 =	vadd.s32 v3, v45;
	s12 =	simm.s32 $0xDB00  }
0x854: {  	[tilespmem:s12], [sflag:$0x2] =	stream.indirect_vreg.gather [hbm4b:s4+s2], $0x80, v20, vm0, $0xb8;
	[tilespmem:$0x18200] =	vst v63  }
0x855: {  	v48 =	vperm.xlane v17, v8;
	v47 =	vadd.s32 v3, v46;
	s12 =	simm.s32 $0xDB80  }
0x856: {  	[tilespmem:s12], [sflag:$0x2] =	stream.indirect_vreg.gather [hbm4b:s4+s2], $0x80, v18, vm0, $0xb8;
	[tilespmem:$0x18200] =	vst v63  }
0x857: {  	v49 =	vperm.xlane v17, v1;
	v18 =	vadd.s32 v3, v48;
	s12 =	simm.s32 $0xDC00  }
0x858: {  	[tilespmem:s12], [sflag:$0x2] =	stream.indirect_vreg.gather [hbm4b:s4+s2], $0x80, v19, vm0, $0xb8;
	[tilespmem:$0x18200] =	vst v63  }
0x859: {  	v50 =	vperm.xlane v17, v9;
	v19 =	vadd.s32 v3, v49;
	s12 =	simm.s32 $0xDC80  }
0x85a: {  	[tilespmem:s12], [sflag:$0x2] =	stream.indirect_vreg.gather [hbm4b:s4+s2], $0x80, v47, vm0, $0xb8;
	[tilespmem:$0x18200] =	vst v63  }
0x85b: {  	v52 =	vperm.xlane v17, v10;
	v51 =	vadd.s32 v3, v50;
	s12 =	simm.s32 $0xDD00  }
0x85c: {  	[tilespmem:s12], [sflag:$0x2] =	stream.indirect_vreg.gather [hbm4b:s4+s2], $0x80, v18, vm0, $0xb8;
	[tilespmem:$0x18200] =	vst v63  }
0x85d: {  	v53 =	vperm.xlane v17, v11;
	v18 =	vadd.s32 v3, v52;
	s12 =	simm.s32 $0xDD80  }
0x85e: {  	[tilespmem:s12], [sflag:$0x2] =	stream.indirect_vreg.gather [hbm4b:s4+s2], $0x80, v19, vm0, $0xb8;
	[tilespmem:$0x18200] =	vst v63  }
0x85f: {  	v54 =	vperm.xlane v17, v12;
	v19 =	vadd.s32 v3, v53;
	s12 =	simm.s32 $0xDE00  }
0x860: {  	[tilespmem:s12], [sflag:$0x2] =	stream.indirect_vreg.gather [hbm4b:s4+s2], $0x80, v51, vm0, $0xb8;
	[tilespmem:$0x18200] =	vst v63  }
0x861: {  	v56 =	vperm.xlane v17, v13;
	v55 =	vadd.s32 v3, v54;
	s12 =	simm.s32 $0xDE80  }
0x862: {  	[tilespmem:s12], [sflag:$0x2] =	stream.indirect_vreg.gather [hbm4b:s4+s2], $0x80, v18, vm0, $0xb8;
	[tilespmem:$0x18200] =	vst v63  }
0x863: {  	v57 =	vperm.xlane v17, v14;
	v18 =	vadd.s32 v3, v56;
	s12 =	simm.s32 $0xDF00  }
0x864: {  	[tilespmem:s12], [sflag:$0x2] =	stream.indirect_vreg.gather [hbm4b:s4+s2], $0x80, v19, vm0, $0xb8;
	[tilespmem:$0x18200] =	vst v63  }
0x865: {  	v58 =	vperm.xlane v17, v15;
	v19 =	vadd.s32 v3, v57;
	s12 =	simm.s32 $0xDF80  }
0x866: {  	[tilespmem:s12], [sflag:$0x2] =	stream.indirect_vreg.gather [hbm4b:s4+s2], $0x80, v55, vm0, $0xb8;
	[tilespmem:$0x18200] =	vst v63  }
0x867: {  	v17 =	vperm.xlane v17, v16;
	v59 =	vadd.s32 v3, v58;
	s12 =	simm.s32 $0xE000  }
0x868: {  	[tilespmem:s12], [sflag:$0x2] =	stream.indirect_vreg.gather [hbm4b:s4+s2], $0x80, v18, vm0, $0xb8;
	[tilespmem:$0x18200] =	vst v63  }
0x869: {  	v17 =	vadd.s32 v3, v17;
	s12 =	simm.s32 $0xE080  }
0x86a: {  	[tilespmem:s12], [sflag:$0x2] =	stream.indirect_vreg.gather [hbm4b:s4+s2], $0x80, v19, vm0, $0xb8;
	[tilespmem:$0x18200] =	vst v63  }
0x86b: {  	s12 =	simm.s32 $0xE100  }
0x86c: {  	[tilespmem:s12], [sflag:$0x2] =	stream.indirect_vreg.gather [hbm4b:s4+s2], $0x80, v59, vm0, $0xb8;
	[tilespmem:$0x18200] =	vst v63  }
0x86d: {  	s12 =	simm.s32 $0xE180  }
0x86e: {  	[tilespmem:s12], [sflag:$0x2] =	stream.indirect_vreg.gather [hbm4b:s4+s2], $0x80, v17, vm0, $0xb8;
	[tilespmem:$0x18200] =	vst v63  }
0x86f: {  	v17 =	vld [tilespmem:$0x1C0];
	_ =	sdelay $0x4  }
0x870: {  	v18 =	vshrl.u32 v17, $0x3  }
0x871: {  	v18 =	vmul.u32 $0x18, v18  }
0x872: {  	v17 =	vand.u32 $0x7, v17  }
0x873: {  	v17 =	vor.u32 v17, v18  }
0x874: {  	v18 =	vperm.xlane v17, v2;
	_ =	sdelay $0x1  }
0x875: {  	v19 =	vperm.xlane v17, v4;
	v18 =	vadd.s32 v3, v18;
	_ =	sdelay $0x1  }
0x876: {  	v60 =	vperm.xlane v17, v5;
	v19 =	vadd.s32 v3, v19;
	_ =	sdelay $0x1  }
0x877: {  	s12 =	simm.s32 $0xE200;
	v61 =	vperm.xlane v17, v0;
	v20 =	vadd.s32 v3, v60  }
0x878: {  	[tilespmem:s12], [sflag:$0x2] =	stream.indirect_vreg.gather [hbm4b:s4+s2], $0x80, v18, vm0, $0xb8;
	[tilespmem:$0x18200] =	vst v63  }
0x879: {  	v62 =	vperm.xlane v17, v6;
	v18 =	vadd.s32 v3, v61;
	s12 =	simm.s32 $0xE280  }
0x87a: {  	[tilespmem:s12], [sflag:$0x2] =	stream.indirect_vreg.gather [hbm4b:s4+s2], $0x80, v19, vm0, $0xb8;
	[tilespmem:$0x18200] =	vst v63  }
0x87b: {  	v63 =	vperm.xlane v17, v7;
	v19 =	vadd.s32 v3, v62;
	s12 =	simm.s32 $0xE300  }
0x87c: {  	[tilespmem:s12], [sflag:$0x2] =	stream.indirect_vreg.gather [hbm4b:s4+s2], $0x80, v20, vm0, $0xb8;
	[tilespmem:$0x18200] =	vst v63  }
0x87d: {  	v25 =	vperm.xlane v17, v8;
	v24 =	vadd.s32 v3, v63;
	s12 =	simm.s32 $0xE380  }
0x87e: {  	[tilespmem:s12], [sflag:$0x2] =	stream.indirect_vreg.gather [hbm4b:s4+s2], $0x80, v18, vm0, $0xb8;
	[tilespmem:$0x18200] =	vst v63  }
0x87f: {  	v26 =	vperm.xlane v17, v1;
	v18 =	vadd.s32 v3, v25;
	s12 =	simm.s32 $0xE400  }
0x880: {  	[tilespmem:s12], [sflag:$0x2] =	stream.indirect_vreg.gather [hbm4b:s4+s2], $0x80, v19, vm0, $0xb8;
	[tilespmem:$0x18200] =	vst v63  }
0x881: {  	v27 =	vperm.xlane v17, v9;
	v19 =	vadd.s32 v3, v26;
	s12 =	simm.s32 $0xE480  }
0x882: {  	[tilespmem:s12], [sflag:$0x2] =	stream.indirect_vreg.gather [hbm4b:s4+s2], $0x80, v24, vm0, $0xb8;
	[tilespmem:$0x18200] =	vst v63  }
0x883: {  	v29 =	vperm.xlane v17, v10;
	v28 =	vadd.s32 v3, v27;
	s12 =	simm.s32 $0xE500  }
0x884: {  	[tilespmem:s12], [sflag:$0x2] =	stream.indirect_vreg.gather [hbm4b:s4+s2], $0x80, v18, vm0, $0xb8;
	[tilespmem:$0x18200] =	vst v63  }
0x885: {  	v30 =	vperm.xlane v17, v11;
	v18 =	vadd.s32 v3, v29;
	s12 =	simm.s32 $0xE580  }
0x886: {  	[tilespmem:s12], [sflag:$0x2] =	stream.indirect_vreg.gather [hbm4b:s4+s2], $0x80, v19, vm0, $0xb8;
	[tilespmem:$0x18200] =	vst v63  }
0x887: {  	v31 =	vperm.xlane v17, v12;
	v19 =	vadd.s32 v3, v30;
	s12 =	simm.s32 $0xE600  }
0x888: {  	[tilespmem:s12], [sflag:$0x2] =	stream.indirect_vreg.gather [hbm4b:s4+s2], $0x80, v28, vm0, $0xb8;
	[tilespmem:$0x18200] =	vst v63  }
0x889: {  	v33 =	vperm.xlane v17, v13;
	v32 =	vadd.s32 v3, v31;
	s12 =	simm.s32 $0xE680  }
0x88a: {  	[tilespmem:s12], [sflag:$0x2] =	stream.indirect_vreg.gather [hbm4b:s4+s2], $0x80, v18, vm0, $0xb8;
	[tilespmem:$0x18200] =	vst v63  }
0x88b: {  	v34 =	vperm.xlane v17, v14;
	v18 =	vadd.s32 v3, v33;
	s12 =	simm.s32 $0xE700  }
0x88c: {  	[tilespmem:s12], [sflag:$0x2] =	stream.indirect_vreg.gather [hbm4b:s4+s2], $0x80, v19, vm0, $0xb8;
	[tilespmem:$0x18200] =	vst v63  }
0x88d: {  	v35 =	vperm.xlane v17, v15;
	v19 =	vadd.s32 v3, v34;
	s12 =	simm.s32 $0xE780  }
0x88e: {  	[tilespmem:s12], [sflag:$0x2] =	stream.indirect_vreg.gather [hbm4b:s4+s2], $0x80, v32, vm0, $0xb8;
	[tilespmem:$0x18200] =	vst v63  }
0x88f: {  	v17 =	vperm.xlane v17, v16;
	v36 =	vadd.s32 v3, v35;
	s12 =	simm.s32 $0xE800  }
0x890: {  	[tilespmem:s12], [sflag:$0x2] =	stream.indirect_vreg.gather [hbm4b:s4+s2], $0x80, v18, vm0, $0xb8;
	[tilespmem:$0x18200] =	vst v63  }
0x891: {  	v17 =	vadd.s32 v3, v17;
	s12 =	simm.s32 $0xE880  }
0x892: {  	[tilespmem:s12], [sflag:$0x2] =	stream.indirect_vreg.gather [hbm4b:s4+s2], $0x80, v19, vm0, $0xb8;
	[tilespmem:$0x18200] =	vst v63  }
0x893: {  	s12 =	simm.s32 $0xE900  }
0x894: {  	[tilespmem:s12], [sflag:$0x2] =	stream.indirect_vreg.gather [hbm4b:s4+s2], $0x80, v36, vm0, $0xb8;
	[tilespmem:$0x18200] =	vst v63  }
0x895: {  	s12 =	simm.s32 $0xE980  }
0x896: {  	[tilespmem:s12], [sflag:$0x2] =	stream.indirect_vreg.gather [hbm4b:s4+s2], $0x80, v17, vm0, $0xb8;
	[tilespmem:$0x18200] =	vst v63  }
0x897: {  	v17 =	vld [tilespmem:$0x1D0];
	_ =	sdelay $0x4  }
0x898: {  	v18 =	vshrl.u32 v17, $0x3  }
0x899: {  	v18 =	vmul.u32 $0x18, v18  }
0x89a: {  	v17 =	vand.u32 $0x7, v17  }
0x89b: {  	v17 =	vor.u32 v17, v18  }
0x89c: {  	v18 =	vperm.xlane v17, v2;
	_ =	sdelay $0x1  }
0x89d: {  	v19 =	vperm.xlane v17, v4;
	v18 =	vadd.s32 v3, v18;
	_ =	sdelay $0x1  }
0x89e: {  	v37 =	vperm.xlane v17, v5;
	v19 =	vadd.s32 v3, v19;
	_ =	sdelay $0x1  }
0x89f: {  	s12 =	simm.s32 $0xEA00;
	v38 =	vperm.xlane v17, v0;
	v20 =	vadd.s32 v3, v37  }
0x8a0: {  	[tilespmem:s12], [sflag:$0x2] =	stream.indirect_vreg.gather [hbm4b:s4+s2], $0x80, v18, vm0, $0xb8;
	[tilespmem:$0x18200] =	vst v63  }
0x8a1: {  	v39 =	vperm.xlane v17, v6;
	v18 =	vadd.s32 v3, v38;
	s12 =	simm.s32 $0xEA80  }
0x8a2: {  	[tilespmem:s12], [sflag:$0x2] =	stream.indirect_vreg.gather [hbm4b:s4+s2], $0x80, v19, vm0, $0xb8;
	[tilespmem:$0x18200] =	vst v63  }
0x8a3: {  	v40 =	vperm.xlane v17, v7;
	v19 =	vadd.s32 v3, v39;
	s12 =	simm.s32 $0xEB00  }
0x8a4: {  	[tilespmem:s12], [sflag:$0x2] =	stream.indirect_vreg.gather [hbm4b:s4+s2], $0x80, v20, vm0, $0xb8;
	[tilespmem:$0x18200] =	vst v63  }
0x8a5: {  	v42 =	vperm.xlane v17, v8;
	v41 =	vadd.s32 v3, v40;
	s12 =	simm.s32 $0xEB80  }
0x8a6: {  	[tilespmem:s12], [sflag:$0x2] =	stream.indirect_vreg.gather [hbm4b:s4+s2], $0x80, v18, vm0, $0xb8;
	[tilespmem:$0x18200] =	vst v63  }
0x8a7: {  	v43 =	vperm.xlane v17, v1;
	v18 =	vadd.s32 v3, v42;
	s12 =	simm.s32 $0xEC00  }
0x8a8: {  	[tilespmem:s12], [sflag:$0x2] =	stream.indirect_vreg.gather [hbm4b:s4+s2], $0x80, v19, vm0, $0xb8;
	[tilespmem:$0x18200] =	vst v63  }
0x8a9: {  	v44 =	vperm.xlane v17, v9;
	v19 =	vadd.s32 v3, v43;
	s12 =	simm.s32 $0xEC80  }
0x8aa: {  	[tilespmem:s12], [sflag:$0x2] =	stream.indirect_vreg.gather [hbm4b:s4+s2], $0x80, v41, vm0, $0xb8;
	[tilespmem:$0x18200] =	vst v63  }
0x8ab: {  	v46 =	vperm.xlane v17, v10;
	v45 =	vadd.s32 v3, v44;
	s12 =	simm.s32 $0xED00  }
0x8ac: {  	[tilespmem:s12], [sflag:$0x2] =	stream.indirect_vreg.gather [hbm4b:s4+s2], $0x80, v18, vm0, $0xb8;
	[tilespmem:$0x18200] =	vst v63  }
0x8ad: {  	v47 =	vperm.xlane v17, v11;
	v18 =	vadd.s32 v3, v46;
	s12 =	simm.s32 $0xED80  }
0x8ae: {  	[tilespmem:s12], [sflag:$0x2] =	stream.indirect_vreg.gather [hbm4b:s4+s2], $0x80, v19, vm0, $0xb8;
	[tilespmem:$0x18200] =	vst v63  }
0x8af: {  	v48 =	vperm.xlane v17, v12;
	v19 =	vadd.s32 v3, v47;
	s12 =	simm.s32 $0xEE00  }
0x8b0: {  	[tilespmem:s12], [sflag:$0x2] =	stream.indirect_vreg.gather [hbm4b:s4+s2], $0x80, v45, vm0, $0xb8;
	[tilespmem:$0x18200] =	vst v63  }
0x8b1: {  	v50 =	vperm.xlane v17, v13;
	v49 =	vadd.s32 v3, v48;
	s12 =	simm.s32 $0xEE80  }
0x8b2: {  	[tilespmem:s12], [sflag:$0x2] =	stream.indirect_vreg.gather [hbm4b:s4+s2], $0x80, v18, vm0, $0xb8;
	[tilespmem:$0x18200] =	vst v63  }
0x8b3: {  	v51 =	vperm.xlane v17, v14;
	v18 =	vadd.s32 v3, v50;
	s12 =	simm.s32 $0xEF00  }
0x8b4: {  	[tilespmem:s12], [sflag:$0x2] =	stream.indirect_vreg.gather [hbm4b:s4+s2], $0x80, v19, vm0, $0xb8;
	[tilespmem:$0x18200] =	vst v63  }
0x8b5: {  	v52 =	vperm.xlane v17, v15;
	v19 =	vadd.s32 v3, v51;
	s12 =	simm.s32 $0xEF80  }
0x8b6: {  	[tilespmem:s12], [sflag:$0x2] =	stream.indirect_vreg.gather [hbm4b:s4+s2], $0x80, v49, vm0, $0xb8;
	[tilespmem:$0x18200] =	vst v63  }
0x8b7: {  	v17 =	vperm.xlane v17, v16;
	v53 =	vadd.s32 v3, v52;
	s12 =	simm.s32 $0xF000  }
0x8b8: {  	[tilespmem:s12], [sflag:$0x2] =	stream.indirect_vreg.gather [hbm4b:s4+s2], $0x80, v18, vm0, $0xb8;
	[tilespmem:$0x18200] =	vst v63  }
0x8b9: {  	v17 =	vadd.s32 v3, v17;
	s12 =	simm.s32 $0xF080  }
0x8ba: {  	[tilespmem:s12], [sflag:$0x2] =	stream.indirect_vreg.gather [hbm4b:s4+s2], $0x80, v19, vm0, $0xb8;
	[tilespmem:$0x18200] =	vst v63  }
0x8bb: {  	s12 =	simm.s32 $0xF100  }
0x8bc: {  	[tilespmem:s12], [sflag:$0x2] =	stream.indirect_vreg.gather [hbm4b:s4+s2], $0x80, v53, vm0, $0xb8;
	[tilespmem:$0x18200] =	vst v63  }
0x8bd: {  	s12 =	simm.s32 $0xF180  }
0x8be: {  	[tilespmem:s12], [sflag:$0x2] =	stream.indirect_vreg.gather [hbm4b:s4+s2], $0x80, v17, vm0, $0xb8;
	[tilespmem:$0x18200] =	vst v63  }
0x8bf: {  	v17 =	vld [tilespmem:$0x1E0];
	_ =	sdelay $0x4  }
0x8c0: {  	v18 =	vshrl.u32 v17, $0x3  }
0x8c1: {  	v18 =	vmul.u32 $0x18, v18  }
0x8c2: {  	v17 =	vand.u32 $0x7, v17  }
0x8c3: {  	v17 =	vor.u32 v17, v18  }
0x8c4: {  	v18 =	vperm.xlane v17, v2;
	_ =	sdelay $0x1  }
0x8c5: {  	v19 =	vperm.xlane v17, v4;
	v18 =	vadd.s32 v3, v18;
	_ =	sdelay $0x1  }
0x8c6: {  	v54 =	vperm.xlane v17, v5;
	v19 =	vadd.s32 v3, v19;
	_ =	sdelay $0x1  }
0x8c7: {  	s12 =	simm.s32 $0xF200;
	v55 =	vperm.xlane v17, v0;
	v20 =	vadd.s32 v3, v54  }
0x8c8: {  	[tilespmem:s12], [sflag:$0x2] =	stream.indirect_vreg.gather [hbm4b:s4+s2], $0x80, v18, vm0, $0xb8;
	[tilespmem:$0x18200] =	vst v63  }
0x8c9: {  	v56 =	vperm.xlane v17, v6;
	v18 =	vadd.s32 v3, v55;
	s12 =	simm.s32 $0xF280  }
0x8ca: {  	[tilespmem:s12], [sflag:$0x2] =	stream.indirect_vreg.gather [hbm4b:s4+s2], $0x80, v19, vm0, $0xb8;
	[tilespmem:$0x18200] =	vst v63  }
0x8cb: {  	v57 =	vperm.xlane v17, v7;
	v19 =	vadd.s32 v3, v56;
	s12 =	simm.s32 $0xF300  }
0x8cc: {  	[tilespmem:s12], [sflag:$0x2] =	stream.indirect_vreg.gather [hbm4b:s4+s2], $0x80, v20, vm0, $0xb8;
	[tilespmem:$0x18200] =	vst v63  }
0x8cd: {  	v59 =	vperm.xlane v17, v8;
	v58 =	vadd.s32 v3, v57;
	s12 =	simm.s32 $0xF380  }
0x8ce: {  	[tilespmem:s12], [sflag:$0x2] =	stream.indirect_vreg.gather [hbm4b:s4+s2], $0x80, v18, vm0, $0xb8;
	[tilespmem:$0x18200] =	vst v63  }
0x8cf: {  	v60 =	vperm.xlane v17, v1;
	v18 =	vadd.s32 v3, v59;
	s12 =	simm.s32 $0xF400  }
0x8d0: {  	[tilespmem:s12], [sflag:$0x2] =	stream.indirect_vreg.gather [hbm4b:s4+s2], $0x80, v19, vm0, $0xb8;
	[tilespmem:$0x18200] =	vst v63  }
0x8d1: {  	v61 =	vperm.xlane v17, v9;
	v19 =	vadd.s32 v3, v60;
	s12 =	simm.s32 $0xF480  }
0x8d2: {  	[tilespmem:s12], [sflag:$0x2] =	stream.indirect_vreg.gather [hbm4b:s4+s2], $0x80, v58, vm0, $0xb8;
	[tilespmem:$0x18200] =	vst v63  }
0x8d3: {  	v63 =	vperm.xlane v17, v10;
	v62 =	vadd.s32 v3, v61;
	s12 =	simm.s32 $0xF500  }
0x8d4: {  	[tilespmem:s12], [sflag:$0x2] =	stream.indirect_vreg.gather [hbm4b:s4+s2], $0x80, v18, vm0, $0xb8;
	[tilespmem:$0x18200] =	vst v63  }
0x8d5: {  	v24 =	vperm.xlane v17, v11;
	v18 =	vadd.s32 v3, v63;
	s12 =	simm.s32 $0xF580  }
0x8d6: {  	[tilespmem:s12], [sflag:$0x2] =	stream.indirect_vreg.gather [hbm4b:s4+s2], $0x80, v19, vm0, $0xb8;
	[tilespmem:$0x18200] =	vst v63  }
0x8d7: {  	v25 =	vperm.xlane v17, v12;
	v19 =	vadd.s32 v3, v24;
	s12 =	simm.s32 $0xF600  }
0x8d8: {  	[tilespmem:s12], [sflag:$0x2] =	stream.indirect_vreg.gather [hbm4b:s4+s2], $0x80, v62, vm0, $0xb8;
	[tilespmem:$0x18200] =	vst v63  }
0x8d9: {  	v27 =	vperm.xlane v17, v13;
	v26 =	vadd.s32 v3, v25;
	s12 =	simm.s32 $0xF680  }
0x8da: {  	[tilespmem:s12], [sflag:$0x2] =	stream.indirect_vreg.gather [hbm4b:s4+s2], $0x80, v18, vm0, $0xb8;
	[tilespmem:$0x18200] =	vst v63  }
0x8db: {  	v28 =	vperm.xlane v17, v14;
	v18 =	vadd.s32 v3, v27;
	s12 =	simm.s32 $0xF700  }
0x8dc: {  	[tilespmem:s12], [sflag:$0x2] =	stream.indirect_vreg.gather [hbm4b:s4+s2], $0x80, v19, vm0, $0xb8;
	[tilespmem:$0x18200] =	vst v63  }
0x8dd: {  	v29 =	vperm.xlane v17, v15;
	v19 =	vadd.s32 v3, v28;
	s12 =	simm.s32 $0xF780  }
0x8de: {  	[tilespmem:s12], [sflag:$0x2] =	stream.indirect_vreg.gather [hbm4b:s4+s2], $0x80, v26, vm0, $0xb8;
	[tilespmem:$0x18200] =	vst v63  }
0x8df: {  	v17 =	vperm.xlane v17, v16;
	v30 =	vadd.s32 v3, v29;
	s12 =	simm.s32 $0xF800  }
0x8e0: {  	[tilespmem:s12], [sflag:$0x2] =	stream.indirect_vreg.gather [hbm4b:s4+s2], $0x80, v18, vm0, $0xb8;
	[tilespmem:$0x18200] =	vst v63  }
0x8e1: {  	v17 =	vadd.s32 v3, v17;
	s12 =	simm.s32 $0xF880  }
0x8e2: {  	[tilespmem:s12], [sflag:$0x2] =	stream.indirect_vreg.gather [hbm4b:s4+s2], $0x80, v19, vm0, $0xb8;
	[tilespmem:$0x18200] =	vst v63  }
0x8e3: {  	s12 =	simm.s32 $0xF900  }
0x8e4: {  	[tilespmem:s12], [sflag:$0x2] =	stream.indirect_vreg.gather [hbm4b:s4+s2], $0x80, v30, vm0, $0xb8;
	[tilespmem:$0x18200] =	vst v63  }
0x8e5: {  	s12 =	simm.s32 $0xF980  }
0x8e6: {  	[tilespmem:s12], [sflag:$0x2] =	stream.indirect_vreg.gather [hbm4b:s4+s2], $0x80, v17, vm0, $0xb8;
	[tilespmem:$0x18200] =	vst v63  }
0x8e7: {  	v17 =	vld [tilespmem:$0x1F0];
	_ =	sdelay $0x4  }
0x8e8: {  	v18 =	vshrl.u32 v17, $0x3  }
0x8e9: {  	v18 =	vmul.u32 $0x18, v18  }
0x8ea: {  	v17 =	vand.u32 $0x7, v17  }
0x8eb: {  	v17 =	vor.u32 v17, v18  }
0x8ec: {  	v18 =	vperm.xlane v17, v2;
	_ =	sdelay $0x1  }
0x8ed: {  	v19 =	vperm.xlane v17, v4;
	v18 =	vadd.s32 v3, v18;
	_ =	sdelay $0x1  }
0x8ee: {  	v31 =	vperm.xlane v17, v5;
	v19 =	vadd.s32 v3, v19;
	_ =	sdelay $0x1  }
0x8ef: {  	s12 =	simm.s32 $0xFA00;
	v32 =	vperm.xlane v17, v0;
	v20 =	vadd.s32 v3, v31  }
0x8f0: {  	[tilespmem:s12], [sflag:$0x2] =	stream.indirect_vreg.gather [hbm4b:s4+s2], $0x80, v18, vm0, $0xb8;
	[tilespmem:$0x18200] =	vst v63  }
0x8f1: {  	v33 =	vperm.xlane v17, v6;
	v18 =	vadd.s32 v3, v32;
	s12 =	simm.s32 $0xFA80  }
0x8f2: {  	[tilespmem:s12], [sflag:$0x2] =	stream.indirect_vreg.gather [hbm4b:s4+s2], $0x80, v19, vm0, $0xb8;
	[tilespmem:$0x18200] =	vst v63  }
0x8f3: {  	v34 =	vperm.xlane v17, v7;
	v19 =	vadd.s32 v3, v33;
	s12 =	simm.s32 $0xFB00  }
0x8f4: {  	[tilespmem:s12], [sflag:$0x2] =	stream.indirect_vreg.gather [hbm4b:s4+s2], $0x80, v20, vm0, $0xb8;
	[tilespmem:$0x18200] =	vst v63  }
0x8f5: {  	v36 =	vperm.xlane v17, v8;
	v35 =	vadd.s32 v3, v34;
	s12 =	simm.s32 $0xFB80  }
0x8f6: {  	[tilespmem:s12], [sflag:$0x2] =	stream.indirect_vreg.gather [hbm4b:s4+s2], $0x80, v18, vm0, $0xb8;
	[tilespmem:$0x18200] =	vst v63  }
0x8f7: {  	v37 =	vperm.xlane v17, v1;
	v18 =	vadd.s32 v3, v36;
	s12 =	simm.s32 $0xFC00  }
0x8f8: {  	[tilespmem:s12], [sflag:$0x2] =	stream.indirect_vreg.gather [hbm4b:s4+s2], $0x80, v19, vm0, $0xb8;
	[tilespmem:$0x18200] =	vst v63  }
0x8f9: {  	v38 =	vperm.xlane v17, v9;
	v19 =	vadd.s32 v3, v37;
	s12 =	simm.s32 $0xFC80  }
0x8fa: {  	[tilespmem:s12], [sflag:$0x2] =	stream.indirect_vreg.gather [hbm4b:s4+s2], $0x80, v35, vm0, $0xb8;
	[tilespmem:$0x18200] =	vst v63  }
0x8fb: {  	v40 =	vperm.xlane v17, v10;
	v39 =	vadd.s32 v3, v38;
	s12 =	simm.s32 $0xFD00  }
0x8fc: {  	[tilespmem:s12], [sflag:$0x2] =	stream.indirect_vreg.gather [hbm4b:s4+s2], $0x80, v18, vm0, $0xb8;
	[tilespmem:$0x18200] =	vst v63  }
0x8fd: {  	v41 =	vperm.xlane v17, v11;
	v18 =	vadd.s32 v3, v40;
	s12 =	simm.s32 $0xFD80  }
0x8fe: {  	[tilespmem:s12], [sflag:$0x2] =	stream.indirect_vreg.gather [hbm4b:s4+s2], $0x80, v19, vm0, $0xb8;
	[tilespmem:$0x18200] =	vst v63  }
0x8ff: {  	v42 =	vperm.xlane v17, v12;
	v19 =	vadd.s32 v3, v41;
	s12 =	simm.s32 $0xFE00  }
0x900: {  	[tilespmem:s12], [sflag:$0x2] =	stream.indirect_vreg.gather [hbm4b:s4+s2], $0x80, v39, vm0, $0xb8;
	[tilespmem:$0x18200] =	vst v63  }
0x901: {  	v44 =	vperm.xlane v17, v13;
	v43 =	vadd.s32 v3, v42;
	s12 =	simm.s32 $0xFE80  }
0x902: {  	[tilespmem:s12], [sflag:$0x2] =	stream.indirect_vreg.gather [hbm4b:s4+s2], $0x80, v18, vm0, $0xb8;
	[tilespmem:$0x18200] =	vst v63  }
0x903: {  	v45 =	vperm.xlane v17, v14;
	v18 =	vadd.s32 v3, v44;
	s12 =	simm.s32 $0xFF00  }
0x904: {  	[tilespmem:s12], [sflag:$0x2] =	stream.indirect_vreg.gather [hbm4b:s4+s2], $0x80, v19, vm0, $0xb8;
	[tilespmem:$0x18200] =	vst v63  }
0x905: {  	v46 =	vperm.xlane v17, v15;
	v19 =	vadd.s32 v3, v45;
	s12 =	simm.s32 $0xFF80  }
0x906: {  	[tilespmem:s12], [sflag:$0x2] =	stream.indirect_vreg.gather [hbm4b:s4+s2], $0x80, v43, vm0, $0xb8;
	[tilespmem:$0x18200] =	vst v63  }
0x907: {  	v17 =	vperm.xlane v17, v16;
	v47 =	vadd.s32 v3, v46;
	s12 =	simm.s32 $0x10000  }
0x908: {  	[tilespmem:s12], [sflag:$0x2] =	stream.indirect_vreg.gather [hbm4b:s4+s2], $0x80, v18, vm0, $0xb8;
	[tilespmem:$0x18200] =	vst v63  }
0x909: {  	v17 =	vadd.s32 v3, v17;
	s12 =	simm.s32 $0x10080  }
0x90a: {  	[tilespmem:s12], [sflag:$0x2] =	stream.indirect_vreg.gather [hbm4b:s4+s2], $0x80, v19, vm0, $0xb8;
	[tilespmem:$0x18200] =	vst v63  }
0x90b: {  	s12 =	simm.s32 $0x10100  }
0x90c: {  	[tilespmem:s12], [sflag:$0x2] =	stream.indirect_vreg.gather [hbm4b:s4+s2], $0x80, v47, vm0, $0xb8;
	[tilespmem:$0x18200] =	vst v63  }
0x90d: {  	s12 =	simm.s32 $0x10180  }
0x90e: {  	[tilespmem:s12], [sflag:$0x2] =	stream.indirect_vreg.gather [hbm4b:s4+s2], $0x80, v17, vm0, $0xb8;
	[tilespmem:$0x18200] =	vst v63  }
0x90f: {  	v17 =	vld [tilespmem:$0x180];
	_ =	sdelay $0x4  }
0x910: {  	v18 =	vshrl.u32 v17, $0x3  }
0x911: {  	v18 =	vmul.u32 $0x18, v18  }
0x912: {  	v17 =	vand.u32 $0x7, v17  }
0x913: {  	v17 =	vor.u32 v17, v18  }
0x914: {  	v18 =	vperm.xlane v17, v2;
	_ =	sdelay $0x1  }
0x915: {  	v19 =	vperm.xlane v17, v4;
	v18 =	vadd.s32 v3, v18;
	_ =	sdelay $0x1  }
0x916: {  	v48 =	vperm.xlane v17, v5;
	v19 =	vadd.s32 v3, v19;
	_ =	sdelay $0x1  }
0x917: {  	v49 =	vperm.xlane v17, v0;
	v20 =	vadd.s32 v3, v48  }
0x918: {  	[tilespmem:s0], [sflag:$0x2] =	stream.indirect_vreg.gather [hbm4b:s6+s2], $0x80, v18, vm0, $0xb8;
	[tilespmem:$0x18200] =	vst v63  }
0x919: {  	s12 =	simm.s32 $0x10280;
	v50 =	vperm.xlane v17, v6;
	v18 =	vadd.s32 v3, v49  }
0x91a: {  	[tilespmem:s12], [sflag:$0x2] =	stream.indirect_vreg.gather [hbm4b:s6+s2], $0x80, v19, vm0, $0xb8;
	[tilespmem:$0x18200] =	vst v63  }
0x91b: {  	v51 =	vperm.xlane v17, v7;
	v19 =	vadd.s32 v3, v50;
	s12 =	simm.s32 $0x10300  }
0x91c: {  	[tilespmem:s12], [sflag:$0x2] =	stream.indirect_vreg.gather [hbm4b:s6+s2], $0x80, v20, vm0, $0xb8;
	[tilespmem:$0x18200] =	vst v63  }
0x91d: {  	v53 =	vperm.xlane v17, v8;
	v52 =	vadd.s32 v3, v51;
	s12 =	simm.s32 $0x10380  }
0x91e: {  	[tilespmem:s12], [sflag:$0x2] =	stream.indirect_vreg.gather [hbm4b:s6+s2], $0x80, v18, vm0, $0xb8;
	[tilespmem:$0x18200] =	vst v63  }
0x91f: {  	v54 =	vperm.xlane v17, v1;
	v18 =	vadd.s32 v3, v53;
	s12 =	simm.s32 $0x10400  }
0x920: {  	[tilespmem:s12], [sflag:$0x2] =	stream.indirect_vreg.gather [hbm4b:s6+s2], $0x80, v19, vm0, $0xb8;
	[tilespmem:$0x18200] =	vst v63  }
0x921: {  	v55 =	vperm.xlane v17, v9;
	v19 =	vadd.s32 v3, v54;
	s12 =	simm.s32 $0x10480  }
0x922: {  	[tilespmem:s12], [sflag:$0x2] =	stream.indirect_vreg.gather [hbm4b:s6+s2], $0x80, v52, vm0, $0xb8;
	[tilespmem:$0x18200] =	vst v63  }
0x923: {  	v57 =	vperm.xlane v17, v10;
	v56 =	vadd.s32 v3, v55;
	s12 =	simm.s32 $0x10500  }
0x924: {  	[tilespmem:s12], [sflag:$0x2] =	stream.indirect_vreg.gather [hbm4b:s6+s2], $0x80, v18, vm0, $0xb8;
	[tilespmem:$0x18200] =	vst v63  }
0x925: {  	v58 =	vperm.xlane v17, v11;
	v18 =	vadd.s32 v3, v57;
	s12 =	simm.s32 $0x10580  }
0x926: {  	[tilespmem:s12], [sflag:$0x2] =	stream.indirect_vreg.gather [hbm4b:s6+s2], $0x80, v19, vm0, $0xb8;
	[tilespmem:$0x18200] =	vst v63  }
0x927: {  	v59 =	vperm.xlane v17, v12;
	v19 =	vadd.s32 v3, v58;
	s12 =	simm.s32 $0x10600  }
0x928: {  	[tilespmem:s12], [sflag:$0x2] =	stream.indirect_vreg.gather [hbm4b:s6+s2], $0x80, v56, vm0, $0xb8;
	[tilespmem:$0x18200] =	vst v63  }
0x929: {  	v61 =	vperm.xlane v17, v13;
	v60 =	vadd.s32 v3, v59;
	s12 =	simm.s32 $0x10680  }
0x92a: {  	[tilespmem:s12], [sflag:$0x2] =	stream.indirect_vreg.gather [hbm4b:s6+s2], $0x80, v18, vm0, $0xb8;
	[tilespmem:$0x18200] =	vst v63  }
0x92b: {  	v62 =	vperm.xlane v17, v14;
	v18 =	vadd.s32 v3, v61;
	s12 =	simm.s32 $0x10700  }
0x92c: {  	[tilespmem:s12], [sflag:$0x2] =	stream.indirect_vreg.gather [hbm4b:s6+s2], $0x80, v19, vm0, $0xb8;
	[tilespmem:$0x18200] =	vst v63  }
0x92d: {  	v63 =	vperm.xlane v17, v15;
	v19 =	vadd.s32 v3, v62;
	s12 =	simm.s32 $0x10780  }
0x92e: {  	[tilespmem:s12], [sflag:$0x2] =	stream.indirect_vreg.gather [hbm4b:s6+s2], $0x80, v60, vm0, $0xb8;
	[tilespmem:$0x18200] =	vst v63  }
0x92f: {  	v17 =	vperm.xlane v17, v16;
	v24 =	vadd.s32 v3, v63;
	s12 =	simm.s32 $0x10800  }
0x930: {  	[tilespmem:s12], [sflag:$0x2] =	stream.indirect_vreg.gather [hbm4b:s6+s2], $0x80, v18, vm0, $0xb8;
	[tilespmem:$0x18200] =	vst v63  }
0x931: {  	v17 =	vadd.s32 v3, v17;
	s12 =	simm.s32 $0x10880  }
0x932: {  	[tilespmem:s12], [sflag:$0x2] =	stream.indirect_vreg.gather [hbm4b:s6+s2], $0x80, v19, vm0, $0xb8;
	[tilespmem:$0x18200] =	vst v63  }
0x933: {  	s12 =	simm.s32 $0x10900  }
0x934: {  	[tilespmem:s12], [sflag:$0x2] =	stream.indirect_vreg.gather [hbm4b:s6+s2], $0x80, v24, vm0, $0xb8;
	[tilespmem:$0x18200] =	vst v63  }
0x935: {  	s12 =	simm.s32 $0x10980  }
0x936: {  	[tilespmem:s12], [sflag:$0x2] =	stream.indirect_vreg.gather [hbm4b:s6+s2], $0x80, v17, vm0, $0xb8;
	[tilespmem:$0x18200] =	vst v63  }
0x937: {  	v17 =	vld [tilespmem:$0x190];
	_ =	sdelay $0x4  }
0x938: {  	v18 =	vshrl.u32 v17, $0x3  }
0x939: {  	v18 =	vmul.u32 $0x18, v18  }
0x93a: {  	v17 =	vand.u32 $0x7, v17  }
0x93b: {  	v17 =	vor.u32 v17, v18  }
0x93c: {  	v18 =	vperm.xlane v17, v2;
	_ =	sdelay $0x1  }
0x93d: {  	v19 =	vperm.xlane v17, v4;
	v18 =	vadd.s32 v3, v18;
	_ =	sdelay $0x1  }
0x93e: {  	v25 =	vperm.xlane v17, v5;
	v19 =	vadd.s32 v3, v19;
	_ =	sdelay $0x1  }
0x93f: {  	s12 =	simm.s32 $0x10A00;
	v26 =	vperm.xlane v17, v0;
	v20 =	vadd.s32 v3, v25  }
0x940: {  	[tilespmem:s12], [sflag:$0x2] =	stream.indirect_vreg.gather [hbm4b:s6+s2], $0x80, v18, vm0, $0xb8;
	[tilespmem:$0x18200] =	vst v63  }
0x941: {  	v27 =	vperm.xlane v17, v6;
	v18 =	vadd.s32 v3, v26;
	s12 =	simm.s32 $0x10A80  }
0x942: {  	[tilespmem:s12], [sflag:$0x2] =	stream.indirect_vreg.gather [hbm4b:s6+s2], $0x80, v19, vm0, $0xb8;
	[tilespmem:$0x18200] =	vst v63  }
0x943: {  	v28 =	vperm.xlane v17, v7;
	v19 =	vadd.s32 v3, v27;
	s12 =	simm.s32 $0x10B00  }
0x944: {  	[tilespmem:s12], [sflag:$0x2] =	stream.indirect_vreg.gather [hbm4b:s6+s2], $0x80, v20, vm0, $0xb8;
	[tilespmem:$0x18200] =	vst v63  }
0x945: {  	v30 =	vperm.xlane v17, v8;
	v29 =	vadd.s32 v3, v28;
	s12 =	simm.s32 $0x10B80  }
0x946: {  	[tilespmem:s12], [sflag:$0x2] =	stream.indirect_vreg.gather [hbm4b:s6+s2], $0x80, v18, vm0, $0xb8;
	[tilespmem:$0x18200] =	vst v63  }
0x947: {  	v31 =	vperm.xlane v17, v1;
	v18 =	vadd.s32 v3, v30;
	s12 =	simm.s32 $0x10C00  }
0x948: {  	[tilespmem:s12], [sflag:$0x2] =	stream.indirect_vreg.gather [hbm4b:s6+s2], $0x80, v19, vm0, $0xb8;
	[tilespmem:$0x18200] =	vst v63  }
0x949: {  	v32 =	vperm.xlane v17, v9;
	v19 =	vadd.s32 v3, v31;
	s12 =	simm.s32 $0x10C80  }
0x94a: {  	[tilespmem:s12], [sflag:$0x2] =	stream.indirect_vreg.gather [hbm4b:s6+s2], $0x80, v29, vm0, $0xb8;
	[tilespmem:$0x18200] =	vst v63  }
0x94b: {  	v34 =	vperm.xlane v17, v10;
	v33 =	vadd.s32 v3, v32;
	s12 =	simm.s32 $0x10D00  }
0x94c: {  	[tilespmem:s12], [sflag:$0x2] =	stream.indirect_vreg.gather [hbm4b:s6+s2], $0x80, v18, vm0, $0xb8;
	[tilespmem:$0x18200] =	vst v63  }
0x94d: {  	v35 =	vperm.xlane v17, v11;
	v18 =	vadd.s32 v3, v34;
	s12 =	simm.s32 $0x10D80  }
0x94e: {  	[tilespmem:s12], [sflag:$0x2] =	stream.indirect_vreg.gather [hbm4b:s6+s2], $0x80, v19, vm0, $0xb8;
	[tilespmem:$0x18200] =	vst v63  }
0x94f: {  	v36 =	vperm.xlane v17, v12;
	v19 =	vadd.s32 v3, v35;
	s12 =	simm.s32 $0x10E00  }
0x950: {  	[tilespmem:s12], [sflag:$0x2] =	stream.indirect_vreg.gather [hbm4b:s6+s2], $0x80, v33, vm0, $0xb8;
	[tilespmem:$0x18200] =	vst v63  }
0x951: {  	v38 =	vperm.xlane v17, v13;
	v37 =	vadd.s32 v3, v36;
	s12 =	simm.s32 $0x10E80  }
0x952: {  	[tilespmem:s12], [sflag:$0x2] =	stream.indirect_vreg.gather [hbm4b:s6+s2], $0x80, v18, vm0, $0xb8;
	[tilespmem:$0x18200] =	vst v63  }
0x953: {  	v39 =	vperm.xlane v17, v14;
	v18 =	vadd.s32 v3, v38;
	s12 =	simm.s32 $0x10F00  }
0x954: {  	[tilespmem:s12], [sflag:$0x2] =	stream.indirect_vreg.gather [hbm4b:s6+s2], $0x80, v19, vm0, $0xb8;
	[tilespmem:$0x18200] =	vst v63  }
0x955: {  	v40 =	vperm.xlane v17, v15;
	v19 =	vadd.s32 v3, v39;
	s12 =	simm.s32 $0x10F80  }
0x956: {  	[tilespmem:s12], [sflag:$0x2] =	stream.indirect_vreg.gather [hbm4b:s6+s2], $0x80, v37, vm0, $0xb8;
	[tilespmem:$0x18200] =	vst v63  }
0x957: {  	v17 =	vperm.xlane v17, v16;
	v41 =	vadd.s32 v3, v40;
	s12 =	simm.s32 $0x11000  }
0x958: {  	[tilespmem:s12], [sflag:$0x2] =	stream.indirect_vreg.gather [hbm4b:s6+s2], $0x80, v18, vm0, $0xb8;
	[tilespmem:$0x18200] =	vst v63  }
0x959: {  	v17 =	vadd.s32 v3, v17;
	s12 =	simm.s32 $0x11080  }
0x95a: {  	[tilespmem:s12], [sflag:$0x2] =	stream.indirect_vreg.gather [hbm4b:s6+s2], $0x80, v19, vm0, $0xb8;
	[tilespmem:$0x18200] =	vst v63  }
0x95b: {  	s12 =	simm.s32 $0x11100  }
0x95c: {  	[tilespmem:s12], [sflag:$0x2] =	stream.indirect_vreg.gather [hbm4b:s6+s2], $0x80, v41, vm0, $0xb8;
	[tilespmem:$0x18200] =	vst v63  }
0x95d: {  	s12 =	simm.s32 $0x11180  }
0x95e: {  	[tilespmem:s12], [sflag:$0x2] =	stream.indirect_vreg.gather [hbm4b:s6+s2], $0x80, v17, vm0, $0xb8;
	[tilespmem:$0x18200] =	vst v63  }
0x95f: {  	v17 =	vld [tilespmem:$0x1A0];
	_ =	sdelay $0x4  }
0x960: {  	v18 =	vshrl.u32 v17, $0x3  }
0x961: {  	v18 =	vmul.u32 $0x18, v18  }
0x962: {  	v17 =	vand.u32 $0x7, v17  }
0x963: {  	v17 =	vor.u32 v17, v18  }
0x964: {  	v18 =	vperm.xlane v17, v2;
	_ =	sdelay $0x1  }
0x965: {  	v19 =	vperm.xlane v17, v4;
	v18 =	vadd.s32 v3, v18;
	_ =	sdelay $0x1  }
0x966: {  	v42 =	vperm.xlane v17, v5;
	v19 =	vadd.s32 v3, v19;
	_ =	sdelay $0x1  }
0x967: {  	s12 =	simm.s32 $0x11200;
	v43 =	vperm.xlane v17, v0;
	v20 =	vadd.s32 v3, v42  }
0x968: {  	[tilespmem:s12], [sflag:$0x2] =	stream.indirect_vreg.gather [hbm4b:s6+s2], $0x80, v18, vm0, $0xb8;
	[tilespmem:$0x18200] =	vst v63  }
0x969: {  	v44 =	vperm.xlane v17, v6;
	v18 =	vadd.s32 v3, v43;
	s12 =	simm.s32 $0x11280  }
0x96a: {  	[tilespmem:s12], [sflag:$0x2] =	stream.indirect_vreg.gather [hbm4b:s6+s2], $0x80, v19, vm0, $0xb8;
	[tilespmem:$0x18200] =	vst v63  }
0x96b: {  	v45 =	vperm.xlane v17, v7;
	v19 =	vadd.s32 v3, v44;
	s12 =	simm.s32 $0x11300  }
0x96c: {  	[tilespmem:s12], [sflag:$0x2] =	stream.indirect_vreg.gather [hbm4b:s6+s2], $0x80, v20, vm0, $0xb8;
	[tilespmem:$0x18200] =	vst v63  }
0x96d: {  	v47 =	vperm.xlane v17, v8;
	v46 =	vadd.s32 v3, v45;
	s12 =	simm.s32 $0x11380  }
0x96e: {  	[tilespmem:s12], [sflag:$0x2] =	stream.indirect_vreg.gather [hbm4b:s6+s2], $0x80, v18, vm0, $0xb8;
	[tilespmem:$0x18200] =	vst v63  }
0x96f: {  	v48 =	vperm.xlane v17, v1;
	v18 =	vadd.s32 v3, v47;
	s12 =	simm.s32 $0x11400  }
0x970: {  	[tilespmem:s12], [sflag:$0x2] =	stream.indirect_vreg.gather [hbm4b:s6+s2], $0x80, v19, vm0, $0xb8;
	[tilespmem:$0x18200] =	vst v63  }
0x971: {  	v49 =	vperm.xlane v17, v9;
	v19 =	vadd.s32 v3, v48;
	s12 =	simm.s32 $0x11480  }
0x972: {  	[tilespmem:s12], [sflag:$0x2] =	stream.indirect_vreg.gather [hbm4b:s6+s2], $0x80, v46, vm0, $0xb8;
	[tilespmem:$0x18200] =	vst v63  }
0x973: {  	v51 =	vperm.xlane v17, v10;
	v50 =	vadd.s32 v3, v49;
	s12 =	simm.s32 $0x11500  }
0x974: {  	[tilespmem:s12], [sflag:$0x2] =	stream.indirect_vreg.gather [hbm4b:s6+s2], $0x80, v18, vm0, $0xb8;
	[tilespmem:$0x18200] =	vst v63  }
0x975: {  	v52 =	vperm.xlane v17, v11;
	v18 =	vadd.s32 v3, v51;
	s12 =	simm.s32 $0x11580  }
0x976: {  	[tilespmem:s12], [sflag:$0x2] =	stream.indirect_vreg.gather [hbm4b:s6+s2], $0x80, v19, vm0, $0xb8;
	[tilespmem:$0x18200] =	vst v63  }
0x977: {  	v53 =	vperm.xlane v17, v12;
	v19 =	vadd.s32 v3, v52;
	s12 =	simm.s32 $0x11600  }
0x978: {  	[tilespmem:s12], [sflag:$0x2] =	stream.indirect_vreg.gather [hbm4b:s6+s2], $0x80, v50, vm0, $0xb8;
	[tilespmem:$0x18200] =	vst v63  }
0x979: {  	v55 =	vperm.xlane v17, v13;
	v54 =	vadd.s32 v3, v53;
	s12 =	simm.s32 $0x11680  }
0x97a: {  	[tilespmem:s12], [sflag:$0x2] =	stream.indirect_vreg.gather [hbm4b:s6+s2], $0x80, v18, vm0, $0xb8;
	[tilespmem:$0x18200] =	vst v63  }
0x97b: {  	v56 =	vperm.xlane v17, v14;
	v18 =	vadd.s32 v3, v55;
	s12 =	simm.s32 $0x11700  }
0x97c: {  	[tilespmem:s12], [sflag:$0x2] =	stream.indirect_vreg.gather [hbm4b:s6+s2], $0x80, v19, vm0, $0xb8;
	[tilespmem:$0x18200] =	vst v63  }
0x97d: {  	v57 =	vperm.xlane v17, v15;
	v19 =	vadd.s32 v3, v56;
	s12 =	simm.s32 $0x11780  }
0x97e: {  	[tilespmem:s12], [sflag:$0x2] =	stream.indirect_vreg.gather [hbm4b:s6+s2], $0x80, v54, vm0, $0xb8;
	[tilespmem:$0x18200] =	vst v63  }
0x97f: {  	v17 =	vperm.xlane v17, v16;
	v58 =	vadd.s32 v3, v57;
	s12 =	simm.s32 $0x11800  }
0x980: {  	[tilespmem:s12], [sflag:$0x2] =	stream.indirect_vreg.gather [hbm4b:s6+s2], $0x80, v18, vm0, $0xb8;
	[tilespmem:$0x18200] =	vst v63  }
0x981: {  	v17 =	vadd.s32 v3, v17;
	s12 =	simm.s32 $0x11880  }
0x982: {  	[tilespmem:s12], [sflag:$0x2] =	stream.indirect_vreg.gather [hbm4b:s6+s2], $0x80, v19, vm0, $0xb8;
	[tilespmem:$0x18200] =	vst v63  }
0x983: {  	s12 =	simm.s32 $0x11900  }
0x984: {  	[tilespmem:s12], [sflag:$0x2] =	stream.indirect_vreg.gather [hbm4b:s6+s2], $0x80, v58, vm0, $0xb8;
	[tilespmem:$0x18200] =	vst v63  }
0x985: {  	s12 =	simm.s32 $0x11980  }
0x986: {  	[tilespmem:s12], [sflag:$0x2] =	stream.indirect_vreg.gather [hbm4b:s6+s2], $0x80, v17, vm0, $0xb8;
	[tilespmem:$0x18200] =	vst v63  }
0x987: {  	v17 =	vld [tilespmem:$0x1B0];
	_ =	sdelay $0x4  }
0x988: {  	v18 =	vshrl.u32 v17, $0x3  }
0x989: {  	v18 =	vmul.u32 $0x18, v18  }
0x98a: {  	v17 =	vand.u32 $0x7, v17  }
0x98b: {  	v17 =	vor.u32 v17, v18  }
0x98c: {  	v18 =	vperm.xlane v17, v2;
	_ =	sdelay $0x1  }
0x98d: {  	v19 =	vperm.xlane v17, v4;
	v18 =	vadd.s32 v3, v18;
	_ =	sdelay $0x1  }
0x98e: {  	v59 =	vperm.xlane v17, v5;
	v19 =	vadd.s32 v3, v19;
	_ =	sdelay $0x1  }
0x98f: {  	s12 =	simm.s32 $0x11A00;
	v60 =	vperm.xlane v17, v0;
	v20 =	vadd.s32 v3, v59  }
0x990: {  	[tilespmem:s12], [sflag:$0x2] =	stream.indirect_vreg.gather [hbm4b:s6+s2], $0x80, v18, vm0, $0xb8;
	[tilespmem:$0x18200] =	vst v63  }
0x991: {  	v61 =	vperm.xlane v17, v6;
	v18 =	vadd.s32 v3, v60;
	s12 =	simm.s32 $0x11A80  }
0x992: {  	[tilespmem:s12], [sflag:$0x2] =	stream.indirect_vreg.gather [hbm4b:s6+s2], $0x80, v19, vm0, $0xb8;
	[tilespmem:$0x18200] =	vst v63  }
0x993: {  	v62 =	vperm.xlane v17, v7;
	v19 =	vadd.s32 v3, v61;
	s12 =	simm.s32 $0x11B00  }
0x994: {  	[tilespmem:s12], [sflag:$0x2] =	stream.indirect_vreg.gather [hbm4b:s6+s2], $0x80, v20, vm0, $0xb8;
	[tilespmem:$0x18200] =	vst v63  }
0x995: {  	v24 =	vperm.xlane v17, v8;
	v63 =	vadd.s32 v3, v62;
	s12 =	simm.s32 $0x11B80  }
0x996: {  	[tilespmem:s12], [sflag:$0x2] =	stream.indirect_vreg.gather [hbm4b:s6+s2], $0x80, v18, vm0, $0xb8;
	[tilespmem:$0x18200] =	vst v63  }
0x997: {  	v25 =	vperm.xlane v17, v1;
	v18 =	vadd.s32 v3, v24;
	s12 =	simm.s32 $0x11C00  }
0x998: {  	[tilespmem:s12], [sflag:$0x2] =	stream.indirect_vreg.gather [hbm4b:s6+s2], $0x80, v19, vm0, $0xb8;
	[tilespmem:$0x18200] =	vst v63  }
0x999: {  	v26 =	vperm.xlane v17, v9;
	v19 =	vadd.s32 v3, v25;
	s12 =	simm.s32 $0x11C80  }
0x99a: {  	[tilespmem:s12], [sflag:$0x2] =	stream.indirect_vreg.gather [hbm4b:s6+s2], $0x80, v63, vm0, $0xb8;
	[tilespmem:$0x18200] =	vst v63  }
0x99b: {  	v28 =	vperm.xlane v17, v10;
	v27 =	vadd.s32 v3, v26;
	s12 =	simm.s32 $0x11D00  }
0x99c: {  	[tilespmem:s12], [sflag:$0x2] =	stream.indirect_vreg.gather [hbm4b:s6+s2], $0x80, v18, vm0, $0xb8;
	[tilespmem:$0x18200] =	vst v63  }
0x99d: {  	v29 =	vperm.xlane v17, v11;
	v18 =	vadd.s32 v3, v28;
	s12 =	simm.s32 $0x11D80  }
0x99e: {  	[tilespmem:s12], [sflag:$0x2] =	stream.indirect_vreg.gather [hbm4b:s6+s2], $0x80, v19, vm0, $0xb8;
	[tilespmem:$0x18200] =	vst v63  }
0x99f: {  	v30 =	vperm.xlane v17, v12;
	v19 =	vadd.s32 v3, v29;
	s12 =	simm.s32 $0x11E00  }
0x9a0: {  	[tilespmem:s12], [sflag:$0x2] =	stream.indirect_vreg.gather [hbm4b:s6+s2], $0x80, v27, vm0, $0xb8;
	[tilespmem:$0x18200] =	vst v63  }
0x9a1: {  	v32 =	vperm.xlane v17, v13;
	v31 =	vadd.s32 v3, v30;
	s12 =	simm.s32 $0x11E80  }
0x9a2: {  	[tilespmem:s12], [sflag:$0x2] =	stream.indirect_vreg.gather [hbm4b:s6+s2], $0x80, v18, vm0, $0xb8;
	[tilespmem:$0x18200] =	vst v63  }
0x9a3: {  	v33 =	vperm.xlane v17, v14;
	v18 =	vadd.s32 v3, v32;
	s12 =	simm.s32 $0x11F00  }
0x9a4: {  	[tilespmem:s12], [sflag:$0x2] =	stream.indirect_vreg.gather [hbm4b:s6+s2], $0x80, v19, vm0, $0xb8;
	[tilespmem:$0x18200] =	vst v63  }
0x9a5: {  	v34 =	vperm.xlane v17, v15;
	v19 =	vadd.s32 v3, v33;
	s12 =	simm.s32 $0x11F80  }
0x9a6: {  	[tilespmem:s12], [sflag:$0x2] =	stream.indirect_vreg.gather [hbm4b:s6+s2], $0x80, v31, vm0, $0xb8;
	[tilespmem:$0x18200] =	vst v63  }
0x9a7: {  	v17 =	vperm.xlane v17, v16;
	v35 =	vadd.s32 v3, v34;
	s12 =	simm.s32 $0x12000  }
0x9a8: {  	[tilespmem:s12], [sflag:$0x2] =	stream.indirect_vreg.gather [hbm4b:s6+s2], $0x80, v18, vm0, $0xb8;
	[tilespmem:$0x18200] =	vst v63  }
0x9a9: {  	v17 =	vadd.s32 v3, v17;
	s12 =	simm.s32 $0x12080  }
0x9aa: {  	[tilespmem:s12], [sflag:$0x2] =	stream.indirect_vreg.gather [hbm4b:s6+s2], $0x80, v19, vm0, $0xb8;
	[tilespmem:$0x18200] =	vst v63  }
0x9ab: {  	s12 =	simm.s32 $0x12100  }
0x9ac: {  	[tilespmem:s12], [sflag:$0x2] =	stream.indirect_vreg.gather [hbm4b:s6+s2], $0x80, v35, vm0, $0xb8;
	[tilespmem:$0x18200] =	vst v63  }
0x9ad: {  	s12 =	simm.s32 $0x12180  }
0x9ae: {  	[tilespmem:s12], [sflag:$0x2] =	stream.indirect_vreg.gather [hbm4b:s6+s2], $0x80, v17, vm0, $0xb8;
	[tilespmem:$0x18200] =	vst v63  }
0x9af: {  	v17 =	vld [tilespmem:$0x1C0];
	_ =	sdelay $0x4  }
0x9b0: {  	v18 =	vshrl.u32 v17, $0x3  }
0x9b1: {  	v18 =	vmul.u32 $0x18, v18  }
0x9b2: {  	v17 =	vand.u32 $0x7, v17  }
0x9b3: {  	v17 =	vor.u32 v17, v18  }
0x9b4: {  	v18 =	vperm.xlane v17, v2;
	_ =	sdelay $0x1  }
0x9b5: {  	v19 =	vperm.xlane v17, v4;
	v18 =	vadd.s32 v3, v18;
	_ =	sdelay $0x1  }
0x9b6: {  	v36 =	vperm.xlane v17, v5;
	v19 =	vadd.s32 v3, v19;
	_ =	sdelay $0x1  }
0x9b7: {  	s12 =	simm.s32 $0x12200;
	v37 =	vperm.xlane v17, v0;
	v20 =	vadd.s32 v3, v36  }
0x9b8: {  	[tilespmem:s12], [sflag:$0x2] =	stream.indirect_vreg.gather [hbm4b:s6+s2], $0x80, v18, vm0, $0xb8;
	[tilespmem:$0x18200] =	vst v63  }
0x9b9: {  	v38 =	vperm.xlane v17, v6;
	v18 =	vadd.s32 v3, v37;
	s12 =	simm.s32 $0x12280  }
0x9ba: {  	[tilespmem:s12], [sflag:$0x2] =	stream.indirect_vreg.gather [hbm4b:s6+s2], $0x80, v19, vm0, $0xb8;
	[tilespmem:$0x18200] =	vst v63  }
0x9bb: {  	v39 =	vperm.xlane v17, v7;
	v19 =	vadd.s32 v3, v38;
	s12 =	simm.s32 $0x12300  }
0x9bc: {  	[tilespmem:s12], [sflag:$0x2] =	stream.indirect_vreg.gather [hbm4b:s6+s2], $0x80, v20, vm0, $0xb8;
	[tilespmem:$0x18200] =	vst v63  }
0x9bd: {  	v41 =	vperm.xlane v17, v8;
	v40 =	vadd.s32 v3, v39;
	s12 =	simm.s32 $0x12380  }
0x9be: {  	[tilespmem:s12], [sflag:$0x2] =	stream.indirect_vreg.gather [hbm4b:s6+s2], $0x80, v18, vm0, $0xb8;
	[tilespmem:$0x18200] =	vst v63  }
0x9bf: {  	v42 =	vperm.xlane v17, v1;
	v18 =	vadd.s32 v3, v41;
	s12 =	simm.s32 $0x12400  }
0x9c0: {  	[tilespmem:s12], [sflag:$0x2] =	stream.indirect_vreg.gather [hbm4b:s6+s2], $0x80, v19, vm0, $0xb8;
	[tilespmem:$0x18200] =	vst v63  }
0x9c1: {  	v43 =	vperm.xlane v17, v9;
	v19 =	vadd.s32 v3, v42;
	s12 =	simm.s32 $0x12480  }
0x9c2: {  	[tilespmem:s12], [sflag:$0x2] =	stream.indirect_vreg.gather [hbm4b:s6+s2], $0x80, v40, vm0, $0xb8;
	[tilespmem:$0x18200] =	vst v63  }
0x9c3: {  	v45 =	vperm.xlane v17, v10;
	v44 =	vadd.s32 v3, v43;
	s12 =	simm.s32 $0x12500  }
0x9c4: {  	[tilespmem:s12], [sflag:$0x2] =	stream.indirect_vreg.gather [hbm4b:s6+s2], $0x80, v18, vm0, $0xb8;
	[tilespmem:$0x18200] =	vst v63  }
0x9c5: {  	v46 =	vperm.xlane v17, v11;
	v18 =	vadd.s32 v3, v45;
	s12 =	simm.s32 $0x12580  }
0x9c6: {  	[tilespmem:s12], [sflag:$0x2] =	stream.indirect_vreg.gather [hbm4b:s6+s2], $0x80, v19, vm0, $0xb8;
	[tilespmem:$0x18200] =	vst v63  }
0x9c7: {  	v47 =	vperm.xlane v17, v12;
	v19 =	vadd.s32 v3, v46;
	s12 =	simm.s32 $0x12600  }
0x9c8: {  	[tilespmem:s12], [sflag:$0x2] =	stream.indirect_vreg.gather [hbm4b:s6+s2], $0x80, v44, vm0, $0xb8;
	[tilespmem:$0x18200] =	vst v63  }
0x9c9: {  	v49 =	vperm.xlane v17, v13;
	v48 =	vadd.s32 v3, v47;
	s12 =	simm.s32 $0x12680  }
0x9ca: {  	[tilespmem:s12], [sflag:$0x2] =	stream.indirect_vreg.gather [hbm4b:s6+s2], $0x80, v18, vm0, $0xb8;
	[tilespmem:$0x18200] =	vst v63  }
0x9cb: {  	v50 =	vperm.xlane v17, v14;
	v18 =	vadd.s32 v3, v49;
	s12 =	simm.s32 $0x12700  }
0x9cc: {  	[tilespmem:s12], [sflag:$0x2] =	stream.indirect_vreg.gather [hbm4b:s6+s2], $0x80, v19, vm0, $0xb8;
	[tilespmem:$0x18200] =	vst v63  }
0x9cd: {  	v51 =	vperm.xlane v17, v15;
	v19 =	vadd.s32 v3, v50;
	s12 =	simm.s32 $0x12780  }
0x9ce: {  	[tilespmem:s12], [sflag:$0x2] =	stream.indirect_vreg.gather [hbm4b:s6+s2], $0x80, v48, vm0, $0xb8;
	[tilespmem:$0x18200] =	vst v63  }
0x9cf: {  	v17 =	vperm.xlane v17, v16;
	v52 =	vadd.s32 v3, v51;
	s12 =	simm.s32 $0x12800  }
0x9d0: {  	[tilespmem:s12], [sflag:$0x2] =	stream.indirect_vreg.gather [hbm4b:s6+s2], $0x80, v18, vm0, $0xb8;
	[tilespmem:$0x18200] =	vst v63  }
0x9d1: {  	v17 =	vadd.s32 v3, v17;
	s12 =	simm.s32 $0x12880  }
0x9d2: {  	[tilespmem:s12], [sflag:$0x2] =	stream.indirect_vreg.gather [hbm4b:s6+s2], $0x80, v19, vm0, $0xb8;
	[tilespmem:$0x18200] =	vst v63  }
0x9d3: {  	s12 =	simm.s32 $0x12900  }
0x9d4: {  	[tilespmem:s12], [sflag:$0x2] =	stream.indirect_vreg.gather [hbm4b:s6+s2], $0x80, v52, vm0, $0xb8;
	[tilespmem:$0x18200] =	vst v63  }
0x9d5: {  	s12 =	simm.s32 $0x12980  }
0x9d6: {  	[tilespmem:s12], [sflag:$0x2] =	stream.indirect_vreg.gather [hbm4b:s6+s2], $0x80, v17, vm0, $0xb8;
	[tilespmem:$0x18200] =	vst v63  }
0x9d7: {  	v17 =	vld [tilespmem:$0x1D0];
	_ =	sdelay $0x4  }
0x9d8: {  	v18 =	vshrl.u32 v17, $0x3  }
0x9d9: {  	v18 =	vmul.u32 $0x18, v18  }
0x9da: {  	v17 =	vand.u32 $0x7, v17  }
0x9db: {  	v17 =	vor.u32 v17, v18  }
0x9dc: {  	v18 =	vperm.xlane v17, v2;
	_ =	sdelay $0x1  }
0x9dd: {  	v19 =	vperm.xlane v17, v4;
	v18 =	vadd.s32 v3, v18;
	_ =	sdelay $0x1  }
0x9de: {  	v53 =	vperm.xlane v17, v5;
	v19 =	vadd.s32 v3, v19;
	_ =	sdelay $0x1  }
0x9df: {  	s12 =	simm.s32 $0x12A00;
	v54 =	vperm.xlane v17, v0;
	v20 =	vadd.s32 v3, v53  }
0x9e0: {  	[tilespmem:s12], [sflag:$0x2] =	stream.indirect_vreg.gather [hbm4b:s6+s2], $0x80, v18, vm0, $0xb8;
	[tilespmem:$0x18200] =	vst v63  }
0x9e1: {  	v55 =	vperm.xlane v17, v6;
	v18 =	vadd.s32 v3, v54;
	s12 =	simm.s32 $0x12A80  }
0x9e2: {  	[tilespmem:s12], [sflag:$0x2] =	stream.indirect_vreg.gather [hbm4b:s6+s2], $0x80, v19, vm0, $0xb8;
	[tilespmem:$0x18200] =	vst v63  }
0x9e3: {  	v56 =	vperm.xlane v17, v7;
	v19 =	vadd.s32 v3, v55;
	s12 =	simm.s32 $0x12B00  }
0x9e4: {  	[tilespmem:s12], [sflag:$0x2] =	stream.indirect_vreg.gather [hbm4b:s6+s2], $0x80, v20, vm0, $0xb8;
	[tilespmem:$0x18200] =	vst v63  }
0x9e5: {  	v58 =	vperm.xlane v17, v8;
	v57 =	vadd.s32 v3, v56;
	s12 =	simm.s32 $0x12B80  }
0x9e6: {  	[tilespmem:s12], [sflag:$0x2] =	stream.indirect_vreg.gather [hbm4b:s6+s2], $0x80, v18, vm0, $0xb8;
	[tilespmem:$0x18200] =	vst v63  }
0x9e7: {  	v59 =	vperm.xlane v17, v1;
	v18 =	vadd.s32 v3, v58;
	s12 =	simm.s32 $0x12C00  }
0x9e8: {  	[tilespmem:s12], [sflag:$0x2] =	stream.indirect_vreg.gather [hbm4b:s6+s2], $0x80, v19, vm0, $0xb8;
	[tilespmem:$0x18200] =	vst v63  }
0x9e9: {  	v60 =	vperm.xlane v17, v9;
	v19 =	vadd.s32 v3, v59;
	s12 =	simm.s32 $0x12C80  }
0x9ea: {  	[tilespmem:s12], [sflag:$0x2] =	stream.indirect_vreg.gather [hbm4b:s6+s2], $0x80, v57, vm0, $0xb8;
	[tilespmem:$0x18200] =	vst v63  }
0x9eb: {  	v62 =	vperm.xlane v17, v10;
	v61 =	vadd.s32 v3, v60;
	s12 =	simm.s32 $0x12D00  }
0x9ec: {  	[tilespmem:s12], [sflag:$0x2] =	stream.indirect_vreg.gather [hbm4b:s6+s2], $0x80, v18, vm0, $0xb8;
	[tilespmem:$0x18200] =	vst v63  }
0x9ed: {  	v63 =	vperm.xlane v17, v11;
	v18 =	vadd.s32 v3, v62;
	s12 =	simm.s32 $0x12D80  }
0x9ee: {  	[tilespmem:s12], [sflag:$0x2] =	stream.indirect_vreg.gather [hbm4b:s6+s2], $0x80, v19, vm0, $0xb8;
	[tilespmem:$0x18200] =	vst v63  }
0x9ef: {  	v24 =	vperm.xlane v17, v12;
	v19 =	vadd.s32 v3, v63;
	s12 =	simm.s32 $0x12E00  }
0x9f0: {  	[tilespmem:s12], [sflag:$0x2] =	stream.indirect_vreg.gather [hbm4b:s6+s2], $0x80, v61, vm0, $0xb8;
	[tilespmem:$0x18200] =	vst v63  }
0x9f1: {  	v26 =	vperm.xlane v17, v13;
	v25 =	vadd.s32 v3, v24;
	s12 =	simm.s32 $0x12E80  }
0x9f2: {  	[tilespmem:s12], [sflag:$0x2] =	stream.indirect_vreg.gather [hbm4b:s6+s2], $0x80, v18, vm0, $0xb8;
	[tilespmem:$0x18200] =	vst v63  }
0x9f3: {  	v27 =	vperm.xlane v17, v14;
	v18 =	vadd.s32 v3, v26;
	s12 =	simm.s32 $0x12F00  }
0x9f4: {  	[tilespmem:s12], [sflag:$0x2] =	stream.indirect_vreg.gather [hbm4b:s6+s2], $0x80, v19, vm0, $0xb8;
	[tilespmem:$0x18200] =	vst v63  }
0x9f5: {  	v28 =	vperm.xlane v17, v15;
	v19 =	vadd.s32 v3, v27;
	s12 =	simm.s32 $0x12F80  }
0x9f6: {  	[tilespmem:s12], [sflag:$0x2] =	stream.indirect_vreg.gather [hbm4b:s6+s2], $0x80, v25, vm0, $0xb8;
	[tilespmem:$0x18200] =	vst v63  }
0x9f7: {  	v17 =	vperm.xlane v17, v16;
	v29 =	vadd.s32 v3, v28;
	s12 =	simm.s32 $0x13000  }
0x9f8: {  	[tilespmem:s12], [sflag:$0x2] =	stream.indirect_vreg.gather [hbm4b:s6+s2], $0x80, v18, vm0, $0xb8;
	[tilespmem:$0x18200] =	vst v63  }
0x9f9: {  	v17 =	vadd.s32 v3, v17;
	s12 =	simm.s32 $0x13080  }
0x9fa: {  	[tilespmem:s12], [sflag:$0x2] =	stream.indirect_vreg.gather [hbm4b:s6+s2], $0x80, v19, vm0, $0xb8;
	[tilespmem:$0x18200] =	vst v63  }
0x9fb: {  	s12 =	simm.s32 $0x13100  }
0x9fc: {  	[tilespmem:s12], [sflag:$0x2] =	stream.indirect_vreg.gather [hbm4b:s6+s2], $0x80, v29, vm0, $0xb8;
	[tilespmem:$0x18200] =	vst v63  }
0x9fd: {  	s12 =	simm.s32 $0x13180  }
0x9fe: {  	[tilespmem:s12], [sflag:$0x2] =	stream.indirect_vreg.gather [hbm4b:s6+s2], $0x80, v17, vm0, $0xb8;
	[tilespmem:$0x18200] =	vst v63  }
0x9ff: {  	v17 =	vld [tilespmem:$0x1E0];
	_ =	sdelay $0x4  }
0xa00: {  	v18 =	vshrl.u32 v17, $0x3  }
0xa01: {  	v18 =	vmul.u32 $0x18, v18  }
0xa02: {  	v17 =	vand.u32 $0x7, v17  }
0xa03: {  	v17 =	vor.u32 v17, v18  }
0xa04: {  	v18 =	vperm.xlane v17, v2;
	_ =	sdelay $0x1  }
0xa05: {  	v19 =	vperm.xlane v17, v4;
	v18 =	vadd.s32 v3, v18;
	_ =	sdelay $0x1  }
0xa06: {  	v30 =	vperm.xlane v17, v5;
	v19 =	vadd.s32 v3, v19;
	_ =	sdelay $0x1  }
0xa07: {  	s12 =	simm.s32 $0x13200;
	v31 =	vperm.xlane v17, v0;
	v20 =	vadd.s32 v3, v30  }
0xa08: {  	[tilespmem:s12], [sflag:$0x2] =	stream.indirect_vreg.gather [hbm4b:s6+s2], $0x80, v18, vm0, $0xb8;
	[tilespmem:$0x18200] =	vst v63  }
0xa09: {  	v32 =	vperm.xlane v17, v6;
	v18 =	vadd.s32 v3, v31;
	s12 =	simm.s32 $0x13280  }
0xa0a: {  	[tilespmem:s12], [sflag:$0x2] =	stream.indirect_vreg.gather [hbm4b:s6+s2], $0x80, v19, vm0, $0xb8;
	[tilespmem:$0x18200] =	vst v63  }
0xa0b: {  	v33 =	vperm.xlane v17, v7;
	v19 =	vadd.s32 v3, v32;
	s12 =	simm.s32 $0x13300  }
0xa0c: {  	[tilespmem:s12], [sflag:$0x2] =	stream.indirect_vreg.gather [hbm4b:s6+s2], $0x80, v20, vm0, $0xb8;
	[tilespmem:$0x18200] =	vst v63  }
0xa0d: {  	v35 =	vperm.xlane v17, v8;
	v34 =	vadd.s32 v3, v33;
	s12 =	simm.s32 $0x13380  }
0xa0e: {  	[tilespmem:s12], [sflag:$0x2] =	stream.indirect_vreg.gather [hbm4b:s6+s2], $0x80, v18, vm0, $0xb8;
	[tilespmem:$0x18200] =	vst v63  }
0xa0f: {  	v36 =	vperm.xlane v17, v1;
	v18 =	vadd.s32 v3, v35;
	s12 =	simm.s32 $0x13400  }
0xa10: {  	[tilespmem:s12], [sflag:$0x2] =	stream.indirect_vreg.gather [hbm4b:s6+s2], $0x80, v19, vm0, $0xb8;
	[tilespmem:$0x18200] =	vst v63  }
0xa11: {  	v37 =	vperm.xlane v17, v9;
	v19 =	vadd.s32 v3, v36;
	s12 =	simm.s32 $0x13480  }
0xa12: {  	[tilespmem:s12], [sflag:$0x2] =	stream.indirect_vreg.gather [hbm4b:s6+s2], $0x80, v34, vm0, $0xb8;
	[tilespmem:$0x18200] =	vst v63  }
0xa13: {  	v39 =	vperm.xlane v17, v10;
	v38 =	vadd.s32 v3, v37;
	s12 =	simm.s32 $0x13500  }
0xa14: {  	[tilespmem:s12], [sflag:$0x2] =	stream.indirect_vreg.gather [hbm4b:s6+s2], $0x80, v18, vm0, $0xb8;
	[tilespmem:$0x18200] =	vst v63  }
0xa15: {  	v40 =	vperm.xlane v17, v11;
	v18 =	vadd.s32 v3, v39;
	s12 =	simm.s32 $0x13580  }
0xa16: {  	[tilespmem:s12], [sflag:$0x2] =	stream.indirect_vreg.gather [hbm4b:s6+s2], $0x80, v19, vm0, $0xb8;
	[tilespmem:$0x18200] =	vst v63  }
0xa17: {  	v41 =	vperm.xlane v17, v12;
	v19 =	vadd.s32 v3, v40;
	s12 =	simm.s32 $0x13600  }
0xa18: {  	[tilespmem:s12], [sflag:$0x2] =	stream.indirect_vreg.gather [hbm4b:s6+s2], $0x80, v38, vm0, $0xb8;
	[tilespmem:$0x18200] =	vst v63  }
0xa19: {  	v43 =	vperm.xlane v17, v13;
	v42 =	vadd.s32 v3, v41;
	s12 =	simm.s32 $0x13680  }
0xa1a: {  	[tilespmem:s12], [sflag:$0x2] =	stream.indirect_vreg.gather [hbm4b:s6+s2], $0x80, v18, vm0, $0xb8;
	[tilespmem:$0x18200] =	vst v63  }
0xa1b: {  	v44 =	vperm.xlane v17, v14;
	v18 =	vadd.s32 v3, v43;
	s12 =	simm.s32 $0x13700  }
0xa1c: {  	[tilespmem:s12], [sflag:$0x2] =	stream.indirect_vreg.gather [hbm4b:s6+s2], $0x80, v19, vm0, $0xb8;
	[tilespmem:$0x18200] =	vst v63  }
0xa1d: {  	v45 =	vperm.xlane v17, v15;
	v19 =	vadd.s32 v3, v44;
	s12 =	simm.s32 $0x13780  }
0xa1e: {  	[tilespmem:s12], [sflag:$0x2] =	stream.indirect_vreg.gather [hbm4b:s6+s2], $0x80, v42, vm0, $0xb8;
	[tilespmem:$0x18200] =	vst v63  }
0xa1f: {  	v17 =	vperm.xlane v17, v16;
	v46 =	vadd.s32 v3, v45;
	s12 =	simm.s32 $0x13800  }
0xa20: {  	[tilespmem:s12], [sflag:$0x2] =	stream.indirect_vreg.gather [hbm4b:s6+s2], $0x80, v18, vm0, $0xb8;
	[tilespmem:$0x18200] =	vst v63  }
0xa21: {  	v17 =	vadd.s32 v3, v17;
	s12 =	simm.s32 $0x13880  }
0xa22: {  	[tilespmem:s12], [sflag:$0x2] =	stream.indirect_vreg.gather [hbm4b:s6+s2], $0x80, v19, vm0, $0xb8;
	[tilespmem:$0x18200] =	vst v63  }
0xa23: {  	s12 =	simm.s32 $0x13900  }
0xa24: {  	[tilespmem:s12], [sflag:$0x2] =	stream.indirect_vreg.gather [hbm4b:s6+s2], $0x80, v46, vm0, $0xb8;
	[tilespmem:$0x18200] =	vst v63  }
0xa25: {  	s12 =	simm.s32 $0x13980  }
0xa26: {  	[tilespmem:s12], [sflag:$0x2] =	stream.indirect_vreg.gather [hbm4b:s6+s2], $0x80, v17, vm0, $0xb8;
	[tilespmem:$0x18200] =	vst v63  }
0xa27: {  	v17 =	vld [tilespmem:$0x1F0];
	_ =	sdelay $0x4  }
0xa28: {  	v18 =	vshrl.u32 v17, $0x3  }
0xa29: {  	v18 =	vmul.u32 $0x18, v18  }
0xa2a: {  	v17 =	vand.u32 $0x7, v17  }
0xa2b: {  	v17 =	vor.u32 v17, v18  }
0xa2c: {  	v18 =	vperm.xlane v17, v2;
	_ =	sdelay $0x1  }
0xa2d: {  	v19 =	vperm.xlane v17, v4;
	v18 =	vadd.s32 v3, v18;
	_ =	sdelay $0x1  }
0xa2e: {  	v47 =	vperm.xlane v17, v5;
	v19 =	vadd.s32 v3, v19;
	_ =	sdelay $0x1  }
0xa2f: {  	s12 =	simm.s32 $0x13A00;
	v48 =	vperm.xlane v17, v0;
	v20 =	vadd.s32 v3, v47  }
0xa30: {  	[tilespmem:s12], [sflag:$0x2] =	stream.indirect_vreg.gather [hbm4b:s6+s2], $0x80, v18, vm0, $0xb8;
	[tilespmem:$0x18200] =	vst v63  }
0xa31: {  	v49 =	vperm.xlane v17, v6;
	v18 =	vadd.s32 v3, v48;
	s12 =	simm.s32 $0x13A80  }
0xa32: {  	[tilespmem:s12], [sflag:$0x2] =	stream.indirect_vreg.gather [hbm4b:s6+s2], $0x80, v19, vm0, $0xb8;
	[tilespmem:$0x18200] =	vst v63  }
0xa33: {  	v50 =	vperm.xlane v17, v7;
	v19 =	vadd.s32 v3, v49;
	s12 =	simm.s32 $0x13B00  }
0xa34: {  	[tilespmem:s12], [sflag:$0x2] =	stream.indirect_vreg.gather [hbm4b:s6+s2], $0x80, v20, vm0, $0xb8;
	[tilespmem:$0x18200] =	vst v63  }
0xa35: {  	v52 =	vperm.xlane v17, v8;
	v51 =	vadd.s32 v3, v50;
	s12 =	simm.s32 $0x13B80  }
0xa36: {  	[tilespmem:s12], [sflag:$0x2] =	stream.indirect_vreg.gather [hbm4b:s6+s2], $0x80, v18, vm0, $0xb8;
	[tilespmem:$0x18200] =	vst v63  }
0xa37: {  	v53 =	vperm.xlane v17, v1;
	v18 =	vadd.s32 v3, v52;
	s12 =	simm.s32 $0x13C00  }
0xa38: {  	[tilespmem:s12], [sflag:$0x2] =	stream.indirect_vreg.gather [hbm4b:s6+s2], $0x80, v19, vm0, $0xb8;
	[tilespmem:$0x18200] =	vst v63  }
0xa39: {  	v54 =	vperm.xlane v17, v9;
	v19 =	vadd.s32 v3, v53;
	s12 =	simm.s32 $0x13C80  }
0xa3a: {  	[tilespmem:s12], [sflag:$0x2] =	stream.indirect_vreg.gather [hbm4b:s6+s2], $0x80, v51, vm0, $0xb8;
	[tilespmem:$0x18200] =	vst v63  }
0xa3b: {  	v56 =	vperm.xlane v17, v10;
	v55 =	vadd.s32 v3, v54;
	s12 =	simm.s32 $0x13D00  }
0xa3c: {  	[tilespmem:s12], [sflag:$0x2] =	stream.indirect_vreg.gather [hbm4b:s6+s2], $0x80, v18, vm0, $0xb8;
	[tilespmem:$0x18200] =	vst v63  }
0xa3d: {  	v57 =	vperm.xlane v17, v11;
	v18 =	vadd.s32 v3, v56;
	s12 =	simm.s32 $0x13D80  }
0xa3e: {  	[tilespmem:s12], [sflag:$0x2] =	stream.indirect_vreg.gather [hbm4b:s6+s2], $0x80, v19, vm0, $0xb8;
	[tilespmem:$0x18200] =	vst v63  }
0xa3f: {  	v58 =	vperm.xlane v17, v12;
	v19 =	vadd.s32 v3, v57;
	s12 =	simm.s32 $0x13E00  }
0xa40: {  	[tilespmem:s12], [sflag:$0x2] =	stream.indirect_vreg.gather [hbm4b:s6+s2], $0x80, v55, vm0, $0xb8;
	[tilespmem:$0x18200] =	vst v63  }
0xa41: {  	v60 =	vperm.xlane v17, v13;
	v59 =	vadd.s32 v3, v58;
	s12 =	simm.s32 $0x13E80  }
0xa42: {  	[tilespmem:s12], [sflag:$0x2] =	stream.indirect_vreg.gather [hbm4b:s6+s2], $0x80, v18, vm0, $0xb8;
	[tilespmem:$0x18200] =	vst v63  }
0xa43: {  	v61 =	vperm.xlane v17, v14;
	v18 =	vadd.s32 v3, v60;
	s12 =	simm.s32 $0x13F00  }
0xa44: {  	[tilespmem:s12], [sflag:$0x2] =	stream.indirect_vreg.gather [hbm4b:s6+s2], $0x80, v19, vm0, $0xb8;
	[tilespmem:$0x18200] =	vst v63  }
0xa45: {  	v62 =	vperm.xlane v17, v15;
	v19 =	vadd.s32 v3, v61;
	s12 =	simm.s32 $0x13F80  }
0xa46: {  	[tilespmem:s12], [sflag:$0x2] =	stream.indirect_vreg.gather [hbm4b:s6+s2], $0x80, v59, vm0, $0xb8;
	[tilespmem:$0x18200] =	vst v63  }
0xa47: {  	v17 =	vperm.xlane v17, v16;
	v63 =	vadd.s32 v3, v62;
	s12 =	simm.s32 $0x14000  }
0xa48: {  	[tilespmem:s12], [sflag:$0x2] =	stream.indirect_vreg.gather [hbm4b:s6+s2], $0x80, v18, vm0, $0xb8;
	[tilespmem:$0x18200] =	vst v63  }
0xa49: {  	v17 =	vadd.s32 v3, v17;
	s12 =	simm.s32 $0x14080  }
0xa4a: {  	[tilespmem:s12], [sflag:$0x2] =	stream.indirect_vreg.gather [hbm4b:s6+s2], $0x80, v19, vm0, $0xb8;
	[tilespmem:$0x18200] =	vst v63  }
0xa4b: {  	s12 =	simm.s32 $0x14100  }
0xa4c: {  	[tilespmem:s12], [sflag:$0x2] =	stream.indirect_vreg.gather [hbm4b:s6+s2], $0x80, v63, vm0, $0xb8;
	[tilespmem:$0x18200] =	vst v63  }
0xa4d: {  	s12 =	simm.s32 $0x14180  }
0xa4e: {  	[tilespmem:s12], [sflag:$0x2] =	stream.indirect_vreg.gather [hbm4b:s6+s2], $0x80, v17, vm0, $0xb8;
	[tilespmem:$0x18200] =	vst v63  }
0xa4f: {  	s3 =	rddreg [dreg:$0x10]  }
0xa50: {  	[tilespmem:s5], [sflag:$0x2] =	stream.indirect.gather [hbm4b:s14+s1], $0x80, s3, s1, $0xb8;
	[tilespmem:$0x18200] =	vst v63  }
0xa51: {  	_ =	swait.ge [sflag:s15], $0x4000  }
0xa52: {  	[sflag:s15] =	ssyncset.done $0x0  }
0xa53: {  	[sflag:s15] =	ssyncadd.s32 $0xFFFFC000  }
0xa54: {  	_ =	swait.ge [sflag:s15], $0x4000  }
0xa55: {  	[sflag:s15] =	ssyncset.done $0x0  }
0xa56: {  	[sflag:s15] =	ssyncadd.s32 $0xFFFFC000  }
0xa57: {  	_ =	swait.ge [sflag:s15], $0x4000  }
0xa58: {  	[sflag:s15] =	ssyncset.done $0x0  }
0xa59: {  	s12 =	simm.s32 $0x200;
	s1 =	rddreg [dreg:$0x9];
	[sflag:s15] =	ssyncadd.s32 $0xFFFFC000  }
0xa5a: {  	[hbm4b:s1+s13] =	stream.strided.scatter [tilespmem:s12], [sflag:$0x3], $0x4000, s30, s13, $0x38;
	[tilespmem:$0x18200] =	vst v63  }
0xa5b: {  	_ =	swait.ge [sflag:s8], $0x4000  }
0xa5c: {  	[sflag:s8] =	ssyncset.done $0x0  }
0xa5d: {  	s11 =	simm.s32 $0x4200;
	s1 =	rddreg [dreg:$0xa];
	[sflag:s8] =	ssyncadd.s32 $0xFFFFC000  }
0xa5e: {  	[hbm4b:s1+s13] =	stream.strided.scatter [tilespmem:s11], [sflag:$0x3], $0x4000, s30, s13, $0x38;
	[tilespmem:$0x18200] =	vst v63  }
0xa5f: {  	_ =	swait.ge [sflag:s8], $0x4000  }
0xa60: {  	[sflag:s8] =	ssyncset.done $0x0  }
0xa61: {  	s12 =	rddreg [dreg:$0xb];
	[sflag:s8] =	ssyncadd.s32 $0xFFFFC000  }
0xa62: {  	[hbm4b:s12+s13] =	stream.strided.scatter [tilespmem:s9], [sflag:$0x3], $0x4000, s30, s13, $0x38;
	[tilespmem:$0x18200] =	vst v63  }
0xa63: {  	_ =	swait.ge [sflag:s8], $0x4000  }
0xa64: {  	[sflag:s8] =	ssyncset.done $0x0  }
0xa65: {  	[sflag:s8] =	ssyncadd.s32 $0xFFFFC000  }
0xa66: {  	_ =	swait.ge [sflag:s16], $0x4000  }
0xa67: {  	[sflag:s16] =	ssyncset.done $0x0  }
0xa68: {  	[sflag:s16] =	ssyncadd.s32 $0xFFFFC000  }
0xa69: {  	_ =	swait.ge [sflag:s16], $0x4000  }
0xa6a: {  	[sflag:s16] =	ssyncset.done $0x0  }
0xa6b: {  	[sflag:s16] =	ssyncadd.s32 $0xFFFFC000  }
0xa6c: {  	_ =	swait.ge [sflag:s16], $0x4000  }
0xa6d: {  	[sflag:s16] =	ssyncset.done $0x0  }
0xa6e: {  	s1 =	rddreg [dreg:$0xc];
	[sflag:s16] =	ssyncadd.s32 $0xFFFFC000  }
0xa6f: {  	[hbm4b:s1+s13] =	stream.strided.scatter [tilespmem:s10], [sflag:$0x3], $0x4000, s30, s13, $0x38;
	[tilespmem:$0x18200] =	vst v63  }
0xa70: {  	_ =	swait.ge [sflag:s8], $0x4000  }
0xa71: {  	[sflag:s8] =	ssyncset.done $0x0  }
0xa72: {  	s11 =	rddreg [dreg:$0xd];
	[sflag:s8] =	ssyncadd.s32 $0xFFFFC000  }
0xa73: {  	[hbm4b:s11+s13] =	stream.strided.scatter [tilespmem:s0], [sflag:$0x3], $0x4000, s30, s13, $0x38;
	[tilespmem:$0x18200] =	vst v63  }
0xa74: {  	_ =	swait.ge [sflag:s8], $0x4000  }
0xa75: {  	p0 =	sne.s32 s7, $0x1;
	[sflag:s8] =	ssyncset.done $0x0  }
.Ltmp0:
0xa76: {  	s12 =	rddreg [dreg:$0xe];
	[sflag:s8] =	ssyncadd.s32 $0xFFFFC000;
	(pc) =	sbr.rel @p0 .LBB2_1-.Ltmp0, $4  }
0xa77: {  	[hbm4b:s12+s13] =	stream.strided.scatter [tilespmem:s5], [sflag:$0x3], $0x4000, s30, s13, $0x38;
	[tilespmem:$0x18200] =	vst v63  }
0xa78: {  	_ =	swait.ge [sflag:s8], $0x4000  }
0xa79: {  	[sflag:s8] =	ssyncset.done $0x0  }
0xa7a: {  	s7 =	sadd.s32 $0xFFFFFFFF, s7;
	[sflag:s8] =	ssyncadd.s32 $0xFFFFC000  }
0xa7b: {  	_ =	sfence.sel $0x180000  }
0xa7c: {  	[bflag:$0x0] =	sbarrier.arrive $0xFFFF  }
0xa7d: {  	_ =	strace $0x90000047  }
0xa7e: {  	s0 =	stileid.u32;
	[bflag:$0x2] =	sbarrier.arrive $0xFFFF  }
0xa7f: {  	p0 =	sne.s32 s0, $0x0;
	s0 =	rddreg [dreg:$0x2]  }
0xa80: {  	s0 =	sadd.s32 @!p0 $0x100000, s0  }
0xa81: {  	[sflag:s0] =	ssyncadd.tile.s32 @!p0 $0x1;
	_ =	shalt  }
.Lfunc_end2:
_tile_overlayer_lowered:
.L_overlay_start_2:
0xa82: {  	(tag) =	ssettag $0x2  }
0xa83: {  	s0 =	rddreg [dreg:$0x0];
	s2 =	stileid.u32  }
0xa84: {  	s1 =	rddreg [dreg:$0x1];
	p0 =	sne.s32 s2, $0x0  }
0xa85: {  	s3 =	rddreg [dreg:$0x2];
	[bflag:$0x3] =	sbarrier.arrive $0xFFFF;
	s2 =	simm.s32 @!p0 $0x1C03  }
0xa86: {  	[timem:s3], [sflag:s2] =	dma.local @!p0 [hbm:s0], s1  }
0xa87: {  	s0 =	simm.s32 @!p0 $0x3  }
0xa88: {  	_ =	swait.ge @!p0 [sflag:s0], s1  }
0xa89: {  	s1 =	ssub.s32 @!p0 $0x0, s1;
	[sflag:s0] =	ssyncset.done @!p0 $0x0  }
0xa8a: {  	[sflag:s0] =	ssyncadd.s32 @!p0 s1  }
0xa8b: {  	[bflag:$0x3] =	sbarrier.arrive $0xFFFF  }
0xa8c: {  	_ =	shalt  }

</sc_bundles>
